<compile_context>
chip_gen: v7x
topology: tpu7x:2x2x1
jax: 0.10.2.dev20260603
libtpu: 0.0.44.dev20260713+nightly
codegen_flags: <defaults>
</compile_context>

<pallas_src>
import functools

import jax
import jax.numpy as jnp
from jax import lax
from jax.experimental import pallas as pl
from jax.experimental.pallas import tpu as pltpu
from jax.experimental.pallas import tpu_sc as plsc

DMODEL = 64
SCALE = 8.0
LANES = 16
NC, NS = 2, 16
NW = NC * NS
DGRP = DMODEL // LANES

B = 4096 * 200
ROWS_PER_W = B // NW
CHUNK = 800
NCHUNK = ROWS_PER_W // CHUNK


@functools.partial(
    pl.kernel,
    out_type=jax.ShapeDtypeStruct((B, DMODEL), jnp.float32),
    mesh=plsc.VectorSubcoreMesh(core_axis_name="c", subcore_axis_name="s"),
    compiler_params=pltpu.CompilerParams(use_tc_tiling_on_sc=False),
    scratch_types=[
        pltpu.VMEM((CHUNK,), jnp.int32),
        pltpu.VMEM((CHUNK,), jnp.int32),
        pltpu.VMEM((CHUNK, DMODEL), jnp.float32),
        pltpu.VMEM((CHUNK, DMODEL), jnp.float32),
        pltpu.SemaphoreType.DMA,
        pltpu.SemaphoreType.DMA,
        pltpu.SemaphoreType.DMA,
        pltpu.SemaphoreType.DMA,
    ],
)
def _emb_lookup(idx_hbm, table_hbm, out_hbm, idx_a, idx_b, rows_a, rows_b,
                gsem_a, gsem_b, osem_a, osem_b):
    wid = lax.axis_index("s") * NC + lax.axis_index("c")
    base_w = wid * ROWS_PER_W
    bufs = ((idx_a, rows_a, gsem_a, osem_a), (idx_b, rows_b, gsem_b, osem_b))

    def start_gather(g):
        idx_v, rows_v, gsem, _ = bufs[g % 2]
        base = base_w + g * CHUNK
        pltpu.sync_copy(idx_hbm.at[pl.ds(base, CHUNK)], idx_v)
        return pltpu.async_copy(table_hbm.at[idx_v], rows_v, gsem)

    def scale(rows_v):
        def row_body(r, c2):
            for dg in range(DGRP):
                sl = pl.ds(dg * LANES, LANES)
                rows_v[r, sl] = rows_v[r, sl] * SCALE
            return c2

        lax.fori_loop(0, CHUNK, row_body, 0)

    gh = start_gather(0)
    oh = [None, None]
    for g in range(NCHUNK):
        idx_v, rows_v, gsem, osem = bufs[g % 2]
        nxt = None
        if g + 1 < NCHUNK:
            if oh[(g + 1) % 2] is not None:
                oh[(g + 1) % 2].wait()
                oh[(g + 1) % 2] = None
            nxt = start_gather(g + 1)
        gh.wait()
        scale(rows_v)
        base = base_w + g * CHUNK
        oh[g % 2] = pltpu.async_copy(
            rows_v, out_hbm.at[pl.ds(base, CHUNK)], osem
        )
        gh = nxt
    for h in oh:
        if h is not None:
            h.wait()


def kernel(x, table):
    xf = x.reshape(-1).astype(jnp.int32)
    out = _emb_lookup(xf, table)
    return out.reshape(x.shape + (DMODEL,))

# --- scband reference (transcript-rebuilt; emitter-appended) ---
"""Pipeline reference for scband-input-embbeding-38070590112287 (READ-ONLY COPY).

The authoritative reference and input builder live on the scoring server;
editing this copy changes nothing except your own understanding.
"""

import jax, jax.numpy as jnp
import numpy as np
import math

DMODEL = 64
VOCAB = 1000000
BATCH = 4096
SEQ = 200

def setup_inputs(seed: int = 0) -> dict:
    key = jax.random.key(seed)
    k1, k2 = jax.random.split(key)
    x = jax.random.randint(k1, (BATCH, SEQ), 0, VOCAB, dtype=jnp.int64 if jax.config.jax_enable_x64 else jnp.int32)
    table = jax.random.normal(k2, (VOCAB, DMODEL), dtype=jnp.float32)
    return {"x": x, "table": table}

def reference(x, table):
    # nn.Embedding lookup followed by sqrt(dmodel) scaling
    emb = jnp.take(table, x, axis=0)
    return emb * math.sqrt(DMODEL)

if __name__ == "__main__":
    import jax
    _d = setup_inputs()
    print(jax.jit(kernel)(*tuple(_d.values())))

</pallas_src>

<mosaic_0001>
#map = affine_map<(d0, d1) -> (0)>
#map1 = affine_map<(d0, d1) -> (0, 0)>
module attributes {stable_mosaic.version = 14 : i64} {
  func.func @_emb_lookup(%arg0: i32, %arg1: i32, %arg2: memref<819200xi32, #tpu.memory_space<hbm>>, %arg3: memref<1000000x64xf32, #tpu.memory_space<hbm>>, %arg4: memref<819200x64xf32, #tpu.memory_space<hbm>>, %arg5: memref<800xi32, #tpu.memory_space<vmem>>, %arg6: memref<800xi32, #tpu.memory_space<vmem>>, %arg7: memref<800x64xf32, #tpu.memory_space<vmem>>, %arg8: memref<800x64xf32, #tpu.memory_space<vmem>>, %arg9: memref<!tpu.dma_semaphore, #tpu.memory_space<semaphore_mem>>, %arg10: memref<!tpu.dma_semaphore, #tpu.memory_space<semaphore_mem>>, %arg11: memref<!tpu.dma_semaphore, #tpu.memory_space<semaphore_mem>>, %arg12: memref<!tpu.dma_semaphore, #tpu.memory_space<semaphore_mem>>) attributes {dimension_semantics = [#tpu.dimension_semantics<core_parallel>, #tpu.dimension_semantics<subcore_parallel>], iteration_bounds = array<i64: 2, 16>, scalar_prefetch = 0 : i64, scratch_operands = 8 : i64, tpu.core_type = #tpu.core_type<sc_vector_subcore>, window_params = [{transform_indices = #map}, {transform_indices = #map1}, {transform_indices = #map1}]} {
    %mul3A = arith.constant 2 : i32
    %mul3A_0 = arith.muli %arg1, %mul3A : i32
    %add3A = arith.addi %mul3A_0, %arg0 : i32
    %mul3A_1 = arith.constant 25600 : i32
    %mul3A_2 = arith.muli %add3A, %mul3A_1 : i32
    %add3A_3 = arith.constant 0 : i32
    %add3A_4 = arith.addi %mul3A_2, %add3A_3 : i32
    "tpu.region"() ({
      %run_scoped3A = tpu.sem_alloc : memref<!tpu.dma_semaphore, #tpu.memory_space<semaphore_mem>>
      %dma_start3A_768 = tpu.memref_slice %arg2[%add3A_4] : memref<819200xi32, #tpu.memory_space<hbm>> -> memref<800xi32, #tpu.memory_space<hbm>>
      %dma_start3A_769 = tpu.memref_slice %arg2[%add3A_4] : memref<819200xi32, #tpu.memory_space<hbm>> -> memref<800xi32, #tpu.memory_space<hbm>>
      tpu.enqueue_dma source(%dma_start3A_769 : memref<800xi32, #tpu.memory_space<hbm>>) target(%arg5 : memref<800xi32, #tpu.memory_space<vmem>>) target_semaphore(%run_scoped3A : memref<!tpu.dma_semaphore, #tpu.memory_space<semaphore_mem>>)
      %dma_wait3A_770 = tpu.memref_slice %arg2[%add3A_4] : memref<819200xi32, #tpu.memory_space<hbm>> -> memref<800xi32, #tpu.memory_space<hbm>>
      %dma_wait3A_771 = tpu.memref_slice %arg2[%add3A_4] : memref<819200xi32, #tpu.memory_space<hbm>> -> memref<800xi32, #tpu.memory_space<hbm>>
      tpu.wait_dma2 semaphore(%run_scoped3A : memref<!tpu.dma_semaphore, #tpu.memory_space<semaphore_mem>>) src(%dma_wait3A_771 : memref<800xi32, #tpu.memory_space<hbm>>) dst(%arg5 : memref<800xi32, #tpu.memory_space<vmem>>)
      tpu.yield
    }) : () -> ()
    %dma_start3A = arith.constant 0 : i32
    %dma_start3A_5 = arith.constant 0 : i32
    %dma_start3A_6 = tpu.memref_slice %arg3[%dma_start3A, %dma_start3A_5] : memref<1000000x64xf32, #tpu.memory_space<hbm>> -> memref<1000000x64xf32, #tpu.memory_space<hbm>>
    tpu.enqueue_indirect_dma source(%dma_start3A_6 : memref<1000000x64xf32, #tpu.memory_space<hbm>>) target(%arg7 : memref<800x64xf32, #tpu.memory_space<vmem>>) offsets(%arg5 : memref<800xi32, #tpu.memory_space<vmem>>) semaphore(%arg9 : memref<!tpu.dma_semaphore, #tpu.memory_space<semaphore_mem>>)
    %add3A_7 = arith.constant 800 : i32
    %add3A_8 = arith.addi %mul3A_2, %add3A_7 : i32
    "tpu.region"() ({
      %run_scoped3A = tpu.sem_alloc : memref<!tpu.dma_semaphore, #tpu.memory_space<semaphore_mem>>
      %dma_start3A_768 = tpu.memref_slice %arg2[%add3A_8] : memref<819200xi32, #tpu.memory_space<hbm>> -> memref<800xi32, #tpu.memory_space<hbm>>
      %dma_start3A_769 = tpu.memref_slice %arg2[%add3A_8] : memref<819200xi32, #tpu.memory_space<hbm>> -> memref<800xi32, #tpu.memory_space<hbm>>
      tpu.enqueue_dma source(%dma_start3A_769 : memref<800xi32, #tpu.memory_space<hbm>>) target(%arg6 : memref<800xi32, #tpu.memory_space<vmem>>) target_semaphore(%run_scoped3A : memref<!tpu.dma_semaphore, #tpu.memory_space<semaphore_mem>>)
      %dma_wait3A_770 = tpu.memref_slice %arg2[%add3A_8] : memref<819200xi32, #tpu.memory_space<hbm>> -> memref<800xi32, #tpu.memory_space<hbm>>
      %dma_wait3A_771 = tpu.memref_slice %arg2[%add3A_8] : memref<819200xi32, #tpu.memory_space<hbm>> -> memref<800xi32, #tpu.memory_space<hbm>>
      tpu.wait_dma2 semaphore(%run_scoped3A : memref<!tpu.dma_semaphore, #tpu.memory_space<semaphore_mem>>) src(%dma_wait3A_771 : memref<800xi32, #tpu.memory_space<hbm>>) dst(%arg6 : memref<800xi32, #tpu.memory_space<vmem>>)
      tpu.yield
    }) : () -> ()
    %dma_start3A_9 = arith.constant 0 : i32
    %dma_start3A_10 = arith.constant 0 : i32
    %dma_start3A_11 = tpu.memref_slice %arg3[%dma_start3A_9, %dma_start3A_10] : memref<1000000x64xf32, #tpu.memory_space<hbm>> -> memref<1000000x64xf32, #tpu.memory_space<hbm>>
    tpu.enqueue_indirect_dma source(%dma_start3A_11 : memref<1000000x64xf32, #tpu.memory_space<hbm>>) target(%arg8 : memref<800x64xf32, #tpu.memory_space<vmem>>) offsets(%arg6 : memref<800xi32, #tpu.memory_space<vmem>>) semaphore(%arg10 : memref<!tpu.dma_semaphore, #tpu.memory_space<semaphore_mem>>)
    %dma_wait3A = arith.constant 0 : i32
    %dma_wait3A_12 = arith.constant 0 : i32
    %dma_wait3A_13 = tpu.memref_slice %arg3[%dma_wait3A, %dma_wait3A_12] : memref<1000000x64xf32, #tpu.memory_space<hbm>> -> memref<1000000x64xf32, #tpu.memory_space<hbm>>
    tpu.wait_indirect_dma semaphore(%arg9 : memref<!tpu.dma_semaphore, #tpu.memory_space<semaphore_mem>>) src(%dma_wait3A_13 : memref<1000000x64xf32, #tpu.memory_space<hbm>>) dst(%arg7 : memref<800x64xf32, #tpu.memory_space<vmem>>)
    %scan3A = arith.constant 0 : i32
    %scan3A_14 = arith.constant 0 : i32
    %scan3A_15 = arith.constant 800 : i32
    %scan3A_16 = arith.addi %scan3A_14, %scan3A_15 : i32
    %scan3A_17 = arith.constant 1 : i32
    scf.for %scan3A_768 = %scan3A_14 to %scan3A_16 step %scan3A_17  : i32 {
      %get3A = arith.index_cast %scan3A_768 : i32 to index
      %get3A_769 = arith.constant 0 : index
      %get3A_770 = tpu.vector_load %arg7[%get3A, %get3A_769] {strides = array<i32>} : memref<800x64xf32, #tpu.memory_space<vmem>>, vector<1x16xf32>,
      %get3A_771 = vector.shape_cast %get3A_770 : vector<1x16xf32> to vector<16xf32>
      %mul3A_772 = arith.constant 8.000000e+00 : f32
      %mul3A_773 = vector.broadcast %mul3A_772 : f32 to vector<16xf32>
      %mul3A_774 = arith.mulf %get3A_771, %mul3A_773 : vector<16xf32>
      %swap3A = arith.index_cast %scan3A_768 : i32 to index
      %swap3A_775 = arith.constant 0 : index
      %swap3A_776 = tpu.vector_load %arg7[%swap3A, %swap3A_775] {strides = array<i32>} : memref<800x64xf32, #tpu.memory_space<vmem>>, vector<1x16xf32>,
      %swap3A_777 = vector.shape_cast %swap3A_776 : vector<1x16xf32> to vector<16xf32>
      %swap3A_778 = vector.shape_cast %mul3A_774 : vector<16xf32> to vector<1x16xf32>
      tpu.vector_store %arg7[%swap3A, %swap3A_775], %swap3A_778 {strides = array<i32>} : memref<800x64xf32, #tpu.memory_space<vmem>>, vector<1x16xf32>,
      %get3A_779 = arith.index_cast %scan3A_768 : i32 to index
      %get3A_780 = arith.constant 16 : index
      %get3A_781 = tpu.vector_load %arg7[%get3A_779, %get3A_780] {strides = array<i32>} : memref<800x64xf32, #tpu.memory_space<vmem>>, vector<1x16xf32>,
      %get3A_782 = vector.shape_cast %get3A_781 : vector<1x16xf32> to vector<16xf32>
      %mul3A_783 = arith.constant 8.000000e+00 : f32
      %mul3A_784 = vector.broadcast %mul3A_783 : f32 to vector<16xf32>
      %mul3A_785 = arith.mulf %get3A_782, %mul3A_784 : vector<16xf32>
      %swap3A_786 = arith.index_cast %scan3A_768 : i32 to index
      %swap3A_787 = arith.constant 16 : index
      %swap3A_788 = tpu.vector_load %arg7[%swap3A_786, %swap3A_787] {strides = array<i32>} : memref<800x64xf32, #tpu.memory_space<vmem>>, vector<1x16xf32>,
      %swap3A_789 = vector.shape_cast %swap3A_788 : vector<1x16xf32> to vector<16xf32>
      %swap3A_790 = vector.shape_cast %mul3A_785 : vector<16xf32> to vector<1x16xf32>
      tpu.vector_store %arg7[%swap3A_786, %swap3A_787], %swap3A_790 {strides = array<i32>} : memref<800x64xf32, #tpu.memory_space<vmem>>, vector<1x16xf32>,
      %get3A_791 = arith.index_cast %scan3A_768 : i32 to index
      %get3A_792 = arith.constant 32 : index
      %get3A_793 = tpu.vector_load %arg7[%get3A_791, %get3A_792] {strides = array<i32>} : memref<800x64xf32, #tpu.memory_space<vmem>>, vector<1x16xf32>,
      %get3A_794 = vector.shape_cast %get3A_793 : vector<1x16xf32> to vector<16xf32>
      %mul3A_795 = arith.constant 8.000000e+00 : f32
      %mul3A_796 = vector.broadcast %mul3A_795 : f32 to vector<16xf32>
      %mul3A_797 = arith.mulf %get3A_794, %mul3A_796 : vector<16xf32>
      %swap3A_798 = arith.index_cast %scan3A_768 : i32 to index
      %swap3A_799 = arith.constant 32 : index
      %swap3A_800 = tpu.vector_load %arg7[%swap3A_798, %swap3A_799] {strides = array<i32>} : memref<800x64xf32, #tpu.memory_space<vmem>>, vector<1x16xf32>,
      %swap3A_801 = vector.shape_cast %swap3A_800 : vector<1x16xf32> to vector<16xf32>
      %swap3A_802 = vector.shape_cast %mul3A_797 : vector<16xf32> to vector<1x16xf32>
      tpu.vector_store %arg7[%swap3A_798, %swap3A_799], %swap3A_802 {strides = array<i32>} : memref<800x64xf32, #tpu.memory_space<vmem>>, vector<1x16xf32>,
      %get3A_803 = arith.index_cast %scan3A_768 : i32 to index
      %get3A_804 = arith.constant 48 : index
      %get3A_805 = tpu.vector_load %arg7[%get3A_803, %get3A_804] {strides = array<i32>} : memref<800x64xf32, #tpu.memory_space<vmem>>, vector<1x16xf32>,
      %get3A_806 = vector.shape_cast %get3A_805 : vector<1x16xf32> to vector<16xf32>
      %mul3A_807 = arith.constant 8.000000e+00 : f32
      %mul3A_808 = vector.broadcast %mul3A_807 : f32 to vector<16xf32>
      %mul3A_809 = arith.mulf %get3A_806, %mul3A_808 : vector<16xf32>
      %swap3A_810 = arith.index_cast %scan3A_768 : i32 to index
      %swap3A_811 = arith.constant 48 : index
      %swap3A_812 = tpu.vector_load %arg7[%swap3A_810, %swap3A_811] {strides = array<i32>} : memref<800x64xf32, #tpu.memory_space<vmem>>, vector<1x16xf32>,
      %swap3A_813 = vector.shape_cast %swap3A_812 : vector<1x16xf32> to vector<16xf32>
      %swap3A_814 = vector.shape_cast %mul3A_809 : vector<16xf32> to vector<1x16xf32>
      tpu.vector_store %arg7[%swap3A_810, %swap3A_811], %swap3A_814 {strides = array<i32>} : memref<800x64xf32, #tpu.memory_space<vmem>>, vector<1x16xf32>,
    }
    %scan3A_18 = arith.constant 800 : i32
    %add3A_19 = arith.constant 0 : i32
    %add3A_20 = arith.addi %mul3A_2, %add3A_19 : i32
    %dma_start3A_21 = arith.constant 0 : i32
    %dma_start3A_22 = tpu.memref_slice %arg4[%add3A_20, %dma_start3A_21] : memref<819200x64xf32, #tpu.memory_space<hbm>> -> memref<800x64xf32, #tpu.memory_space<hbm>>
    %dma_start3A_23 = arith.constant 0 : i32
    %dma_start3A_24 = tpu.memref_slice %arg4[%add3A_20, %dma_start3A_23] : memref<819200x64xf32, #tpu.memory_space<hbm>> -> memref<800x64xf32, #tpu.memory_space<hbm>>
    tpu.enqueue_dma source(%arg7 : memref<800x64xf32, #tpu.memory_space<vmem>>) target(%dma_start3A_24 : memref<800x64xf32, #tpu.memory_space<hbm>>) target_semaphore(%arg11 : memref<!tpu.dma_semaphore, #tpu.memory_space<semaphore_mem>>)
    %dma_wait3A_25 = arith.constant 0 : i32
    %dma_wait3A_26 = tpu.memref_slice %arg4[%add3A_20, %dma_wait3A_25] : memref<819200x64xf32, #tpu.memory_space<hbm>> -> memref<800x64xf32, #tpu.memory_space<hbm>>
    %dma_wait3A_27 = arith.constant 0 : i32
    %dma_wait3A_28 = tpu.memref_slice %arg4[%add3A_20, %dma_wait3A_27] : memref<819200x64xf32, #tpu.memory_space<hbm>> -> memref<800x64xf32, #tpu.memory_space<hbm>>
    tpu.wait_dma2 semaphore(%arg11 : memref<!tpu.dma_semaphore, #tpu.memory_space<semaphore_mem>>) src(%arg7 : memref<800x64xf32, #tpu.memory_space<vmem>>) dst(%dma_wait3A_28 : memref<800x64xf32, #tpu.memory_space<hbm>>)
    %add3A_29 = arith.constant 1600 : i32
    %add3A_30 = arith.addi %mul3A_2, %add3A_29 : i32
    "tpu.region"() ({
      %run_scoped3A = tpu.sem_alloc : memref<!tpu.dma_semaphore, #tpu.memory_space<semaphore_mem>>
      %dma_start3A_768 = tpu.memref_slice %arg2[%add3A_30] : memref<819200xi32, #tpu.memory_space<hbm>> -> memref<800xi32, #tpu.memory_space<hbm>>
      %dma_start3A_769 = tpu.memref_slice %arg2[%add3A_30] : memref<819200xi32, #tpu.memory_space<hbm>> -> memref<800xi32, #tpu.memory_space<hbm>>
      tpu.enqueue_dma source(%dma_start3A_769 : memref<800xi32, #tpu.memory_space<hbm>>) target(%arg5 : memref<800xi32, #tpu.memory_space<vmem>>) target_semaphore(%run_scoped3A : memref<!tpu.dma_semaphore, #tpu.memory_space<semaphore_mem>>)
      %dma_wait3A_770 = tpu.memref_slice %arg2[%add3A_30] : memref<819200xi32, #tpu.memory_space<hbm>> -> memref<800xi32, #tpu.memory_space<hbm>>
      %dma_wait3A_771 = tpu.memref_slice %arg2[%add3A_30] : memref<819200xi32, #tpu.memory_space<hbm>> -> memref<800xi32, #tpu.memory_space<hbm>>
      tpu.wait_dma2 semaphore(%run_scoped3A : memref<!tpu.dma_semaphore, #tpu.memory_space<semaphore_mem>>) src(%dma_wait3A_771 : memref<800xi32, #tpu.memory_space<hbm>>) dst(%arg5 : memref<800xi32, #tpu.memory_space<vmem>>)
      tpu.yield
    }) : () -> ()
    %dma_start3A_31 = arith.constant 0 : i32
    %dma_start3A_32 = arith.constant 0 : i32
    %dma_start3A_33 = tpu.memref_slice %arg3[%dma_start3A_31, %dma_start3A_32] : memref<1000000x64xf32, #tpu.memory_space<hbm>> -> memref<1000000x64xf32, #tpu.memory_space<hbm>>
    tpu.enqueue_indirect_dma source(%dma_start3A_33 : memref<1000000x64xf32, #tpu.memory_space<hbm>>) target(%arg7 : memref<800x64xf32, #tpu.memory_space<vmem>>) offsets(%arg5 : memref<800xi32, #tpu.memory_space<vmem>>) semaphore(%arg9 : memref<!tpu.dma_semaphore, #tpu.memory_space<semaphore_mem>>)
    %dma_wait3A_34 = arith.constant 0 : i32
    %dma_wait3A_35 = arith.constant 0 : i32
    %dma_wait3A_36 = tpu.memref_slice %arg3[%dma_wait3A_34, %dma_wait3A_35] : memref<1000000x64xf32, #tpu.memory_space<hbm>> -> memref<1000000x64xf32, #tpu.memory_space<hbm>>
    tpu.wait_indirect_dma semaphore(%arg10 : memref<!tpu.dma_semaphore, #tpu.memory_space<semaphore_mem>>) src(%dma_wait3A_36 : memref<1000000x64xf32, #tpu.memory_space<hbm>>) dst(%arg8 : memref<800x64xf32, #tpu.memory_space<vmem>>)
    %scan3A_37 = arith.constant 0 : i32
    %scan3A_38 = arith.constant 0 : i32
    %scan3A_39 = arith.constant 800 : i32
    %scan3A_40 = arith.addi %scan3A_38, %scan3A_39 : i32
    %scan3A_41 = arith.constant 1 : i32
    scf.for %scan3A_768 = %scan3A_38 to %scan3A_40 step %scan3A_41  : i32 {
      %get3A = arith.index_cast %scan3A_768 : i32 to index
      %get3A_769 = arith.constant 0 : index
      %get3A_770 = tpu.vector_load %arg8[%get3A, %get3A_769] {strides = array<i32>} : memref<800x64xf32, #tpu.memory_space<vmem>>, vector<1x16xf32>,
      %get3A_771 = vector.shape_cast %get3A_770 : vector<1x16xf32> to vector<16xf32>
      %mul3A_772 = arith.constant 8.000000e+00 : f32
      %mul3A_773 = vector.broadcast %mul3A_772 : f32 to vector<16xf32>
      %mul3A_774 = arith.mulf %get3A_771, %mul3A_773 : vector<16xf32>
      %swap3A = arith.index_cast %scan3A_768 : i32 to index
      %swap3A_775 = arith.constant 0 : index
      %swap3A_776 = tpu.vector_load %arg8[%swap3A, %swap3A_775] {strides = array<i32>} : memref<800x64xf32, #tpu.memory_space<vmem>>, vector<1x16xf32>,
      %swap3A_777 = vector.shape_cast %swap3A_776 : vector<1x16xf32> to vector<16xf32>
      %swap3A_778 = vector.shape_cast %mul3A_774 : vector<16xf32> to vector<1x16xf32>
      tpu.vector_store %arg8[%swap3A, %swap3A_775], %swap3A_778 {strides = array<i32>} : memref<800x64xf32, #tpu.memory_space<vmem>>, vector<1x16xf32>,
      %get3A_779 = arith.index_cast %scan3A_768 : i32 to index
      %get3A_780 = arith.constant 16 : index
      %get3A_781 = tpu.vector_load %arg8[%get3A_779, %get3A_780] {strides = array<i32>} : memref<800x64xf32, #tpu.memory_space<vmem>>, vector<1x16xf32>,
      %get3A_782 = vector.shape_cast %get3A_781 : vector<1x16xf32> to vector<16xf32>
      %mul3A_783 = arith.constant 8.000000e+00 : f32
      %mul3A_784 = vector.broadcast %mul3A_783 : f32 to vector<16xf32>
      %mul3A_785 = arith.mulf %get3A_782, %mul3A_784 : vector<16xf32>
      %swap3A_786 = arith.index_cast %scan3A_768 : i32 to index
      %swap3A_787 = arith.constant 16 : index
      %swap3A_788 = tpu.vector_load %arg8[%swap3A_786, %swap3A_787] {strides = array<i32>} : memref<800x64xf32, #tpu.memory_space<vmem>>, vector<1x16xf32>,
      %swap3A_789 = vector.shape_cast %swap3A_788 : vector<1x16xf32> to vector<16xf32>
      %swap3A_790 = vector.shape_cast %mul3A_785 : vector<16xf32> to vector<1x16xf32>
      tpu.vector_store %arg8[%swap3A_786, %swap3A_787], %swap3A_790 {strides = array<i32>} : memref<800x64xf32, #tpu.memory_space<vmem>>, vector<1x16xf32>,
      %get3A_791 = arith.index_cast %scan3A_768 : i32 to index
      %get3A_792 = arith.constant 32 : index
      %get3A_793 = tpu.vector_load %arg8[%get3A_791, %get3A_792] {strides = array<i32>} : memref<800x64xf32, #tpu.memory_space<vmem>>, vector<1x16xf32>,
      %get3A_794 = vector.shape_cast %get3A_793 : vector<1x16xf32> to vector<16xf32>
      %mul3A_795 = arith.constant 8.000000e+00 : f32
      %mul3A_796 = vector.broadcast %mul3A_795 : f32 to vector<16xf32>
      %mul3A_797 = arith.mulf %get3A_794, %mul3A_796 : vector<16xf32>
      %swap3A_798 = arith.index_cast %scan3A_768 : i32 to index
      %swap3A_799 = arith.constant 32 : index
      %swap3A_800 = tpu.vector_load %arg8[%swap3A_798, %swap3A_799] {strides = array<i32>} : memref<800x64xf32, #tpu.memory_space<vmem>>, vector<1x16xf32>,
      %swap3A_801 = vector.shape_cast %swap3A_800 : vector<1x16xf32> to vector<16xf32>
      %swap3A_802 = vector.shape_cast %mul3A_797 : vector<16xf32> to vector<1x16xf32>
      tpu.vector_store %arg8[%swap3A_798, %swap3A_799], %swap3A_802 {strides = array<i32>} : memref<800x64xf32, #tpu.memory_space<vmem>>, vector<1x16xf32>,
      %get3A_803 = arith.index_cast %scan3A_768 : i32 to index
      %get3A_804 = arith.constant 48 : index
      %get3A_805 = tpu.vector_load %arg8[%get3A_803, %get3A_804] {strides = array<i32>} : memref<800x64xf32, #tpu.memory_space<vmem>>, vector<1x16xf32>,
      %get3A_806 = vector.shape_cast %get3A_805 : vector<1x16xf32> to vector<16xf32>
      %mul3A_807 = arith.constant 8.000000e+00 : f32
      %mul3A_808 = vector.broadcast %mul3A_807 : f32 to vector<16xf32>
      %mul3A_809 = arith.mulf %get3A_806, %mul3A_808 : vector<16xf32>
      %swap3A_810 = arith.index_cast %scan3A_768 : i32 to index
      %swap3A_811 = arith.constant 48 : index
      %swap3A_812 = tpu.vector_load %arg8[%swap3A_810, %swap3A_811] {strides = array<i32>} : memref<800x64xf32, #tpu.memory_space<vmem>>, vector<1x16xf32>,
      %swap3A_813 = vector.shape_cast %swap3A_812 : vector<1x16xf32> to vector<16xf32>
      %swap3A_814 = vector.shape_cast %mul3A_809 : vector<16xf32> to vector<1x16xf32>
      tpu.vector_store %arg8[%swap3A_810, %swap3A_811], %swap3A_814 {strides = array<i32>} : memref<800x64xf32, #tpu.memory_space<vmem>>, vector<1x16xf32>,
    }
    %scan3A_42 = arith.constant 800 : i32
    %add3A_43 = arith.constant 800 : i32
    %add3A_44 = arith.addi %mul3A_2, %add3A_43 : i32
    %dma_start3A_45 = arith.constant 0 : i32
    %dma_start3A_46 = tpu.memref_slice %arg4[%add3A_44, %dma_start3A_45] : memref<819200x64xf32, #tpu.memory_space<hbm>> -> memref<800x64xf32, #tpu.memory_space<hbm>>
    %dma_start3A_47 = arith.constant 0 : i32
    %dma_start3A_48 = tpu.memref_slice %arg4[%add3A_44, %dma_start3A_47] : memref<819200x64xf32, #tpu.memory_space<hbm>> -> memref<800x64xf32, #tpu.memory_space<hbm>>
    tpu.enqueue_dma source(%arg8 : memref<800x64xf32, #tpu.memory_space<vmem>>) target(%dma_start3A_48 : memref<800x64xf32, #tpu.memory_space<hbm>>) target_semaphore(%arg12 : memref<!tpu.dma_semaphore, #tpu.memory_space<semaphore_mem>>)
    %dma_wait3A_49 = arith.constant 0 : i32
    %dma_wait3A_50 = tpu.memref_slice %arg4[%add3A_44, %dma_wait3A_49] : memref<819200x64xf32, #tpu.memory_space<hbm>> -> memref<800x64xf32, #tpu.memory_space<hbm>>
    %dma_wait3A_51 = arith.constant 0 : i32
    %dma_wait3A_52 = tpu.memref_slice %arg4[%add3A_44, %dma_wait3A_51] : memref<819200x64xf32, #tpu.memory_space<hbm>> -> memref<800x64xf32, #tpu.memory_space<hbm>>
    tpu.wait_dma2 semaphore(%arg12 : memref<!tpu.dma_semaphore, #tpu.memory_space<semaphore_mem>>) src(%arg8 : memref<800x64xf32, #tpu.memory_space<vmem>>) dst(%dma_wait3A_52 : memref<800x64xf32, #tpu.memory_space<hbm>>)
    %add3A_53 = arith.constant 2400 : i32
    %add3A_54 = arith.addi %mul3A_2, %add3A_53 : i32
    "tpu.region"() ({
      %run_scoped3A = tpu.sem_alloc : memref<!tpu.dma_semaphore, #tpu.memory_space<semaphore_mem>>
      %dma_start3A_768 = tpu.memref_slice %arg2[%add3A_54] : memref<819200xi32, #tpu.memory_space<hbm>> -> memref<800xi32, #tpu.memory_space<hbm>>
      %dma_start3A_769 = tpu.memref_slice %arg2[%add3A_54] : memref<819200xi32, #tpu.memory_space<hbm>> -> memref<800xi32, #tpu.memory_space<hbm>>
      tpu.enqueue_dma source(%dma_start3A_769 : memref<800xi32, #tpu.memory_space<hbm>>) target(%arg6 : memref<800xi32, #tpu.memory_space<vmem>>) target_semaphore(%run_scoped3A : memref<!tpu.dma_semaphore, #tpu.memory_space<semaphore_mem>>)
      %dma_wait3A_770 = tpu.memref_slice %arg2[%add3A_54] : memref<819200xi32, #tpu.memory_space<hbm>> -> memref<800xi32, #tpu.memory_space<hbm>>
      %dma_wait3A_771 = tpu.memref_slice %arg2[%add3A_54] : memref<819200xi32, #tpu.memory_space<hbm>> -> memref<800xi32, #tpu.memory_space<hbm>>
      tpu.wait_dma2 semaphore(%run_scoped3A : memref<!tpu.dma_semaphore, #tpu.memory_space<semaphore_mem>>) src(%dma_wait3A_771 : memref<800xi32, #tpu.memory_space<hbm>>) dst(%arg6 : memref<800xi32, #tpu.memory_space<vmem>>)
      tpu.yield
    }) : () -> ()
    %dma_start3A_55 = arith.constant 0 : i32
    %dma_start3A_56 = arith.constant 0 : i32
    %dma_start3A_57 = tpu.memref_slice %arg3[%dma_start3A_55, %dma_start3A_56] : memref<1000000x64xf32, #tpu.memory_space<hbm>> -> memref<1000000x64xf32, #tpu.memory_space<hbm>>
    tpu.enqueue_indirect_dma source(%dma_start3A_57 : memref<1000000x64xf32, #tpu.memory_space<hbm>>) target(%arg8 : memref<800x64xf32, #tpu.memory_space<vmem>>) offsets(%arg6 : memref<800xi32, #tpu.memory_space<vmem>>) semaphore(%arg10 : memref<!tpu.dma_semaphore, #tpu.memory_space<semaphore_mem>>)
    %dma_wait3A_58 = arith.constant 0 : i32
    %dma_wait3A_59 = arith.constant 0 : i32
    %dma_wait3A_60 = tpu.memref_slice %arg3[%dma_wait3A_58, %dma_wait3A_59] : memref<1000000x64xf32, #tpu.memory_space<hbm>> -> memref<1000000x64xf32, #tpu.memory_space<hbm>>
    tpu.wait_indirect_dma semaphore(%arg9 : memref<!tpu.dma_semaphore, #tpu.memory_space<semaphore_mem>>) src(%dma_wait3A_60 : memref<1000000x64xf32, #tpu.memory_space<hbm>>) dst(%arg7 : memref<800x64xf32, #tpu.memory_space<vmem>>)
    %scan3A_61 = arith.constant 0 : i32
    %scan3A_62 = arith.constant 0 : i32
    %scan3A_63 = arith.constant 800 : i32
    %scan3A_64 = arith.addi %scan3A_62, %scan3A_63 : i32
    %scan3A_65 = arith.constant 1 : i32
    scf.for %scan3A_768 = %scan3A_62 to %scan3A_64 step %scan3A_65  : i32 {
      %get3A = arith.index_cast %scan3A_768 : i32 to index
      %get3A_769 = arith.constant 0 : index
      %get3A_770 = tpu.vector_load %arg7[%get3A, %get3A_769] {strides = array<i32>} : memref<800x64xf32, #tpu.memory_space<vmem>>, vector<1x16xf32>,
      %get3A_771 = vector.shape_cast %get3A_770 : vector<1x16xf32> to vector<16xf32>
      %mul3A_772 = arith.constant 8.000000e+00 : f32
      %mul3A_773 = vector.broadcast %mul3A_772 : f32 to vector<16xf32>
      %mul3A_774 = arith.mulf %get3A_771, %mul3A_773 : vector<16xf32>
      %swap3A = arith.index_cast %scan3A_768 : i32 to index
      %swap3A_775 = arith.constant 0 : index
      %swap3A_776 = tpu.vector_load %arg7[%swap3A, %swap3A_775] {strides = array<i32>} : memref<800x64xf32, #tpu.memory_space<vmem>>, vector<1x16xf32>,
      %swap3A_777 = vector.shape_cast %swap3A_776 : vector<1x16xf32> to vector<16xf32>
      %swap3A_778 = vector.shape_cast %mul3A_774 : vector<16xf32> to vector<1x16xf32>
      tpu.vector_store %arg7[%swap3A, %swap3A_775], %swap3A_778 {strides = array<i32>} : memref<800x64xf32, #tpu.memory_space<vmem>>, vector<1x16xf32>,
      %get3A_779 = arith.index_cast %scan3A_768 : i32 to index
      %get3A_780 = arith.constant 16 : index
      %get3A_781 = tpu.vector_load %arg7[%get3A_779, %get3A_780] {strides = array<i32>} : memref<800x64xf32, #tpu.memory_space<vmem>>, vector<1x16xf32>,
      %get3A_782 = vector.shape_cast %get3A_781 : vector<1x16xf32> to vector<16xf32>
      %mul3A_783 = arith.constant 8.000000e+00 : f32
      %mul3A_784 = vector.broadcast %mul3A_783 : f32 to vector<16xf32>
      %mul3A_785 = arith.mulf %get3A_782, %mul3A_784 : vector<16xf32>
      %swap3A_786 = arith.index_cast %scan3A_768 : i32 to index
      %swap3A_787 = arith.constant 16 : index
      %swap3A_788 = tpu.vector_load %arg7[%swap3A_786, %swap3A_787] {strides = array<i32>} : memref<800x64xf32, #tpu.memory_space<vmem>>, vector<1x16xf32>,
      %swap3A_789 = vector.shape_cast %swap3A_788 : vector<1x16xf32> to vector<16xf32>
      %swap3A_790 = vector.shape_cast %mul3A_785 : vector<16xf32> to vector<1x16xf32>
      tpu.vector_store %arg7[%swap3A_786, %swap3A_787], %swap3A_790 {strides = array<i32>} : memref<800x64xf32, #tpu.memory_space<vmem>>, vector<1x16xf32>,
      %get3A_791 = arith.index_cast %scan3A_768 : i32 to index
      %get3A_792 = arith.constant 32 : index
      %get3A_793 = tpu.vector_load %arg7[%get3A_791, %get3A_792] {strides = array<i32>} : memref<800x64xf32, #tpu.memory_space<vmem>>, vector<1x16xf32>,
      %get3A_794 = vector.shape_cast %get3A_793 : vector<1x16xf32> to vector<16xf32>
      %mul3A_795 = arith.constant 8.000000e+00 : f32
      %mul3A_796 = vector.broadcast %mul3A_795 : f32 to vector<16xf32>
      %mul3A_797 = arith.mulf %get3A_794, %mul3A_796 : vector<16xf32>
      %swap3A_798 = arith.index_cast %scan3A_768 : i32 to index
      %swap3A_799 = arith.constant 32 : index
      %swap3A_800 = tpu.vector_load %arg7[%swap3A_798, %swap3A_799] {strides = array<i32>} : memref<800x64xf32, #tpu.memory_space<vmem>>, vector<1x16xf32>,
      %swap3A_801 = vector.shape_cast %swap3A_800 : vector<1x16xf32> to vector<16xf32>
      %swap3A_802 = vector.shape_cast %mul3A_797 : vector<16xf32> to vector<1x16xf32>
      tpu.vector_store %arg7[%swap3A_798, %swap3A_799], %swap3A_802 {strides = array<i32>} : memref<800x64xf32, #tpu.memory_space<vmem>>, vector<1x16xf32>,
      %get3A_803 = arith.index_cast %scan3A_768 : i32 to index
      %get3A_804 = arith.constant 48 : index
      %get3A_805 = tpu.vector_load %arg7[%get3A_803, %get3A_804] {strides = array<i32>} : memref<800x64xf32, #tpu.memory_space<vmem>>, vector<1x16xf32>,
      %get3A_806 = vector.shape_cast %get3A_805 : vector<1x16xf32> to vector<16xf32>
      %mul3A_807 = arith.constant 8.000000e+00 : f32
      %mul3A_808 = vector.broadcast %mul3A_807 : f32 to vector<16xf32>
      %mul3A_809 = arith.mulf %get3A_806, %mul3A_808 : vector<16xf32>
      %swap3A_810 = arith.index_cast %scan3A_768 : i32 to index
      %swap3A_811 = arith.constant 48 : index
      %swap3A_812 = tpu.vector_load %arg7[%swap3A_810, %swap3A_811] {strides = array<i32>} : memref<800x64xf32, #tpu.memory_space<vmem>>, vector<1x16xf32>,
      %swap3A_813 = vector.shape_cast %swap3A_812 : vector<1x16xf32> to vector<16xf32>
      %swap3A_814 = vector.shape_cast %mul3A_809 : vector<16xf32> to vector<1x16xf32>
      tpu.vector_store %arg7[%swap3A_810, %swap3A_811], %swap3A_814 {strides = array<i32>} : memref<800x64xf32, #tpu.memory_space<vmem>>, vector<1x16xf32>,
    }
    %scan3A_66 = arith.constant 800 : i32
    %add3A_67 = arith.constant 1600 : i32
    %add3A_68 = arith.addi %mul3A_2, %add3A_67 : i32
    %dma_start3A_69 = arith.constant 0 : i32
    %dma_start3A_70 = tpu.memref_slice %arg4[%add3A_68, %dma_start3A_69] : memref<819200x64xf32, #tpu.memory_space<hbm>> -> memref<800x64xf32, #tpu.memory_space<hbm>>
    %dma_start3A_71 = arith.constant 0 : i32
    %dma_start3A_72 = tpu.memref_slice %arg4[%add3A_68, %dma_start3A_71] : memref<819200x64xf32, #tpu.memory_space<hbm>> -> memref<800x64xf32, #tpu.memory_space<hbm>>
    tpu.enqueue_dma source(%arg7 : memref<800x64xf32, #tpu.memory_space<vmem>>) target(%dma_start3A_72 : memref<800x64xf32, #tpu.memory_space<hbm>>) target_semaphore(%arg11 : memref<!tpu.dma_semaphore, #tpu.memory_space<semaphore_mem>>)
    %dma_wait3A_73 = arith.constant 0 : i32
    %dma_wait3A_74 = tpu.memref_slice %arg4[%add3A_68, %dma_wait3A_73] : memref<819200x64xf32, #tpu.memory_space<hbm>> -> memref<800x64xf32, #tpu.memory_space<hbm>>
    %dma_wait3A_75 = arith.constant 0 : i32
    %dma_wait3A_76 = tpu.memref_slice %arg4[%add3A_68, %dma_wait3A_75] : memref<819200x64xf32, #tpu.memory_space<hbm>> -> memref<800x64xf32, #tpu.memory_space<hbm>>
    tpu.wait_dma2 semaphore(%arg11 : memref<!tpu.dma_semaphore, #tpu.memory_space<semaphore_mem>>) src(%arg7 : memref<800x64xf32, #tpu.memory_space<vmem>>) dst(%dma_wait3A_76 : memref<800x64xf32, #tpu.memory_space<hbm>>)
    %add3A_77 = arith.constant 3200 : i32
    %add3A_78 = arith.addi %mul3A_2, %add3A_77 : i32
    "tpu.region"() ({
      %run_scoped3A = tpu.sem_alloc : memref<!tpu.dma_semaphore, #tpu.memory_space<semaphore_mem>>
      %dma_start3A_768 = tpu.memref_slice %arg2[%add3A_78] : memref<819200xi32, #tpu.memory_space<hbm>> -> memref<800xi32, #tpu.memory_space<hbm>>
      %dma_start3A_769 = tpu.memref_slice %arg2[%add3A_78] : memref<819200xi32, #tpu.memory_space<hbm>> -> memref<800xi32, #tpu.memory_space<hbm>>
      tpu.enqueue_dma source(%dma_start3A_769 : memref<800xi32, #tpu.memory_space<hbm>>) target(%arg5 : memref<800xi32, #tpu.memory_space<vmem>>) target_semaphore(%run_scoped3A : memref<!tpu.dma_semaphore, #tpu.memory_space<semaphore_mem>>)
      %dma_wait3A_770 = tpu.memref_slice %arg2[%add3A_78] : memref<819200xi32, #tpu.memory_space<hbm>> -> memref<800xi32, #tpu.memory_space<hbm>>
      %dma_wait3A_771 = tpu.memref_slice %arg2[%add3A_78] : memref<819200xi32, #tpu.memory_space<hbm>> -> memref<800xi32, #tpu.memory_space<hbm>>
      tpu.wait_dma2 semaphore(%run_scoped3A : memref<!tpu.dma_semaphore, #tpu.memory_space<semaphore_mem>>) src(%dma_wait3A_771 : memref<800xi32, #tpu.memory_space<hbm>>) dst(%arg5 : memref<800xi32, #tpu.memory_space<vmem>>)
      tpu.yield
    }) : () -> ()
    %dma_start3A_79 = arith.constant 0 : i32
    %dma_start3A_80 = arith.constant 0 : i32
    %dma_start3A_81 = tpu.memref_slice %arg3[%dma_start3A_79, %dma_start3A_80] : memref<1000000x64xf32, #tpu.memory_space<hbm>> -> memref<1000000x64xf32, #tpu.memory_space<hbm>>
    tpu.enqueue_indirect_dma source(%dma_start3A_81 : memref<1000000x64xf32, #tpu.memory_space<hbm>>) target(%arg7 : memref<800x64xf32, #tpu.memory_space<vmem>>) offsets(%arg5 : memref<800xi32, #tpu.memory_space<vmem>>) semaphore(%arg9 : memref<!tpu.dma_semaphore, #tpu.memory_space<semaphore_mem>>)
    %dma_wait3A_82 = arith.constant 0 : i32
    %dma_wait3A_83 = arith.constant 0 : i32
    %dma_wait3A_84 = tpu.memref_slice %arg3[%dma_wait3A_82, %dma_wait3A_83] : memref<1000000x64xf32, #tpu.memory_space<hbm>> -> memref<1000000x64xf32, #tpu.memory_space<hbm>>
    tpu.wait_indirect_dma semaphore(%arg10 : memref<!tpu.dma_semaphore, #tpu.memory_space<semaphore_mem>>) src(%dma_wait3A_84 : memref<1000000x64xf32, #tpu.memory_space<hbm>>) dst(%arg8 : memref<800x64xf32, #tpu.memory_space<vmem>>)
    %scan3A_85 = arith.constant 0 : i32
    %scan3A_86 = arith.constant 0 : i32
    %scan3A_87 = arith.constant 800 : i32
    %scan3A_88 = arith.addi %scan3A_86, %scan3A_87 : i32
    %scan3A_89 = arith.constant 1 : i32
    scf.for %scan3A_768 = %scan3A_86 to %scan3A_88 step %scan3A_89  : i32 {
      %get3A = arith.index_cast %scan3A_768 : i32 to index
      %get3A_769 = arith.constant 0 : index
      %get3A_770 = tpu.vector_load %arg8[%get3A, %get3A_769] {strides = array<i32>} : memref<800x64xf32, #tpu.memory_space<vmem>>, vector<1x16xf32>,
      %get3A_771 = vector.shape_cast %get3A_770 : vector<1x16xf32> to vector<16xf32>
      %mul3A_772 = arith.constant 8.000000e+00 : f32
      %mul3A_773 = vector.broadcast %mul3A_772 : f32 to vector<16xf32>
      %mul3A_774 = arith.mulf %get3A_771, %mul3A_773 : vector<16xf32>
      %swap3A = arith.index_cast %scan3A_768 : i32 to index
      %swap3A_775 = arith.constant 0 : index
      %swap3A_776 = tpu.vector_load %arg8[%swap3A, %swap3A_775] {strides = array<i32>} : memref<800x64xf32, #tpu.memory_space<vmem>>, vector<1x16xf32>,
      %swap3A_777 = vector.shape_cast %swap3A_776 : vector<1x16xf32> to vector<16xf32>
      %swap3A_778 = vector.shape_cast %mul3A_774 : vector<16xf32> to vector<1x16xf32>
      tpu.vector_store %arg8[%swap3A, %swap3A_775], %swap3A_778 {strides = array<i32>} : memref<800x64xf32, #tpu.memory_space<vmem>>, vector<1x16xf32>,
      %get3A_779 = arith.index_cast %scan3A_768 : i32 to index
      %get3A_780 = arith.constant 16 : index
      %get3A_781 = tpu.vector_load %arg8[%get3A_779, %get3A_780] {strides = array<i32>} : memref<800x64xf32, #tpu.memory_space<vmem>>, vector<1x16xf32>,
      %get3A_782 = vector.shape_cast %get3A_781 : vector<1x16xf32> to vector<16xf32>
      %mul3A_783 = arith.constant 8.000000e+00 : f32
      %mul3A_784 = vector.broadcast %mul3A_783 : f32 to vector<16xf32>
      %mul3A_785 = arith.mulf %get3A_782, %mul3A_784 : vector<16xf32>
      %swap3A_786 = arith.index_cast %scan3A_768 : i32 to index
      %swap3A_787 = arith.constant 16 : index
      %swap3A_788 = tpu.vector_load %arg8[%swap3A_786, %swap3A_787] {strides = array<i32>} : memref<800x64xf32, #tpu.memory_space<vmem>>, vector<1x16xf32>,
      %swap3A_789 = vector.shape_cast %swap3A_788 : vector<1x16xf32> to vector<16xf32>
      %swap3A_790 = vector.shape_cast %mul3A_785 : vector<16xf32> to vector<1x16xf32>
      tpu.vector_store %arg8[%swap3A_786, %swap3A_787], %swap3A_790 {strides = array<i32>} : memref<800x64xf32, #tpu.memory_space<vmem>>, vector<1x16xf32>,
      %get3A_791 = arith.index_cast %scan3A_768 : i32 to index
      %get3A_792 = arith.constant 32 : index
      %get3A_793 = tpu.vector_load %arg8[%get3A_791, %get3A_792] {strides = array<i32>} : memref<800x64xf32, #tpu.memory_space<vmem>>, vector<1x16xf32>,
      %get3A_794 = vector.shape_cast %get3A_793 : vector<1x16xf32> to vector<16xf32>
      %mul3A_795 = arith.constant 8.000000e+00 : f32
      %mul3A_796 = vector.broadcast %mul3A_795 : f32 to vector<16xf32>
      %mul3A_797 = arith.mulf %get3A_794, %mul3A_796 : vector<16xf32>
      %swap3A_798 = arith.index_cast %scan3A_768 : i32 to index
      %swap3A_799 = arith.constant 32 : index
      %swap3A_800 = tpu.vector_load %arg8[%swap3A_798, %swap3A_799] {strides = array<i32>} : memref<800x64xf32, #tpu.memory_space<vmem>>, vector<1x16xf32>,
      %swap3A_801 = vector.shape_cast %swap3A_800 : vector<1x16xf32> to vector<16xf32>
      %swap3A_802 = vector.shape_cast %mul3A_797 : vector<16xf32> to vector<1x16xf32>
      tpu.vector_store %arg8[%swap3A_798, %swap3A_799], %swap3A_802 {strides = array<i32>} : memref<800x64xf32, #tpu.memory_space<vmem>>, vector<1x16xf32>,
      %get3A_803 = arith.index_cast %scan3A_768 : i32 to index
      %get3A_804 = arith.constant 48 : index
      %get3A_805 = tpu.vector_load %arg8[%get3A_803, %get3A_804] {strides = array<i32>} : memref<800x64xf32, #tpu.memory_space<vmem>>, vector<1x16xf32>,
      %get3A_806 = vector.shape_cast %get3A_805 : vector<1x16xf32> to vector<16xf32>
      %mul3A_807 = arith.constant 8.000000e+00 : f32
      %mul3A_808 = vector.broadcast %mul3A_807 : f32 to vector<16xf32>
      %mul3A_809 = arith.mulf %get3A_806, %mul3A_808 : vector<16xf32>
      %swap3A_810 = arith.index_cast %scan3A_768 : i32 to index
      %swap3A_811 = arith.constant 48 : index
      %swap3A_812 = tpu.vector_load %arg8[%swap3A_810, %swap3A_811] {strides = array<i32>} : memref<800x64xf32, #tpu.memory_space<vmem>>, vector<1x16xf32>,
      %swap3A_813 = vector.shape_cast %swap3A_812 : vector<1x16xf32> to vector<16xf32>
      %swap3A_814 = vector.shape_cast %mul3A_809 : vector<16xf32> to vector<1x16xf32>
      tpu.vector_store %arg8[%swap3A_810, %swap3A_811], %swap3A_814 {strides = array<i32>} : memref<800x64xf32, #tpu.memory_space<vmem>>, vector<1x16xf32>,
    }
    %scan3A_90 = arith.constant 800 : i32
    %add3A_91 = arith.constant 2400 : i32
    %add3A_92 = arith.addi %mul3A_2, %add3A_91 : i32
    %dma_start3A_93 = arith.constant 0 : i32
    %dma_start3A_94 = tpu.memref_slice %arg4[%add3A_92, %dma_start3A_93] : memref<819200x64xf32, #tpu.memory_space<hbm>> -> memref<800x64xf32, #tpu.memory_space<hbm>>
    %dma_start3A_95 = arith.constant 0 : i32
    %dma_start3A_96 = tpu.memref_slice %arg4[%add3A_92, %dma_start3A_95] : memref<819200x64xf32, #tpu.memory_space<hbm>> -> memref<800x64xf32, #tpu.memory_space<hbm>>
    tpu.enqueue_dma source(%arg8 : memref<800x64xf32, #tpu.memory_space<vmem>>) target(%dma_start3A_96 : memref<800x64xf32, #tpu.memory_space<hbm>>) target_semaphore(%arg12 : memref<!tpu.dma_semaphore, #tpu.memory_space<semaphore_mem>>)
    %dma_wait3A_97 = arith.constant 0 : i32
    %dma_wait3A_98 = tpu.memref_slice %arg4[%add3A_92, %dma_wait3A_97] : memref<819200x64xf32, #tpu.memory_space<hbm>> -> memref<800x64xf32, #tpu.memory_space<hbm>>
    %dma_wait3A_99 = arith.constant 0 : i32
    %dma_wait3A_100 = tpu.memref_slice %arg4[%add3A_92, %dma_wait3A_99] : memref<819200x64xf32, #tpu.memory_space<hbm>> -> memref<800x64xf32, #tpu.memory_space<hbm>>
    tpu.wait_dma2 semaphore(%arg12 : memref<!tpu.dma_semaphore, #tpu.memory_space<semaphore_mem>>) src(%arg8 : memref<800x64xf32, #tpu.memory_space<vmem>>) dst(%dma_wait3A_100 : memref<800x64xf32, #tpu.memory_space<hbm>>)
    %add3A_101 = arith.constant 4000 : i32
    %add3A_102 = arith.addi %mul3A_2, %add3A_101 : i32
    "tpu.region"() ({
      %run_scoped3A = tpu.sem_alloc : memref<!tpu.dma_semaphore, #tpu.memory_space<semaphore_mem>>
      %dma_start3A_768 = tpu.memref_slice %arg2[%add3A_102] : memref<819200xi32, #tpu.memory_space<hbm>> -> memref<800xi32, #tpu.memory_space<hbm>>
      %dma_start3A_769 = tpu.memref_slice %arg2[%add3A_102] : memref<819200xi32, #tpu.memory_space<hbm>> -> memref<800xi32, #tpu.memory_space<hbm>>
      tpu.enqueue_dma source(%dma_start3A_769 : memref<800xi32, #tpu.memory_space<hbm>>) target(%arg6 : memref<800xi32, #tpu.memory_space<vmem>>) target_semaphore(%run_scoped3A : memref<!tpu.dma_semaphore, #tpu.memory_space<semaphore_mem>>)
      %dma_wait3A_770 = tpu.memref_slice %arg2[%add3A_102] : memref<819200xi32, #tpu.memory_space<hbm>> -> memref<800xi32, #tpu.memory_space<hbm>>
      %dma_wait3A_771 = tpu.memref_slice %arg2[%add3A_102] : memref<819200xi32, #tpu.memory_space<hbm>> -> memref<800xi32, #tpu.memory_space<hbm>>
      tpu.wait_dma2 semaphore(%run_scoped3A : memref<!tpu.dma_semaphore, #tpu.memory_space<semaphore_mem>>) src(%dma_wait3A_771 : memref<800xi32, #tpu.memory_space<hbm>>) dst(%arg6 : memref<800xi32, #tpu.memory_space<vmem>>)
      tpu.yield
    }) : () -> ()
    %dma_start3A_103 = arith.constant 0 : i32
    %dma_start3A_104 = arith.constant 0 : i32
    %dma_start3A_105 = tpu.memref_slice %arg3[%dma_start3A_103, %dma_start3A_104] : memref<1000000x64xf32, #tpu.memory_space<hbm>> -> memref<1000000x64xf32, #tpu.memory_space<hbm>>
    tpu.enqueue_indirect_dma source(%dma_start3A_105 : memref<1000000x64xf32, #tpu.memory_space<hbm>>) target(%arg8 : memref<800x64xf32, #tpu.memory_space<vmem>>) offsets(%arg6 : memref<800xi32, #tpu.memory_space<vmem>>) semaphore(%arg10 : memref<!tpu.dma_semaphore, #tpu.memory_space<semaphore_mem>>)
    %dma_wait3A_106 = arith.constant 0 : i32
    %dma_wait3A_107 = arith.constant 0 : i32
    %dma_wait3A_108 = tpu.memref_slice %arg3[%dma_wait3A_106, %dma_wait3A_107] : memref<1000000x64xf32, #tpu.memory_space<hbm>> -> memref<1000000x64xf32, #tpu.memory_space<hbm>>
    tpu.wait_indirect_dma semaphore(%arg9 : memref<!tpu.dma_semaphore, #tpu.memory_space<semaphore_mem>>) src(%dma_wait3A_108 : memref<1000000x64xf32, #tpu.memory_space<hbm>>) dst(%arg7 : memref<800x64xf32, #tpu.memory_space<vmem>>)
    %scan3A_109 = arith.constant 0 : i32
    %scan3A_110 = arith.constant 0 : i32
    %scan3A_111 = arith.constant 800 : i32
    %scan3A_112 = arith.addi %scan3A_110, %scan3A_111 : i32
    %scan3A_113 = arith.constant 1 : i32
    scf.for %scan3A_768 = %scan3A_110 to %scan3A_112 step %scan3A_113  : i32 {
      %get3A = arith.index_cast %scan3A_768 : i32 to index
      %get3A_769 = arith.constant 0 : index
      %get3A_770 = tpu.vector_load %arg7[%get3A, %get3A_769] {strides = array<i32>} : memref<800x64xf32, #tpu.memory_space<vmem>>, vector<1x16xf32>,
      %get3A_771 = vector.shape_cast %get3A_770 : vector<1x16xf32> to vector<16xf32>
      %mul3A_772 = arith.constant 8.000000e+00 : f32
      %mul3A_773 = vector.broadcast %mul3A_772 : f32 to vector<16xf32>
      %mul3A_774 = arith.mulf %get3A_771, %mul3A_773 : vector<16xf32>
      %swap3A = arith.index_cast %scan3A_768 : i32 to index
      %swap3A_775 = arith.constant 0 : index
      %swap3A_776 = tpu.vector_load %arg7[%swap3A, %swap3A_775] {strides = array<i32>} : memref<800x64xf32, #tpu.memory_space<vmem>>, vector<1x16xf32>,
      %swap3A_777 = vector.shape_cast %swap3A_776 : vector<1x16xf32> to vector<16xf32>
      %swap3A_778 = vector.shape_cast %mul3A_774 : vector<16xf32> to vector<1x16xf32>
      tpu.vector_store %arg7[%swap3A, %swap3A_775], %swap3A_778 {strides = array<i32>} : memref<800x64xf32, #tpu.memory_space<vmem>>, vector<1x16xf32>,
      %get3A_779 = arith.index_cast %scan3A_768 : i32 to index
      %get3A_780 = arith.constant 16 : index
      %get3A_781 = tpu.vector_load %arg7[%get3A_779, %get3A_780] {strides = array<i32>} : memref<800x64xf32, #tpu.memory_space<vmem>>, vector<1x16xf32>,
      %get3A_782 = vector.shape_cast %get3A_781 : vector<1x16xf32> to vector<16xf32>
      %mul3A_783 = arith.constant 8.000000e+00 : f32
      %mul3A_784 = vector.broadcast %mul3A_783 : f32 to vector<16xf32>
      %mul3A_785 = arith.mulf %get3A_782, %mul3A_784 : vector<16xf32>
      %swap3A_786 = arith.index_cast %scan3A_768 : i32 to index
      %swap3A_787 = arith.constant 16 : index
      %swap3A_788 = tpu.vector_load %arg7[%swap3A_786, %swap3A_787] {strides = array<i32>} : memref<800x64xf32, #tpu.memory_space<vmem>>, vector<1x16xf32>,
      %swap3A_789 = vector.shape_cast %swap3A_788 : vector<1x16xf32> to vector<16xf32>
      %swap3A_790 = vector.shape_cast %mul3A_785 : vector<16xf32> to vector<1x16xf32>
      tpu.vector_store %arg7[%swap3A_786, %swap3A_787], %swap3A_790 {strides = array<i32>} : memref<800x64xf32, #tpu.memory_space<vmem>>, vector<1x16xf32>,
      %get3A_791 = arith.index_cast %scan3A_768 : i32 to index
      %get3A_792 = arith.constant 32 : index
      %get3A_793 = tpu.vector_load %arg7[%get3A_791, %get3A_792] {strides = array<i32>} : memref<800x64xf32, #tpu.memory_space<vmem>>, vector<1x16xf32>,
      %get3A_794 = vector.shape_cast %get3A_793 : vector<1x16xf32> to vector<16xf32>
      %mul3A_795 = arith.constant 8.000000e+00 : f32
      %mul3A_796 = vector.broadcast %mul3A_795 : f32 to vector<16xf32>
      %mul3A_797 = arith.mulf %get3A_794, %mul3A_796 : vector<16xf32>
      %swap3A_798 = arith.index_cast %scan3A_768 : i32 to index
      %swap3A_799 = arith.constant 32 : index
      %swap3A_800 = tpu.vector_load %arg7[%swap3A_798, %swap3A_799] {strides = array<i32>} : memref<800x64xf32, #tpu.memory_space<vmem>>, vector<1x16xf32>,
      %swap3A_801 = vector.shape_cast %swap3A_800 : vector<1x16xf32> to vector<16xf32>
      %swap3A_802 = vector.shape_cast %mul3A_797 : vector<16xf32> to vector<1x16xf32>
      tpu.vector_store %arg7[%swap3A_798, %swap3A_799], %swap3A_802 {strides = array<i32>} : memref<800x64xf32, #tpu.memory_space<vmem>>, vector<1x16xf32>,
      %get3A_803 = arith.index_cast %scan3A_768 : i32 to index
      %get3A_804 = arith.constant 48 : index
      %get3A_805 = tpu.vector_load %arg7[%get3A_803, %get3A_804] {strides = array<i32>} : memref<800x64xf32, #tpu.memory_space<vmem>>, vector<1x16xf32>,
      %get3A_806 = vector.shape_cast %get3A_805 : vector<1x16xf32> to vector<16xf32>
      %mul3A_807 = arith.constant 8.000000e+00 : f32
      %mul3A_808 = vector.broadcast %mul3A_807 : f32 to vector<16xf32>
      %mul3A_809 = arith.mulf %get3A_806, %mul3A_808 : vector<16xf32>
      %swap3A_810 = arith.index_cast %scan3A_768 : i32 to index
      %swap3A_811 = arith.constant 48 : index
      %swap3A_812 = tpu.vector_load %arg7[%swap3A_810, %swap3A_811] {strides = array<i32>} : memref<800x64xf32, #tpu.memory_space<vmem>>, vector<1x16xf32>,
      %swap3A_813 = vector.shape_cast %swap3A_812 : vector<1x16xf32> to vector<16xf32>
      %swap3A_814 = vector.shape_cast %mul3A_809 : vector<16xf32> to vector<1x16xf32>
      tpu.vector_store %arg7[%swap3A_810, %swap3A_811], %swap3A_814 {strides = array<i32>} : memref<800x64xf32, #tpu.memory_space<vmem>>, vector<1x16xf32>,
    }
    %scan3A_114 = arith.constant 800 : i32
    %add3A_115 = arith.constant 3200 : i32
    %add3A_116 = arith.addi %mul3A_2, %add3A_115 : i32
    %dma_start3A_117 = arith.constant 0 : i32
    %dma_start3A_118 = tpu.memref_slice %arg4[%add3A_116, %dma_start3A_117] : memref<819200x64xf32, #tpu.memory_space<hbm>> -> memref<800x64xf32, #tpu.memory_space<hbm>>
    %dma_start3A_119 = arith.constant 0 : i32
    %dma_start3A_120 = tpu.memref_slice %arg4[%add3A_116, %dma_start3A_119] : memref<819200x64xf32, #tpu.memory_space<hbm>> -> memref<800x64xf32, #tpu.memory_space<hbm>>
    tpu.enqueue_dma source(%arg7 : memref<800x64xf32, #tpu.memory_space<vmem>>) target(%dma_start3A_120 : memref<800x64xf32, #tpu.memory_space<hbm>>) target_semaphore(%arg11 : memref<!tpu.dma_semaphore, #tpu.memory_space<semaphore_mem>>)
    %dma_wait3A_121 = arith.constant 0 : i32
    %dma_wait3A_122 = tpu.memref_slice %arg4[%add3A_116, %dma_wait3A_121] : memref<819200x64xf32, #tpu.memory_space<hbm>> -> memref<800x64xf32, #tpu.memory_space<hbm>>
    %dma_wait3A_123 = arith.constant 0 : i32
    %dma_wait3A_124 = tpu.memref_slice %arg4[%add3A_116, %dma_wait3A_123] : memref<819200x64xf32, #tpu.memory_space<hbm>> -> memref<800x64xf32, #tpu.memory_space<hbm>>
    tpu.wait_dma2 semaphore(%arg11 : memref<!tpu.dma_semaphore, #tpu.memory_space<semaphore_mem>>) src(%arg7 : memref<800x64xf32, #tpu.memory_space<vmem>>) dst(%dma_wait3A_124 : memref<800x64xf32, #tpu.memory_space<hbm>>)
    %add3A_125 = arith.constant 4800 : i32
    %add3A_126 = arith.addi %mul3A_2, %add3A_125 : i32
    "tpu.region"() ({
      %run_scoped3A = tpu.sem_alloc : memref<!tpu.dma_semaphore, #tpu.memory_space<semaphore_mem>>
      %dma_start3A_768 = tpu.memref_slice %arg2[%add3A_126] : memref<819200xi32, #tpu.memory_space<hbm>> -> memref<800xi32, #tpu.memory_space<hbm>>
      %dma_start3A_769 = tpu.memref_slice %arg2[%add3A_126] : memref<819200xi32, #tpu.memory_space<hbm>> -> memref<800xi32, #tpu.memory_space<hbm>>
      tpu.enqueue_dma source(%dma_start3A_769 : memref<800xi32, #tpu.memory_space<hbm>>) target(%arg5 : memref<800xi32, #tpu.memory_space<vmem>>) target_semaphore(%run_scoped3A : memref<!tpu.dma_semaphore, #tpu.memory_space<semaphore_mem>>)
      %dma_wait3A_770 = tpu.memref_slice %arg2[%add3A_126] : memref<819200xi32, #tpu.memory_space<hbm>> -> memref<800xi32, #tpu.memory_space<hbm>>
      %dma_wait3A_771 = tpu.memref_slice %arg2[%add3A_126] : memref<819200xi32, #tpu.memory_space<hbm>> -> memref<800xi32, #tpu.memory_space<hbm>>
      tpu.wait_dma2 semaphore(%run_scoped3A : memref<!tpu.dma_semaphore, #tpu.memory_space<semaphore_mem>>) src(%dma_wait3A_771 : memref<800xi32, #tpu.memory_space<hbm>>) dst(%arg5 : memref<800xi32, #tpu.memory_space<vmem>>)
      tpu.yield
    }) : () -> ()
    %dma_start3A_127 = arith.constant 0 : i32
    %dma_start3A_128 = arith.constant 0 : i32
    %dma_start3A_129 = tpu.memref_slice %arg3[%dma_start3A_127, %dma_start3A_128] : memref<1000000x64xf32, #tpu.memory_space<hbm>> -> memref<1000000x64xf32, #tpu.memory_space<hbm>>
    tpu.enqueue_indirect_dma source(%dma_start3A_129 : memref<1000000x64xf32, #tpu.memory_space<hbm>>) target(%arg7 : memref<800x64xf32, #tpu.memory_space<vmem>>) offsets(%arg5 : memref<800xi32, #tpu.memory_space<vmem>>) semaphore(%arg9 : memref<!tpu.dma_semaphore, #tpu.memory_space<semaphore_mem>>)
    %dma_wait3A_130 = arith.constant 0 : i32
    %dma_wait3A_131 = arith.constant 0 : i32
    %dma_wait3A_132 = tpu.memref_slice %arg3[%dma_wait3A_130, %dma_wait3A_131] : memref<1000000x64xf32, #tpu.memory_space<hbm>> -> memref<1000000x64xf32, #tpu.memory_space<hbm>>
    tpu.wait_indirect_dma semaphore(%arg10 : memref<!tpu.dma_semaphore, #tpu.memory_space<semaphore_mem>>) src(%dma_wait3A_132 : memref<1000000x64xf32, #tpu.memory_space<hbm>>) dst(%arg8 : memref<800x64xf32, #tpu.memory_space<vmem>>)
    %scan3A_133 = arith.constant 0 : i32
    %scan3A_134 = arith.constant 0 : i32
    %scan3A_135 = arith.constant 800 : i32
    %scan3A_136 = arith.addi %scan3A_134, %scan3A_135 : i32
    %scan3A_137 = arith.constant 1 : i32
    scf.for %scan3A_768 = %scan3A_134 to %scan3A_136 step %scan3A_137  : i32 {
      %get3A = arith.index_cast %scan3A_768 : i32 to index
      %get3A_769 = arith.constant 0 : index
      %get3A_770 = tpu.vector_load %arg8[%get3A, %get3A_769] {strides = array<i32>} : memref<800x64xf32, #tpu.memory_space<vmem>>, vector<1x16xf32>,
      %get3A_771 = vector.shape_cast %get3A_770 : vector<1x16xf32> to vector<16xf32>
      %mul3A_772 = arith.constant 8.000000e+00 : f32
      %mul3A_773 = vector.broadcast %mul3A_772 : f32 to vector<16xf32>
      %mul3A_774 = arith.mulf %get3A_771, %mul3A_773 : vector<16xf32>
      %swap3A = arith.index_cast %scan3A_768 : i32 to index
      %swap3A_775 = arith.constant 0 : index
      %swap3A_776 = tpu.vector_load %arg8[%swap3A, %swap3A_775] {strides = array<i32>} : memref<800x64xf32, #tpu.memory_space<vmem>>, vector<1x16xf32>,
      %swap3A_777 = vector.shape_cast %swap3A_776 : vector<1x16xf32> to vector<16xf32>
      %swap3A_778 = vector.shape_cast %mul3A_774 : vector<16xf32> to vector<1x16xf32>
      tpu.vector_store %arg8[%swap3A, %swap3A_775], %swap3A_778 {strides = array<i32>} : memref<800x64xf32, #tpu.memory_space<vmem>>, vector<1x16xf32>,
      %get3A_779 = arith.index_cast %scan3A_768 : i32 to index
      %get3A_780 = arith.constant 16 : index
      %get3A_781 = tpu.vector_load %arg8[%get3A_779, %get3A_780] {strides = array<i32>} : memref<800x64xf32, #tpu.memory_space<vmem>>, vector<1x16xf32>,
      %get3A_782 = vector.shape_cast %get3A_781 : vector<1x16xf32> to vector<16xf32>
      %mul3A_783 = arith.constant 8.000000e+00 : f32
      %mul3A_784 = vector.broadcast %mul3A_783 : f32 to vector<16xf32>
      %mul3A_785 = arith.mulf %get3A_782, %mul3A_784 : vector<16xf32>
      %swap3A_786 = arith.index_cast %scan3A_768 : i32 to index
      %swap3A_787 = arith.constant 16 : index
      %swap3A_788 = tpu.vector_load %arg8[%swap3A_786, %swap3A_787] {strides = array<i32>} : memref<800x64xf32, #tpu.memory_space<vmem>>, vector<1x16xf32>,
      %swap3A_789 = vector.shape_cast %swap3A_788 : vector<1x16xf32> to vector<16xf32>
      %swap3A_790 = vector.shape_cast %mul3A_785 : vector<16xf32> to vector<1x16xf32>
      tpu.vector_store %arg8[%swap3A_786, %swap3A_787], %swap3A_790 {strides = array<i32>} : memref<800x64xf32, #tpu.memory_space<vmem>>, vector<1x16xf32>,
      %get3A_791 = arith.index_cast %scan3A_768 : i32 to index
      %get3A_792 = arith.constant 32 : index
      %get3A_793 = tpu.vector_load %arg8[%get3A_791, %get3A_792] {strides = array<i32>} : memref<800x64xf32, #tpu.memory_space<vmem>>, vector<1x16xf32>,
      %get3A_794 = vector.shape_cast %get3A_793 : vector<1x16xf32> to vector<16xf32>
      %mul3A_795 = arith.constant 8.000000e+00 : f32
      %mul3A_796 = vector.broadcast %mul3A_795 : f32 to vector<16xf32>
      %mul3A_797 = arith.mulf %get3A_794, %mul3A_796 : vector<16xf32>
      %swap3A_798 = arith.index_cast %scan3A_768 : i32 to index
      %swap3A_799 = arith.constant 32 : index
      %swap3A_800 = tpu.vector_load %arg8[%swap3A_798, %swap3A_799] {strides = array<i32>} : memref<800x64xf32, #tpu.memory_space<vmem>>, vector<1x16xf32>,
      %swap3A_801 = vector.shape_cast %swap3A_800 : vector<1x16xf32> to vector<16xf32>
      %swap3A_802 = vector.shape_cast %mul3A_797 : vector<16xf32> to vector<1x16xf32>
      tpu.vector_store %arg8[%swap3A_798, %swap3A_799], %swap3A_802 {strides = array<i32>} : memref<800x64xf32, #tpu.memory_space<vmem>>, vector<1x16xf32>,
      %get3A_803 = arith.index_cast %scan3A_768 : i32 to index
      %get3A_804 = arith.constant 48 : index
      %get3A_805 = tpu.vector_load %arg8[%get3A_803, %get3A_804] {strides = array<i32>} : memref<800x64xf32, #tpu.memory_space<vmem>>, vector<1x16xf32>,
      %get3A_806 = vector.shape_cast %get3A_805 : vector<1x16xf32> to vector<16xf32>
      %mul3A_807 = arith.constant 8.000000e+00 : f32
      %mul3A_808 = vector.broadcast %mul3A_807 : f32 to vector<16xf32>
      %mul3A_809 = arith.mulf %get3A_806, %mul3A_808 : vector<16xf32>
      %swap3A_810 = arith.index_cast %scan3A_768 : i32 to index
      %swap3A_811 = arith.constant 48 : index
      %swap3A_812 = tpu.vector_load %arg8[%swap3A_810, %swap3A_811] {strides = array<i32>} : memref<800x64xf32, #tpu.memory_space<vmem>>, vector<1x16xf32>,
      %swap3A_813 = vector.shape_cast %swap3A_812 : vector<1x16xf32> to vector<16xf32>
      %swap3A_814 = vector.shape_cast %mul3A_809 : vector<16xf32> to vector<1x16xf32>
      tpu.vector_store %arg8[%swap3A_810, %swap3A_811], %swap3A_814 {strides = array<i32>} : memref<800x64xf32, #tpu.memory_space<vmem>>, vector<1x16xf32>,
    }
    %scan3A_138 = arith.constant 800 : i32
    %add3A_139 = arith.constant 4000 : i32
    %add3A_140 = arith.addi %mul3A_2, %add3A_139 : i32
    %dma_start3A_141 = arith.constant 0 : i32
    %dma_start3A_142 = tpu.memref_slice %arg4[%add3A_140, %dma_start3A_141] : memref<819200x64xf32, #tpu.memory_space<hbm>> -> memref<800x64xf32, #tpu.memory_space<hbm>>
    %dma_start3A_143 = arith.constant 0 : i32
    %dma_start3A_144 = tpu.memref_slice %arg4[%add3A_140, %dma_start3A_143] : memref<819200x64xf32, #tpu.memory_space<hbm>> -> memref<800x64xf32, #tpu.memory_space<hbm>>
    tpu.enqueue_dma source(%arg8 : memref<800x64xf32, #tpu.memory_space<vmem>>) target(%dma_start3A_144 : memref<800x64xf32, #tpu.memory_space<hbm>>) target_semaphore(%arg12 : memref<!tpu.dma_semaphore, #tpu.memory_space<semaphore_mem>>)
    %dma_wait3A_145 = arith.constant 0 : i32
    %dma_wait3A_146 = tpu.memref_slice %arg4[%add3A_140, %dma_wait3A_145] : memref<819200x64xf32, #tpu.memory_space<hbm>> -> memref<800x64xf32, #tpu.memory_space<hbm>>
    %dma_wait3A_147 = arith.constant 0 : i32
    %dma_wait3A_148 = tpu.memref_slice %arg4[%add3A_140, %dma_wait3A_147] : memref<819200x64xf32, #tpu.memory_space<hbm>> -> memref<800x64xf32, #tpu.memory_space<hbm>>
    tpu.wait_dma2 semaphore(%arg12 : memref<!tpu.dma_semaphore, #tpu.memory_space<semaphore_mem>>) src(%arg8 : memref<800x64xf32, #tpu.memory_space<vmem>>) dst(%dma_wait3A_148 : memref<800x64xf32, #tpu.memory_space<hbm>>)
    %add3A_149 = arith.constant 5600 : i32
    %add3A_150 = arith.addi %mul3A_2, %add3A_149 : i32
    "tpu.region"() ({
      %run_scoped3A = tpu.sem_alloc : memref<!tpu.dma_semaphore, #tpu.memory_space<semaphore_mem>>
      %dma_start3A_768 = tpu.memref_slice %arg2[%add3A_150] : memref<819200xi32, #tpu.memory_space<hbm>> -> memref<800xi32, #tpu.memory_space<hbm>>
      %dma_start3A_769 = tpu.memref_slice %arg2[%add3A_150] : memref<819200xi32, #tpu.memory_space<hbm>> -> memref<800xi32, #tpu.memory_space<hbm>>
      tpu.enqueue_dma source(%dma_start3A_769 : memref<800xi32, #tpu.memory_space<hbm>>) target(%arg6 : memref<800xi32, #tpu.memory_space<vmem>>) target_semaphore(%run_scoped3A : memref<!tpu.dma_semaphore, #tpu.memory_space<semaphore_mem>>)
      %dma_wait3A_770 = tpu.memref_slice %arg2[%add3A_150] : memref<819200xi32, #tpu.memory_space<hbm>> -> memref<800xi32, #tpu.memory_space<hbm>>
      %dma_wait3A_771 = tpu.memref_slice %arg2[%add3A_150] : memref<819200xi32, #tpu.memory_space<hbm>> -> memref<800xi32, #tpu.memory_space<hbm>>
      tpu.wait_dma2 semaphore(%run_scoped3A : memref<!tpu.dma_semaphore, #tpu.memory_space<semaphore_mem>>) src(%dma_wait3A_771 : memref<800xi32, #tpu.memory_space<hbm>>) dst(%arg6 : memref<800xi32, #tpu.memory_space<vmem>>)
      tpu.yield
    }) : () -> ()
    %dma_start3A_151 = arith.constant 0 : i32
    %dma_start3A_152 = arith.constant 0 : i32
    %dma_start3A_153 = tpu.memref_slice %arg3[%dma_start3A_151, %dma_start3A_152] : memref<1000000x64xf32, #tpu.memory_space<hbm>> -> memref<1000000x64xf32, #tpu.memory_space<hbm>>
    tpu.enqueue_indirect_dma source(%dma_start3A_153 : memref<1000000x64xf32, #tpu.memory_space<hbm>>) target(%arg8 : memref<800x64xf32, #tpu.memory_space<vmem>>) offsets(%arg6 : memref<800xi32, #tpu.memory_space<vmem>>) semaphore(%arg10 : memref<!tpu.dma_semaphore, #tpu.memory_space<semaphore_mem>>)
    %dma_wait3A_154 = arith.constant 0 : i32
    %dma_wait3A_155 = arith.constant 0 : i32
    %dma_wait3A_156 = tpu.memref_slice %arg3[%dma_wait3A_154, %dma_wait3A_155] : memref<1000000x64xf32, #tpu.memory_space<hbm>> -> memref<1000000x64xf32, #tpu.memory_space<hbm>>
    tpu.wait_indirect_dma semaphore(%arg9 : memref<!tpu.dma_semaphore, #tpu.memory_space<semaphore_mem>>) src(%dma_wait3A_156 : memref<1000000x64xf32, #tpu.memory_space<hbm>>) dst(%arg7 : memref<800x64xf32, #tpu.memory_space<vmem>>)
    %scan3A_157 = arith.constant 0 : i32
    %scan3A_158 = arith.constant 0 : i32
    %scan3A_159 = arith.constant 800 : i32
    %scan3A_160 = arith.addi %scan3A_158, %scan3A_159 : i32
    %scan3A_161 = arith.constant 1 : i32
    scf.for %scan3A_768 = %scan3A_158 to %scan3A_160 step %scan3A_161  : i32 {
      %get3A = arith.index_cast %scan3A_768 : i32 to index
      %get3A_769 = arith.constant 0 : index
      %get3A_770 = tpu.vector_load %arg7[%get3A, %get3A_769] {strides = array<i32>} : memref<800x64xf32, #tpu.memory_space<vmem>>, vector<1x16xf32>,
      %get3A_771 = vector.shape_cast %get3A_770 : vector<1x16xf32> to vector<16xf32>
      %mul3A_772 = arith.constant 8.000000e+00 : f32
      %mul3A_773 = vector.broadcast %mul3A_772 : f32 to vector<16xf32>
      %mul3A_774 = arith.mulf %get3A_771, %mul3A_773 : vector<16xf32>
      %swap3A = arith.index_cast %scan3A_768 : i32 to index
      %swap3A_775 = arith.constant 0 : index
      %swap3A_776 = tpu.vector_load %arg7[%swap3A, %swap3A_775] {strides = array<i32>} : memref<800x64xf32, #tpu.memory_space<vmem>>, vector<1x16xf32>,
      %swap3A_777 = vector.shape_cast %swap3A_776 : vector<1x16xf32> to vector<16xf32>
      %swap3A_778 = vector.shape_cast %mul3A_774 : vector<16xf32> to vector<1x16xf32>
      tpu.vector_store %arg7[%swap3A, %swap3A_775], %swap3A_778 {strides = array<i32>} : memref<800x64xf32, #tpu.memory_space<vmem>>, vector<1x16xf32>,
      %get3A_779 = arith.index_cast %scan3A_768 : i32 to index
      %get3A_780 = arith.constant 16 : index
      %get3A_781 = tpu.vector_load %arg7[%get3A_779, %get3A_780] {strides = array<i32>} : memref<800x64xf32, #tpu.memory_space<vmem>>, vector<1x16xf32>,
      %get3A_782 = vector.shape_cast %get3A_781 : vector<1x16xf32> to vector<16xf32>
      %mul3A_783 = arith.constant 8.000000e+00 : f32
      %mul3A_784 = vector.broadcast %mul3A_783 : f32 to vector<16xf32>
      %mul3A_785 = arith.mulf %get3A_782, %mul3A_784 : vector<16xf32>
      %swap3A_786 = arith.index_cast %scan3A_768 : i32 to index
      %swap3A_787 = arith.constant 16 : index
      %swap3A_788 = tpu.vector_load %arg7[%swap3A_786, %swap3A_787] {strides = array<i32>} : memref<800x64xf32, #tpu.memory_space<vmem>>, vector<1x16xf32>,
      %swap3A_789 = vector.shape_cast %swap3A_788 : vector<1x16xf32> to vector<16xf32>
      %swap3A_790 = vector.shape_cast %mul3A_785 : vector<16xf32> to vector<1x16xf32>
      tpu.vector_store %arg7[%swap3A_786, %swap3A_787], %swap3A_790 {strides = array<i32>} : memref<800x64xf32, #tpu.memory_space<vmem>>, vector<1x16xf32>,
      %get3A_791 = arith.index_cast %scan3A_768 : i32 to index
      %get3A_792 = arith.constant 32 : index
      %get3A_793 = tpu.vector_load %arg7[%get3A_791, %get3A_792] {strides = array<i32>} : memref<800x64xf32, #tpu.memory_space<vmem>>, vector<1x16xf32>,
      %get3A_794 = vector.shape_cast %get3A_793 : vector<1x16xf32> to vector<16xf32>
      %mul3A_795 = arith.constant 8.000000e+00 : f32
      %mul3A_796 = vector.broadcast %mul3A_795 : f32 to vector<16xf32>
      %mul3A_797 = arith.mulf %get3A_794, %mul3A_796 : vector<16xf32>
      %swap3A_798 = arith.index_cast %scan3A_768 : i32 to index
      %swap3A_799 = arith.constant 32 : index
      %swap3A_800 = tpu.vector_load %arg7[%swap3A_798, %swap3A_799] {strides = array<i32>} : memref<800x64xf32, #tpu.memory_space<vmem>>, vector<1x16xf32>,
      %swap3A_801 = vector.shape_cast %swap3A_800 : vector<1x16xf32> to vector<16xf32>
      %swap3A_802 = vector.shape_cast %mul3A_797 : vector<16xf32> to vector<1x16xf32>
      tpu.vector_store %arg7[%swap3A_798, %swap3A_799], %swap3A_802 {strides = array<i32>} : memref<800x64xf32, #tpu.memory_space<vmem>>, vector<1x16xf32>,
      %get3A_803 = arith.index_cast %scan3A_768 : i32 to index
      %get3A_804 = arith.constant 48 : index
      %get3A_805 = tpu.vector_load %arg7[%get3A_803, %get3A_804] {strides = array<i32>} : memref<800x64xf32, #tpu.memory_space<vmem>>, vector<1x16xf32>,
      %get3A_806 = vector.shape_cast %get3A_805 : vector<1x16xf32> to vector<16xf32>
      %mul3A_807 = arith.constant 8.000000e+00 : f32
      %mul3A_808 = vector.broadcast %mul3A_807 : f32 to vector<16xf32>
      %mul3A_809 = arith.mulf %get3A_806, %mul3A_808 : vector<16xf32>
      %swap3A_810 = arith.index_cast %scan3A_768 : i32 to index
      %swap3A_811 = arith.constant 48 : index
      %swap3A_812 = tpu.vector_load %arg7[%swap3A_810, %swap3A_811] {strides = array<i32>} : memref<800x64xf32, #tpu.memory_space<vmem>>, vector<1x16xf32>,
      %swap3A_813 = vector.shape_cast %swap3A_812 : vector<1x16xf32> to vector<16xf32>
      %swap3A_814 = vector.shape_cast %mul3A_809 : vector<16xf32> to vector<1x16xf32>
      tpu.vector_store %arg7[%swap3A_810, %swap3A_811], %swap3A_814 {strides = array<i32>} : memref<800x64xf32, #tpu.memory_space<vmem>>, vector<1x16xf32>,
    }
    %scan3A_162 = arith.constant 800 : i32
    %add3A_163 = arith.constant 4800 : i32
    %add3A_164 = arith.addi %mul3A_2, %add3A_163 : i32
    %dma_start3A_165 = arith.constant 0 : i32
    %dma_start3A_166 = tpu.memref_slice %arg4[%add3A_164, %dma_start3A_165] : memref<819200x64xf32, #tpu.memory_space<hbm>> -> memref<800x64xf32, #tpu.memory_space<hbm>>
    %dma_start3A_167 = arith.constant 0 : i32
    %dma_start3A_168 = tpu.memref_slice %arg4[%add3A_164, %dma_start3A_167] : memref<819200x64xf32, #tpu.memory_space<hbm>> -> memref<800x64xf32, #tpu.memory_space<hbm>>
    tpu.enqueue_dma source(%arg7 : memref<800x64xf32, #tpu.memory_space<vmem>>) target(%dma_start3A_168 : memref<800x64xf32, #tpu.memory_space<hbm>>) target_semaphore(%arg11 : memref<!tpu.dma_semaphore, #tpu.memory_space<semaphore_mem>>)
    %dma_wait3A_169 = arith.constant 0 : i32
    %dma_wait3A_170 = tpu.memref_slice %arg4[%add3A_164, %dma_wait3A_169] : memref<819200x64xf32, #tpu.memory_space<hbm>> -> memref<800x64xf32, #tpu.memory_space<hbm>>
    %dma_wait3A_171 = arith.constant 0 : i32
    %dma_wait3A_172 = tpu.memref_slice %arg4[%add3A_164, %dma_wait3A_171] : memref<819200x64xf32, #tpu.memory_space<hbm>> -> memref<800x64xf32, #tpu.memory_space<hbm>>
    tpu.wait_dma2 semaphore(%arg11 : memref<!tpu.dma_semaphore, #tpu.memory_space<semaphore_mem>>) src(%arg7 : memref<800x64xf32, #tpu.memory_space<vmem>>) dst(%dma_wait3A_172 : memref<800x64xf32, #tpu.memory_space<hbm>>)
    %add3A_173 = arith.constant 6400 : i32
    %add3A_174 = arith.addi %mul3A_2, %add3A_173 : i32
    "tpu.region"() ({
      %run_scoped3A = tpu.sem_alloc : memref<!tpu.dma_semaphore, #tpu.memory_space<semaphore_mem>>
      %dma_start3A_768 = tpu.memref_slice %arg2[%add3A_174] : memref<819200xi32, #tpu.memory_space<hbm>> -> memref<800xi32, #tpu.memory_space<hbm>>
      %dma_start3A_769 = tpu.memref_slice %arg2[%add3A_174] : memref<819200xi32, #tpu.memory_space<hbm>> -> memref<800xi32, #tpu.memory_space<hbm>>
      tpu.enqueue_dma source(%dma_start3A_769 : memref<800xi32, #tpu.memory_space<hbm>>) target(%arg5 : memref<800xi32, #tpu.memory_space<vmem>>) target_semaphore(%run_scoped3A : memref<!tpu.dma_semaphore, #tpu.memory_space<semaphore_mem>>)
      %dma_wait3A_770 = tpu.memref_slice %arg2[%add3A_174] : memref<819200xi32, #tpu.memory_space<hbm>> -> memref<800xi32, #tpu.memory_space<hbm>>
      %dma_wait3A_771 = tpu.memref_slice %arg2[%add3A_174] : memref<819200xi32, #tpu.memory_space<hbm>> -> memref<800xi32, #tpu.memory_space<hbm>>
      tpu.wait_dma2 semaphore(%run_scoped3A : memref<!tpu.dma_semaphore, #tpu.memory_space<semaphore_mem>>) src(%dma_wait3A_771 : memref<800xi32, #tpu.memory_space<hbm>>) dst(%arg5 : memref<800xi32, #tpu.memory_space<vmem>>)
      tpu.yield
    }) : () -> ()
    %dma_start3A_175 = arith.constant 0 : i32
    %dma_start3A_176 = arith.constant 0 : i32
    %dma_start3A_177 = tpu.memref_slice %arg3[%dma_start3A_175, %dma_start3A_176] : memref<1000000x64xf32, #tpu.memory_space<hbm>> -> memref<1000000x64xf32, #tpu.memory_space<hbm>>
    tpu.enqueue_indirect_dma source(%dma_start3A_177 : memref<1000000x64xf32, #tpu.memory_space<hbm>>) target(%arg7 : memref<800x64xf32, #tpu.memory_space<vmem>>) offsets(%arg5 : memref<800xi32, #tpu.memory_space<vmem>>) semaphore(%arg9 : memref<!tpu.dma_semaphore, #tpu.memory_space<semaphore_mem>>)
    %dma_wait3A_178 = arith.constant 0 : i32
    %dma_wait3A_179 = arith.constant 0 : i32
    %dma_wait3A_180 = tpu.memref_slice %arg3[%dma_wait3A_178, %dma_wait3A_179] : memref<1000000x64xf32, #tpu.memory_space<hbm>> -> memref<1000000x64xf32, #tpu.memory_space<hbm>>
    tpu.wait_indirect_dma semaphore(%arg10 : memref<!tpu.dma_semaphore, #tpu.memory_space<semaphore_mem>>) src(%dma_wait3A_180 : memref<1000000x64xf32, #tpu.memory_space<hbm>>) dst(%arg8 : memref<800x64xf32, #tpu.memory_space<vmem>>)
    %scan3A_181 = arith.constant 0 : i32
    %scan3A_182 = arith.constant 0 : i32
    %scan3A_183 = arith.constant 800 : i32
    %scan3A_184 = arith.addi %scan3A_182, %scan3A_183 : i32
    %scan3A_185 = arith.constant 1 : i32
    scf.for %scan3A_768 = %scan3A_182 to %scan3A_184 step %scan3A_185  : i32 {
      %get3A = arith.index_cast %scan3A_768 : i32 to index
      %get3A_769 = arith.constant 0 : index
      %get3A_770 = tpu.vector_load %arg8[%get3A, %get3A_769] {strides = array<i32>} : memref<800x64xf32, #tpu.memory_space<vmem>>, vector<1x16xf32>,
      %get3A_771 = vector.shape_cast %get3A_770 : vector<1x16xf32> to vector<16xf32>
      %mul3A_772 = arith.constant 8.000000e+00 : f32
      %mul3A_773 = vector.broadcast %mul3A_772 : f32 to vector<16xf32>
      %mul3A_774 = arith.mulf %get3A_771, %mul3A_773 : vector<16xf32>
      %swap3A = arith.index_cast %scan3A_768 : i32 to index
      %swap3A_775 = arith.constant 0 : index
      %swap3A_776 = tpu.vector_load %arg8[%swap3A, %swap3A_775] {strides = array<i32>} : memref<800x64xf32, #tpu.memory_space<vmem>>, vector<1x16xf32>,
      %swap3A_777 = vector.shape_cast %swap3A_776 : vector<1x16xf32> to vector<16xf32>
      %swap3A_778 = vector.shape_cast %mul3A_774 : vector<16xf32> to vector<1x16xf32>
      tpu.vector_store %arg8[%swap3A, %swap3A_775], %swap3A_778 {strides = array<i32>} : memref<800x64xf32, #tpu.memory_space<vmem>>, vector<1x16xf32>,
      %get3A_779 = arith.index_cast %scan3A_768 : i32 to index
      %get3A_780 = arith.constant 16 : index
      %get3A_781 = tpu.vector_load %arg8[%get3A_779, %get3A_780] {strides = array<i32>} : memref<800x64xf32, #tpu.memory_space<vmem>>, vector<1x16xf32>,
      %get3A_782 = vector.shape_cast %get3A_781 : vector<1x16xf32> to vector<16xf32>
      %mul3A_783 = arith.constant 8.000000e+00 : f32
      %mul3A_784 = vector.broadcast %mul3A_783 : f32 to vector<16xf32>
      %mul3A_785 = arith.mulf %get3A_782, %mul3A_784 : vector<16xf32>
      %swap3A_786 = arith.index_cast %scan3A_768 : i32 to index
      %swap3A_787 = arith.constant 16 : index
      %swap3A_788 = tpu.vector_load %arg8[%swap3A_786, %swap3A_787] {strides = array<i32>} : memref<800x64xf32, #tpu.memory_space<vmem>>, vector<1x16xf32>,
      %swap3A_789 = vector.shape_cast %swap3A_788 : vector<1x16xf32> to vector<16xf32>
      %swap3A_790 = vector.shape_cast %mul3A_785 : vector<16xf32> to vector<1x16xf32>
      tpu.vector_store %arg8[%swap3A_786, %swap3A_787], %swap3A_790 {strides = array<i32>} : memref<800x64xf32, #tpu.memory_space<vmem>>, vector<1x16xf32>,
      %get3A_791 = arith.index_cast %scan3A_768 : i32 to index
      %get3A_792 = arith.constant 32 : index
      %get3A_793 = tpu.vector_load %arg8[%get3A_791, %get3A_792] {strides = array<i32>} : memref<800x64xf32, #tpu.memory_space<vmem>>, vector<1x16xf32>,
      %get3A_794 = vector.shape_cast %get3A_793 : vector<1x16xf32> to vector<16xf32>
      %mul3A_795 = arith.constant 8.000000e+00 : f32
      %mul3A_796 = vector.broadcast %mul3A_795 : f32 to vector<16xf32>
      %mul3A_797 = arith.mulf %get3A_794, %mul3A_796 : vector<16xf32>
      %swap3A_798 = arith.index_cast %scan3A_768 : i32 to index
      %swap3A_799 = arith.constant 32 : index
      %swap3A_800 = tpu.vector_load %arg8[%swap3A_798, %swap3A_799] {strides = array<i32>} : memref<800x64xf32, #tpu.memory_space<vmem>>, vector<1x16xf32>,
      %swap3A_801 = vector.shape_cast %swap3A_800 : vector<1x16xf32> to vector<16xf32>
      %swap3A_802 = vector.shape_cast %mul3A_797 : vector<16xf32> to vector<1x16xf32>
      tpu.vector_store %arg8[%swap3A_798, %swap3A_799], %swap3A_802 {strides = array<i32>} : memref<800x64xf32, #tpu.memory_space<vmem>>, vector<1x16xf32>,
      %get3A_803 = arith.index_cast %scan3A_768 : i32 to index
      %get3A_804 = arith.constant 48 : index
      %get3A_805 = tpu.vector_load %arg8[%get3A_803, %get3A_804] {strides = array<i32>} : memref<800x64xf32, #tpu.memory_space<vmem>>, vector<1x16xf32>,
      %get3A_806 = vector.shape_cast %get3A_805 : vector<1x16xf32> to vector<16xf32>
      %mul3A_807 = arith.constant 8.000000e+00 : f32
      %mul3A_808 = vector.broadcast %mul3A_807 : f32 to vector<16xf32>
      %mul3A_809 = arith.mulf %get3A_806, %mul3A_808 : vector<16xf32>
      %swap3A_810 = arith.index_cast %scan3A_768 : i32 to index
      %swap3A_811 = arith.constant 48 : index
      %swap3A_812 = tpu.vector_load %arg8[%swap3A_810, %swap3A_811] {strides = array<i32>} : memref<800x64xf32, #tpu.memory_space<vmem>>, vector<1x16xf32>,
      %swap3A_813 = vector.shape_cast %swap3A_812 : vector<1x16xf32> to vector<16xf32>
      %swap3A_814 = vector.shape_cast %mul3A_809 : vector<16xf32> to vector<1x16xf32>
      tpu.vector_store %arg8[%swap3A_810, %swap3A_811], %swap3A_814 {strides = array<i32>} : memref<800x64xf32, #tpu.memory_space<vmem>>, vector<1x16xf32>,
    }
    %scan3A_186 = arith.constant 800 : i32
    %add3A_187 = arith.constant 5600 : i32
    %add3A_188 = arith.addi %mul3A_2, %add3A_187 : i32
    %dma_start3A_189 = arith.constant 0 : i32
    %dma_start3A_190 = tpu.memref_slice %arg4[%add3A_188, %dma_start3A_189] : memref<819200x64xf32, #tpu.memory_space<hbm>> -> memref<800x64xf32, #tpu.memory_space<hbm>>
    %dma_start3A_191 = arith.constant 0 : i32
    %dma_start3A_192 = tpu.memref_slice %arg4[%add3A_188, %dma_start3A_191] : memref<819200x64xf32, #tpu.memory_space<hbm>> -> memref<800x64xf32, #tpu.memory_space<hbm>>
    tpu.enqueue_dma source(%arg8 : memref<800x64xf32, #tpu.memory_space<vmem>>) target(%dma_start3A_192 : memref<800x64xf32, #tpu.memory_space<hbm>>) target_semaphore(%arg12 : memref<!tpu.dma_semaphore, #tpu.memory_space<semaphore_mem>>)
    %dma_wait3A_193 = arith.constant 0 : i32
    %dma_wait3A_194 = tpu.memref_slice %arg4[%add3A_188, %dma_wait3A_193] : memref<819200x64xf32, #tpu.memory_space<hbm>> -> memref<800x64xf32, #tpu.memory_space<hbm>>
    %dma_wait3A_195 = arith.constant 0 : i32
    %dma_wait3A_196 = tpu.memref_slice %arg4[%add3A_188, %dma_wait3A_195] : memref<819200x64xf32, #tpu.memory_space<hbm>> -> memref<800x64xf32, #tpu.memory_space<hbm>>
    tpu.wait_dma2 semaphore(%arg12 : memref<!tpu.dma_semaphore, #tpu.memory_space<semaphore_mem>>) src(%arg8 : memref<800x64xf32, #tpu.memory_space<vmem>>) dst(%dma_wait3A_196 : memref<800x64xf32, #tpu.memory_space<hbm>>)
    %add3A_197 = arith.constant 7200 : i32
    %add3A_198 = arith.addi %mul3A_2, %add3A_197 : i32
    "tpu.region"() ({
      %run_scoped3A = tpu.sem_alloc : memref<!tpu.dma_semaphore, #tpu.memory_space<semaphore_mem>>
      %dma_start3A_768 = tpu.memref_slice %arg2[%add3A_198] : memref<819200xi32, #tpu.memory_space<hbm>> -> memref<800xi32, #tpu.memory_space<hbm>>
      %dma_start3A_769 = tpu.memref_slice %arg2[%add3A_198] : memref<819200xi32, #tpu.memory_space<hbm>> -> memref<800xi32, #tpu.memory_space<hbm>>
      tpu.enqueue_dma source(%dma_start3A_769 : memref<800xi32, #tpu.memory_space<hbm>>) target(%arg6 : memref<800xi32, #tpu.memory_space<vmem>>) target_semaphore(%run_scoped3A : memref<!tpu.dma_semaphore, #tpu.memory_space<semaphore_mem>>)
      %dma_wait3A_770 = tpu.memref_slice %arg2[%add3A_198] : memref<819200xi32, #tpu.memory_space<hbm>> -> memref<800xi32, #tpu.memory_space<hbm>>
      %dma_wait3A_771 = tpu.memref_slice %arg2[%add3A_198] : memref<819200xi32, #tpu.memory_space<hbm>> -> memref<800xi32, #tpu.memory_space<hbm>>
      tpu.wait_dma2 semaphore(%run_scoped3A : memref<!tpu.dma_semaphore, #tpu.memory_space<semaphore_mem>>) src(%dma_wait3A_771 : memref<800xi32, #tpu.memory_space<hbm>>) dst(%arg6 : memref<800xi32, #tpu.memory_space<vmem>>)
      tpu.yield
    }) : () -> ()
    %dma_start3A_199 = arith.constant 0 : i32
    %dma_start3A_200 = arith.constant 0 : i32
    %dma_start3A_201 = tpu.memref_slice %arg3[%dma_start3A_199, %dma_start3A_200] : memref<1000000x64xf32, #tpu.memory_space<hbm>> -> memref<1000000x64xf32, #tpu.memory_space<hbm>>
    tpu.enqueue_indirect_dma source(%dma_start3A_201 : memref<1000000x64xf32, #tpu.memory_space<hbm>>) target(%arg8 : memref<800x64xf32, #tpu.memory_space<vmem>>) offsets(%arg6 : memref<800xi32, #tpu.memory_space<vmem>>) semaphore(%arg10 : memref<!tpu.dma_semaphore, #tpu.memory_space<semaphore_mem>>)
    %dma_wait3A_202 = arith.constant 0 : i32
    %dma_wait3A_203 = arith.constant 0 : i32
    %dma_wait3A_204 = tpu.memref_slice %arg3[%dma_wait3A_202, %dma_wait3A_203] : memref<1000000x64xf32, #tpu.memory_space<hbm>> -> memref<1000000x64xf32, #tpu.memory_space<hbm>>
    tpu.wait_indirect_dma semaphore(%arg9 : memref<!tpu.dma_semaphore, #tpu.memory_space<semaphore_mem>>) src(%dma_wait3A_204 : memref<1000000x64xf32, #tpu.memory_space<hbm>>) dst(%arg7 : memref<800x64xf32, #tpu.memory_space<vmem>>)
    %scan3A_205 = arith.constant 0 : i32
    %scan3A_206 = arith.constant 0 : i32
    %scan3A_207 = arith.constant 800 : i32
    %scan3A_208 = arith.addi %scan3A_206, %scan3A_207 : i32
    %scan3A_209 = arith.constant 1 : i32
    scf.for %scan3A_768 = %scan3A_206 to %scan3A_208 step %scan3A_209  : i32 {
      %get3A = arith.index_cast %scan3A_768 : i32 to index
      %get3A_769 = arith.constant 0 : index
      %get3A_770 = tpu.vector_load %arg7[%get3A, %get3A_769] {strides = array<i32>} : memref<800x64xf32, #tpu.memory_space<vmem>>, vector<1x16xf32>,
      %get3A_771 = vector.shape_cast %get3A_770 : vector<1x16xf32> to vector<16xf32>
      %mul3A_772 = arith.constant 8.000000e+00 : f32
      %mul3A_773 = vector.broadcast %mul3A_772 : f32 to vector<16xf32>
      %mul3A_774 = arith.mulf %get3A_771, %mul3A_773 : vector<16xf32>
      %swap3A = arith.index_cast %scan3A_768 : i32 to index
      %swap3A_775 = arith.constant 0 : index
      %swap3A_776 = tpu.vector_load %arg7[%swap3A, %swap3A_775] {strides = array<i32>} : memref<800x64xf32, #tpu.memory_space<vmem>>, vector<1x16xf32>,
      %swap3A_777 = vector.shape_cast %swap3A_776 : vector<1x16xf32> to vector<16xf32>
      %swap3A_778 = vector.shape_cast %mul3A_774 : vector<16xf32> to vector<1x16xf32>
      tpu.vector_store %arg7[%swap3A, %swap3A_775], %swap3A_778 {strides = array<i32>} : memref<800x64xf32, #tpu.memory_space<vmem>>, vector<1x16xf32>,
      %get3A_779 = arith.index_cast %scan3A_768 : i32 to index
      %get3A_780 = arith.constant 16 : index
      %get3A_781 = tpu.vector_load %arg7[%get3A_779, %get3A_780] {strides = array<i32>} : memref<800x64xf32, #tpu.memory_space<vmem>>, vector<1x16xf32>,
      %get3A_782 = vector.shape_cast %get3A_781 : vector<1x16xf32> to vector<16xf32>
      %mul3A_783 = arith.constant 8.000000e+00 : f32
      %mul3A_784 = vector.broadcast %mul3A_783 : f32 to vector<16xf32>
      %mul3A_785 = arith.mulf %get3A_782, %mul3A_784 : vector<16xf32>
      %swap3A_786 = arith.index_cast %scan3A_768 : i32 to index
      %swap3A_787 = arith.constant 16 : index
      %swap3A_788 = tpu.vector_load %arg7[%swap3A_786, %swap3A_787] {strides = array<i32>} : memref<800x64xf32, #tpu.memory_space<vmem>>, vector<1x16xf32>,
      %swap3A_789 = vector.shape_cast %swap3A_788 : vector<1x16xf32> to vector<16xf32>
      %swap3A_790 = vector.shape_cast %mul3A_785 : vector<16xf32> to vector<1x16xf32>
      tpu.vector_store %arg7[%swap3A_786, %swap3A_787], %swap3A_790 {strides = array<i32>} : memref<800x64xf32, #tpu.memory_space<vmem>>, vector<1x16xf32>,
      %get3A_791 = arith.index_cast %scan3A_768 : i32 to index
      %get3A_792 = arith.constant 32 : index
      %get3A_793 = tpu.vector_load %arg7[%get3A_791, %get3A_792] {strides = array<i32>} : memref<800x64xf32, #tpu.memory_space<vmem>>, vector<1x16xf32>,
      %get3A_794 = vector.shape_cast %get3A_793 : vector<1x16xf32> to vector<16xf32>
      %mul3A_795 = arith.constant 8.000000e+00 : f32
      %mul3A_796 = vector.broadcast %mul3A_795 : f32 to vector<16xf32>
      %mul3A_797 = arith.mulf %get3A_794, %mul3A_796 : vector<16xf32>
      %swap3A_798 = arith.index_cast %scan3A_768 : i32 to index
      %swap3A_799 = arith.constant 32 : index
      %swap3A_800 = tpu.vector_load %arg7[%swap3A_798, %swap3A_799] {strides = array<i32>} : memref<800x64xf32, #tpu.memory_space<vmem>>, vector<1x16xf32>,
      %swap3A_801 = vector.shape_cast %swap3A_800 : vector<1x16xf32> to vector<16xf32>
      %swap3A_802 = vector.shape_cast %mul3A_797 : vector<16xf32> to vector<1x16xf32>
      tpu.vector_store %arg7[%swap3A_798, %swap3A_799], %swap3A_802 {strides = array<i32>} : memref<800x64xf32, #tpu.memory_space<vmem>>, vector<1x16xf32>,
      %get3A_803 = arith.index_cast %scan3A_768 : i32 to index
      %get3A_804 = arith.constant 48 : index
      %get3A_805 = tpu.vector_load %arg7[%get3A_803, %get3A_804] {strides = array<i32>} : memref<800x64xf32, #tpu.memory_space<vmem>>, vector<1x16xf32>,
      %get3A_806 = vector.shape_cast %get3A_805 : vector<1x16xf32> to vector<16xf32>
      %mul3A_807 = arith.constant 8.000000e+00 : f32
      %mul3A_808 = vector.broadcast %mul3A_807 : f32 to vector<16xf32>
      %mul3A_809 = arith.mulf %get3A_806, %mul3A_808 : vector<16xf32>
      %swap3A_810 = arith.index_cast %scan3A_768 : i32 to index
      %swap3A_811 = arith.constant 48 : index
      %swap3A_812 = tpu.vector_load %arg7[%swap3A_810, %swap3A_811] {strides = array<i32>} : memref<800x64xf32, #tpu.memory_space<vmem>>, vector<1x16xf32>,
      %swap3A_813 = vector.shape_cast %swap3A_812 : vector<1x16xf32> to vector<16xf32>
      %swap3A_814 = vector.shape_cast %mul3A_809 : vector<16xf32> to vector<1x16xf32>
      tpu.vector_store %arg7[%swap3A_810, %swap3A_811], %swap3A_814 {strides = array<i32>} : memref<800x64xf32, #tpu.memory_space<vmem>>, vector<1x16xf32>,
    }
    %scan3A_210 = arith.constant 800 : i32
    %add3A_211 = arith.constant 6400 : i32
    %add3A_212 = arith.addi %mul3A_2, %add3A_211 : i32
    %dma_start3A_213 = arith.constant 0 : i32
    %dma_start3A_214 = tpu.memref_slice %arg4[%add3A_212, %dma_start3A_213] : memref<819200x64xf32, #tpu.memory_space<hbm>> -> memref<800x64xf32, #tpu.memory_space<hbm>>
    %dma_start3A_215 = arith.constant 0 : i32
    %dma_start3A_216 = tpu.memref_slice %arg4[%add3A_212, %dma_start3A_215] : memref<819200x64xf32, #tpu.memory_space<hbm>> -> memref<800x64xf32, #tpu.memory_space<hbm>>
    tpu.enqueue_dma source(%arg7 : memref<800x64xf32, #tpu.memory_space<vmem>>) target(%dma_start3A_216 : memref<800x64xf32, #tpu.memory_space<hbm>>) target_semaphore(%arg11 : memref<!tpu.dma_semaphore, #tpu.memory_space<semaphore_mem>>)
    %dma_wait3A_217 = arith.constant 0 : i32
    %dma_wait3A_218 = tpu.memref_slice %arg4[%add3A_212, %dma_wait3A_217] : memref<819200x64xf32, #tpu.memory_space<hbm>> -> memref<800x64xf32, #tpu.memory_space<hbm>>
    %dma_wait3A_219 = arith.constant 0 : i32
    %dma_wait3A_220 = tpu.memref_slice %arg4[%add3A_212, %dma_wait3A_219] : memref<819200x64xf32, #tpu.memory_space<hbm>> -> memref<800x64xf32, #tpu.memory_space<hbm>>
    tpu.wait_dma2 semaphore(%arg11 : memref<!tpu.dma_semaphore, #tpu.memory_space<semaphore_mem>>) src(%arg7 : memref<800x64xf32, #tpu.memory_space<vmem>>) dst(%dma_wait3A_220 : memref<800x64xf32, #tpu.memory_space<hbm>>)
    %add3A_221 = arith.constant 8000 : i32
    %add3A_222 = arith.addi %mul3A_2, %add3A_221 : i32
    "tpu.region"() ({
      %run_scoped3A = tpu.sem_alloc : memref<!tpu.dma_semaphore, #tpu.memory_space<semaphore_mem>>
      %dma_start3A_768 = tpu.memref_slice %arg2[%add3A_222] : memref<819200xi32, #tpu.memory_space<hbm>> -> memref<800xi32, #tpu.memory_space<hbm>>
      %dma_start3A_769 = tpu.memref_slice %arg2[%add3A_222] : memref<819200xi32, #tpu.memory_space<hbm>> -> memref<800xi32, #tpu.memory_space<hbm>>
      tpu.enqueue_dma source(%dma_start3A_769 : memref<800xi32, #tpu.memory_space<hbm>>) target(%arg5 : memref<800xi32, #tpu.memory_space<vmem>>) target_semaphore(%run_scoped3A : memref<!tpu.dma_semaphore, #tpu.memory_space<semaphore_mem>>)
      %dma_wait3A_770 = tpu.memref_slice %arg2[%add3A_222] : memref<819200xi32, #tpu.memory_space<hbm>> -> memref<800xi32, #tpu.memory_space<hbm>>
      %dma_wait3A_771 = tpu.memref_slice %arg2[%add3A_222] : memref<819200xi32, #tpu.memory_space<hbm>> -> memref<800xi32, #tpu.memory_space<hbm>>
      tpu.wait_dma2 semaphore(%run_scoped3A : memref<!tpu.dma_semaphore, #tpu.memory_space<semaphore_mem>>) src(%dma_wait3A_771 : memref<800xi32, #tpu.memory_space<hbm>>) dst(%arg5 : memref<800xi32, #tpu.memory_space<vmem>>)
      tpu.yield
    }) : () -> ()
    %dma_start3A_223 = arith.constant 0 : i32
    %dma_start3A_224 = arith.constant 0 : i32
    %dma_start3A_225 = tpu.memref_slice %arg3[%dma_start3A_223, %dma_start3A_224] : memref<1000000x64xf32, #tpu.memory_space<hbm>> -> memref<1000000x64xf32, #tpu.memory_space<hbm>>
    tpu.enqueue_indirect_dma source(%dma_start3A_225 : memref<1000000x64xf32, #tpu.memory_space<hbm>>) target(%arg7 : memref<800x64xf32, #tpu.memory_space<vmem>>) offsets(%arg5 : memref<800xi32, #tpu.memory_space<vmem>>) semaphore(%arg9 : memref<!tpu.dma_semaphore, #tpu.memory_space<semaphore_mem>>)
    %dma_wait3A_226 = arith.constant 0 : i32
    %dma_wait3A_227 = arith.constant 0 : i32
    %dma_wait3A_228 = tpu.memref_slice %arg3[%dma_wait3A_226, %dma_wait3A_227] : memref<1000000x64xf32, #tpu.memory_space<hbm>> -> memref<1000000x64xf32, #tpu.memory_space<hbm>>
    tpu.wait_indirect_dma semaphore(%arg10 : memref<!tpu.dma_semaphore, #tpu.memory_space<semaphore_mem>>) src(%dma_wait3A_228 : memref<1000000x64xf32, #tpu.memory_space<hbm>>) dst(%arg8 : memref<800x64xf32, #tpu.memory_space<vmem>>)
    %scan3A_229 = arith.constant 0 : i32
    %scan3A_230 = arith.constant 0 : i32
    %scan3A_231 = arith.constant 800 : i32
    %scan3A_232 = arith.addi %scan3A_230, %scan3A_231 : i32
    %scan3A_233 = arith.constant 1 : i32
    scf.for %scan3A_768 = %scan3A_230 to %scan3A_232 step %scan3A_233  : i32 {
      %get3A = arith.index_cast %scan3A_768 : i32 to index
      %get3A_769 = arith.constant 0 : index
      %get3A_770 = tpu.vector_load %arg8[%get3A, %get3A_769] {strides = array<i32>} : memref<800x64xf32, #tpu.memory_space<vmem>>, vector<1x16xf32>,
      %get3A_771 = vector.shape_cast %get3A_770 : vector<1x16xf32> to vector<16xf32>
      %mul3A_772 = arith.constant 8.000000e+00 : f32
      %mul3A_773 = vector.broadcast %mul3A_772 : f32 to vector<16xf32>
      %mul3A_774 = arith.mulf %get3A_771, %mul3A_773 : vector<16xf32>
      %swap3A = arith.index_cast %scan3A_768 : i32 to index
      %swap3A_775 = arith.constant 0 : index
      %swap3A_776 = tpu.vector_load %arg8[%swap3A, %swap3A_775] {strides = array<i32>} : memref<800x64xf32, #tpu.memory_space<vmem>>, vector<1x16xf32>,
      %swap3A_777 = vector.shape_cast %swap3A_776 : vector<1x16xf32> to vector<16xf32>
      %swap3A_778 = vector.shape_cast %mul3A_774 : vector<16xf32> to vector<1x16xf32>
      tpu.vector_store %arg8[%swap3A, %swap3A_775], %swap3A_778 {strides = array<i32>} : memref<800x64xf32, #tpu.memory_space<vmem>>, vector<1x16xf32>,
      %get3A_779 = arith.index_cast %scan3A_768 : i32 to index
      %get3A_780 = arith.constant 16 : index
      %get3A_781 = tpu.vector_load %arg8[%get3A_779, %get3A_780] {strides = array<i32>} : memref<800x64xf32, #tpu.memory_space<vmem>>, vector<1x16xf32>,
      %get3A_782 = vector.shape_cast %get3A_781 : vector<1x16xf32> to vector<16xf32>
      %mul3A_783 = arith.constant 8.000000e+00 : f32
      %mul3A_784 = vector.broadcast %mul3A_783 : f32 to vector<16xf32>
      %mul3A_785 = arith.mulf %get3A_782, %mul3A_784 : vector<16xf32>
      %swap3A_786 = arith.index_cast %scan3A_768 : i32 to index
      %swap3A_787 = arith.constant 16 : index
      %swap3A_788 = tpu.vector_load %arg8[%swap3A_786, %swap3A_787] {strides = array<i32>} : memref<800x64xf32, #tpu.memory_space<vmem>>, vector<1x16xf32>,
      %swap3A_789 = vector.shape_cast %swap3A_788 : vector<1x16xf32> to vector<16xf32>
      %swap3A_790 = vector.shape_cast %mul3A_785 : vector<16xf32> to vector<1x16xf32>
      tpu.vector_store %arg8[%swap3A_786, %swap3A_787], %swap3A_790 {strides = array<i32>} : memref<800x64xf32, #tpu.memory_space<vmem>>, vector<1x16xf32>,
      %get3A_791 = arith.index_cast %scan3A_768 : i32 to index
      %get3A_792 = arith.constant 32 : index
      %get3A_793 = tpu.vector_load %arg8[%get3A_791, %get3A_792] {strides = array<i32>} : memref<800x64xf32, #tpu.memory_space<vmem>>, vector<1x16xf32>,
      %get3A_794 = vector.shape_cast %get3A_793 : vector<1x16xf32> to vector<16xf32>
      %mul3A_795 = arith.constant 8.000000e+00 : f32
      %mul3A_796 = vector.broadcast %mul3A_795 : f32 to vector<16xf32>
      %mul3A_797 = arith.mulf %get3A_794, %mul3A_796 : vector<16xf32>
      %swap3A_798 = arith.index_cast %scan3A_768 : i32 to index
      %swap3A_799 = arith.constant 32 : index
      %swap3A_800 = tpu.vector_load %arg8[%swap3A_798, %swap3A_799] {strides = array<i32>} : memref<800x64xf32, #tpu.memory_space<vmem>>, vector<1x16xf32>,
      %swap3A_801 = vector.shape_cast %swap3A_800 : vector<1x16xf32> to vector<16xf32>
      %swap3A_802 = vector.shape_cast %mul3A_797 : vector<16xf32> to vector<1x16xf32>
      tpu.vector_store %arg8[%swap3A_798, %swap3A_799], %swap3A_802 {strides = array<i32>} : memref<800x64xf32, #tpu.memory_space<vmem>>, vector<1x16xf32>,
      %get3A_803 = arith.index_cast %scan3A_768 : i32 to index
      %get3A_804 = arith.constant 48 : index
      %get3A_805 = tpu.vector_load %arg8[%get3A_803, %get3A_804] {strides = array<i32>} : memref<800x64xf32, #tpu.memory_space<vmem>>, vector<1x16xf32>,
      %get3A_806 = vector.shape_cast %get3A_805 : vector<1x16xf32> to vector<16xf32>
      %mul3A_807 = arith.constant 8.000000e+00 : f32
      %mul3A_808 = vector.broadcast %mul3A_807 : f32 to vector<16xf32>
      %mul3A_809 = arith.mulf %get3A_806, %mul3A_808 : vector<16xf32>
      %swap3A_810 = arith.index_cast %scan3A_768 : i32 to index
      %swap3A_811 = arith.constant 48 : index
      %swap3A_812 = tpu.vector_load %arg8[%swap3A_810, %swap3A_811] {strides = array<i32>} : memref<800x64xf32, #tpu.memory_space<vmem>>, vector<1x16xf32>,
      %swap3A_813 = vector.shape_cast %swap3A_812 : vector<1x16xf32> to vector<16xf32>
      %swap3A_814 = vector.shape_cast %mul3A_809 : vector<16xf32> to vector<1x16xf32>
      tpu.vector_store %arg8[%swap3A_810, %swap3A_811], %swap3A_814 {strides = array<i32>} : memref<800x64xf32, #tpu.memory_space<vmem>>, vector<1x16xf32>,
    }
    %scan3A_234 = arith.constant 800 : i32
    %add3A_235 = arith.constant 7200 : i32
    %add3A_236 = arith.addi %mul3A_2, %add3A_235 : i32
    %dma_start3A_237 = arith.constant 0 : i32
    %dma_start3A_238 = tpu.memref_slice %arg4[%add3A_236, %dma_start3A_237] : memref<819200x64xf32, #tpu.memory_space<hbm>> -> memref<800x64xf32, #tpu.memory_space<hbm>>
    %dma_start3A_239 = arith.constant 0 : i32
    %dma_start3A_240 = tpu.memref_slice %arg4[%add3A_236, %dma_start3A_239] : memref<819200x64xf32, #tpu.memory_space<hbm>> -> memref<800x64xf32, #tpu.memory_space<hbm>>
    tpu.enqueue_dma source(%arg8 : memref<800x64xf32, #tpu.memory_space<vmem>>) target(%dma_start3A_240 : memref<800x64xf32, #tpu.memory_space<hbm>>) target_semaphore(%arg12 : memref<!tpu.dma_semaphore, #tpu.memory_space<semaphore_mem>>)
    %dma_wait3A_241 = arith.constant 0 : i32
    %dma_wait3A_242 = tpu.memref_slice %arg4[%add3A_236, %dma_wait3A_241] : memref<819200x64xf32, #tpu.memory_space<hbm>> -> memref<800x64xf32, #tpu.memory_space<hbm>>
    %dma_wait3A_243 = arith.constant 0 : i32
    %dma_wait3A_244 = tpu.memref_slice %arg4[%add3A_236, %dma_wait3A_243] : memref<819200x64xf32, #tpu.memory_space<hbm>> -> memref<800x64xf32, #tpu.memory_space<hbm>>
    tpu.wait_dma2 semaphore(%arg12 : memref<!tpu.dma_semaphore, #tpu.memory_space<semaphore_mem>>) src(%arg8 : memref<800x64xf32, #tpu.memory_space<vmem>>) dst(%dma_wait3A_244 : memref<800x64xf32, #tpu.memory_space<hbm>>)
    %add3A_245 = arith.constant 8800 : i32
    %add3A_246 = arith.addi %mul3A_2, %add3A_245 : i32
    "tpu.region"() ({
      %run_scoped3A = tpu.sem_alloc : memref<!tpu.dma_semaphore, #tpu.memory_space<semaphore_mem>>
      %dma_start3A_768 = tpu.memref_slice %arg2[%add3A_246] : memref<819200xi32, #tpu.memory_space<hbm>> -> memref<800xi32, #tpu.memory_space<hbm>>
      %dma_start3A_769 = tpu.memref_slice %arg2[%add3A_246] : memref<819200xi32, #tpu.memory_space<hbm>> -> memref<800xi32, #tpu.memory_space<hbm>>
      tpu.enqueue_dma source(%dma_start3A_769 : memref<800xi32, #tpu.memory_space<hbm>>) target(%arg6 : memref<800xi32, #tpu.memory_space<vmem>>) target_semaphore(%run_scoped3A : memref<!tpu.dma_semaphore, #tpu.memory_space<semaphore_mem>>)
      %dma_wait3A_770 = tpu.memref_slice %arg2[%add3A_246] : memref<819200xi32, #tpu.memory_space<hbm>> -> memref<800xi32, #tpu.memory_space<hbm>>
      %dma_wait3A_771 = tpu.memref_slice %arg2[%add3A_246] : memref<819200xi32, #tpu.memory_space<hbm>> -> memref<800xi32, #tpu.memory_space<hbm>>
      tpu.wait_dma2 semaphore(%run_scoped3A : memref<!tpu.dma_semaphore, #tpu.memory_space<semaphore_mem>>) src(%dma_wait3A_771 : memref<800xi32, #tpu.memory_space<hbm>>) dst(%arg6 : memref<800xi32, #tpu.memory_space<vmem>>)
      tpu.yield
    }) : () -> ()
    %dma_start3A_247 = arith.constant 0 : i32
    %dma_start3A_248 = arith.constant 0 : i32
    %dma_start3A_249 = tpu.memref_slice %arg3[%dma_start3A_247, %dma_start3A_248] : memref<1000000x64xf32, #tpu.memory_space<hbm>> -> memref<1000000x64xf32, #tpu.memory_space<hbm>>
    tpu.enqueue_indirect_dma source(%dma_start3A_249 : memref<1000000x64xf32, #tpu.memory_space<hbm>>) target(%arg8 : memref<800x64xf32, #tpu.memory_space<vmem>>) offsets(%arg6 : memref<800xi32, #tpu.memory_space<vmem>>) semaphore(%arg10 : memref<!tpu.dma_semaphore, #tpu.memory_space<semaphore_mem>>)
    %dma_wait3A_250 = arith.constant 0 : i32
    %dma_wait3A_251 = arith.constant 0 : i32
    %dma_wait3A_252 = tpu.memref_slice %arg3[%dma_wait3A_250, %dma_wait3A_251] : memref<1000000x64xf32, #tpu.memory_space<hbm>> -> memref<1000000x64xf32, #tpu.memory_space<hbm>>
    tpu.wait_indirect_dma semaphore(%arg9 : memref<!tpu.dma_semaphore, #tpu.memory_space<semaphore_mem>>) src(%dma_wait3A_252 : memref<1000000x64xf32, #tpu.memory_space<hbm>>) dst(%arg7 : memref<800x64xf32, #tpu.memory_space<vmem>>)
    %scan3A_253 = arith.constant 0 : i32
    %scan3A_254 = arith.constant 0 : i32
    %scan3A_255 = arith.constant 800 : i32
    %scan3A_256 = arith.addi %scan3A_254, %scan3A_255 : i32
    %scan3A_257 = arith.constant 1 : i32
    scf.for %scan3A_768 = %scan3A_254 to %scan3A_256 step %scan3A_257  : i32 {
      %get3A = arith.index_cast %scan3A_768 : i32 to index
      %get3A_769 = arith.constant 0 : index
      %get3A_770 = tpu.vector_load %arg7[%get3A, %get3A_769] {strides = array<i32>} : memref<800x64xf32, #tpu.memory_space<vmem>>, vector<1x16xf32>,
      %get3A_771 = vector.shape_cast %get3A_770 : vector<1x16xf32> to vector<16xf32>
      %mul3A_772 = arith.constant 8.000000e+00 : f32
      %mul3A_773 = vector.broadcast %mul3A_772 : f32 to vector<16xf32>
      %mul3A_774 = arith.mulf %get3A_771, %mul3A_773 : vector<16xf32>
      %swap3A = arith.index_cast %scan3A_768 : i32 to index
      %swap3A_775 = arith.constant 0 : index
      %swap3A_776 = tpu.vector_load %arg7[%swap3A, %swap3A_775] {strides = array<i32>} : memref<800x64xf32, #tpu.memory_space<vmem>>, vector<1x16xf32>,
      %swap3A_777 = vector.shape_cast %swap3A_776 : vector<1x16xf32> to vector<16xf32>
      %swap3A_778 = vector.shape_cast %mul3A_774 : vector<16xf32> to vector<1x16xf32>
      tpu.vector_store %arg7[%swap3A, %swap3A_775], %swap3A_778 {strides = array<i32>} : memref<800x64xf32, #tpu.memory_space<vmem>>, vector<1x16xf32>,
      %get3A_779 = arith.index_cast %scan3A_768 : i32 to index
      %get3A_780 = arith.constant 16 : index
      %get3A_781 = tpu.vector_load %arg7[%get3A_779, %get3A_780] {strides = array<i32>} : memref<800x64xf32, #tpu.memory_space<vmem>>, vector<1x16xf32>,
      %get3A_782 = vector.shape_cast %get3A_781 : vector<1x16xf32> to vector<16xf32>
      %mul3A_783 = arith.constant 8.000000e+00 : f32
      %mul3A_784 = vector.broadcast %mul3A_783 : f32 to vector<16xf32>
      %mul3A_785 = arith.mulf %get3A_782, %mul3A_784 : vector<16xf32>
      %swap3A_786 = arith.index_cast %scan3A_768 : i32 to index
      %swap3A_787 = arith.constant 16 : index
      %swap3A_788 = tpu.vector_load %arg7[%swap3A_786, %swap3A_787] {strides = array<i32>} : memref<800x64xf32, #tpu.memory_space<vmem>>, vector<1x16xf32>,
      %swap3A_789 = vector.shape_cast %swap3A_788 : vector<1x16xf32> to vector<16xf32>
      %swap3A_790 = vector.shape_cast %mul3A_785 : vector<16xf32> to vector<1x16xf32>
      tpu.vector_store %arg7[%swap3A_786, %swap3A_787], %swap3A_790 {strides = array<i32>} : memref<800x64xf32, #tpu.memory_space<vmem>>, vector<1x16xf32>,
      %get3A_791 = arith.index_cast %scan3A_768 : i32 to index
      %get3A_792 = arith.constant 32 : index
      %get3A_793 = tpu.vector_load %arg7[%get3A_791, %get3A_792] {strides = array<i32>} : memref<800x64xf32, #tpu.memory_space<vmem>>, vector<1x16xf32>,
      %get3A_794 = vector.shape_cast %get3A_793 : vector<1x16xf32> to vector<16xf32>
      %mul3A_795 = arith.constant 8.000000e+00 : f32
      %mul3A_796 = vector.broadcast %mul3A_795 : f32 to vector<16xf32>
      %mul3A_797 = arith.mulf %get3A_794, %mul3A_796 : vector<16xf32>
      %swap3A_798 = arith.index_cast %scan3A_768 : i32 to index
      %swap3A_799 = arith.constant 32 : index
      %swap3A_800 = tpu.vector_load %arg7[%swap3A_798, %swap3A_799] {strides = array<i32>} : memref<800x64xf32, #tpu.memory_space<vmem>>, vector<1x16xf32>,
      %swap3A_801 = vector.shape_cast %swap3A_800 : vector<1x16xf32> to vector<16xf32>
      %swap3A_802 = vector.shape_cast %mul3A_797 : vector<16xf32> to vector<1x16xf32>
      tpu.vector_store %arg7[%swap3A_798, %swap3A_799], %swap3A_802 {strides = array<i32>} : memref<800x64xf32, #tpu.memory_space<vmem>>, vector<1x16xf32>,
      %get3A_803 = arith.index_cast %scan3A_768 : i32 to index
      %get3A_804 = arith.constant 48 : index
      %get3A_805 = tpu.vector_load %arg7[%get3A_803, %get3A_804] {strides = array<i32>} : memref<800x64xf32, #tpu.memory_space<vmem>>, vector<1x16xf32>,
      %get3A_806 = vector.shape_cast %get3A_805 : vector<1x16xf32> to vector<16xf32>
      %mul3A_807 = arith.constant 8.000000e+00 : f32
      %mul3A_808 = vector.broadcast %mul3A_807 : f32 to vector<16xf32>
      %mul3A_809 = arith.mulf %get3A_806, %mul3A_808 : vector<16xf32>
      %swap3A_810 = arith.index_cast %scan3A_768 : i32 to index
      %swap3A_811 = arith.constant 48 : index
      %swap3A_812 = tpu.vector_load %arg7[%swap3A_810, %swap3A_811] {strides = array<i32>} : memref<800x64xf32, #tpu.memory_space<vmem>>, vector<1x16xf32>,
      %swap3A_813 = vector.shape_cast %swap3A_812 : vector<1x16xf32> to vector<16xf32>
      %swap3A_814 = vector.shape_cast %mul3A_809 : vector<16xf32> to vector<1x16xf32>
      tpu.vector_store %arg7[%swap3A_810, %swap3A_811], %swap3A_814 {strides = array<i32>} : memref<800x64xf32, #tpu.memory_space<vmem>>, vector<1x16xf32>,
    }
    %scan3A_258 = arith.constant 800 : i32
    %add3A_259 = arith.constant 8000 : i32
    %add3A_260 = arith.addi %mul3A_2, %add3A_259 : i32
    %dma_start3A_261 = arith.constant 0 : i32
    %dma_start3A_262 = tpu.memref_slice %arg4[%add3A_260, %dma_start3A_261] : memref<819200x64xf32, #tpu.memory_space<hbm>> -> memref<800x64xf32, #tpu.memory_space<hbm>>
    %dma_start3A_263 = arith.constant 0 : i32
    %dma_start3A_264 = tpu.memref_slice %arg4[%add3A_260, %dma_start3A_263] : memref<819200x64xf32, #tpu.memory_space<hbm>> -> memref<800x64xf32, #tpu.memory_space<hbm>>
    tpu.enqueue_dma source(%arg7 : memref<800x64xf32, #tpu.memory_space<vmem>>) target(%dma_start3A_264 : memref<800x64xf32, #tpu.memory_space<hbm>>) target_semaphore(%arg11 : memref<!tpu.dma_semaphore, #tpu.memory_space<semaphore_mem>>)
    %dma_wait3A_265 = arith.constant 0 : i32
    %dma_wait3A_266 = tpu.memref_slice %arg4[%add3A_260, %dma_wait3A_265] : memref<819200x64xf32, #tpu.memory_space<hbm>> -> memref<800x64xf32, #tpu.memory_space<hbm>>
    %dma_wait3A_267 = arith.constant 0 : i32
    %dma_wait3A_268 = tpu.memref_slice %arg4[%add3A_260, %dma_wait3A_267] : memref<819200x64xf32, #tpu.memory_space<hbm>> -> memref<800x64xf32, #tpu.memory_space<hbm>>
    tpu.wait_dma2 semaphore(%arg11 : memref<!tpu.dma_semaphore, #tpu.memory_space<semaphore_mem>>) src(%arg7 : memref<800x64xf32, #tpu.memory_space<vmem>>) dst(%dma_wait3A_268 : memref<800x64xf32, #tpu.memory_space<hbm>>)
    %add3A_269 = arith.constant 9600 : i32
    %add3A_270 = arith.addi %mul3A_2, %add3A_269 : i32
    "tpu.region"() ({
      %run_scoped3A = tpu.sem_alloc : memref<!tpu.dma_semaphore, #tpu.memory_space<semaphore_mem>>
      %dma_start3A_768 = tpu.memref_slice %arg2[%add3A_270] : memref<819200xi32, #tpu.memory_space<hbm>> -> memref<800xi32, #tpu.memory_space<hbm>>
      %dma_start3A_769 = tpu.memref_slice %arg2[%add3A_270] : memref<819200xi32, #tpu.memory_space<hbm>> -> memref<800xi32, #tpu.memory_space<hbm>>
      tpu.enqueue_dma source(%dma_start3A_769 : memref<800xi32, #tpu.memory_space<hbm>>) target(%arg5 : memref<800xi32, #tpu.memory_space<vmem>>) target_semaphore(%run_scoped3A : memref<!tpu.dma_semaphore, #tpu.memory_space<semaphore_mem>>)
      %dma_wait3A_770 = tpu.memref_slice %arg2[%add3A_270] : memref<819200xi32, #tpu.memory_space<hbm>> -> memref<800xi32, #tpu.memory_space<hbm>>
      %dma_wait3A_771 = tpu.memref_slice %arg2[%add3A_270] : memref<819200xi32, #tpu.memory_space<hbm>> -> memref<800xi32, #tpu.memory_space<hbm>>
      tpu.wait_dma2 semaphore(%run_scoped3A : memref<!tpu.dma_semaphore, #tpu.memory_space<semaphore_mem>>) src(%dma_wait3A_771 : memref<800xi32, #tpu.memory_space<hbm>>) dst(%arg5 : memref<800xi32, #tpu.memory_space<vmem>>)
      tpu.yield
    }) : () -> ()
    %dma_start3A_271 = arith.constant 0 : i32
    %dma_start3A_272 = arith.constant 0 : i32
    %dma_start3A_273 = tpu.memref_slice %arg3[%dma_start3A_271, %dma_start3A_272] : memref<1000000x64xf32, #tpu.memory_space<hbm>> -> memref<1000000x64xf32, #tpu.memory_space<hbm>>
    tpu.enqueue_indirect_dma source(%dma_start3A_273 : memref<1000000x64xf32, #tpu.memory_space<hbm>>) target(%arg7 : memref<800x64xf32, #tpu.memory_space<vmem>>) offsets(%arg5 : memref<800xi32, #tpu.memory_space<vmem>>) semaphore(%arg9 : memref<!tpu.dma_semaphore, #tpu.memory_space<semaphore_mem>>)
    %dma_wait3A_274 = arith.constant 0 : i32
    %dma_wait3A_275 = arith.constant 0 : i32
    %dma_wait3A_276 = tpu.memref_slice %arg3[%dma_wait3A_274, %dma_wait3A_275] : memref<1000000x64xf32, #tpu.memory_space<hbm>> -> memref<1000000x64xf32, #tpu.memory_space<hbm>>
    tpu.wait_indirect_dma semaphore(%arg10 : memref<!tpu.dma_semaphore, #tpu.memory_space<semaphore_mem>>) src(%dma_wait3A_276 : memref<1000000x64xf32, #tpu.memory_space<hbm>>) dst(%arg8 : memref<800x64xf32, #tpu.memory_space<vmem>>)
    %scan3A_277 = arith.constant 0 : i32
    %scan3A_278 = arith.constant 0 : i32
    %scan3A_279 = arith.constant 800 : i32
    %scan3A_280 = arith.addi %scan3A_278, %scan3A_279 : i32
    %scan3A_281 = arith.constant 1 : i32
    scf.for %scan3A_768 = %scan3A_278 to %scan3A_280 step %scan3A_281  : i32 {
      %get3A = arith.index_cast %scan3A_768 : i32 to index
      %get3A_769 = arith.constant 0 : index
      %get3A_770 = tpu.vector_load %arg8[%get3A, %get3A_769] {strides = array<i32>} : memref<800x64xf32, #tpu.memory_space<vmem>>, vector<1x16xf32>,
      %get3A_771 = vector.shape_cast %get3A_770 : vector<1x16xf32> to vector<16xf32>
      %mul3A_772 = arith.constant 8.000000e+00 : f32
      %mul3A_773 = vector.broadcast %mul3A_772 : f32 to vector<16xf32>
      %mul3A_774 = arith.mulf %get3A_771, %mul3A_773 : vector<16xf32>
      %swap3A = arith.index_cast %scan3A_768 : i32 to index
      %swap3A_775 = arith.constant 0 : index
      %swap3A_776 = tpu.vector_load %arg8[%swap3A, %swap3A_775] {strides = array<i32>} : memref<800x64xf32, #tpu.memory_space<vmem>>, vector<1x16xf32>,
      %swap3A_777 = vector.shape_cast %swap3A_776 : vector<1x16xf32> to vector<16xf32>
      %swap3A_778 = vector.shape_cast %mul3A_774 : vector<16xf32> to vector<1x16xf32>
      tpu.vector_store %arg8[%swap3A, %swap3A_775], %swap3A_778 {strides = array<i32>} : memref<800x64xf32, #tpu.memory_space<vmem>>, vector<1x16xf32>,
      %get3A_779 = arith.index_cast %scan3A_768 : i32 to index
      %get3A_780 = arith.constant 16 : index
      %get3A_781 = tpu.vector_load %arg8[%get3A_779, %get3A_780] {strides = array<i32>} : memref<800x64xf32, #tpu.memory_space<vmem>>, vector<1x16xf32>,
      %get3A_782 = vector.shape_cast %get3A_781 : vector<1x16xf32> to vector<16xf32>
      %mul3A_783 = arith.constant 8.000000e+00 : f32
      %mul3A_784 = vector.broadcast %mul3A_783 : f32 to vector<16xf32>
      %mul3A_785 = arith.mulf %get3A_782, %mul3A_784 : vector<16xf32>
      %swap3A_786 = arith.index_cast %scan3A_768 : i32 to index
      %swap3A_787 = arith.constant 16 : index
      %swap3A_788 = tpu.vector_load %arg8[%swap3A_786, %swap3A_787] {strides = array<i32>} : memref<800x64xf32, #tpu.memory_space<vmem>>, vector<1x16xf32>,
      %swap3A_789 = vector.shape_cast %swap3A_788 : vector<1x16xf32> to vector<16xf32>
      %swap3A_790 = vector.shape_cast %mul3A_785 : vector<16xf32> to vector<1x16xf32>
      tpu.vector_store %arg8[%swap3A_786, %swap3A_787], %swap3A_790 {strides = array<i32>} : memref<800x64xf32, #tpu.memory_space<vmem>>, vector<1x16xf32>,
      %get3A_791 = arith.index_cast %scan3A_768 : i32 to index
      %get3A_792 = arith.constant 32 : index
      %get3A_793 = tpu.vector_load %arg8[%get3A_791, %get3A_792] {strides = array<i32>} : memref<800x64xf32, #tpu.memory_space<vmem>>, vector<1x16xf32>,
      %get3A_794 = vector.shape_cast %get3A_793 : vector<1x16xf32> to vector<16xf32>
      %mul3A_795 = arith.constant 8.000000e+00 : f32
      %mul3A_796 = vector.broadcast %mul3A_795 : f32 to vector<16xf32>
      %mul3A_797 = arith.mulf %get3A_794, %mul3A_796 : vector<16xf32>
      %swap3A_798 = arith.index_cast %scan3A_768 : i32 to index
      %swap3A_799 = arith.constant 32 : index
      %swap3A_800 = tpu.vector_load %arg8[%swap3A_798, %swap3A_799] {strides = array<i32>} : memref<800x64xf32, #tpu.memory_space<vmem>>, vector<1x16xf32>,
      %swap3A_801 = vector.shape_cast %swap3A_800 : vector<1x16xf32> to vector<16xf32>
      %swap3A_802 = vector.shape_cast %mul3A_797 : vector<16xf32> to vector<1x16xf32>
      tpu.vector_store %arg8[%swap3A_798, %swap3A_799], %swap3A_802 {strides = array<i32>} : memref<800x64xf32, #tpu.memory_space<vmem>>, vector<1x16xf32>,
      %get3A_803 = arith.index_cast %scan3A_768 : i32 to index
      %get3A_804 = arith.constant 48 : index
      %get3A_805 = tpu.vector_load %arg8[%get3A_803, %get3A_804] {strides = array<i32>} : memref<800x64xf32, #tpu.memory_space<vmem>>, vector<1x16xf32>,
      %get3A_806 = vector.shape_cast %get3A_805 : vector<1x16xf32> to vector<16xf32>
      %mul3A_807 = arith.constant 8.000000e+00 : f32
      %mul3A_808 = vector.broadcast %mul3A_807 : f32 to vector<16xf32>
      %mul3A_809 = arith.mulf %get3A_806, %mul3A_808 : vector<16xf32>
      %swap3A_810 = arith.index_cast %scan3A_768 : i32 to index
      %swap3A_811 = arith.constant 48 : index
      %swap3A_812 = tpu.vector_load %arg8[%swap3A_810, %swap3A_811] {strides = array<i32>} : memref<800x64xf32, #tpu.memory_space<vmem>>, vector<1x16xf32>,
      %swap3A_813 = vector.shape_cast %swap3A_812 : vector<1x16xf32> to vector<16xf32>
      %swap3A_814 = vector.shape_cast %mul3A_809 : vector<16xf32> to vector<1x16xf32>
      tpu.vector_store %arg8[%swap3A_810, %swap3A_811], %swap3A_814 {strides = array<i32>} : memref<800x64xf32, #tpu.memory_space<vmem>>, vector<1x16xf32>,
    }
    %scan3A_282 = arith.constant 800 : i32
    %add3A_283 = arith.constant 8800 : i32
    %add3A_284 = arith.addi %mul3A_2, %add3A_283 : i32
    %dma_start3A_285 = arith.constant 0 : i32
    %dma_start3A_286 = tpu.memref_slice %arg4[%add3A_284, %dma_start3A_285] : memref<819200x64xf32, #tpu.memory_space<hbm>> -> memref<800x64xf32, #tpu.memory_space<hbm>>
    %dma_start3A_287 = arith.constant 0 : i32
    %dma_start3A_288 = tpu.memref_slice %arg4[%add3A_284, %dma_start3A_287] : memref<819200x64xf32, #tpu.memory_space<hbm>> -> memref<800x64xf32, #tpu.memory_space<hbm>>
    tpu.enqueue_dma source(%arg8 : memref<800x64xf32, #tpu.memory_space<vmem>>) target(%dma_start3A_288 : memref<800x64xf32, #tpu.memory_space<hbm>>) target_semaphore(%arg12 : memref<!tpu.dma_semaphore, #tpu.memory_space<semaphore_mem>>)
    %dma_wait3A_289 = arith.constant 0 : i32
    %dma_wait3A_290 = tpu.memref_slice %arg4[%add3A_284, %dma_wait3A_289] : memref<819200x64xf32, #tpu.memory_space<hbm>> -> memref<800x64xf32, #tpu.memory_space<hbm>>
    %dma_wait3A_291 = arith.constant 0 : i32
    %dma_wait3A_292 = tpu.memref_slice %arg4[%add3A_284, %dma_wait3A_291] : memref<819200x64xf32, #tpu.memory_space<hbm>> -> memref<800x64xf32, #tpu.memory_space<hbm>>
    tpu.wait_dma2 semaphore(%arg12 : memref<!tpu.dma_semaphore, #tpu.memory_space<semaphore_mem>>) src(%arg8 : memref<800x64xf32, #tpu.memory_space<vmem>>) dst(%dma_wait3A_292 : memref<800x64xf32, #tpu.memory_space<hbm>>)
    %add3A_293 = arith.constant 10400 : i32
    %add3A_294 = arith.addi %mul3A_2, %add3A_293 : i32
    "tpu.region"() ({
      %run_scoped3A = tpu.sem_alloc : memref<!tpu.dma_semaphore, #tpu.memory_space<semaphore_mem>>
      %dma_start3A_768 = tpu.memref_slice %arg2[%add3A_294] : memref<819200xi32, #tpu.memory_space<hbm>> -> memref<800xi32, #tpu.memory_space<hbm>>
      %dma_start3A_769 = tpu.memref_slice %arg2[%add3A_294] : memref<819200xi32, #tpu.memory_space<hbm>> -> memref<800xi32, #tpu.memory_space<hbm>>
      tpu.enqueue_dma source(%dma_start3A_769 : memref<800xi32, #tpu.memory_space<hbm>>) target(%arg6 : memref<800xi32, #tpu.memory_space<vmem>>) target_semaphore(%run_scoped3A : memref<!tpu.dma_semaphore, #tpu.memory_space<semaphore_mem>>)
      %dma_wait3A_770 = tpu.memref_slice %arg2[%add3A_294] : memref<819200xi32, #tpu.memory_space<hbm>> -> memref<800xi32, #tpu.memory_space<hbm>>
      %dma_wait3A_771 = tpu.memref_slice %arg2[%add3A_294] : memref<819200xi32, #tpu.memory_space<hbm>> -> memref<800xi32, #tpu.memory_space<hbm>>
      tpu.wait_dma2 semaphore(%run_scoped3A : memref<!tpu.dma_semaphore, #tpu.memory_space<semaphore_mem>>) src(%dma_wait3A_771 : memref<800xi32, #tpu.memory_space<hbm>>) dst(%arg6 : memref<800xi32, #tpu.memory_space<vmem>>)
      tpu.yield
    }) : () -> ()
    %dma_start3A_295 = arith.constant 0 : i32
    %dma_start3A_296 = arith.constant 0 : i32
    %dma_start3A_297 = tpu.memref_slice %arg3[%dma_start3A_295, %dma_start3A_296] : memref<1000000x64xf32, #tpu.memory_space<hbm>> -> memref<1000000x64xf32, #tpu.memory_space<hbm>>
    tpu.enqueue_indirect_dma source(%dma_start3A_297 : memref<1000000x64xf32, #tpu.memory_space<hbm>>) target(%arg8 : memref<800x64xf32, #tpu.memory_space<vmem>>) offsets(%arg6 : memref<800xi32, #tpu.memory_space<vmem>>) semaphore(%arg10 : memref<!tpu.dma_semaphore, #tpu.memory_space<semaphore_mem>>)
    %dma_wait3A_298 = arith.constant 0 : i32
    %dma_wait3A_299 = arith.constant 0 : i32
    %dma_wait3A_300 = tpu.memref_slice %arg3[%dma_wait3A_298, %dma_wait3A_299] : memref<1000000x64xf32, #tpu.memory_space<hbm>> -> memref<1000000x64xf32, #tpu.memory_space<hbm>>
    tpu.wait_indirect_dma semaphore(%arg9 : memref<!tpu.dma_semaphore, #tpu.memory_space<semaphore_mem>>) src(%dma_wait3A_300 : memref<1000000x64xf32, #tpu.memory_space<hbm>>) dst(%arg7 : memref<800x64xf32, #tpu.memory_space<vmem>>)
    %scan3A_301 = arith.constant 0 : i32
    %scan3A_302 = arith.constant 0 : i32
    %scan3A_303 = arith.constant 800 : i32
    %scan3A_304 = arith.addi %scan3A_302, %scan3A_303 : i32
    %scan3A_305 = arith.constant 1 : i32
    scf.for %scan3A_768 = %scan3A_302 to %scan3A_304 step %scan3A_305  : i32 {
      %get3A = arith.index_cast %scan3A_768 : i32 to index
      %get3A_769 = arith.constant 0 : index
      %get3A_770 = tpu.vector_load %arg7[%get3A, %get3A_769] {strides = array<i32>} : memref<800x64xf32, #tpu.memory_space<vmem>>, vector<1x16xf32>,
      %get3A_771 = vector.shape_cast %get3A_770 : vector<1x16xf32> to vector<16xf32>
      %mul3A_772 = arith.constant 8.000000e+00 : f32
      %mul3A_773 = vector.broadcast %mul3A_772 : f32 to vector<16xf32>
      %mul3A_774 = arith.mulf %get3A_771, %mul3A_773 : vector<16xf32>
      %swap3A = arith.index_cast %scan3A_768 : i32 to index
      %swap3A_775 = arith.constant 0 : index
      %swap3A_776 = tpu.vector_load %arg7[%swap3A, %swap3A_775] {strides = array<i32>} : memref<800x64xf32, #tpu.memory_space<vmem>>, vector<1x16xf32>,
      %swap3A_777 = vector.shape_cast %swap3A_776 : vector<1x16xf32> to vector<16xf32>
      %swap3A_778 = vector.shape_cast %mul3A_774 : vector<16xf32> to vector<1x16xf32>
      tpu.vector_store %arg7[%swap3A, %swap3A_775], %swap3A_778 {strides = array<i32>} : memref<800x64xf32, #tpu.memory_space<vmem>>, vector<1x16xf32>,
      %get3A_779 = arith.index_cast %scan3A_768 : i32 to index
      %get3A_780 = arith.constant 16 : index
      %get3A_781 = tpu.vector_load %arg7[%get3A_779, %get3A_780] {strides = array<i32>} : memref<800x64xf32, #tpu.memory_space<vmem>>, vector<1x16xf32>,
      %get3A_782 = vector.shape_cast %get3A_781 : vector<1x16xf32> to vector<16xf32>
      %mul3A_783 = arith.constant 8.000000e+00 : f32
      %mul3A_784 = vector.broadcast %mul3A_783 : f32 to vector<16xf32>
      %mul3A_785 = arith.mulf %get3A_782, %mul3A_784 : vector<16xf32>
      %swap3A_786 = arith.index_cast %scan3A_768 : i32 to index
      %swap3A_787 = arith.constant 16 : index
      %swap3A_788 = tpu.vector_load %arg7[%swap3A_786, %swap3A_787] {strides = array<i32>} : memref<800x64xf32, #tpu.memory_space<vmem>>, vector<1x16xf32>,
      %swap3A_789 = vector.shape_cast %swap3A_788 : vector<1x16xf32> to vector<16xf32>
      %swap3A_790 = vector.shape_cast %mul3A_785 : vector<16xf32> to vector<1x16xf32>
      tpu.vector_store %arg7[%swap3A_786, %swap3A_787], %swap3A_790 {strides = array<i32>} : memref<800x64xf32, #tpu.memory_space<vmem>>, vector<1x16xf32>,
      %get3A_791 = arith.index_cast %scan3A_768 : i32 to index
      %get3A_792 = arith.constant 32 : index
      %get3A_793 = tpu.vector_load %arg7[%get3A_791, %get3A_792] {strides = array<i32>} : memref<800x64xf32, #tpu.memory_space<vmem>>, vector<1x16xf32>,
      %get3A_794 = vector.shape_cast %get3A_793 : vector<1x16xf32> to vector<16xf32>
      %mul3A_795 = arith.constant 8.000000e+00 : f32
      %mul3A_796 = vector.broadcast %mul3A_795 : f32 to vector<16xf32>
      %mul3A_797 = arith.mulf %get3A_794, %mul3A_796 : vector<16xf32>
      %swap3A_798 = arith.index_cast %scan3A_768 : i32 to index
      %swap3A_799 = arith.constant 32 : index
      %swap3A_800 = tpu.vector_load %arg7[%swap3A_798, %swap3A_799] {strides = array<i32>} : memref<800x64xf32, #tpu.memory_space<vmem>>, vector<1x16xf32>,
      %swap3A_801 = vector.shape_cast %swap3A_800 : vector<1x16xf32> to vector<16xf32>
      %swap3A_802 = vector.shape_cast %mul3A_797 : vector<16xf32> to vector<1x16xf32>
      tpu.vector_store %arg7[%swap3A_798, %swap3A_799], %swap3A_802 {strides = array<i32>} : memref<800x64xf32, #tpu.memory_space<vmem>>, vector<1x16xf32>,
      %get3A_803 = arith.index_cast %scan3A_768 : i32 to index
      %get3A_804 = arith.constant 48 : index
      %get3A_805 = tpu.vector_load %arg7[%get3A_803, %get3A_804] {strides = array<i32>} : memref<800x64xf32, #tpu.memory_space<vmem>>, vector<1x16xf32>,
      %get3A_806 = vector.shape_cast %get3A_805 : vector<1x16xf32> to vector<16xf32>
      %mul3A_807 = arith.constant 8.000000e+00 : f32
      %mul3A_808 = vector.broadcast %mul3A_807 : f32 to vector<16xf32>
      %mul3A_809 = arith.mulf %get3A_806, %mul3A_808 : vector<16xf32>
      %swap3A_810 = arith.index_cast %scan3A_768 : i32 to index
      %swap3A_811 = arith.constant 48 : index
      %swap3A_812 = tpu.vector_load %arg7[%swap3A_810, %swap3A_811] {strides = array<i32>} : memref<800x64xf32, #tpu.memory_space<vmem>>, vector<1x16xf32>,
      %swap3A_813 = vector.shape_cast %swap3A_812 : vector<1x16xf32> to vector<16xf32>
      %swap3A_814 = vector.shape_cast %mul3A_809 : vector<16xf32> to vector<1x16xf32>
      tpu.vector_store %arg7[%swap3A_810, %swap3A_811], %swap3A_814 {strides = array<i32>} : memref<800x64xf32, #tpu.memory_space<vmem>>, vector<1x16xf32>,
    }
    %scan3A_306 = arith.constant 800 : i32
    %add3A_307 = arith.constant 9600 : i32
    %add3A_308 = arith.addi %mul3A_2, %add3A_307 : i32
    %dma_start3A_309 = arith.constant 0 : i32
    %dma_start3A_310 = tpu.memref_slice %arg4[%add3A_308, %dma_start3A_309] : memref<819200x64xf32, #tpu.memory_space<hbm>> -> memref<800x64xf32, #tpu.memory_space<hbm>>
    %dma_start3A_311 = arith.constant 0 : i32
    %dma_start3A_312 = tpu.memref_slice %arg4[%add3A_308, %dma_start3A_311] : memref<819200x64xf32, #tpu.memory_space<hbm>> -> memref<800x64xf32, #tpu.memory_space<hbm>>
    tpu.enqueue_dma source(%arg7 : memref<800x64xf32, #tpu.memory_space<vmem>>) target(%dma_start3A_312 : memref<800x64xf32, #tpu.memory_space<hbm>>) target_semaphore(%arg11 : memref<!tpu.dma_semaphore, #tpu.memory_space<semaphore_mem>>)
    %dma_wait3A_313 = arith.constant 0 : i32
    %dma_wait3A_314 = tpu.memref_slice %arg4[%add3A_308, %dma_wait3A_313] : memref<819200x64xf32, #tpu.memory_space<hbm>> -> memref<800x64xf32, #tpu.memory_space<hbm>>
    %dma_wait3A_315 = arith.constant 0 : i32
    %dma_wait3A_316 = tpu.memref_slice %arg4[%add3A_308, %dma_wait3A_315] : memref<819200x64xf32, #tpu.memory_space<hbm>> -> memref<800x64xf32, #tpu.memory_space<hbm>>
    tpu.wait_dma2 semaphore(%arg11 : memref<!tpu.dma_semaphore, #tpu.memory_space<semaphore_mem>>) src(%arg7 : memref<800x64xf32, #tpu.memory_space<vmem>>) dst(%dma_wait3A_316 : memref<800x64xf32, #tpu.memory_space<hbm>>)
    %add3A_317 = arith.constant 11200 : i32
    %add3A_318 = arith.addi %mul3A_2, %add3A_317 : i32
    "tpu.region"() ({
      %run_scoped3A = tpu.sem_alloc : memref<!tpu.dma_semaphore, #tpu.memory_space<semaphore_mem>>
      %dma_start3A_768 = tpu.memref_slice %arg2[%add3A_318] : memref<819200xi32, #tpu.memory_space<hbm>> -> memref<800xi32, #tpu.memory_space<hbm>>
      %dma_start3A_769 = tpu.memref_slice %arg2[%add3A_318] : memref<819200xi32, #tpu.memory_space<hbm>> -> memref<800xi32, #tpu.memory_space<hbm>>
      tpu.enqueue_dma source(%dma_start3A_769 : memref<800xi32, #tpu.memory_space<hbm>>) target(%arg5 : memref<800xi32, #tpu.memory_space<vmem>>) target_semaphore(%run_scoped3A : memref<!tpu.dma_semaphore, #tpu.memory_space<semaphore_mem>>)
      %dma_wait3A_770 = tpu.memref_slice %arg2[%add3A_318] : memref<819200xi32, #tpu.memory_space<hbm>> -> memref<800xi32, #tpu.memory_space<hbm>>
      %dma_wait3A_771 = tpu.memref_slice %arg2[%add3A_318] : memref<819200xi32, #tpu.memory_space<hbm>> -> memref<800xi32, #tpu.memory_space<hbm>>
      tpu.wait_dma2 semaphore(%run_scoped3A : memref<!tpu.dma_semaphore, #tpu.memory_space<semaphore_mem>>) src(%dma_wait3A_771 : memref<800xi32, #tpu.memory_space<hbm>>) dst(%arg5 : memref<800xi32, #tpu.memory_space<vmem>>)
      tpu.yield
    }) : () -> ()
    %dma_start3A_319 = arith.constant 0 : i32
    %dma_start3A_320 = arith.constant 0 : i32
    %dma_start3A_321 = tpu.memref_slice %arg3[%dma_start3A_319, %dma_start3A_320] : memref<1000000x64xf32, #tpu.memory_space<hbm>> -> memref<1000000x64xf32, #tpu.memory_space<hbm>>
    tpu.enqueue_indirect_dma source(%dma_start3A_321 : memref<1000000x64xf32, #tpu.memory_space<hbm>>) target(%arg7 : memref<800x64xf32, #tpu.memory_space<vmem>>) offsets(%arg5 : memref<800xi32, #tpu.memory_space<vmem>>) semaphore(%arg9 : memref<!tpu.dma_semaphore, #tpu.memory_space<semaphore_mem>>)
    %dma_wait3A_322 = arith.constant 0 : i32
    %dma_wait3A_323 = arith.constant 0 : i32
    %dma_wait3A_324 = tpu.memref_slice %arg3[%dma_wait3A_322, %dma_wait3A_323] : memref<1000000x64xf32, #tpu.memory_space<hbm>> -> memref<1000000x64xf32, #tpu.memory_space<hbm>>
    tpu.wait_indirect_dma semaphore(%arg10 : memref<!tpu.dma_semaphore, #tpu.memory_space<semaphore_mem>>) src(%dma_wait3A_324 : memref<1000000x64xf32, #tpu.memory_space<hbm>>) dst(%arg8 : memref<800x64xf32, #tpu.memory_space<vmem>>)
    %scan3A_325 = arith.constant 0 : i32
    %scan3A_326 = arith.constant 0 : i32
    %scan3A_327 = arith.constant 800 : i32
    %scan3A_328 = arith.addi %scan3A_326, %scan3A_327 : i32
    %scan3A_329 = arith.constant 1 : i32
    scf.for %scan3A_768 = %scan3A_326 to %scan3A_328 step %scan3A_329  : i32 {
      %get3A = arith.index_cast %scan3A_768 : i32 to index
      %get3A_769 = arith.constant 0 : index
      %get3A_770 = tpu.vector_load %arg8[%get3A, %get3A_769] {strides = array<i32>} : memref<800x64xf32, #tpu.memory_space<vmem>>, vector<1x16xf32>,
      %get3A_771 = vector.shape_cast %get3A_770 : vector<1x16xf32> to vector<16xf32>
      %mul3A_772 = arith.constant 8.000000e+00 : f32
      %mul3A_773 = vector.broadcast %mul3A_772 : f32 to vector<16xf32>
      %mul3A_774 = arith.mulf %get3A_771, %mul3A_773 : vector<16xf32>
      %swap3A = arith.index_cast %scan3A_768 : i32 to index
      %swap3A_775 = arith.constant 0 : index
      %swap3A_776 = tpu.vector_load %arg8[%swap3A, %swap3A_775] {strides = array<i32>} : memref<800x64xf32, #tpu.memory_space<vmem>>, vector<1x16xf32>,
      %swap3A_777 = vector.shape_cast %swap3A_776 : vector<1x16xf32> to vector<16xf32>
      %swap3A_778 = vector.shape_cast %mul3A_774 : vector<16xf32> to vector<1x16xf32>
      tpu.vector_store %arg8[%swap3A, %swap3A_775], %swap3A_778 {strides = array<i32>} : memref<800x64xf32, #tpu.memory_space<vmem>>, vector<1x16xf32>,
      %get3A_779 = arith.index_cast %scan3A_768 : i32 to index
      %get3A_780 = arith.constant 16 : index
      %get3A_781 = tpu.vector_load %arg8[%get3A_779, %get3A_780] {strides = array<i32>} : memref<800x64xf32, #tpu.memory_space<vmem>>, vector<1x16xf32>,
      %get3A_782 = vector.shape_cast %get3A_781 : vector<1x16xf32> to vector<16xf32>
      %mul3A_783 = arith.constant 8.000000e+00 : f32
      %mul3A_784 = vector.broadcast %mul3A_783 : f32 to vector<16xf32>
      %mul3A_785 = arith.mulf %get3A_782, %mul3A_784 : vector<16xf32>
      %swap3A_786 = arith.index_cast %scan3A_768 : i32 to index
      %swap3A_787 = arith.constant 16 : index
      %swap3A_788 = tpu.vector_load %arg8[%swap3A_786, %swap3A_787] {strides = array<i32>} : memref<800x64xf32, #tpu.memory_space<vmem>>, vector<1x16xf32>,
      %swap3A_789 = vector.shape_cast %swap3A_788 : vector<1x16xf32> to vector<16xf32>
      %swap3A_790 = vector.shape_cast %mul3A_785 : vector<16xf32> to vector<1x16xf32>
      tpu.vector_store %arg8[%swap3A_786, %swap3A_787], %swap3A_790 {strides = array<i32>} : memref<800x64xf32, #tpu.memory_space<vmem>>, vector<1x16xf32>,
      %get3A_791 = arith.index_cast %scan3A_768 : i32 to index
      %get3A_792 = arith.constant 32 : index
      %get3A_793 = tpu.vector_load %arg8[%get3A_791, %get3A_792] {strides = array<i32>} : memref<800x64xf32, #tpu.memory_space<vmem>>, vector<1x16xf32>,
      %get3A_794 = vector.shape_cast %get3A_793 : vector<1x16xf32> to vector<16xf32>
      %mul3A_795 = arith.constant 8.000000e+00 : f32
      %mul3A_796 = vector.broadcast %mul3A_795 : f32 to vector<16xf32>
      %mul3A_797 = arith.mulf %get3A_794, %mul3A_796 : vector<16xf32>
      %swap3A_798 = arith.index_cast %scan3A_768 : i32 to index
      %swap3A_799 = arith.constant 32 : index
      %swap3A_800 = tpu.vector_load %arg8[%swap3A_798, %swap3A_799] {strides = array<i32>} : memref<800x64xf32, #tpu.memory_space<vmem>>, vector<1x16xf32>,
      %swap3A_801 = vector.shape_cast %swap3A_800 : vector<1x16xf32> to vector<16xf32>
      %swap3A_802 = vector.shape_cast %mul3A_797 : vector<16xf32> to vector<1x16xf32>
      tpu.vector_store %arg8[%swap3A_798, %swap3A_799], %swap3A_802 {strides = array<i32>} : memref<800x64xf32, #tpu.memory_space<vmem>>, vector<1x16xf32>,
      %get3A_803 = arith.index_cast %scan3A_768 : i32 to index
      %get3A_804 = arith.constant 48 : index
      %get3A_805 = tpu.vector_load %arg8[%get3A_803, %get3A_804] {strides = array<i32>} : memref<800x64xf32, #tpu.memory_space<vmem>>, vector<1x16xf32>,
      %get3A_806 = vector.shape_cast %get3A_805 : vector<1x16xf32> to vector<16xf32>
      %mul3A_807 = arith.constant 8.000000e+00 : f32
      %mul3A_808 = vector.broadcast %mul3A_807 : f32 to vector<16xf32>
      %mul3A_809 = arith.mulf %get3A_806, %mul3A_808 : vector<16xf32>
      %swap3A_810 = arith.index_cast %scan3A_768 : i32 to index
      %swap3A_811 = arith.constant 48 : index
      %swap3A_812 = tpu.vector_load %arg8[%swap3A_810, %swap3A_811] {strides = array<i32>} : memref<800x64xf32, #tpu.memory_space<vmem>>, vector<1x16xf32>,
      %swap3A_813 = vector.shape_cast %swap3A_812 : vector<1x16xf32> to vector<16xf32>
      %swap3A_814 = vector.shape_cast %mul3A_809 : vector<16xf32> to vector<1x16xf32>
      tpu.vector_store %arg8[%swap3A_810, %swap3A_811], %swap3A_814 {strides = array<i32>} : memref<800x64xf32, #tpu.memory_space<vmem>>, vector<1x16xf32>,
    }
    %scan3A_330 = arith.constant 800 : i32
    %add3A_331 = arith.constant 10400 : i32
    %add3A_332 = arith.addi %mul3A_2, %add3A_331 : i32
    %dma_start3A_333 = arith.constant 0 : i32
    %dma_start3A_334 = tpu.memref_slice %arg4[%add3A_332, %dma_start3A_333] : memref<819200x64xf32, #tpu.memory_space<hbm>> -> memref<800x64xf32, #tpu.memory_space<hbm>>
    %dma_start3A_335 = arith.constant 0 : i32
    %dma_start3A_336 = tpu.memref_slice %arg4[%add3A_332, %dma_start3A_335] : memref<819200x64xf32, #tpu.memory_space<hbm>> -> memref<800x64xf32, #tpu.memory_space<hbm>>
    tpu.enqueue_dma source(%arg8 : memref<800x64xf32, #tpu.memory_space<vmem>>) target(%dma_start3A_336 : memref<800x64xf32, #tpu.memory_space<hbm>>) target_semaphore(%arg12 : memref<!tpu.dma_semaphore, #tpu.memory_space<semaphore_mem>>)
    %dma_wait3A_337 = arith.constant 0 : i32
    %dma_wait3A_338 = tpu.memref_slice %arg4[%add3A_332, %dma_wait3A_337] : memref<819200x64xf32, #tpu.memory_space<hbm>> -> memref<800x64xf32, #tpu.memory_space<hbm>>
    %dma_wait3A_339 = arith.constant 0 : i32
    %dma_wait3A_340 = tpu.memref_slice %arg4[%add3A_332, %dma_wait3A_339] : memref<819200x64xf32, #tpu.memory_space<hbm>> -> memref<800x64xf32, #tpu.memory_space<hbm>>
    tpu.wait_dma2 semaphore(%arg12 : memref<!tpu.dma_semaphore, #tpu.memory_space<semaphore_mem>>) src(%arg8 : memref<800x64xf32, #tpu.memory_space<vmem>>) dst(%dma_wait3A_340 : memref<800x64xf32, #tpu.memory_space<hbm>>)
    %add3A_341 = arith.constant 12000 : i32
    %add3A_342 = arith.addi %mul3A_2, %add3A_341 : i32
    "tpu.region"() ({
      %run_scoped3A = tpu.sem_alloc : memref<!tpu.dma_semaphore, #tpu.memory_space<semaphore_mem>>
      %dma_start3A_768 = tpu.memref_slice %arg2[%add3A_342] : memref<819200xi32, #tpu.memory_space<hbm>> -> memref<800xi32, #tpu.memory_space<hbm>>
      %dma_start3A_769 = tpu.memref_slice %arg2[%add3A_342] : memref<819200xi32, #tpu.memory_space<hbm>> -> memref<800xi32, #tpu.memory_space<hbm>>
      tpu.enqueue_dma source(%dma_start3A_769 : memref<800xi32, #tpu.memory_space<hbm>>) target(%arg6 : memref<800xi32, #tpu.memory_space<vmem>>) target_semaphore(%run_scoped3A : memref<!tpu.dma_semaphore, #tpu.memory_space<semaphore_mem>>)
      %dma_wait3A_770 = tpu.memref_slice %arg2[%add3A_342] : memref<819200xi32, #tpu.memory_space<hbm>> -> memref<800xi32, #tpu.memory_space<hbm>>
      %dma_wait3A_771 = tpu.memref_slice %arg2[%add3A_342] : memref<819200xi32, #tpu.memory_space<hbm>> -> memref<800xi32, #tpu.memory_space<hbm>>
      tpu.wait_dma2 semaphore(%run_scoped3A : memref<!tpu.dma_semaphore, #tpu.memory_space<semaphore_mem>>) src(%dma_wait3A_771 : memref<800xi32, #tpu.memory_space<hbm>>) dst(%arg6 : memref<800xi32, #tpu.memory_space<vmem>>)
      tpu.yield
    }) : () -> ()
    %dma_start3A_343 = arith.constant 0 : i32
    %dma_start3A_344 = arith.constant 0 : i32
    %dma_start3A_345 = tpu.memref_slice %arg3[%dma_start3A_343, %dma_start3A_344] : memref<1000000x64xf32, #tpu.memory_space<hbm>> -> memref<1000000x64xf32, #tpu.memory_space<hbm>>
    tpu.enqueue_indirect_dma source(%dma_start3A_345 : memref<1000000x64xf32, #tpu.memory_space<hbm>>) target(%arg8 : memref<800x64xf32, #tpu.memory_space<vmem>>) offsets(%arg6 : memref<800xi32, #tpu.memory_space<vmem>>) semaphore(%arg10 : memref<!tpu.dma_semaphore, #tpu.memory_space<semaphore_mem>>)
    %dma_wait3A_346 = arith.constant 0 : i32
    %dma_wait3A_347 = arith.constant 0 : i32
    %dma_wait3A_348 = tpu.memref_slice %arg3[%dma_wait3A_346, %dma_wait3A_347] : memref<1000000x64xf32, #tpu.memory_space<hbm>> -> memref<1000000x64xf32, #tpu.memory_space<hbm>>
    tpu.wait_indirect_dma semaphore(%arg9 : memref<!tpu.dma_semaphore, #tpu.memory_space<semaphore_mem>>) src(%dma_wait3A_348 : memref<1000000x64xf32, #tpu.memory_space<hbm>>) dst(%arg7 : memref<800x64xf32, #tpu.memory_space<vmem>>)
    %scan3A_349 = arith.constant 0 : i32
    %scan3A_350 = arith.constant 0 : i32
    %scan3A_351 = arith.constant 800 : i32
    %scan3A_352 = arith.addi %scan3A_350, %scan3A_351 : i32
    %scan3A_353 = arith.constant 1 : i32
    scf.for %scan3A_768 = %scan3A_350 to %scan3A_352 step %scan3A_353  : i32 {
      %get3A = arith.index_cast %scan3A_768 : i32 to index
      %get3A_769 = arith.constant 0 : index
      %get3A_770 = tpu.vector_load %arg7[%get3A, %get3A_769] {strides = array<i32>} : memref<800x64xf32, #tpu.memory_space<vmem>>, vector<1x16xf32>,
      %get3A_771 = vector.shape_cast %get3A_770 : vector<1x16xf32> to vector<16xf32>
      %mul3A_772 = arith.constant 8.000000e+00 : f32
      %mul3A_773 = vector.broadcast %mul3A_772 : f32 to vector<16xf32>
      %mul3A_774 = arith.mulf %get3A_771, %mul3A_773 : vector<16xf32>
      %swap3A = arith.index_cast %scan3A_768 : i32 to index
      %swap3A_775 = arith.constant 0 : index
      %swap3A_776 = tpu.vector_load %arg7[%swap3A, %swap3A_775] {strides = array<i32>} : memref<800x64xf32, #tpu.memory_space<vmem>>, vector<1x16xf32>,
      %swap3A_777 = vector.shape_cast %swap3A_776 : vector<1x16xf32> to vector<16xf32>
      %swap3A_778 = vector.shape_cast %mul3A_774 : vector<16xf32> to vector<1x16xf32>
      tpu.vector_store %arg7[%swap3A, %swap3A_775], %swap3A_778 {strides = array<i32>} : memref<800x64xf32, #tpu.memory_space<vmem>>, vector<1x16xf32>,
      %get3A_779 = arith.index_cast %scan3A_768 : i32 to index
      %get3A_780 = arith.constant 16 : index
      %get3A_781 = tpu.vector_load %arg7[%get3A_779, %get3A_780] {strides = array<i32>} : memref<800x64xf32, #tpu.memory_space<vmem>>, vector<1x16xf32>,
      %get3A_782 = vector.shape_cast %get3A_781 : vector<1x16xf32> to vector<16xf32>
      %mul3A_783 = arith.constant 8.000000e+00 : f32
      %mul3A_784 = vector.broadcast %mul3A_783 : f32 to vector<16xf32>
      %mul3A_785 = arith.mulf %get3A_782, %mul3A_784 : vector<16xf32>
      %swap3A_786 = arith.index_cast %scan3A_768 : i32 to index
      %swap3A_787 = arith.constant 16 : index
      %swap3A_788 = tpu.vector_load %arg7[%swap3A_786, %swap3A_787] {strides = array<i32>} : memref<800x64xf32, #tpu.memory_space<vmem>>, vector<1x16xf32>,
      %swap3A_789 = vector.shape_cast %swap3A_788 : vector<1x16xf32> to vector<16xf32>
      %swap3A_790 = vector.shape_cast %mul3A_785 : vector<16xf32> to vector<1x16xf32>
      tpu.vector_store %arg7[%swap3A_786, %swap3A_787], %swap3A_790 {strides = array<i32>} : memref<800x64xf32, #tpu.memory_space<vmem>>, vector<1x16xf32>,
      %get3A_791 = arith.index_cast %scan3A_768 : i32 to index
      %get3A_792 = arith.constant 32 : index
      %get3A_793 = tpu.vector_load %arg7[%get3A_791, %get3A_792] {strides = array<i32>} : memref<800x64xf32, #tpu.memory_space<vmem>>, vector<1x16xf32>,
      %get3A_794 = vector.shape_cast %get3A_793 : vector<1x16xf32> to vector<16xf32>
      %mul3A_795 = arith.constant 8.000000e+00 : f32
      %mul3A_796 = vector.broadcast %mul3A_795 : f32 to vector<16xf32>
      %mul3A_797 = arith.mulf %get3A_794, %mul3A_796 : vector<16xf32>
      %swap3A_798 = arith.index_cast %scan3A_768 : i32 to index
      %swap3A_799 = arith.constant 32 : index
      %swap3A_800 = tpu.vector_load %arg7[%swap3A_798, %swap3A_799] {strides = array<i32>} : memref<800x64xf32, #tpu.memory_space<vmem>>, vector<1x16xf32>,
      %swap3A_801 = vector.shape_cast %swap3A_800 : vector<1x16xf32> to vector<16xf32>
      %swap3A_802 = vector.shape_cast %mul3A_797 : vector<16xf32> to vector<1x16xf32>
      tpu.vector_store %arg7[%swap3A_798, %swap3A_799], %swap3A_802 {strides = array<i32>} : memref<800x64xf32, #tpu.memory_space<vmem>>, vector<1x16xf32>,
      %get3A_803 = arith.index_cast %scan3A_768 : i32 to index
      %get3A_804 = arith.constant 48 : index
      %get3A_805 = tpu.vector_load %arg7[%get3A_803, %get3A_804] {strides = array<i32>} : memref<800x64xf32, #tpu.memory_space<vmem>>, vector<1x16xf32>,
      %get3A_806 = vector.shape_cast %get3A_805 : vector<1x16xf32> to vector<16xf32>
      %mul3A_807 = arith.constant 8.000000e+00 : f32
      %mul3A_808 = vector.broadcast %mul3A_807 : f32 to vector<16xf32>
      %mul3A_809 = arith.mulf %get3A_806, %mul3A_808 : vector<16xf32>
      %swap3A_810 = arith.index_cast %scan3A_768 : i32 to index
      %swap3A_811 = arith.constant 48 : index
      %swap3A_812 = tpu.vector_load %arg7[%swap3A_810, %swap3A_811] {strides = array<i32>} : memref<800x64xf32, #tpu.memory_space<vmem>>, vector<1x16xf32>,
      %swap3A_813 = vector.shape_cast %swap3A_812 : vector<1x16xf32> to vector<16xf32>
      %swap3A_814 = vector.shape_cast %mul3A_809 : vector<16xf32> to vector<1x16xf32>
      tpu.vector_store %arg7[%swap3A_810, %swap3A_811], %swap3A_814 {strides = array<i32>} : memref<800x64xf32, #tpu.memory_space<vmem>>, vector<1x16xf32>,
    }
    %scan3A_354 = arith.constant 800 : i32
    %add3A_355 = arith.constant 11200 : i32
    %add3A_356 = arith.addi %mul3A_2, %add3A_355 : i32
    %dma_start3A_357 = arith.constant 0 : i32
    %dma_start3A_358 = tpu.memref_slice %arg4[%add3A_356, %dma_start3A_357] : memref<819200x64xf32, #tpu.memory_space<hbm>> -> memref<800x64xf32, #tpu.memory_space<hbm>>
    %dma_start3A_359 = arith.constant 0 : i32
    %dma_start3A_360 = tpu.memref_slice %arg4[%add3A_356, %dma_start3A_359] : memref<819200x64xf32, #tpu.memory_space<hbm>> -> memref<800x64xf32, #tpu.memory_space<hbm>>
    tpu.enqueue_dma source(%arg7 : memref<800x64xf32, #tpu.memory_space<vmem>>) target(%dma_start3A_360 : memref<800x64xf32, #tpu.memory_space<hbm>>) target_semaphore(%arg11 : memref<!tpu.dma_semaphore, #tpu.memory_space<semaphore_mem>>)
    %dma_wait3A_361 = arith.constant 0 : i32
    %dma_wait3A_362 = tpu.memref_slice %arg4[%add3A_356, %dma_wait3A_361] : memref<819200x64xf32, #tpu.memory_space<hbm>> -> memref<800x64xf32, #tpu.memory_space<hbm>>
    %dma_wait3A_363 = arith.constant 0 : i32
    %dma_wait3A_364 = tpu.memref_slice %arg4[%add3A_356, %dma_wait3A_363] : memref<819200x64xf32, #tpu.memory_space<hbm>> -> memref<800x64xf32, #tpu.memory_space<hbm>>
    tpu.wait_dma2 semaphore(%arg11 : memref<!tpu.dma_semaphore, #tpu.memory_space<semaphore_mem>>) src(%arg7 : memref<800x64xf32, #tpu.memory_space<vmem>>) dst(%dma_wait3A_364 : memref<800x64xf32, #tpu.memory_space<hbm>>)
    %add3A_365 = arith.constant 12800 : i32
    %add3A_366 = arith.addi %mul3A_2, %add3A_365 : i32
    "tpu.region"() ({
      %run_scoped3A = tpu.sem_alloc : memref<!tpu.dma_semaphore, #tpu.memory_space<semaphore_mem>>
      %dma_start3A_768 = tpu.memref_slice %arg2[%add3A_366] : memref<819200xi32, #tpu.memory_space<hbm>> -> memref<800xi32, #tpu.memory_space<hbm>>
      %dma_start3A_769 = tpu.memref_slice %arg2[%add3A_366] : memref<819200xi32, #tpu.memory_space<hbm>> -> memref<800xi32, #tpu.memory_space<hbm>>
      tpu.enqueue_dma source(%dma_start3A_769 : memref<800xi32, #tpu.memory_space<hbm>>) target(%arg5 : memref<800xi32, #tpu.memory_space<vmem>>) target_semaphore(%run_scoped3A : memref<!tpu.dma_semaphore, #tpu.memory_space<semaphore_mem>>)
      %dma_wait3A_770 = tpu.memref_slice %arg2[%add3A_366] : memref<819200xi32, #tpu.memory_space<hbm>> -> memref<800xi32, #tpu.memory_space<hbm>>
      %dma_wait3A_771 = tpu.memref_slice %arg2[%add3A_366] : memref<819200xi32, #tpu.memory_space<hbm>> -> memref<800xi32, #tpu.memory_space<hbm>>
      tpu.wait_dma2 semaphore(%run_scoped3A : memref<!tpu.dma_semaphore, #tpu.memory_space<semaphore_mem>>) src(%dma_wait3A_771 : memref<800xi32, #tpu.memory_space<hbm>>) dst(%arg5 : memref<800xi32, #tpu.memory_space<vmem>>)
      tpu.yield
    }) : () -> ()
    %dma_start3A_367 = arith.constant 0 : i32
    %dma_start3A_368 = arith.constant 0 : i32
    %dma_start3A_369 = tpu.memref_slice %arg3[%dma_start3A_367, %dma_start3A_368] : memref<1000000x64xf32, #tpu.memory_space<hbm>> -> memref<1000000x64xf32, #tpu.memory_space<hbm>>
    tpu.enqueue_indirect_dma source(%dma_start3A_369 : memref<1000000x64xf32, #tpu.memory_space<hbm>>) target(%arg7 : memref<800x64xf32, #tpu.memory_space<vmem>>) offsets(%arg5 : memref<800xi32, #tpu.memory_space<vmem>>) semaphore(%arg9 : memref<!tpu.dma_semaphore, #tpu.memory_space<semaphore_mem>>)
    %dma_wait3A_370 = arith.constant 0 : i32
    %dma_wait3A_371 = arith.constant 0 : i32
    %dma_wait3A_372 = tpu.memref_slice %arg3[%dma_wait3A_370, %dma_wait3A_371] : memref<1000000x64xf32, #tpu.memory_space<hbm>> -> memref<1000000x64xf32, #tpu.memory_space<hbm>>
    tpu.wait_indirect_dma semaphore(%arg10 : memref<!tpu.dma_semaphore, #tpu.memory_space<semaphore_mem>>) src(%dma_wait3A_372 : memref<1000000x64xf32, #tpu.memory_space<hbm>>) dst(%arg8 : memref<800x64xf32, #tpu.memory_space<vmem>>)
    %scan3A_373 = arith.constant 0 : i32
    %scan3A_374 = arith.constant 0 : i32
    %scan3A_375 = arith.constant 800 : i32
    %scan3A_376 = arith.addi %scan3A_374, %scan3A_375 : i32
    %scan3A_377 = arith.constant 1 : i32
    scf.for %scan3A_768 = %scan3A_374 to %scan3A_376 step %scan3A_377  : i32 {
      %get3A = arith.index_cast %scan3A_768 : i32 to index
      %get3A_769 = arith.constant 0 : index
      %get3A_770 = tpu.vector_load %arg8[%get3A, %get3A_769] {strides = array<i32>} : memref<800x64xf32, #tpu.memory_space<vmem>>, vector<1x16xf32>,
      %get3A_771 = vector.shape_cast %get3A_770 : vector<1x16xf32> to vector<16xf32>
      %mul3A_772 = arith.constant 8.000000e+00 : f32
      %mul3A_773 = vector.broadcast %mul3A_772 : f32 to vector<16xf32>
      %mul3A_774 = arith.mulf %get3A_771, %mul3A_773 : vector<16xf32>
      %swap3A = arith.index_cast %scan3A_768 : i32 to index
      %swap3A_775 = arith.constant 0 : index
      %swap3A_776 = tpu.vector_load %arg8[%swap3A, %swap3A_775] {strides = array<i32>} : memref<800x64xf32, #tpu.memory_space<vmem>>, vector<1x16xf32>,
      %swap3A_777 = vector.shape_cast %swap3A_776 : vector<1x16xf32> to vector<16xf32>
      %swap3A_778 = vector.shape_cast %mul3A_774 : vector<16xf32> to vector<1x16xf32>
      tpu.vector_store %arg8[%swap3A, %swap3A_775], %swap3A_778 {strides = array<i32>} : memref<800x64xf32, #tpu.memory_space<vmem>>, vector<1x16xf32>,
      %get3A_779 = arith.index_cast %scan3A_768 : i32 to index
      %get3A_780 = arith.constant 16 : index
      %get3A_781 = tpu.vector_load %arg8[%get3A_779, %get3A_780] {strides = array<i32>} : memref<800x64xf32, #tpu.memory_space<vmem>>, vector<1x16xf32>,
      %get3A_782 = vector.shape_cast %get3A_781 : vector<1x16xf32> to vector<16xf32>
      %mul3A_783 = arith.constant 8.000000e+00 : f32
      %mul3A_784 = vector.broadcast %mul3A_783 : f32 to vector<16xf32>
      %mul3A_785 = arith.mulf %get3A_782, %mul3A_784 : vector<16xf32>
      %swap3A_786 = arith.index_cast %scan3A_768 : i32 to index
      %swap3A_787 = arith.constant 16 : index
      %swap3A_788 = tpu.vector_load %arg8[%swap3A_786, %swap3A_787] {strides = array<i32>} : memref<800x64xf32, #tpu.memory_space<vmem>>, vector<1x16xf32>,
      %swap3A_789 = vector.shape_cast %swap3A_788 : vector<1x16xf32> to vector<16xf32>
      %swap3A_790 = vector.shape_cast %mul3A_785 : vector<16xf32> to vector<1x16xf32>
      tpu.vector_store %arg8[%swap3A_786, %swap3A_787], %swap3A_790 {strides = array<i32>} : memref<800x64xf32, #tpu.memory_space<vmem>>, vector<1x16xf32>,
      %get3A_791 = arith.index_cast %scan3A_768 : i32 to index
      %get3A_792 = arith.constant 32 : index
      %get3A_793 = tpu.vector_load %arg8[%get3A_791, %get3A_792] {strides = array<i32>} : memref<800x64xf32, #tpu.memory_space<vmem>>, vector<1x16xf32>,
      %get3A_794 = vector.shape_cast %get3A_793 : vector<1x16xf32> to vector<16xf32>
      %mul3A_795 = arith.constant 8.000000e+00 : f32
      %mul3A_796 = vector.broadcast %mul3A_795 : f32 to vector<16xf32>
      %mul3A_797 = arith.mulf %get3A_794, %mul3A_796 : vector<16xf32>
      %swap3A_798 = arith.index_cast %scan3A_768 : i32 to index
      %swap3A_799 = arith.constant 32 : index
      %swap3A_800 = tpu.vector_load %arg8[%swap3A_798, %swap3A_799] {strides = array<i32>} : memref<800x64xf32, #tpu.memory_space<vmem>>, vector<1x16xf32>,
      %swap3A_801 = vector.shape_cast %swap3A_800 : vector<1x16xf32> to vector<16xf32>
      %swap3A_802 = vector.shape_cast %mul3A_797 : vector<16xf32> to vector<1x16xf32>
      tpu.vector_store %arg8[%swap3A_798, %swap3A_799], %swap3A_802 {strides = array<i32>} : memref<800x64xf32, #tpu.memory_space<vmem>>, vector<1x16xf32>,
      %get3A_803 = arith.index_cast %scan3A_768 : i32 to index
      %get3A_804 = arith.constant 48 : index
      %get3A_805 = tpu.vector_load %arg8[%get3A_803, %get3A_804] {strides = array<i32>} : memref<800x64xf32, #tpu.memory_space<vmem>>, vector<1x16xf32>,
      %get3A_806 = vector.shape_cast %get3A_805 : vector<1x16xf32> to vector<16xf32>
      %mul3A_807 = arith.constant 8.000000e+00 : f32
      %mul3A_808 = vector.broadcast %mul3A_807 : f32 to vector<16xf32>
      %mul3A_809 = arith.mulf %get3A_806, %mul3A_808 : vector<16xf32>
      %swap3A_810 = arith.index_cast %scan3A_768 : i32 to index
      %swap3A_811 = arith.constant 48 : index
      %swap3A_812 = tpu.vector_load %arg8[%swap3A_810, %swap3A_811] {strides = array<i32>} : memref<800x64xf32, #tpu.memory_space<vmem>>, vector<1x16xf32>,
      %swap3A_813 = vector.shape_cast %swap3A_812 : vector<1x16xf32> to vector<16xf32>
      %swap3A_814 = vector.shape_cast %mul3A_809 : vector<16xf32> to vector<1x16xf32>
      tpu.vector_store %arg8[%swap3A_810, %swap3A_811], %swap3A_814 {strides = array<i32>} : memref<800x64xf32, #tpu.memory_space<vmem>>, vector<1x16xf32>,
    }
    %scan3A_378 = arith.constant 800 : i32
    %add3A_379 = arith.constant 12000 : i32
    %add3A_380 = arith.addi %mul3A_2, %add3A_379 : i32
    %dma_start3A_381 = arith.constant 0 : i32
    %dma_start3A_382 = tpu.memref_slice %arg4[%add3A_380, %dma_start3A_381] : memref<819200x64xf32, #tpu.memory_space<hbm>> -> memref<800x64xf32, #tpu.memory_space<hbm>>
    %dma_start3A_383 = arith.constant 0 : i32
    %dma_start3A_384 = tpu.memref_slice %arg4[%add3A_380, %dma_start3A_383] : memref<819200x64xf32, #tpu.memory_space<hbm>> -> memref<800x64xf32, #tpu.memory_space<hbm>>
    tpu.enqueue_dma source(%arg8 : memref<800x64xf32, #tpu.memory_space<vmem>>) target(%dma_start3A_384 : memref<800x64xf32, #tpu.memory_space<hbm>>) target_semaphore(%arg12 : memref<!tpu.dma_semaphore, #tpu.memory_space<semaphore_mem>>)
    %dma_wait3A_385 = arith.constant 0 : i32
    %dma_wait3A_386 = tpu.memref_slice %arg4[%add3A_380, %dma_wait3A_385] : memref<819200x64xf32, #tpu.memory_space<hbm>> -> memref<800x64xf32, #tpu.memory_space<hbm>>
    %dma_wait3A_387 = arith.constant 0 : i32
    %dma_wait3A_388 = tpu.memref_slice %arg4[%add3A_380, %dma_wait3A_387] : memref<819200x64xf32, #tpu.memory_space<hbm>> -> memref<800x64xf32, #tpu.memory_space<hbm>>
    tpu.wait_dma2 semaphore(%arg12 : memref<!tpu.dma_semaphore, #tpu.memory_space<semaphore_mem>>) src(%arg8 : memref<800x64xf32, #tpu.memory_space<vmem>>) dst(%dma_wait3A_388 : memref<800x64xf32, #tpu.memory_space<hbm>>)
    %add3A_389 = arith.constant 13600 : i32
    %add3A_390 = arith.addi %mul3A_2, %add3A_389 : i32
    "tpu.region"() ({
      %run_scoped3A = tpu.sem_alloc : memref<!tpu.dma_semaphore, #tpu.memory_space<semaphore_mem>>
      %dma_start3A_768 = tpu.memref_slice %arg2[%add3A_390] : memref<819200xi32, #tpu.memory_space<hbm>> -> memref<800xi32, #tpu.memory_space<hbm>>
      %dma_start3A_769 = tpu.memref_slice %arg2[%add3A_390] : memref<819200xi32, #tpu.memory_space<hbm>> -> memref<800xi32, #tpu.memory_space<hbm>>
      tpu.enqueue_dma source(%dma_start3A_769 : memref<800xi32, #tpu.memory_space<hbm>>) target(%arg6 : memref<800xi32, #tpu.memory_space<vmem>>) target_semaphore(%run_scoped3A : memref<!tpu.dma_semaphore, #tpu.memory_space<semaphore_mem>>)
      %dma_wait3A_770 = tpu.memref_slice %arg2[%add3A_390] : memref<819200xi32, #tpu.memory_space<hbm>> -> memref<800xi32, #tpu.memory_space<hbm>>
      %dma_wait3A_771 = tpu.memref_slice %arg2[%add3A_390] : memref<819200xi32, #tpu.memory_space<hbm>> -> memref<800xi32, #tpu.memory_space<hbm>>
      tpu.wait_dma2 semaphore(%run_scoped3A : memref<!tpu.dma_semaphore, #tpu.memory_space<semaphore_mem>>) src(%dma_wait3A_771 : memref<800xi32, #tpu.memory_space<hbm>>) dst(%arg6 : memref<800xi32, #tpu.memory_space<vmem>>)
      tpu.yield
    }) : () -> ()
    %dma_start3A_391 = arith.constant 0 : i32
    %dma_start3A_392 = arith.constant 0 : i32
    %dma_start3A_393 = tpu.memref_slice %arg3[%dma_start3A_391, %dma_start3A_392] : memref<1000000x64xf32, #tpu.memory_space<hbm>> -> memref<1000000x64xf32, #tpu.memory_space<hbm>>
    tpu.enqueue_indirect_dma source(%dma_start3A_393 : memref<1000000x64xf32, #tpu.memory_space<hbm>>) target(%arg8 : memref<800x64xf32, #tpu.memory_space<vmem>>) offsets(%arg6 : memref<800xi32, #tpu.memory_space<vmem>>) semaphore(%arg10 : memref<!tpu.dma_semaphore, #tpu.memory_space<semaphore_mem>>)
    %dma_wait3A_394 = arith.constant 0 : i32
    %dma_wait3A_395 = arith.constant 0 : i32
    %dma_wait3A_396 = tpu.memref_slice %arg3[%dma_wait3A_394, %dma_wait3A_395] : memref<1000000x64xf32, #tpu.memory_space<hbm>> -> memref<1000000x64xf32, #tpu.memory_space<hbm>>
    tpu.wait_indirect_dma semaphore(%arg9 : memref<!tpu.dma_semaphore, #tpu.memory_space<semaphore_mem>>) src(%dma_wait3A_396 : memref<1000000x64xf32, #tpu.memory_space<hbm>>) dst(%arg7 : memref<800x64xf32, #tpu.memory_space<vmem>>)
    %scan3A_397 = arith.constant 0 : i32
    %scan3A_398 = arith.constant 0 : i32
    %scan3A_399 = arith.constant 800 : i32
    %scan3A_400 = arith.addi %scan3A_398, %scan3A_399 : i32
    %scan3A_401 = arith.constant 1 : i32
    scf.for %scan3A_768 = %scan3A_398 to %scan3A_400 step %scan3A_401  : i32 {
      %get3A = arith.index_cast %scan3A_768 : i32 to index
      %get3A_769 = arith.constant 0 : index
      %get3A_770 = tpu.vector_load %arg7[%get3A, %get3A_769] {strides = array<i32>} : memref<800x64xf32, #tpu.memory_space<vmem>>, vector<1x16xf32>,
      %get3A_771 = vector.shape_cast %get3A_770 : vector<1x16xf32> to vector<16xf32>
      %mul3A_772 = arith.constant 8.000000e+00 : f32
      %mul3A_773 = vector.broadcast %mul3A_772 : f32 to vector<16xf32>
      %mul3A_774 = arith.mulf %get3A_771, %mul3A_773 : vector<16xf32>
      %swap3A = arith.index_cast %scan3A_768 : i32 to index
      %swap3A_775 = arith.constant 0 : index
      %swap3A_776 = tpu.vector_load %arg7[%swap3A, %swap3A_775] {strides = array<i32>} : memref<800x64xf32, #tpu.memory_space<vmem>>, vector<1x16xf32>,
      %swap3A_777 = vector.shape_cast %swap3A_776 : vector<1x16xf32> to vector<16xf32>
      %swap3A_778 = vector.shape_cast %mul3A_774 : vector<16xf32> to vector<1x16xf32>
      tpu.vector_store %arg7[%swap3A, %swap3A_775], %swap3A_778 {strides = array<i32>} : memref<800x64xf32, #tpu.memory_space<vmem>>, vector<1x16xf32>,
      %get3A_779 = arith.index_cast %scan3A_768 : i32 to index
      %get3A_780 = arith.constant 16 : index
      %get3A_781 = tpu.vector_load %arg7[%get3A_779, %get3A_780] {strides = array<i32>} : memref<800x64xf32, #tpu.memory_space<vmem>>, vector<1x16xf32>,
      %get3A_782 = vector.shape_cast %get3A_781 : vector<1x16xf32> to vector<16xf32>
      %mul3A_783 = arith.constant 8.000000e+00 : f32
      %mul3A_784 = vector.broadcast %mul3A_783 : f32 to vector<16xf32>
      %mul3A_785 = arith.mulf %get3A_782, %mul3A_784 : vector<16xf32>
      %swap3A_786 = arith.index_cast %scan3A_768 : i32 to index
      %swap3A_787 = arith.constant 16 : index
      %swap3A_788 = tpu.vector_load %arg7[%swap3A_786, %swap3A_787] {strides = array<i32>} : memref<800x64xf32, #tpu.memory_space<vmem>>, vector<1x16xf32>,
      %swap3A_789 = vector.shape_cast %swap3A_788 : vector<1x16xf32> to vector<16xf32>
      %swap3A_790 = vector.shape_cast %mul3A_785 : vector<16xf32> to vector<1x16xf32>
      tpu.vector_store %arg7[%swap3A_786, %swap3A_787], %swap3A_790 {strides = array<i32>} : memref<800x64xf32, #tpu.memory_space<vmem>>, vector<1x16xf32>,
      %get3A_791 = arith.index_cast %scan3A_768 : i32 to index
      %get3A_792 = arith.constant 32 : index
      %get3A_793 = tpu.vector_load %arg7[%get3A_791, %get3A_792] {strides = array<i32>} : memref<800x64xf32, #tpu.memory_space<vmem>>, vector<1x16xf32>,
      %get3A_794 = vector.shape_cast %get3A_793 : vector<1x16xf32> to vector<16xf32>
      %mul3A_795 = arith.constant 8.000000e+00 : f32
      %mul3A_796 = vector.broadcast %mul3A_795 : f32 to vector<16xf32>
      %mul3A_797 = arith.mulf %get3A_794, %mul3A_796 : vector<16xf32>
      %swap3A_798 = arith.index_cast %scan3A_768 : i32 to index
      %swap3A_799 = arith.constant 32 : index
      %swap3A_800 = tpu.vector_load %arg7[%swap3A_798, %swap3A_799] {strides = array<i32>} : memref<800x64xf32, #tpu.memory_space<vmem>>, vector<1x16xf32>,
      %swap3A_801 = vector.shape_cast %swap3A_800 : vector<1x16xf32> to vector<16xf32>
      %swap3A_802 = vector.shape_cast %mul3A_797 : vector<16xf32> to vector<1x16xf32>
      tpu.vector_store %arg7[%swap3A_798, %swap3A_799], %swap3A_802 {strides = array<i32>} : memref<800x64xf32, #tpu.memory_space<vmem>>, vector<1x16xf32>,
      %get3A_803 = arith.index_cast %scan3A_768 : i32 to index
      %get3A_804 = arith.constant 48 : index
      %get3A_805 = tpu.vector_load %arg7[%get3A_803, %get3A_804] {strides = array<i32>} : memref<800x64xf32, #tpu.memory_space<vmem>>, vector<1x16xf32>,
      %get3A_806 = vector.shape_cast %get3A_805 : vector<1x16xf32> to vector<16xf32>
      %mul3A_807 = arith.constant 8.000000e+00 : f32
      %mul3A_808 = vector.broadcast %mul3A_807 : f32 to vector<16xf32>
      %mul3A_809 = arith.mulf %get3A_806, %mul3A_808 : vector<16xf32>
      %swap3A_810 = arith.index_cast %scan3A_768 : i32 to index
      %swap3A_811 = arith.constant 48 : index
      %swap3A_812 = tpu.vector_load %arg7[%swap3A_810, %swap3A_811] {strides = array<i32>} : memref<800x64xf32, #tpu.memory_space<vmem>>, vector<1x16xf32>,
      %swap3A_813 = vector.shape_cast %swap3A_812 : vector<1x16xf32> to vector<16xf32>
      %swap3A_814 = vector.shape_cast %mul3A_809 : vector<16xf32> to vector<1x16xf32>
      tpu.vector_store %arg7[%swap3A_810, %swap3A_811], %swap3A_814 {strides = array<i32>} : memref<800x64xf32, #tpu.memory_space<vmem>>, vector<1x16xf32>,
    }
    %scan3A_402 = arith.constant 800 : i32
    %add3A_403 = arith.constant 12800 : i32
    %add3A_404 = arith.addi %mul3A_2, %add3A_403 : i32
    %dma_start3A_405 = arith.constant 0 : i32
    %dma_start3A_406 = tpu.memref_slice %arg4[%add3A_404, %dma_start3A_405] : memref<819200x64xf32, #tpu.memory_space<hbm>> -> memref<800x64xf32, #tpu.memory_space<hbm>>
    %dma_start3A_407 = arith.constant 0 : i32
    %dma_start3A_408 = tpu.memref_slice %arg4[%add3A_404, %dma_start3A_407] : memref<819200x64xf32, #tpu.memory_space<hbm>> -> memref<800x64xf32, #tpu.memory_space<hbm>>
    tpu.enqueue_dma source(%arg7 : memref<800x64xf32, #tpu.memory_space<vmem>>) target(%dma_start3A_408 : memref<800x64xf32, #tpu.memory_space<hbm>>) target_semaphore(%arg11 : memref<!tpu.dma_semaphore, #tpu.memory_space<semaphore_mem>>)
    %dma_wait3A_409 = arith.constant 0 : i32
    %dma_wait3A_410 = tpu.memref_slice %arg4[%add3A_404, %dma_wait3A_409] : memref<819200x64xf32, #tpu.memory_space<hbm>> -> memref<800x64xf32, #tpu.memory_space<hbm>>
    %dma_wait3A_411 = arith.constant 0 : i32
    %dma_wait3A_412 = tpu.memref_slice %arg4[%add3A_404, %dma_wait3A_411] : memref<819200x64xf32, #tpu.memory_space<hbm>> -> memref<800x64xf32, #tpu.memory_space<hbm>>
    tpu.wait_dma2 semaphore(%arg11 : memref<!tpu.dma_semaphore, #tpu.memory_space<semaphore_mem>>) src(%arg7 : memref<800x64xf32, #tpu.memory_space<vmem>>) dst(%dma_wait3A_412 : memref<800x64xf32, #tpu.memory_space<hbm>>)
    %add3A_413 = arith.constant 14400 : i32
    %add3A_414 = arith.addi %mul3A_2, %add3A_413 : i32
    "tpu.region"() ({
      %run_scoped3A = tpu.sem_alloc : memref<!tpu.dma_semaphore, #tpu.memory_space<semaphore_mem>>
      %dma_start3A_768 = tpu.memref_slice %arg2[%add3A_414] : memref<819200xi32, #tpu.memory_space<hbm>> -> memref<800xi32, #tpu.memory_space<hbm>>
      %dma_start3A_769 = tpu.memref_slice %arg2[%add3A_414] : memref<819200xi32, #tpu.memory_space<hbm>> -> memref<800xi32, #tpu.memory_space<hbm>>
      tpu.enqueue_dma source(%dma_start3A_769 : memref<800xi32, #tpu.memory_space<hbm>>) target(%arg5 : memref<800xi32, #tpu.memory_space<vmem>>) target_semaphore(%run_scoped3A : memref<!tpu.dma_semaphore, #tpu.memory_space<semaphore_mem>>)
      %dma_wait3A_770 = tpu.memref_slice %arg2[%add3A_414] : memref<819200xi32, #tpu.memory_space<hbm>> -> memref<800xi32, #tpu.memory_space<hbm>>
      %dma_wait3A_771 = tpu.memref_slice %arg2[%add3A_414] : memref<819200xi32, #tpu.memory_space<hbm>> -> memref<800xi32, #tpu.memory_space<hbm>>
      tpu.wait_dma2 semaphore(%run_scoped3A : memref<!tpu.dma_semaphore, #tpu.memory_space<semaphore_mem>>) src(%dma_wait3A_771 : memref<800xi32, #tpu.memory_space<hbm>>) dst(%arg5 : memref<800xi32, #tpu.memory_space<vmem>>)
      tpu.yield
    }) : () -> ()
    %dma_start3A_415 = arith.constant 0 : i32
    %dma_start3A_416 = arith.constant 0 : i32
    %dma_start3A_417 = tpu.memref_slice %arg3[%dma_start3A_415, %dma_start3A_416] : memref<1000000x64xf32, #tpu.memory_space<hbm>> -> memref<1000000x64xf32, #tpu.memory_space<hbm>>
    tpu.enqueue_indirect_dma source(%dma_start3A_417 : memref<1000000x64xf32, #tpu.memory_space<hbm>>) target(%arg7 : memref<800x64xf32, #tpu.memory_space<vmem>>) offsets(%arg5 : memref<800xi32, #tpu.memory_space<vmem>>) semaphore(%arg9 : memref<!tpu.dma_semaphore, #tpu.memory_space<semaphore_mem>>)
    %dma_wait3A_418 = arith.constant 0 : i32
    %dma_wait3A_419 = arith.constant 0 : i32
    %dma_wait3A_420 = tpu.memref_slice %arg3[%dma_wait3A_418, %dma_wait3A_419] : memref<1000000x64xf32, #tpu.memory_space<hbm>> -> memref<1000000x64xf32, #tpu.memory_space<hbm>>
    tpu.wait_indirect_dma semaphore(%arg10 : memref<!tpu.dma_semaphore, #tpu.memory_space<semaphore_mem>>) src(%dma_wait3A_420 : memref<1000000x64xf32, #tpu.memory_space<hbm>>) dst(%arg8 : memref<800x64xf32, #tpu.memory_space<vmem>>)
    %scan3A_421 = arith.constant 0 : i32
    %scan3A_422 = arith.constant 0 : i32
    %scan3A_423 = arith.constant 800 : i32
    %scan3A_424 = arith.addi %scan3A_422, %scan3A_423 : i32
    %scan3A_425 = arith.constant 1 : i32
    scf.for %scan3A_768 = %scan3A_422 to %scan3A_424 step %scan3A_425  : i32 {
      %get3A = arith.index_cast %scan3A_768 : i32 to index
      %get3A_769 = arith.constant 0 : index
      %get3A_770 = tpu.vector_load %arg8[%get3A, %get3A_769] {strides = array<i32>} : memref<800x64xf32, #tpu.memory_space<vmem>>, vector<1x16xf32>,
      %get3A_771 = vector.shape_cast %get3A_770 : vector<1x16xf32> to vector<16xf32>
      %mul3A_772 = arith.constant 8.000000e+00 : f32
      %mul3A_773 = vector.broadcast %mul3A_772 : f32 to vector<16xf32>
      %mul3A_774 = arith.mulf %get3A_771, %mul3A_773 : vector<16xf32>
      %swap3A = arith.index_cast %scan3A_768 : i32 to index
      %swap3A_775 = arith.constant 0 : index
      %swap3A_776 = tpu.vector_load %arg8[%swap3A, %swap3A_775] {strides = array<i32>} : memref<800x64xf32, #tpu.memory_space<vmem>>, vector<1x16xf32>,
      %swap3A_777 = vector.shape_cast %swap3A_776 : vector<1x16xf32> to vector<16xf32>
      %swap3A_778 = vector.shape_cast %mul3A_774 : vector<16xf32> to vector<1x16xf32>
      tpu.vector_store %arg8[%swap3A, %swap3A_775], %swap3A_778 {strides = array<i32>} : memref<800x64xf32, #tpu.memory_space<vmem>>, vector<1x16xf32>,
      %get3A_779 = arith.index_cast %scan3A_768 : i32 to index
      %get3A_780 = arith.constant 16 : index
      %get3A_781 = tpu.vector_load %arg8[%get3A_779, %get3A_780] {strides = array<i32>} : memref<800x64xf32, #tpu.memory_space<vmem>>, vector<1x16xf32>,
      %get3A_782 = vector.shape_cast %get3A_781 : vector<1x16xf32> to vector<16xf32>
      %mul3A_783 = arith.constant 8.000000e+00 : f32
      %mul3A_784 = vector.broadcast %mul3A_783 : f32 to vector<16xf32>
      %mul3A_785 = arith.mulf %get3A_782, %mul3A_784 : vector<16xf32>
      %swap3A_786 = arith.index_cast %scan3A_768 : i32 to index
      %swap3A_787 = arith.constant 16 : index
      %swap3A_788 = tpu.vector_load %arg8[%swap3A_786, %swap3A_787] {strides = array<i32>} : memref<800x64xf32, #tpu.memory_space<vmem>>, vector<1x16xf32>,
      %swap3A_789 = vector.shape_cast %swap3A_788 : vector<1x16xf32> to vector<16xf32>
      %swap3A_790 = vector.shape_cast %mul3A_785 : vector<16xf32> to vector<1x16xf32>
      tpu.vector_store %arg8[%swap3A_786, %swap3A_787], %swap3A_790 {strides = array<i32>} : memref<800x64xf32, #tpu.memory_space<vmem>>, vector<1x16xf32>,
      %get3A_791 = arith.index_cast %scan3A_768 : i32 to index
      %get3A_792 = arith.constant 32 : index
      %get3A_793 = tpu.vector_load %arg8[%get3A_791, %get3A_792] {strides = array<i32>} : memref<800x64xf32, #tpu.memory_space<vmem>>, vector<1x16xf32>,
      %get3A_794 = vector.shape_cast %get3A_793 : vector<1x16xf32> to vector<16xf32>
      %mul3A_795 = arith.constant 8.000000e+00 : f32
      %mul3A_796 = vector.broadcast %mul3A_795 : f32 to vector<16xf32>
      %mul3A_797 = arith.mulf %get3A_794, %mul3A_796 : vector<16xf32>
      %swap3A_798 = arith.index_cast %scan3A_768 : i32 to index
      %swap3A_799 = arith.constant 32 : index
      %swap3A_800 = tpu.vector_load %arg8[%swap3A_798, %swap3A_799] {strides = array<i32>} : memref<800x64xf32, #tpu.memory_space<vmem>>, vector<1x16xf32>,
      %swap3A_801 = vector.shape_cast %swap3A_800 : vector<1x16xf32> to vector<16xf32>
      %swap3A_802 = vector.shape_cast %mul3A_797 : vector<16xf32> to vector<1x16xf32>
      tpu.vector_store %arg8[%swap3A_798, %swap3A_799], %swap3A_802 {strides = array<i32>} : memref<800x64xf32, #tpu.memory_space<vmem>>, vector<1x16xf32>,
      %get3A_803 = arith.index_cast %scan3A_768 : i32 to index
      %get3A_804 = arith.constant 48 : index
      %get3A_805 = tpu.vector_load %arg8[%get3A_803, %get3A_804] {strides = array<i32>} : memref<800x64xf32, #tpu.memory_space<vmem>>, vector<1x16xf32>,
      %get3A_806 = vector.shape_cast %get3A_805 : vector<1x16xf32> to vector<16xf32>
      %mul3A_807 = arith.constant 8.000000e+00 : f32
      %mul3A_808 = vector.broadcast %mul3A_807 : f32 to vector<16xf32>
      %mul3A_809 = arith.mulf %get3A_806, %mul3A_808 : vector<16xf32>
      %swap3A_810 = arith.index_cast %scan3A_768 : i32 to index
      %swap3A_811 = arith.constant 48 : index
      %swap3A_812 = tpu.vector_load %arg8[%swap3A_810, %swap3A_811] {strides = array<i32>} : memref<800x64xf32, #tpu.memory_space<vmem>>, vector<1x16xf32>,
      %swap3A_813 = vector.shape_cast %swap3A_812 : vector<1x16xf32> to vector<16xf32>
      %swap3A_814 = vector.shape_cast %mul3A_809 : vector<16xf32> to vector<1x16xf32>
      tpu.vector_store %arg8[%swap3A_810, %swap3A_811], %swap3A_814 {strides = array<i32>} : memref<800x64xf32, #tpu.memory_space<vmem>>, vector<1x16xf32>,
    }
    %scan3A_426 = arith.constant 800 : i32
    %add3A_427 = arith.constant 13600 : i32
    %add3A_428 = arith.addi %mul3A_2, %add3A_427 : i32
    %dma_start3A_429 = arith.constant 0 : i32
    %dma_start3A_430 = tpu.memref_slice %arg4[%add3A_428, %dma_start3A_429] : memref<819200x64xf32, #tpu.memory_space<hbm>> -> memref<800x64xf32, #tpu.memory_space<hbm>>
    %dma_start3A_431 = arith.constant 0 : i32
    %dma_start3A_432 = tpu.memref_slice %arg4[%add3A_428, %dma_start3A_431] : memref<819200x64xf32, #tpu.memory_space<hbm>> -> memref<800x64xf32, #tpu.memory_space<hbm>>
    tpu.enqueue_dma source(%arg8 : memref<800x64xf32, #tpu.memory_space<vmem>>) target(%dma_start3A_432 : memref<800x64xf32, #tpu.memory_space<hbm>>) target_semaphore(%arg12 : memref<!tpu.dma_semaphore, #tpu.memory_space<semaphore_mem>>)
    %dma_wait3A_433 = arith.constant 0 : i32
    %dma_wait3A_434 = tpu.memref_slice %arg4[%add3A_428, %dma_wait3A_433] : memref<819200x64xf32, #tpu.memory_space<hbm>> -> memref<800x64xf32, #tpu.memory_space<hbm>>
    %dma_wait3A_435 = arith.constant 0 : i32
    %dma_wait3A_436 = tpu.memref_slice %arg4[%add3A_428, %dma_wait3A_435] : memref<819200x64xf32, #tpu.memory_space<hbm>> -> memref<800x64xf32, #tpu.memory_space<hbm>>
    tpu.wait_dma2 semaphore(%arg12 : memref<!tpu.dma_semaphore, #tpu.memory_space<semaphore_mem>>) src(%arg8 : memref<800x64xf32, #tpu.memory_space<vmem>>) dst(%dma_wait3A_436 : memref<800x64xf32, #tpu.memory_space<hbm>>)
    %add3A_437 = arith.constant 15200 : i32
    %add3A_438 = arith.addi %mul3A_2, %add3A_437 : i32
    "tpu.region"() ({
      %run_scoped3A = tpu.sem_alloc : memref<!tpu.dma_semaphore, #tpu.memory_space<semaphore_mem>>
      %dma_start3A_768 = tpu.memref_slice %arg2[%add3A_438] : memref<819200xi32, #tpu.memory_space<hbm>> -> memref<800xi32, #tpu.memory_space<hbm>>
      %dma_start3A_769 = tpu.memref_slice %arg2[%add3A_438] : memref<819200xi32, #tpu.memory_space<hbm>> -> memref<800xi32, #tpu.memory_space<hbm>>
      tpu.enqueue_dma source(%dma_start3A_769 : memref<800xi32, #tpu.memory_space<hbm>>) target(%arg6 : memref<800xi32, #tpu.memory_space<vmem>>) target_semaphore(%run_scoped3A : memref<!tpu.dma_semaphore, #tpu.memory_space<semaphore_mem>>)
      %dma_wait3A_770 = tpu.memref_slice %arg2[%add3A_438] : memref<819200xi32, #tpu.memory_space<hbm>> -> memref<800xi32, #tpu.memory_space<hbm>>
      %dma_wait3A_771 = tpu.memref_slice %arg2[%add3A_438] : memref<819200xi32, #tpu.memory_space<hbm>> -> memref<800xi32, #tpu.memory_space<hbm>>
      tpu.wait_dma2 semaphore(%run_scoped3A : memref<!tpu.dma_semaphore, #tpu.memory_space<semaphore_mem>>) src(%dma_wait3A_771 : memref<800xi32, #tpu.memory_space<hbm>>) dst(%arg6 : memref<800xi32, #tpu.memory_space<vmem>>)
      tpu.yield
    }) : () -> ()
    %dma_start3A_439 = arith.constant 0 : i32
    %dma_start3A_440 = arith.constant 0 : i32
    %dma_start3A_441 = tpu.memref_slice %arg3[%dma_start3A_439, %dma_start3A_440] : memref<1000000x64xf32, #tpu.memory_space<hbm>> -> memref<1000000x64xf32, #tpu.memory_space<hbm>>
    tpu.enqueue_indirect_dma source(%dma_start3A_441 : memref<1000000x64xf32, #tpu.memory_space<hbm>>) target(%arg8 : memref<800x64xf32, #tpu.memory_space<vmem>>) offsets(%arg6 : memref<800xi32, #tpu.memory_space<vmem>>) semaphore(%arg10 : memref<!tpu.dma_semaphore, #tpu.memory_space<semaphore_mem>>)
    %dma_wait3A_442 = arith.constant 0 : i32
    %dma_wait3A_443 = arith.constant 0 : i32
    %dma_wait3A_444 = tpu.memref_slice %arg3[%dma_wait3A_442, %dma_wait3A_443] : memref<1000000x64xf32, #tpu.memory_space<hbm>> -> memref<1000000x64xf32, #tpu.memory_space<hbm>>
    tpu.wait_indirect_dma semaphore(%arg9 : memref<!tpu.dma_semaphore, #tpu.memory_space<semaphore_mem>>) src(%dma_wait3A_444 : memref<1000000x64xf32, #tpu.memory_space<hbm>>) dst(%arg7 : memref<800x64xf32, #tpu.memory_space<vmem>>)
    %scan3A_445 = arith.constant 0 : i32
    %scan3A_446 = arith.constant 0 : i32
    %scan3A_447 = arith.constant 800 : i32
    %scan3A_448 = arith.addi %scan3A_446, %scan3A_447 : i32
    %scan3A_449 = arith.constant 1 : i32
    scf.for %scan3A_768 = %scan3A_446 to %scan3A_448 step %scan3A_449  : i32 {
      %get3A = arith.index_cast %scan3A_768 : i32 to index
      %get3A_769 = arith.constant 0 : index
      %get3A_770 = tpu.vector_load %arg7[%get3A, %get3A_769] {strides = array<i32>} : memref<800x64xf32, #tpu.memory_space<vmem>>, vector<1x16xf32>,
      %get3A_771 = vector.shape_cast %get3A_770 : vector<1x16xf32> to vector<16xf32>
      %mul3A_772 = arith.constant 8.000000e+00 : f32
      %mul3A_773 = vector.broadcast %mul3A_772 : f32 to vector<16xf32>
      %mul3A_774 = arith.mulf %get3A_771, %mul3A_773 : vector<16xf32>
      %swap3A = arith.index_cast %scan3A_768 : i32 to index
      %swap3A_775 = arith.constant 0 : index
      %swap3A_776 = tpu.vector_load %arg7[%swap3A, %swap3A_775] {strides = array<i32>} : memref<800x64xf32, #tpu.memory_space<vmem>>, vector<1x16xf32>,
      %swap3A_777 = vector.shape_cast %swap3A_776 : vector<1x16xf32> to vector<16xf32>
      %swap3A_778 = vector.shape_cast %mul3A_774 : vector<16xf32> to vector<1x16xf32>
      tpu.vector_store %arg7[%swap3A, %swap3A_775], %swap3A_778 {strides = array<i32>} : memref<800x64xf32, #tpu.memory_space<vmem>>, vector<1x16xf32>,
      %get3A_779 = arith.index_cast %scan3A_768 : i32 to index
      %get3A_780 = arith.constant 16 : index
      %get3A_781 = tpu.vector_load %arg7[%get3A_779, %get3A_780] {strides = array<i32>} : memref<800x64xf32, #tpu.memory_space<vmem>>, vector<1x16xf32>,
      %get3A_782 = vector.shape_cast %get3A_781 : vector<1x16xf32> to vector<16xf32>
      %mul3A_783 = arith.constant 8.000000e+00 : f32
      %mul3A_784 = vector.broadcast %mul3A_783 : f32 to vector<16xf32>
      %mul3A_785 = arith.mulf %get3A_782, %mul3A_784 : vector<16xf32>
      %swap3A_786 = arith.index_cast %scan3A_768 : i32 to index
      %swap3A_787 = arith.constant 16 : index
      %swap3A_788 = tpu.vector_load %arg7[%swap3A_786, %swap3A_787] {strides = array<i32>} : memref<800x64xf32, #tpu.memory_space<vmem>>, vector<1x16xf32>,
      %swap3A_789 = vector.shape_cast %swap3A_788 : vector<1x16xf32> to vector<16xf32>
      %swap3A_790 = vector.shape_cast %mul3A_785 : vector<16xf32> to vector<1x16xf32>
      tpu.vector_store %arg7[%swap3A_786, %swap3A_787], %swap3A_790 {strides = array<i32>} : memref<800x64xf32, #tpu.memory_space<vmem>>, vector<1x16xf32>,
      %get3A_791 = arith.index_cast %scan3A_768 : i32 to index
      %get3A_792 = arith.constant 32 : index
      %get3A_793 = tpu.vector_load %arg7[%get3A_791, %get3A_792] {strides = array<i32>} : memref<800x64xf32, #tpu.memory_space<vmem>>, vector<1x16xf32>,
      %get3A_794 = vector.shape_cast %get3A_793 : vector<1x16xf32> to vector<16xf32>
      %mul3A_795 = arith.constant 8.000000e+00 : f32
      %mul3A_796 = vector.broadcast %mul3A_795 : f32 to vector<16xf32>
      %mul3A_797 = arith.mulf %get3A_794, %mul3A_796 : vector<16xf32>
      %swap3A_798 = arith.index_cast %scan3A_768 : i32 to index
      %swap3A_799 = arith.constant 32 : index
      %swap3A_800 = tpu.vector_load %arg7[%swap3A_798, %swap3A_799] {strides = array<i32>} : memref<800x64xf32, #tpu.memory_space<vmem>>, vector<1x16xf32>,
      %swap3A_801 = vector.shape_cast %swap3A_800 : vector<1x16xf32> to vector<16xf32>
      %swap3A_802 = vector.shape_cast %mul3A_797 : vector<16xf32> to vector<1x16xf32>
      tpu.vector_store %arg7[%swap3A_798, %swap3A_799], %swap3A_802 {strides = array<i32>} : memref<800x64xf32, #tpu.memory_space<vmem>>, vector<1x16xf32>,
      %get3A_803 = arith.index_cast %scan3A_768 : i32 to index
      %get3A_804 = arith.constant 48 : index
      %get3A_805 = tpu.vector_load %arg7[%get3A_803, %get3A_804] {strides = array<i32>} : memref<800x64xf32, #tpu.memory_space<vmem>>, vector<1x16xf32>,
      %get3A_806 = vector.shape_cast %get3A_805 : vector<1x16xf32> to vector<16xf32>
      %mul3A_807 = arith.constant 8.000000e+00 : f32
      %mul3A_808 = vector.broadcast %mul3A_807 : f32 to vector<16xf32>
      %mul3A_809 = arith.mulf %get3A_806, %mul3A_808 : vector<16xf32>
      %swap3A_810 = arith.index_cast %scan3A_768 : i32 to index
      %swap3A_811 = arith.constant 48 : index
      %swap3A_812 = tpu.vector_load %arg7[%swap3A_810, %swap3A_811] {strides = array<i32>} : memref<800x64xf32, #tpu.memory_space<vmem>>, vector<1x16xf32>,
      %swap3A_813 = vector.shape_cast %swap3A_812 : vector<1x16xf32> to vector<16xf32>
      %swap3A_814 = vector.shape_cast %mul3A_809 : vector<16xf32> to vector<1x16xf32>
      tpu.vector_store %arg7[%swap3A_810, %swap3A_811], %swap3A_814 {strides = array<i32>} : memref<800x64xf32, #tpu.memory_space<vmem>>, vector<1x16xf32>,
    }
    %scan3A_450 = arith.constant 800 : i32
    %add3A_451 = arith.constant 14400 : i32
    %add3A_452 = arith.addi %mul3A_2, %add3A_451 : i32
    %dma_start3A_453 = arith.constant 0 : i32
    %dma_start3A_454 = tpu.memref_slice %arg4[%add3A_452, %dma_start3A_453] : memref<819200x64xf32, #tpu.memory_space<hbm>> -> memref<800x64xf32, #tpu.memory_space<hbm>>
    %dma_start3A_455 = arith.constant 0 : i32
    %dma_start3A_456 = tpu.memref_slice %arg4[%add3A_452, %dma_start3A_455] : memref<819200x64xf32, #tpu.memory_space<hbm>> -> memref<800x64xf32, #tpu.memory_space<hbm>>
    tpu.enqueue_dma source(%arg7 : memref<800x64xf32, #tpu.memory_space<vmem>>) target(%dma_start3A_456 : memref<800x64xf32, #tpu.memory_space<hbm>>) target_semaphore(%arg11 : memref<!tpu.dma_semaphore, #tpu.memory_space<semaphore_mem>>)
    %dma_wait3A_457 = arith.constant 0 : i32
    %dma_wait3A_458 = tpu.memref_slice %arg4[%add3A_452, %dma_wait3A_457] : memref<819200x64xf32, #tpu.memory_space<hbm>> -> memref<800x64xf32, #tpu.memory_space<hbm>>
    %dma_wait3A_459 = arith.constant 0 : i32
    %dma_wait3A_460 = tpu.memref_slice %arg4[%add3A_452, %dma_wait3A_459] : memref<819200x64xf32, #tpu.memory_space<hbm>> -> memref<800x64xf32, #tpu.memory_space<hbm>>
    tpu.wait_dma2 semaphore(%arg11 : memref<!tpu.dma_semaphore, #tpu.memory_space<semaphore_mem>>) src(%arg7 : memref<800x64xf32, #tpu.memory_space<vmem>>) dst(%dma_wait3A_460 : memref<800x64xf32, #tpu.memory_space<hbm>>)
    %add3A_461 = arith.constant 16000 : i32
    %add3A_462 = arith.addi %mul3A_2, %add3A_461 : i32
    "tpu.region"() ({
      %run_scoped3A = tpu.sem_alloc : memref<!tpu.dma_semaphore, #tpu.memory_space<semaphore_mem>>
      %dma_start3A_768 = tpu.memref_slice %arg2[%add3A_462] : memref<819200xi32, #tpu.memory_space<hbm>> -> memref<800xi32, #tpu.memory_space<hbm>>
      %dma_start3A_769 = tpu.memref_slice %arg2[%add3A_462] : memref<819200xi32, #tpu.memory_space<hbm>> -> memref<800xi32, #tpu.memory_space<hbm>>
      tpu.enqueue_dma source(%dma_start3A_769 : memref<800xi32, #tpu.memory_space<hbm>>) target(%arg5 : memref<800xi32, #tpu.memory_space<vmem>>) target_semaphore(%run_scoped3A : memref<!tpu.dma_semaphore, #tpu.memory_space<semaphore_mem>>)
      %dma_wait3A_770 = tpu.memref_slice %arg2[%add3A_462] : memref<819200xi32, #tpu.memory_space<hbm>> -> memref<800xi32, #tpu.memory_space<hbm>>
      %dma_wait3A_771 = tpu.memref_slice %arg2[%add3A_462] : memref<819200xi32, #tpu.memory_space<hbm>> -> memref<800xi32, #tpu.memory_space<hbm>>
      tpu.wait_dma2 semaphore(%run_scoped3A : memref<!tpu.dma_semaphore, #tpu.memory_space<semaphore_mem>>) src(%dma_wait3A_771 : memref<800xi32, #tpu.memory_space<hbm>>) dst(%arg5 : memref<800xi32, #tpu.memory_space<vmem>>)
      tpu.yield
    }) : () -> ()
    %dma_start3A_463 = arith.constant 0 : i32
    %dma_start3A_464 = arith.constant 0 : i32
    %dma_start3A_465 = tpu.memref_slice %arg3[%dma_start3A_463, %dma_start3A_464] : memref<1000000x64xf32, #tpu.memory_space<hbm>> -> memref<1000000x64xf32, #tpu.memory_space<hbm>>
    tpu.enqueue_indirect_dma source(%dma_start3A_465 : memref<1000000x64xf32, #tpu.memory_space<hbm>>) target(%arg7 : memref<800x64xf32, #tpu.memory_space<vmem>>) offsets(%arg5 : memref<800xi32, #tpu.memory_space<vmem>>) semaphore(%arg9 : memref<!tpu.dma_semaphore, #tpu.memory_space<semaphore_mem>>)
    %dma_wait3A_466 = arith.constant 0 : i32
    %dma_wait3A_467 = arith.constant 0 : i32
    %dma_wait3A_468 = tpu.memref_slice %arg3[%dma_wait3A_466, %dma_wait3A_467] : memref<1000000x64xf32, #tpu.memory_space<hbm>> -> memref<1000000x64xf32, #tpu.memory_space<hbm>>
    tpu.wait_indirect_dma semaphore(%arg10 : memref<!tpu.dma_semaphore, #tpu.memory_space<semaphore_mem>>) src(%dma_wait3A_468 : memref<1000000x64xf32, #tpu.memory_space<hbm>>) dst(%arg8 : memref<800x64xf32, #tpu.memory_space<vmem>>)
    %scan3A_469 = arith.constant 0 : i32
    %scan3A_470 = arith.constant 0 : i32
    %scan3A_471 = arith.constant 800 : i32
    %scan3A_472 = arith.addi %scan3A_470, %scan3A_471 : i32
    %scan3A_473 = arith.constant 1 : i32
    scf.for %scan3A_768 = %scan3A_470 to %scan3A_472 step %scan3A_473  : i32 {
      %get3A = arith.index_cast %scan3A_768 : i32 to index
      %get3A_769 = arith.constant 0 : index
      %get3A_770 = tpu.vector_load %arg8[%get3A, %get3A_769] {strides = array<i32>} : memref<800x64xf32, #tpu.memory_space<vmem>>, vector<1x16xf32>,
      %get3A_771 = vector.shape_cast %get3A_770 : vector<1x16xf32> to vector<16xf32>
      %mul3A_772 = arith.constant 8.000000e+00 : f32
      %mul3A_773 = vector.broadcast %mul3A_772 : f32 to vector<16xf32>
      %mul3A_774 = arith.mulf %get3A_771, %mul3A_773 : vector<16xf32>
      %swap3A = arith.index_cast %scan3A_768 : i32 to index
      %swap3A_775 = arith.constant 0 : index
      %swap3A_776 = tpu.vector_load %arg8[%swap3A, %swap3A_775] {strides = array<i32>} : memref<800x64xf32, #tpu.memory_space<vmem>>, vector<1x16xf32>,
      %swap3A_777 = vector.shape_cast %swap3A_776 : vector<1x16xf32> to vector<16xf32>
      %swap3A_778 = vector.shape_cast %mul3A_774 : vector<16xf32> to vector<1x16xf32>
      tpu.vector_store %arg8[%swap3A, %swap3A_775], %swap3A_778 {strides = array<i32>} : memref<800x64xf32, #tpu.memory_space<vmem>>, vector<1x16xf32>,
      %get3A_779 = arith.index_cast %scan3A_768 : i32 to index
      %get3A_780 = arith.constant 16 : index
      %get3A_781 = tpu.vector_load %arg8[%get3A_779, %get3A_780] {strides = array<i32>} : memref<800x64xf32, #tpu.memory_space<vmem>>, vector<1x16xf32>,
      %get3A_782 = vector.shape_cast %get3A_781 : vector<1x16xf32> to vector<16xf32>
      %mul3A_783 = arith.constant 8.000000e+00 : f32
      %mul3A_784 = vector.broadcast %mul3A_783 : f32 to vector<16xf32>
      %mul3A_785 = arith.mulf %get3A_782, %mul3A_784 : vector<16xf32>
      %swap3A_786 = arith.index_cast %scan3A_768 : i32 to index
      %swap3A_787 = arith.constant 16 : index
      %swap3A_788 = tpu.vector_load %arg8[%swap3A_786, %swap3A_787] {strides = array<i32>} : memref<800x64xf32, #tpu.memory_space<vmem>>, vector<1x16xf32>,
      %swap3A_789 = vector.shape_cast %swap3A_788 : vector<1x16xf32> to vector<16xf32>
      %swap3A_790 = vector.shape_cast %mul3A_785 : vector<16xf32> to vector<1x16xf32>
      tpu.vector_store %arg8[%swap3A_786, %swap3A_787], %swap3A_790 {strides = array<i32>} : memref<800x64xf32, #tpu.memory_space<vmem>>, vector<1x16xf32>,
      %get3A_791 = arith.index_cast %scan3A_768 : i32 to index
      %get3A_792 = arith.constant 32 : index
      %get3A_793 = tpu.vector_load %arg8[%get3A_791, %get3A_792] {strides = array<i32>} : memref<800x64xf32, #tpu.memory_space<vmem>>, vector<1x16xf32>,
      %get3A_794 = vector.shape_cast %get3A_793 : vector<1x16xf32> to vector<16xf32>
      %mul3A_795 = arith.constant 8.000000e+00 : f32
      %mul3A_796 = vector.broadcast %mul3A_795 : f32 to vector<16xf32>
      %mul3A_797 = arith.mulf %get3A_794, %mul3A_796 : vector<16xf32>
      %swap3A_798 = arith.index_cast %scan3A_768 : i32 to index
      %swap3A_799 = arith.constant 32 : index
      %swap3A_800 = tpu.vector_load %arg8[%swap3A_798, %swap3A_799] {strides = array<i32>} : memref<800x64xf32, #tpu.memory_space<vmem>>, vector<1x16xf32>,
      %swap3A_801 = vector.shape_cast %swap3A_800 : vector<1x16xf32> to vector<16xf32>
      %swap3A_802 = vector.shape_cast %mul3A_797 : vector<16xf32> to vector<1x16xf32>
      tpu.vector_store %arg8[%swap3A_798, %swap3A_799], %swap3A_802 {strides = array<i32>} : memref<800x64xf32, #tpu.memory_space<vmem>>, vector<1x16xf32>,
      %get3A_803 = arith.index_cast %scan3A_768 : i32 to index
      %get3A_804 = arith.constant 48 : index
      %get3A_805 = tpu.vector_load %arg8[%get3A_803, %get3A_804] {strides = array<i32>} : memref<800x64xf32, #tpu.memory_space<vmem>>, vector<1x16xf32>,
      %get3A_806 = vector.shape_cast %get3A_805 : vector<1x16xf32> to vector<16xf32>
      %mul3A_807 = arith.constant 8.000000e+00 : f32
      %mul3A_808 = vector.broadcast %mul3A_807 : f32 to vector<16xf32>
      %mul3A_809 = arith.mulf %get3A_806, %mul3A_808 : vector<16xf32>
      %swap3A_810 = arith.index_cast %scan3A_768 : i32 to index
      %swap3A_811 = arith.constant 48 : index
      %swap3A_812 = tpu.vector_load %arg8[%swap3A_810, %swap3A_811] {strides = array<i32>} : memref<800x64xf32, #tpu.memory_space<vmem>>, vector<1x16xf32>,
      %swap3A_813 = vector.shape_cast %swap3A_812 : vector<1x16xf32> to vector<16xf32>
      %swap3A_814 = vector.shape_cast %mul3A_809 : vector<16xf32> to vector<1x16xf32>
      tpu.vector_store %arg8[%swap3A_810, %swap3A_811], %swap3A_814 {strides = array<i32>} : memref<800x64xf32, #tpu.memory_space<vmem>>, vector<1x16xf32>,
    }
    %scan3A_474 = arith.constant 800 : i32
    %add3A_475 = arith.constant 15200 : i32
    %add3A_476 = arith.addi %mul3A_2, %add3A_475 : i32
    %dma_start3A_477 = arith.constant 0 : i32
    %dma_start3A_478 = tpu.memref_slice %arg4[%add3A_476, %dma_start3A_477] : memref<819200x64xf32, #tpu.memory_space<hbm>> -> memref<800x64xf32, #tpu.memory_space<hbm>>
    %dma_start3A_479 = arith.constant 0 : i32
    %dma_start3A_480 = tpu.memref_slice %arg4[%add3A_476, %dma_start3A_479] : memref<819200x64xf32, #tpu.memory_space<hbm>> -> memref<800x64xf32, #tpu.memory_space<hbm>>
    tpu.enqueue_dma source(%arg8 : memref<800x64xf32, #tpu.memory_space<vmem>>) target(%dma_start3A_480 : memref<800x64xf32, #tpu.memory_space<hbm>>) target_semaphore(%arg12 : memref<!tpu.dma_semaphore, #tpu.memory_space<semaphore_mem>>)
    %dma_wait3A_481 = arith.constant 0 : i32
    %dma_wait3A_482 = tpu.memref_slice %arg4[%add3A_476, %dma_wait3A_481] : memref<819200x64xf32, #tpu.memory_space<hbm>> -> memref<800x64xf32, #tpu.memory_space<hbm>>
    %dma_wait3A_483 = arith.constant 0 : i32
    %dma_wait3A_484 = tpu.memref_slice %arg4[%add3A_476, %dma_wait3A_483] : memref<819200x64xf32, #tpu.memory_space<hbm>> -> memref<800x64xf32, #tpu.memory_space<hbm>>
    tpu.wait_dma2 semaphore(%arg12 : memref<!tpu.dma_semaphore, #tpu.memory_space<semaphore_mem>>) src(%arg8 : memref<800x64xf32, #tpu.memory_space<vmem>>) dst(%dma_wait3A_484 : memref<800x64xf32, #tpu.memory_space<hbm>>)
    %add3A_485 = arith.constant 16800 : i32
    %add3A_486 = arith.addi %mul3A_2, %add3A_485 : i32
    "tpu.region"() ({
      %run_scoped3A = tpu.sem_alloc : memref<!tpu.dma_semaphore, #tpu.memory_space<semaphore_mem>>
      %dma_start3A_768 = tpu.memref_slice %arg2[%add3A_486] : memref<819200xi32, #tpu.memory_space<hbm>> -> memref<800xi32, #tpu.memory_space<hbm>>
      %dma_start3A_769 = tpu.memref_slice %arg2[%add3A_486] : memref<819200xi32, #tpu.memory_space<hbm>> -> memref<800xi32, #tpu.memory_space<hbm>>
      tpu.enqueue_dma source(%dma_start3A_769 : memref<800xi32, #tpu.memory_space<hbm>>) target(%arg6 : memref<800xi32, #tpu.memory_space<vmem>>) target_semaphore(%run_scoped3A : memref<!tpu.dma_semaphore, #tpu.memory_space<semaphore_mem>>)
      %dma_wait3A_770 = tpu.memref_slice %arg2[%add3A_486] : memref<819200xi32, #tpu.memory_space<hbm>> -> memref<800xi32, #tpu.memory_space<hbm>>
      %dma_wait3A_771 = tpu.memref_slice %arg2[%add3A_486] : memref<819200xi32, #tpu.memory_space<hbm>> -> memref<800xi32, #tpu.memory_space<hbm>>
      tpu.wait_dma2 semaphore(%run_scoped3A : memref<!tpu.dma_semaphore, #tpu.memory_space<semaphore_mem>>) src(%dma_wait3A_771 : memref<800xi32, #tpu.memory_space<hbm>>) dst(%arg6 : memref<800xi32, #tpu.memory_space<vmem>>)
      tpu.yield
    }) : () -> ()
    %dma_start3A_487 = arith.constant 0 : i32
    %dma_start3A_488 = arith.constant 0 : i32
    %dma_start3A_489 = tpu.memref_slice %arg3[%dma_start3A_487, %dma_start3A_488] : memref<1000000x64xf32, #tpu.memory_space<hbm>> -> memref<1000000x64xf32, #tpu.memory_space<hbm>>
    tpu.enqueue_indirect_dma source(%dma_start3A_489 : memref<1000000x64xf32, #tpu.memory_space<hbm>>) target(%arg8 : memref<800x64xf32, #tpu.memory_space<vmem>>) offsets(%arg6 : memref<800xi32, #tpu.memory_space<vmem>>) semaphore(%arg10 : memref<!tpu.dma_semaphore, #tpu.memory_space<semaphore_mem>>)
    %dma_wait3A_490 = arith.constant 0 : i32
    %dma_wait3A_491 = arith.constant 0 : i32
    %dma_wait3A_492 = tpu.memref_slice %arg3[%dma_wait3A_490, %dma_wait3A_491] : memref<1000000x64xf32, #tpu.memory_space<hbm>> -> memref<1000000x64xf32, #tpu.memory_space<hbm>>
    tpu.wait_indirect_dma semaphore(%arg9 : memref<!tpu.dma_semaphore, #tpu.memory_space<semaphore_mem>>) src(%dma_wait3A_492 : memref<1000000x64xf32, #tpu.memory_space<hbm>>) dst(%arg7 : memref<800x64xf32, #tpu.memory_space<vmem>>)
    %scan3A_493 = arith.constant 0 : i32
    %scan3A_494 = arith.constant 0 : i32
    %scan3A_495 = arith.constant 800 : i32
    %scan3A_496 = arith.addi %scan3A_494, %scan3A_495 : i32
    %scan3A_497 = arith.constant 1 : i32
    scf.for %scan3A_768 = %scan3A_494 to %scan3A_496 step %scan3A_497  : i32 {
      %get3A = arith.index_cast %scan3A_768 : i32 to index
      %get3A_769 = arith.constant 0 : index
      %get3A_770 = tpu.vector_load %arg7[%get3A, %get3A_769] {strides = array<i32>} : memref<800x64xf32, #tpu.memory_space<vmem>>, vector<1x16xf32>,
      %get3A_771 = vector.shape_cast %get3A_770 : vector<1x16xf32> to vector<16xf32>
      %mul3A_772 = arith.constant 8.000000e+00 : f32
      %mul3A_773 = vector.broadcast %mul3A_772 : f32 to vector<16xf32>
      %mul3A_774 = arith.mulf %get3A_771, %mul3A_773 : vector<16xf32>
      %swap3A = arith.index_cast %scan3A_768 : i32 to index
      %swap3A_775 = arith.constant 0 : index
      %swap3A_776 = tpu.vector_load %arg7[%swap3A, %swap3A_775] {strides = array<i32>} : memref<800x64xf32, #tpu.memory_space<vmem>>, vector<1x16xf32>,
      %swap3A_777 = vector.shape_cast %swap3A_776 : vector<1x16xf32> to vector<16xf32>
      %swap3A_778 = vector.shape_cast %mul3A_774 : vector<16xf32> to vector<1x16xf32>
      tpu.vector_store %arg7[%swap3A, %swap3A_775], %swap3A_778 {strides = array<i32>} : memref<800x64xf32, #tpu.memory_space<vmem>>, vector<1x16xf32>,
      %get3A_779 = arith.index_cast %scan3A_768 : i32 to index
      %get3A_780 = arith.constant 16 : index
      %get3A_781 = tpu.vector_load %arg7[%get3A_779, %get3A_780] {strides = array<i32>} : memref<800x64xf32, #tpu.memory_space<vmem>>, vector<1x16xf32>,
      %get3A_782 = vector.shape_cast %get3A_781 : vector<1x16xf32> to vector<16xf32>
      %mul3A_783 = arith.constant 8.000000e+00 : f32
      %mul3A_784 = vector.broadcast %mul3A_783 : f32 to vector<16xf32>
      %mul3A_785 = arith.mulf %get3A_782, %mul3A_784 : vector<16xf32>
      %swap3A_786 = arith.index_cast %scan3A_768 : i32 to index
      %swap3A_787 = arith.constant 16 : index
      %swap3A_788 = tpu.vector_load %arg7[%swap3A_786, %swap3A_787] {strides = array<i32>} : memref<800x64xf32, #tpu.memory_space<vmem>>, vector<1x16xf32>,
      %swap3A_789 = vector.shape_cast %swap3A_788 : vector<1x16xf32> to vector<16xf32>
      %swap3A_790 = vector.shape_cast %mul3A_785 : vector<16xf32> to vector<1x16xf32>
      tpu.vector_store %arg7[%swap3A_786, %swap3A_787], %swap3A_790 {strides = array<i32>} : memref<800x64xf32, #tpu.memory_space<vmem>>, vector<1x16xf32>,
      %get3A_791 = arith.index_cast %scan3A_768 : i32 to index
      %get3A_792 = arith.constant 32 : index
      %get3A_793 = tpu.vector_load %arg7[%get3A_791, %get3A_792] {strides = array<i32>} : memref<800x64xf32, #tpu.memory_space<vmem>>, vector<1x16xf32>,
      %get3A_794 = vector.shape_cast %get3A_793 : vector<1x16xf32> to vector<16xf32>
      %mul3A_795 = arith.constant 8.000000e+00 : f32
      %mul3A_796 = vector.broadcast %mul3A_795 : f32 to vector<16xf32>
      %mul3A_797 = arith.mulf %get3A_794, %mul3A_796 : vector<16xf32>
      %swap3A_798 = arith.index_cast %scan3A_768 : i32 to index
      %swap3A_799 = arith.constant 32 : index
      %swap3A_800 = tpu.vector_load %arg7[%swap3A_798, %swap3A_799] {strides = array<i32>} : memref<800x64xf32, #tpu.memory_space<vmem>>, vector<1x16xf32>,
      %swap3A_801 = vector.shape_cast %swap3A_800 : vector<1x16xf32> to vector<16xf32>
      %swap3A_802 = vector.shape_cast %mul3A_797 : vector<16xf32> to vector<1x16xf32>
      tpu.vector_store %arg7[%swap3A_798, %swap3A_799], %swap3A_802 {strides = array<i32>} : memref<800x64xf32, #tpu.memory_space<vmem>>, vector<1x16xf32>,
      %get3A_803 = arith.index_cast %scan3A_768 : i32 to index
      %get3A_804 = arith.constant 48 : index
      %get3A_805 = tpu.vector_load %arg7[%get3A_803, %get3A_804] {strides = array<i32>} : memref<800x64xf32, #tpu.memory_space<vmem>>, vector<1x16xf32>,
      %get3A_806 = vector.shape_cast %get3A_805 : vector<1x16xf32> to vector<16xf32>
      %mul3A_807 = arith.constant 8.000000e+00 : f32
      %mul3A_808 = vector.broadcast %mul3A_807 : f32 to vector<16xf32>
      %mul3A_809 = arith.mulf %get3A_806, %mul3A_808 : vector<16xf32>
      %swap3A_810 = arith.index_cast %scan3A_768 : i32 to index
      %swap3A_811 = arith.constant 48 : index
      %swap3A_812 = tpu.vector_load %arg7[%swap3A_810, %swap3A_811] {strides = array<i32>} : memref<800x64xf32, #tpu.memory_space<vmem>>, vector<1x16xf32>,
      %swap3A_813 = vector.shape_cast %swap3A_812 : vector<1x16xf32> to vector<16xf32>
      %swap3A_814 = vector.shape_cast %mul3A_809 : vector<16xf32> to vector<1x16xf32>
      tpu.vector_store %arg7[%swap3A_810, %swap3A_811], %swap3A_814 {strides = array<i32>} : memref<800x64xf32, #tpu.memory_space<vmem>>, vector<1x16xf32>,
    }
    %scan3A_498 = arith.constant 800 : i32
    %add3A_499 = arith.constant 16000 : i32
    %add3A_500 = arith.addi %mul3A_2, %add3A_499 : i32
    %dma_start3A_501 = arith.constant 0 : i32
    %dma_start3A_502 = tpu.memref_slice %arg4[%add3A_500, %dma_start3A_501] : memref<819200x64xf32, #tpu.memory_space<hbm>> -> memref<800x64xf32, #tpu.memory_space<hbm>>
    %dma_start3A_503 = arith.constant 0 : i32
    %dma_start3A_504 = tpu.memref_slice %arg4[%add3A_500, %dma_start3A_503] : memref<819200x64xf32, #tpu.memory_space<hbm>> -> memref<800x64xf32, #tpu.memory_space<hbm>>
    tpu.enqueue_dma source(%arg7 : memref<800x64xf32, #tpu.memory_space<vmem>>) target(%dma_start3A_504 : memref<800x64xf32, #tpu.memory_space<hbm>>) target_semaphore(%arg11 : memref<!tpu.dma_semaphore, #tpu.memory_space<semaphore_mem>>)
    %dma_wait3A_505 = arith.constant 0 : i32
    %dma_wait3A_506 = tpu.memref_slice %arg4[%add3A_500, %dma_wait3A_505] : memref<819200x64xf32, #tpu.memory_space<hbm>> -> memref<800x64xf32, #tpu.memory_space<hbm>>
    %dma_wait3A_507 = arith.constant 0 : i32
    %dma_wait3A_508 = tpu.memref_slice %arg4[%add3A_500, %dma_wait3A_507] : memref<819200x64xf32, #tpu.memory_space<hbm>> -> memref<800x64xf32, #tpu.memory_space<hbm>>
    tpu.wait_dma2 semaphore(%arg11 : memref<!tpu.dma_semaphore, #tpu.memory_space<semaphore_mem>>) src(%arg7 : memref<800x64xf32, #tpu.memory_space<vmem>>) dst(%dma_wait3A_508 : memref<800x64xf32, #tpu.memory_space<hbm>>)
    %add3A_509 = arith.constant 17600 : i32
    %add3A_510 = arith.addi %mul3A_2, %add3A_509 : i32
    "tpu.region"() ({
      %run_scoped3A = tpu.sem_alloc : memref<!tpu.dma_semaphore, #tpu.memory_space<semaphore_mem>>
      %dma_start3A_768 = tpu.memref_slice %arg2[%add3A_510] : memref<819200xi32, #tpu.memory_space<hbm>> -> memref<800xi32, #tpu.memory_space<hbm>>
      %dma_start3A_769 = tpu.memref_slice %arg2[%add3A_510] : memref<819200xi32, #tpu.memory_space<hbm>> -> memref<800xi32, #tpu.memory_space<hbm>>
      tpu.enqueue_dma source(%dma_start3A_769 : memref<800xi32, #tpu.memory_space<hbm>>) target(%arg5 : memref<800xi32, #tpu.memory_space<vmem>>) target_semaphore(%run_scoped3A : memref<!tpu.dma_semaphore, #tpu.memory_space<semaphore_mem>>)
      %dma_wait3A_770 = tpu.memref_slice %arg2[%add3A_510] : memref<819200xi32, #tpu.memory_space<hbm>> -> memref<800xi32, #tpu.memory_space<hbm>>
      %dma_wait3A_771 = tpu.memref_slice %arg2[%add3A_510] : memref<819200xi32, #tpu.memory_space<hbm>> -> memref<800xi32, #tpu.memory_space<hbm>>
      tpu.wait_dma2 semaphore(%run_scoped3A : memref<!tpu.dma_semaphore, #tpu.memory_space<semaphore_mem>>) src(%dma_wait3A_771 : memref<800xi32, #tpu.memory_space<hbm>>) dst(%arg5 : memref<800xi32, #tpu.memory_space<vmem>>)
      tpu.yield
    }) : () -> ()
    %dma_start3A_511 = arith.constant 0 : i32
    %dma_start3A_512 = arith.constant 0 : i32
    %dma_start3A_513 = tpu.memref_slice %arg3[%dma_start3A_511, %dma_start3A_512] : memref<1000000x64xf32, #tpu.memory_space<hbm>> -> memref<1000000x64xf32, #tpu.memory_space<hbm>>
    tpu.enqueue_indirect_dma source(%dma_start3A_513 : memref<1000000x64xf32, #tpu.memory_space<hbm>>) target(%arg7 : memref<800x64xf32, #tpu.memory_space<vmem>>) offsets(%arg5 : memref<800xi32, #tpu.memory_space<vmem>>) semaphore(%arg9 : memref<!tpu.dma_semaphore, #tpu.memory_space<semaphore_mem>>)
    %dma_wait3A_514 = arith.constant 0 : i32
    %dma_wait3A_515 = arith.constant 0 : i32
    %dma_wait3A_516 = tpu.memref_slice %arg3[%dma_wait3A_514, %dma_wait3A_515] : memref<1000000x64xf32, #tpu.memory_space<hbm>> -> memref<1000000x64xf32, #tpu.memory_space<hbm>>
    tpu.wait_indirect_dma semaphore(%arg10 : memref<!tpu.dma_semaphore, #tpu.memory_space<semaphore_mem>>) src(%dma_wait3A_516 : memref<1000000x64xf32, #tpu.memory_space<hbm>>) dst(%arg8 : memref<800x64xf32, #tpu.memory_space<vmem>>)
    %scan3A_517 = arith.constant 0 : i32
    %scan3A_518 = arith.constant 0 : i32
    %scan3A_519 = arith.constant 800 : i32
    %scan3A_520 = arith.addi %scan3A_518, %scan3A_519 : i32
    %scan3A_521 = arith.constant 1 : i32
    scf.for %scan3A_768 = %scan3A_518 to %scan3A_520 step %scan3A_521  : i32 {
      %get3A = arith.index_cast %scan3A_768 : i32 to index
      %get3A_769 = arith.constant 0 : index
      %get3A_770 = tpu.vector_load %arg8[%get3A, %get3A_769] {strides = array<i32>} : memref<800x64xf32, #tpu.memory_space<vmem>>, vector<1x16xf32>,
      %get3A_771 = vector.shape_cast %get3A_770 : vector<1x16xf32> to vector<16xf32>
      %mul3A_772 = arith.constant 8.000000e+00 : f32
      %mul3A_773 = vector.broadcast %mul3A_772 : f32 to vector<16xf32>
      %mul3A_774 = arith.mulf %get3A_771, %mul3A_773 : vector<16xf32>
      %swap3A = arith.index_cast %scan3A_768 : i32 to index
      %swap3A_775 = arith.constant 0 : index
      %swap3A_776 = tpu.vector_load %arg8[%swap3A, %swap3A_775] {strides = array<i32>} : memref<800x64xf32, #tpu.memory_space<vmem>>, vector<1x16xf32>,
      %swap3A_777 = vector.shape_cast %swap3A_776 : vector<1x16xf32> to vector<16xf32>
      %swap3A_778 = vector.shape_cast %mul3A_774 : vector<16xf32> to vector<1x16xf32>
      tpu.vector_store %arg8[%swap3A, %swap3A_775], %swap3A_778 {strides = array<i32>} : memref<800x64xf32, #tpu.memory_space<vmem>>, vector<1x16xf32>,
      %get3A_779 = arith.index_cast %scan3A_768 : i32 to index
      %get3A_780 = arith.constant 16 : index
      %get3A_781 = tpu.vector_load %arg8[%get3A_779, %get3A_780] {strides = array<i32>} : memref<800x64xf32, #tpu.memory_space<vmem>>, vector<1x16xf32>,
      %get3A_782 = vector.shape_cast %get3A_781 : vector<1x16xf32> to vector<16xf32>
      %mul3A_783 = arith.constant 8.000000e+00 : f32
      %mul3A_784 = vector.broadcast %mul3A_783 : f32 to vector<16xf32>
      %mul3A_785 = arith.mulf %get3A_782, %mul3A_784 : vector<16xf32>
      %swap3A_786 = arith.index_cast %scan3A_768 : i32 to index
      %swap3A_787 = arith.constant 16 : index
      %swap3A_788 = tpu.vector_load %arg8[%swap3A_786, %swap3A_787] {strides = array<i32>} : memref<800x64xf32, #tpu.memory_space<vmem>>, vector<1x16xf32>,
      %swap3A_789 = vector.shape_cast %swap3A_788 : vector<1x16xf32> to vector<16xf32>
      %swap3A_790 = vector.shape_cast %mul3A_785 : vector<16xf32> to vector<1x16xf32>
      tpu.vector_store %arg8[%swap3A_786, %swap3A_787], %swap3A_790 {strides = array<i32>} : memref<800x64xf32, #tpu.memory_space<vmem>>, vector<1x16xf32>,
      %get3A_791 = arith.index_cast %scan3A_768 : i32 to index
      %get3A_792 = arith.constant 32 : index
      %get3A_793 = tpu.vector_load %arg8[%get3A_791, %get3A_792] {strides = array<i32>} : memref<800x64xf32, #tpu.memory_space<vmem>>, vector<1x16xf32>,
      %get3A_794 = vector.shape_cast %get3A_793 : vector<1x16xf32> to vector<16xf32>
      %mul3A_795 = arith.constant 8.000000e+00 : f32
      %mul3A_796 = vector.broadcast %mul3A_795 : f32 to vector<16xf32>
      %mul3A_797 = arith.mulf %get3A_794, %mul3A_796 : vector<16xf32>
      %swap3A_798 = arith.index_cast %scan3A_768 : i32 to index
      %swap3A_799 = arith.constant 32 : index
      %swap3A_800 = tpu.vector_load %arg8[%swap3A_798, %swap3A_799] {strides = array<i32>} : memref<800x64xf32, #tpu.memory_space<vmem>>, vector<1x16xf32>,
      %swap3A_801 = vector.shape_cast %swap3A_800 : vector<1x16xf32> to vector<16xf32>
      %swap3A_802 = vector.shape_cast %mul3A_797 : vector<16xf32> to vector<1x16xf32>
      tpu.vector_store %arg8[%swap3A_798, %swap3A_799], %swap3A_802 {strides = array<i32>} : memref<800x64xf32, #tpu.memory_space<vmem>>, vector<1x16xf32>,
      %get3A_803 = arith.index_cast %scan3A_768 : i32 to index
      %get3A_804 = arith.constant 48 : index
      %get3A_805 = tpu.vector_load %arg8[%get3A_803, %get3A_804] {strides = array<i32>} : memref<800x64xf32, #tpu.memory_space<vmem>>, vector<1x16xf32>,
      %get3A_806 = vector.shape_cast %get3A_805 : vector<1x16xf32> to vector<16xf32>
      %mul3A_807 = arith.constant 8.000000e+00 : f32
      %mul3A_808 = vector.broadcast %mul3A_807 : f32 to vector<16xf32>
      %mul3A_809 = arith.mulf %get3A_806, %mul3A_808 : vector<16xf32>
      %swap3A_810 = arith.index_cast %scan3A_768 : i32 to index
      %swap3A_811 = arith.constant 48 : index
      %swap3A_812 = tpu.vector_load %arg8[%swap3A_810, %swap3A_811] {strides = array<i32>} : memref<800x64xf32, #tpu.memory_space<vmem>>, vector<1x16xf32>,
      %swap3A_813 = vector.shape_cast %swap3A_812 : vector<1x16xf32> to vector<16xf32>
      %swap3A_814 = vector.shape_cast %mul3A_809 : vector<16xf32> to vector<1x16xf32>
      tpu.vector_store %arg8[%swap3A_810, %swap3A_811], %swap3A_814 {strides = array<i32>} : memref<800x64xf32, #tpu.memory_space<vmem>>, vector<1x16xf32>,
    }
    %scan3A_522 = arith.constant 800 : i32
    %add3A_523 = arith.constant 16800 : i32
    %add3A_524 = arith.addi %mul3A_2, %add3A_523 : i32
    %dma_start3A_525 = arith.constant 0 : i32
    %dma_start3A_526 = tpu.memref_slice %arg4[%add3A_524, %dma_start3A_525] : memref<819200x64xf32, #tpu.memory_space<hbm>> -> memref<800x64xf32, #tpu.memory_space<hbm>>
    %dma_start3A_527 = arith.constant 0 : i32
    %dma_start3A_528 = tpu.memref_slice %arg4[%add3A_524, %dma_start3A_527] : memref<819200x64xf32, #tpu.memory_space<hbm>> -> memref<800x64xf32, #tpu.memory_space<hbm>>
    tpu.enqueue_dma source(%arg8 : memref<800x64xf32, #tpu.memory_space<vmem>>) target(%dma_start3A_528 : memref<800x64xf32, #tpu.memory_space<hbm>>) target_semaphore(%arg12 : memref<!tpu.dma_semaphore, #tpu.memory_space<semaphore_mem>>)
    %dma_wait3A_529 = arith.constant 0 : i32
    %dma_wait3A_530 = tpu.memref_slice %arg4[%add3A_524, %dma_wait3A_529] : memref<819200x64xf32, #tpu.memory_space<hbm>> -> memref<800x64xf32, #tpu.memory_space<hbm>>
    %dma_wait3A_531 = arith.constant 0 : i32
    %dma_wait3A_532 = tpu.memref_slice %arg4[%add3A_524, %dma_wait3A_531] : memref<819200x64xf32, #tpu.memory_space<hbm>> -> memref<800x64xf32, #tpu.memory_space<hbm>>
    tpu.wait_dma2 semaphore(%arg12 : memref<!tpu.dma_semaphore, #tpu.memory_space<semaphore_mem>>) src(%arg8 : memref<800x64xf32, #tpu.memory_space<vmem>>) dst(%dma_wait3A_532 : memref<800x64xf32, #tpu.memory_space<hbm>>)
    %add3A_533 = arith.constant 18400 : i32
    %add3A_534 = arith.addi %mul3A_2, %add3A_533 : i32
    "tpu.region"() ({
      %run_scoped3A = tpu.sem_alloc : memref<!tpu.dma_semaphore, #tpu.memory_space<semaphore_mem>>
      %dma_start3A_768 = tpu.memref_slice %arg2[%add3A_534] : memref<819200xi32, #tpu.memory_space<hbm>> -> memref<800xi32, #tpu.memory_space<hbm>>
      %dma_start3A_769 = tpu.memref_slice %arg2[%add3A_534] : memref<819200xi32, #tpu.memory_space<hbm>> -> memref<800xi32, #tpu.memory_space<hbm>>
      tpu.enqueue_dma source(%dma_start3A_769 : memref<800xi32, #tpu.memory_space<hbm>>) target(%arg6 : memref<800xi32, #tpu.memory_space<vmem>>) target_semaphore(%run_scoped3A : memref<!tpu.dma_semaphore, #tpu.memory_space<semaphore_mem>>)
      %dma_wait3A_770 = tpu.memref_slice %arg2[%add3A_534] : memref<819200xi32, #tpu.memory_space<hbm>> -> memref<800xi32, #tpu.memory_space<hbm>>
      %dma_wait3A_771 = tpu.memref_slice %arg2[%add3A_534] : memref<819200xi32, #tpu.memory_space<hbm>> -> memref<800xi32, #tpu.memory_space<hbm>>
      tpu.wait_dma2 semaphore(%run_scoped3A : memref<!tpu.dma_semaphore, #tpu.memory_space<semaphore_mem>>) src(%dma_wait3A_771 : memref<800xi32, #tpu.memory_space<hbm>>) dst(%arg6 : memref<800xi32, #tpu.memory_space<vmem>>)
      tpu.yield
    }) : () -> ()
    %dma_start3A_535 = arith.constant 0 : i32
    %dma_start3A_536 = arith.constant 0 : i32
    %dma_start3A_537 = tpu.memref_slice %arg3[%dma_start3A_535, %dma_start3A_536] : memref<1000000x64xf32, #tpu.memory_space<hbm>> -> memref<1000000x64xf32, #tpu.memory_space<hbm>>
    tpu.enqueue_indirect_dma source(%dma_start3A_537 : memref<1000000x64xf32, #tpu.memory_space<hbm>>) target(%arg8 : memref<800x64xf32, #tpu.memory_space<vmem>>) offsets(%arg6 : memref<800xi32, #tpu.memory_space<vmem>>) semaphore(%arg10 : memref<!tpu.dma_semaphore, #tpu.memory_space<semaphore_mem>>)
    %dma_wait3A_538 = arith.constant 0 : i32
    %dma_wait3A_539 = arith.constant 0 : i32
    %dma_wait3A_540 = tpu.memref_slice %arg3[%dma_wait3A_538, %dma_wait3A_539] : memref<1000000x64xf32, #tpu.memory_space<hbm>> -> memref<1000000x64xf32, #tpu.memory_space<hbm>>
    tpu.wait_indirect_dma semaphore(%arg9 : memref<!tpu.dma_semaphore, #tpu.memory_space<semaphore_mem>>) src(%dma_wait3A_540 : memref<1000000x64xf32, #tpu.memory_space<hbm>>) dst(%arg7 : memref<800x64xf32, #tpu.memory_space<vmem>>)
    %scan3A_541 = arith.constant 0 : i32
    %scan3A_542 = arith.constant 0 : i32
    %scan3A_543 = arith.constant 800 : i32
    %scan3A_544 = arith.addi %scan3A_542, %scan3A_543 : i32
    %scan3A_545 = arith.constant 1 : i32
    scf.for %scan3A_768 = %scan3A_542 to %scan3A_544 step %scan3A_545  : i32 {
      %get3A = arith.index_cast %scan3A_768 : i32 to index
      %get3A_769 = arith.constant 0 : index
      %get3A_770 = tpu.vector_load %arg7[%get3A, %get3A_769] {strides = array<i32>} : memref<800x64xf32, #tpu.memory_space<vmem>>, vector<1x16xf32>,
      %get3A_771 = vector.shape_cast %get3A_770 : vector<1x16xf32> to vector<16xf32>
      %mul3A_772 = arith.constant 8.000000e+00 : f32
      %mul3A_773 = vector.broadcast %mul3A_772 : f32 to vector<16xf32>
      %mul3A_774 = arith.mulf %get3A_771, %mul3A_773 : vector<16xf32>
      %swap3A = arith.index_cast %scan3A_768 : i32 to index
      %swap3A_775 = arith.constant 0 : index
      %swap3A_776 = tpu.vector_load %arg7[%swap3A, %swap3A_775] {strides = array<i32>} : memref<800x64xf32, #tpu.memory_space<vmem>>, vector<1x16xf32>,
      %swap3A_777 = vector.shape_cast %swap3A_776 : vector<1x16xf32> to vector<16xf32>
      %swap3A_778 = vector.shape_cast %mul3A_774 : vector<16xf32> to vector<1x16xf32>
      tpu.vector_store %arg7[%swap3A, %swap3A_775], %swap3A_778 {strides = array<i32>} : memref<800x64xf32, #tpu.memory_space<vmem>>, vector<1x16xf32>,
      %get3A_779 = arith.index_cast %scan3A_768 : i32 to index
      %get3A_780 = arith.constant 16 : index
      %get3A_781 = tpu.vector_load %arg7[%get3A_779, %get3A_780] {strides = array<i32>} : memref<800x64xf32, #tpu.memory_space<vmem>>, vector<1x16xf32>,
      %get3A_782 = vector.shape_cast %get3A_781 : vector<1x16xf32> to vector<16xf32>
      %mul3A_783 = arith.constant 8.000000e+00 : f32
      %mul3A_784 = vector.broadcast %mul3A_783 : f32 to vector<16xf32>
      %mul3A_785 = arith.mulf %get3A_782, %mul3A_784 : vector<16xf32>
      %swap3A_786 = arith.index_cast %scan3A_768 : i32 to index
      %swap3A_787 = arith.constant 16 : index
      %swap3A_788 = tpu.vector_load %arg7[%swap3A_786, %swap3A_787] {strides = array<i32>} : memref<800x64xf32, #tpu.memory_space<vmem>>, vector<1x16xf32>,
      %swap3A_789 = vector.shape_cast %swap3A_788 : vector<1x16xf32> to vector<16xf32>
      %swap3A_790 = vector.shape_cast %mul3A_785 : vector<16xf32> to vector<1x16xf32>
      tpu.vector_store %arg7[%swap3A_786, %swap3A_787], %swap3A_790 {strides = array<i32>} : memref<800x64xf32, #tpu.memory_space<vmem>>, vector<1x16xf32>,
      %get3A_791 = arith.index_cast %scan3A_768 : i32 to index
      %get3A_792 = arith.constant 32 : index
      %get3A_793 = tpu.vector_load %arg7[%get3A_791, %get3A_792] {strides = array<i32>} : memref<800x64xf32, #tpu.memory_space<vmem>>, vector<1x16xf32>,
      %get3A_794 = vector.shape_cast %get3A_793 : vector<1x16xf32> to vector<16xf32>
      %mul3A_795 = arith.constant 8.000000e+00 : f32
      %mul3A_796 = vector.broadcast %mul3A_795 : f32 to vector<16xf32>
      %mul3A_797 = arith.mulf %get3A_794, %mul3A_796 : vector<16xf32>
      %swap3A_798 = arith.index_cast %scan3A_768 : i32 to index
      %swap3A_799 = arith.constant 32 : index
      %swap3A_800 = tpu.vector_load %arg7[%swap3A_798, %swap3A_799] {strides = array<i32>} : memref<800x64xf32, #tpu.memory_space<vmem>>, vector<1x16xf32>,
      %swap3A_801 = vector.shape_cast %swap3A_800 : vector<1x16xf32> to vector<16xf32>
      %swap3A_802 = vector.shape_cast %mul3A_797 : vector<16xf32> to vector<1x16xf32>
      tpu.vector_store %arg7[%swap3A_798, %swap3A_799], %swap3A_802 {strides = array<i32>} : memref<800x64xf32, #tpu.memory_space<vmem>>, vector<1x16xf32>,
      %get3A_803 = arith.index_cast %scan3A_768 : i32 to index
      %get3A_804 = arith.constant 48 : index
      %get3A_805 = tpu.vector_load %arg7[%get3A_803, %get3A_804] {strides = array<i32>} : memref<800x64xf32, #tpu.memory_space<vmem>>, vector<1x16xf32>,
      %get3A_806 = vector.shape_cast %get3A_805 : vector<1x16xf32> to vector<16xf32>
      %mul3A_807 = arith.constant 8.000000e+00 : f32
      %mul3A_808 = vector.broadcast %mul3A_807 : f32 to vector<16xf32>
      %mul3A_809 = arith.mulf %get3A_806, %mul3A_808 : vector<16xf32>
      %swap3A_810 = arith.index_cast %scan3A_768 : i32 to index
      %swap3A_811 = arith.constant 48 : index
      %swap3A_812 = tpu.vector_load %arg7[%swap3A_810, %swap3A_811] {strides = array<i32>} : memref<800x64xf32, #tpu.memory_space<vmem>>, vector<1x16xf32>,
      %swap3A_813 = vector.shape_cast %swap3A_812 : vector<1x16xf32> to vector<16xf32>
      %swap3A_814 = vector.shape_cast %mul3A_809 : vector<16xf32> to vector<1x16xf32>
      tpu.vector_store %arg7[%swap3A_810, %swap3A_811], %swap3A_814 {strides = array<i32>} : memref<800x64xf32, #tpu.memory_space<vmem>>, vector<1x16xf32>,
    }
    %scan3A_546 = arith.constant 800 : i32
    %add3A_547 = arith.constant 17600 : i32
    %add3A_548 = arith.addi %mul3A_2, %add3A_547 : i32
    %dma_start3A_549 = arith.constant 0 : i32
    %dma_start3A_550 = tpu.memref_slice %arg4[%add3A_548, %dma_start3A_549] : memref<819200x64xf32, #tpu.memory_space<hbm>> -> memref<800x64xf32, #tpu.memory_space<hbm>>
    %dma_start3A_551 = arith.constant 0 : i32
    %dma_start3A_552 = tpu.memref_slice %arg4[%add3A_548, %dma_start3A_551] : memref<819200x64xf32, #tpu.memory_space<hbm>> -> memref<800x64xf32, #tpu.memory_space<hbm>>
    tpu.enqueue_dma source(%arg7 : memref<800x64xf32, #tpu.memory_space<vmem>>) target(%dma_start3A_552 : memref<800x64xf32, #tpu.memory_space<hbm>>) target_semaphore(%arg11 : memref<!tpu.dma_semaphore, #tpu.memory_space<semaphore_mem>>)
    %dma_wait3A_553 = arith.constant 0 : i32
    %dma_wait3A_554 = tpu.memref_slice %arg4[%add3A_548, %dma_wait3A_553] : memref<819200x64xf32, #tpu.memory_space<hbm>> -> memref<800x64xf32, #tpu.memory_space<hbm>>
    %dma_wait3A_555 = arith.constant 0 : i32
    %dma_wait3A_556 = tpu.memref_slice %arg4[%add3A_548, %dma_wait3A_555] : memref<819200x64xf32, #tpu.memory_space<hbm>> -> memref<800x64xf32, #tpu.memory_space<hbm>>
    tpu.wait_dma2 semaphore(%arg11 : memref<!tpu.dma_semaphore, #tpu.memory_space<semaphore_mem>>) src(%arg7 : memref<800x64xf32, #tpu.memory_space<vmem>>) dst(%dma_wait3A_556 : memref<800x64xf32, #tpu.memory_space<hbm>>)
    %add3A_557 = arith.constant 19200 : i32
    %add3A_558 = arith.addi %mul3A_2, %add3A_557 : i32
    "tpu.region"() ({
      %run_scoped3A = tpu.sem_alloc : memref<!tpu.dma_semaphore, #tpu.memory_space<semaphore_mem>>
      %dma_start3A_768 = tpu.memref_slice %arg2[%add3A_558] : memref<819200xi32, #tpu.memory_space<hbm>> -> memref<800xi32, #tpu.memory_space<hbm>>
      %dma_start3A_769 = tpu.memref_slice %arg2[%add3A_558] : memref<819200xi32, #tpu.memory_space<hbm>> -> memref<800xi32, #tpu.memory_space<hbm>>
      tpu.enqueue_dma source(%dma_start3A_769 : memref<800xi32, #tpu.memory_space<hbm>>) target(%arg5 : memref<800xi32, #tpu.memory_space<vmem>>) target_semaphore(%run_scoped3A : memref<!tpu.dma_semaphore, #tpu.memory_space<semaphore_mem>>)
      %dma_wait3A_770 = tpu.memref_slice %arg2[%add3A_558] : memref<819200xi32, #tpu.memory_space<hbm>> -> memref<800xi32, #tpu.memory_space<hbm>>
      %dma_wait3A_771 = tpu.memref_slice %arg2[%add3A_558] : memref<819200xi32, #tpu.memory_space<hbm>> -> memref<800xi32, #tpu.memory_space<hbm>>
      tpu.wait_dma2 semaphore(%run_scoped3A : memref<!tpu.dma_semaphore, #tpu.memory_space<semaphore_mem>>) src(%dma_wait3A_771 : memref<800xi32, #tpu.memory_space<hbm>>) dst(%arg5 : memref<800xi32, #tpu.memory_space<vmem>>)
      tpu.yield
    }) : () -> ()
    %dma_start3A_559 = arith.constant 0 : i32
    %dma_start3A_560 = arith.constant 0 : i32
    %dma_start3A_561 = tpu.memref_slice %arg3[%dma_start3A_559, %dma_start3A_560] : memref<1000000x64xf32, #tpu.memory_space<hbm>> -> memref<1000000x64xf32, #tpu.memory_space<hbm>>
    tpu.enqueue_indirect_dma source(%dma_start3A_561 : memref<1000000x64xf32, #tpu.memory_space<hbm>>) target(%arg7 : memref<800x64xf32, #tpu.memory_space<vmem>>) offsets(%arg5 : memref<800xi32, #tpu.memory_space<vmem>>) semaphore(%arg9 : memref<!tpu.dma_semaphore, #tpu.memory_space<semaphore_mem>>)
    %dma_wait3A_562 = arith.constant 0 : i32
    %dma_wait3A_563 = arith.constant 0 : i32
    %dma_wait3A_564 = tpu.memref_slice %arg3[%dma_wait3A_562, %dma_wait3A_563] : memref<1000000x64xf32, #tpu.memory_space<hbm>> -> memref<1000000x64xf32, #tpu.memory_space<hbm>>
    tpu.wait_indirect_dma semaphore(%arg10 : memref<!tpu.dma_semaphore, #tpu.memory_space<semaphore_mem>>) src(%dma_wait3A_564 : memref<1000000x64xf32, #tpu.memory_space<hbm>>) dst(%arg8 : memref<800x64xf32, #tpu.memory_space<vmem>>)
    %scan3A_565 = arith.constant 0 : i32
    %scan3A_566 = arith.constant 0 : i32
    %scan3A_567 = arith.constant 800 : i32
    %scan3A_568 = arith.addi %scan3A_566, %scan3A_567 : i32
    %scan3A_569 = arith.constant 1 : i32
    scf.for %scan3A_768 = %scan3A_566 to %scan3A_568 step %scan3A_569  : i32 {
      %get3A = arith.index_cast %scan3A_768 : i32 to index
      %get3A_769 = arith.constant 0 : index
      %get3A_770 = tpu.vector_load %arg8[%get3A, %get3A_769] {strides = array<i32>} : memref<800x64xf32, #tpu.memory_space<vmem>>, vector<1x16xf32>,
      %get3A_771 = vector.shape_cast %get3A_770 : vector<1x16xf32> to vector<16xf32>
      %mul3A_772 = arith.constant 8.000000e+00 : f32
      %mul3A_773 = vector.broadcast %mul3A_772 : f32 to vector<16xf32>
      %mul3A_774 = arith.mulf %get3A_771, %mul3A_773 : vector<16xf32>
      %swap3A = arith.index_cast %scan3A_768 : i32 to index
      %swap3A_775 = arith.constant 0 : index
      %swap3A_776 = tpu.vector_load %arg8[%swap3A, %swap3A_775] {strides = array<i32>} : memref<800x64xf32, #tpu.memory_space<vmem>>, vector<1x16xf32>,
      %swap3A_777 = vector.shape_cast %swap3A_776 : vector<1x16xf32> to vector<16xf32>
      %swap3A_778 = vector.shape_cast %mul3A_774 : vector<16xf32> to vector<1x16xf32>
      tpu.vector_store %arg8[%swap3A, %swap3A_775], %swap3A_778 {strides = array<i32>} : memref<800x64xf32, #tpu.memory_space<vmem>>, vector<1x16xf32>,
      %get3A_779 = arith.index_cast %scan3A_768 : i32 to index
      %get3A_780 = arith.constant 16 : index
      %get3A_781 = tpu.vector_load %arg8[%get3A_779, %get3A_780] {strides = array<i32>} : memref<800x64xf32, #tpu.memory_space<vmem>>, vector<1x16xf32>,
      %get3A_782 = vector.shape_cast %get3A_781 : vector<1x16xf32> to vector<16xf32>
      %mul3A_783 = arith.constant 8.000000e+00 : f32
      %mul3A_784 = vector.broadcast %mul3A_783 : f32 to vector<16xf32>
      %mul3A_785 = arith.mulf %get3A_782, %mul3A_784 : vector<16xf32>
      %swap3A_786 = arith.index_cast %scan3A_768 : i32 to index
      %swap3A_787 = arith.constant 16 : index
      %swap3A_788 = tpu.vector_load %arg8[%swap3A_786, %swap3A_787] {strides = array<i32>} : memref<800x64xf32, #tpu.memory_space<vmem>>, vector<1x16xf32>,
      %swap3A_789 = vector.shape_cast %swap3A_788 : vector<1x16xf32> to vector<16xf32>
      %swap3A_790 = vector.shape_cast %mul3A_785 : vector<16xf32> to vector<1x16xf32>
      tpu.vector_store %arg8[%swap3A_786, %swap3A_787], %swap3A_790 {strides = array<i32>} : memref<800x64xf32, #tpu.memory_space<vmem>>, vector<1x16xf32>,
      %get3A_791 = arith.index_cast %scan3A_768 : i32 to index
      %get3A_792 = arith.constant 32 : index
      %get3A_793 = tpu.vector_load %arg8[%get3A_791, %get3A_792] {strides = array<i32>} : memref<800x64xf32, #tpu.memory_space<vmem>>, vector<1x16xf32>,
      %get3A_794 = vector.shape_cast %get3A_793 : vector<1x16xf32> to vector<16xf32>
      %mul3A_795 = arith.constant 8.000000e+00 : f32
      %mul3A_796 = vector.broadcast %mul3A_795 : f32 to vector<16xf32>
      %mul3A_797 = arith.mulf %get3A_794, %mul3A_796 : vector<16xf32>
      %swap3A_798 = arith.index_cast %scan3A_768 : i32 to index
      %swap3A_799 = arith.constant 32 : index
      %swap3A_800 = tpu.vector_load %arg8[%swap3A_798, %swap3A_799] {strides = array<i32>} : memref<800x64xf32, #tpu.memory_space<vmem>>, vector<1x16xf32>,
      %swap3A_801 = vector.shape_cast %swap3A_800 : vector<1x16xf32> to vector<16xf32>
      %swap3A_802 = vector.shape_cast %mul3A_797 : vector<16xf32> to vector<1x16xf32>
      tpu.vector_store %arg8[%swap3A_798, %swap3A_799], %swap3A_802 {strides = array<i32>} : memref<800x64xf32, #tpu.memory_space<vmem>>, vector<1x16xf32>,
      %get3A_803 = arith.index_cast %scan3A_768 : i32 to index
      %get3A_804 = arith.constant 48 : index
      %get3A_805 = tpu.vector_load %arg8[%get3A_803, %get3A_804] {strides = array<i32>} : memref<800x64xf32, #tpu.memory_space<vmem>>, vector<1x16xf32>,
      %get3A_806 = vector.shape_cast %get3A_805 : vector<1x16xf32> to vector<16xf32>
      %mul3A_807 = arith.constant 8.000000e+00 : f32
      %mul3A_808 = vector.broadcast %mul3A_807 : f32 to vector<16xf32>
      %mul3A_809 = arith.mulf %get3A_806, %mul3A_808 : vector<16xf32>
      %swap3A_810 = arith.index_cast %scan3A_768 : i32 to index
      %swap3A_811 = arith.constant 48 : index
      %swap3A_812 = tpu.vector_load %arg8[%swap3A_810, %swap3A_811] {strides = array<i32>} : memref<800x64xf32, #tpu.memory_space<vmem>>, vector<1x16xf32>,
      %swap3A_813 = vector.shape_cast %swap3A_812 : vector<1x16xf32> to vector<16xf32>
      %swap3A_814 = vector.shape_cast %mul3A_809 : vector<16xf32> to vector<1x16xf32>
      tpu.vector_store %arg8[%swap3A_810, %swap3A_811], %swap3A_814 {strides = array<i32>} : memref<800x64xf32, #tpu.memory_space<vmem>>, vector<1x16xf32>,
    }
    %scan3A_570 = arith.constant 800 : i32
    %add3A_571 = arith.constant 18400 : i32
    %add3A_572 = arith.addi %mul3A_2, %add3A_571 : i32
    %dma_start3A_573 = arith.constant 0 : i32
    %dma_start3A_574 = tpu.memref_slice %arg4[%add3A_572, %dma_start3A_573] : memref<819200x64xf32, #tpu.memory_space<hbm>> -> memref<800x64xf32, #tpu.memory_space<hbm>>
    %dma_start3A_575 = arith.constant 0 : i32
    %dma_start3A_576 = tpu.memref_slice %arg4[%add3A_572, %dma_start3A_575] : memref<819200x64xf32, #tpu.memory_space<hbm>> -> memref<800x64xf32, #tpu.memory_space<hbm>>
    tpu.enqueue_dma source(%arg8 : memref<800x64xf32, #tpu.memory_space<vmem>>) target(%dma_start3A_576 : memref<800x64xf32, #tpu.memory_space<hbm>>) target_semaphore(%arg12 : memref<!tpu.dma_semaphore, #tpu.memory_space<semaphore_mem>>)
    %dma_wait3A_577 = arith.constant 0 : i32
    %dma_wait3A_578 = tpu.memref_slice %arg4[%add3A_572, %dma_wait3A_577] : memref<819200x64xf32, #tpu.memory_space<hbm>> -> memref<800x64xf32, #tpu.memory_space<hbm>>
    %dma_wait3A_579 = arith.constant 0 : i32
    %dma_wait3A_580 = tpu.memref_slice %arg4[%add3A_572, %dma_wait3A_579] : memref<819200x64xf32, #tpu.memory_space<hbm>> -> memref<800x64xf32, #tpu.memory_space<hbm>>
    tpu.wait_dma2 semaphore(%arg12 : memref<!tpu.dma_semaphore, #tpu.memory_space<semaphore_mem>>) src(%arg8 : memref<800x64xf32, #tpu.memory_space<vmem>>) dst(%dma_wait3A_580 : memref<800x64xf32, #tpu.memory_space<hbm>>)
    %add3A_581 = arith.constant 20000 : i32
    %add3A_582 = arith.addi %mul3A_2, %add3A_581 : i32
    "tpu.region"() ({
      %run_scoped3A = tpu.sem_alloc : memref<!tpu.dma_semaphore, #tpu.memory_space<semaphore_mem>>
      %dma_start3A_768 = tpu.memref_slice %arg2[%add3A_582] : memref<819200xi32, #tpu.memory_space<hbm>> -> memref<800xi32, #tpu.memory_space<hbm>>
      %dma_start3A_769 = tpu.memref_slice %arg2[%add3A_582] : memref<819200xi32, #tpu.memory_space<hbm>> -> memref<800xi32, #tpu.memory_space<hbm>>
      tpu.enqueue_dma source(%dma_start3A_769 : memref<800xi32, #tpu.memory_space<hbm>>) target(%arg6 : memref<800xi32, #tpu.memory_space<vmem>>) target_semaphore(%run_scoped3A : memref<!tpu.dma_semaphore, #tpu.memory_space<semaphore_mem>>)
      %dma_wait3A_770 = tpu.memref_slice %arg2[%add3A_582] : memref<819200xi32, #tpu.memory_space<hbm>> -> memref<800xi32, #tpu.memory_space<hbm>>
      %dma_wait3A_771 = tpu.memref_slice %arg2[%add3A_582] : memref<819200xi32, #tpu.memory_space<hbm>> -> memref<800xi32, #tpu.memory_space<hbm>>
      tpu.wait_dma2 semaphore(%run_scoped3A : memref<!tpu.dma_semaphore, #tpu.memory_space<semaphore_mem>>) src(%dma_wait3A_771 : memref<800xi32, #tpu.memory_space<hbm>>) dst(%arg6 : memref<800xi32, #tpu.memory_space<vmem>>)
      tpu.yield
    }) : () -> ()
    %dma_start3A_583 = arith.constant 0 : i32
    %dma_start3A_584 = arith.constant 0 : i32
    %dma_start3A_585 = tpu.memref_slice %arg3[%dma_start3A_583, %dma_start3A_584] : memref<1000000x64xf32, #tpu.memory_space<hbm>> -> memref<1000000x64xf32, #tpu.memory_space<hbm>>
    tpu.enqueue_indirect_dma source(%dma_start3A_585 : memref<1000000x64xf32, #tpu.memory_space<hbm>>) target(%arg8 : memref<800x64xf32, #tpu.memory_space<vmem>>) offsets(%arg6 : memref<800xi32, #tpu.memory_space<vmem>>) semaphore(%arg10 : memref<!tpu.dma_semaphore, #tpu.memory_space<semaphore_mem>>)
    %dma_wait3A_586 = arith.constant 0 : i32
    %dma_wait3A_587 = arith.constant 0 : i32
    %dma_wait3A_588 = tpu.memref_slice %arg3[%dma_wait3A_586, %dma_wait3A_587] : memref<1000000x64xf32, #tpu.memory_space<hbm>> -> memref<1000000x64xf32, #tpu.memory_space<hbm>>
    tpu.wait_indirect_dma semaphore(%arg9 : memref<!tpu.dma_semaphore, #tpu.memory_space<semaphore_mem>>) src(%dma_wait3A_588 : memref<1000000x64xf32, #tpu.memory_space<hbm>>) dst(%arg7 : memref<800x64xf32, #tpu.memory_space<vmem>>)
    %scan3A_589 = arith.constant 0 : i32
    %scan3A_590 = arith.constant 0 : i32
    %scan3A_591 = arith.constant 800 : i32
    %scan3A_592 = arith.addi %scan3A_590, %scan3A_591 : i32
    %scan3A_593 = arith.constant 1 : i32
    scf.for %scan3A_768 = %scan3A_590 to %scan3A_592 step %scan3A_593  : i32 {
      %get3A = arith.index_cast %scan3A_768 : i32 to index
      %get3A_769 = arith.constant 0 : index
      %get3A_770 = tpu.vector_load %arg7[%get3A, %get3A_769] {strides = array<i32>} : memref<800x64xf32, #tpu.memory_space<vmem>>, vector<1x16xf32>,
      %get3A_771 = vector.shape_cast %get3A_770 : vector<1x16xf32> to vector<16xf32>
      %mul3A_772 = arith.constant 8.000000e+00 : f32
      %mul3A_773 = vector.broadcast %mul3A_772 : f32 to vector<16xf32>
      %mul3A_774 = arith.mulf %get3A_771, %mul3A_773 : vector<16xf32>
      %swap3A = arith.index_cast %scan3A_768 : i32 to index
      %swap3A_775 = arith.constant 0 : index
      %swap3A_776 = tpu.vector_load %arg7[%swap3A, %swap3A_775] {strides = array<i32>} : memref<800x64xf32, #tpu.memory_space<vmem>>, vector<1x16xf32>,
      %swap3A_777 = vector.shape_cast %swap3A_776 : vector<1x16xf32> to vector<16xf32>
      %swap3A_778 = vector.shape_cast %mul3A_774 : vector<16xf32> to vector<1x16xf32>
      tpu.vector_store %arg7[%swap3A, %swap3A_775], %swap3A_778 {strides = array<i32>} : memref<800x64xf32, #tpu.memory_space<vmem>>, vector<1x16xf32>,
      %get3A_779 = arith.index_cast %scan3A_768 : i32 to index
      %get3A_780 = arith.constant 16 : index
      %get3A_781 = tpu.vector_load %arg7[%get3A_779, %get3A_780] {strides = array<i32>} : memref<800x64xf32, #tpu.memory_space<vmem>>, vector<1x16xf32>,
      %get3A_782 = vector.shape_cast %get3A_781 : vector<1x16xf32> to vector<16xf32>
      %mul3A_783 = arith.constant 8.000000e+00 : f32
      %mul3A_784 = vector.broadcast %mul3A_783 : f32 to vector<16xf32>
      %mul3A_785 = arith.mulf %get3A_782, %mul3A_784 : vector<16xf32>
      %swap3A_786 = arith.index_cast %scan3A_768 : i32 to index
      %swap3A_787 = arith.constant 16 : index
      %swap3A_788 = tpu.vector_load %arg7[%swap3A_786, %swap3A_787] {strides = array<i32>} : memref<800x64xf32, #tpu.memory_space<vmem>>, vector<1x16xf32>,
      %swap3A_789 = vector.shape_cast %swap3A_788 : vector<1x16xf32> to vector<16xf32>
      %swap3A_790 = vector.shape_cast %mul3A_785 : vector<16xf32> to vector<1x16xf32>
      tpu.vector_store %arg7[%swap3A_786, %swap3A_787], %swap3A_790 {strides = array<i32>} : memref<800x64xf32, #tpu.memory_space<vmem>>, vector<1x16xf32>,
      %get3A_791 = arith.index_cast %scan3A_768 : i32 to index
      %get3A_792 = arith.constant 32 : index
      %get3A_793 = tpu.vector_load %arg7[%get3A_791, %get3A_792] {strides = array<i32>} : memref<800x64xf32, #tpu.memory_space<vmem>>, vector<1x16xf32>,
      %get3A_794 = vector.shape_cast %get3A_793 : vector<1x16xf32> to vector<16xf32>
      %mul3A_795 = arith.constant 8.000000e+00 : f32
      %mul3A_796 = vector.broadcast %mul3A_795 : f32 to vector<16xf32>
      %mul3A_797 = arith.mulf %get3A_794, %mul3A_796 : vector<16xf32>
      %swap3A_798 = arith.index_cast %scan3A_768 : i32 to index
      %swap3A_799 = arith.constant 32 : index
      %swap3A_800 = tpu.vector_load %arg7[%swap3A_798, %swap3A_799] {strides = array<i32>} : memref<800x64xf32, #tpu.memory_space<vmem>>, vector<1x16xf32>,
      %swap3A_801 = vector.shape_cast %swap3A_800 : vector<1x16xf32> to vector<16xf32>
      %swap3A_802 = vector.shape_cast %mul3A_797 : vector<16xf32> to vector<1x16xf32>
      tpu.vector_store %arg7[%swap3A_798, %swap3A_799], %swap3A_802 {strides = array<i32>} : memref<800x64xf32, #tpu.memory_space<vmem>>, vector<1x16xf32>,
      %get3A_803 = arith.index_cast %scan3A_768 : i32 to index
      %get3A_804 = arith.constant 48 : index
      %get3A_805 = tpu.vector_load %arg7[%get3A_803, %get3A_804] {strides = array<i32>} : memref<800x64xf32, #tpu.memory_space<vmem>>, vector<1x16xf32>,
      %get3A_806 = vector.shape_cast %get3A_805 : vector<1x16xf32> to vector<16xf32>
      %mul3A_807 = arith.constant 8.000000e+00 : f32
      %mul3A_808 = vector.broadcast %mul3A_807 : f32 to vector<16xf32>
      %mul3A_809 = arith.mulf %get3A_806, %mul3A_808 : vector<16xf32>
      %swap3A_810 = arith.index_cast %scan3A_768 : i32 to index
      %swap3A_811 = arith.constant 48 : index
      %swap3A_812 = tpu.vector_load %arg7[%swap3A_810, %swap3A_811] {strides = array<i32>} : memref<800x64xf32, #tpu.memory_space<vmem>>, vector<1x16xf32>,
      %swap3A_813 = vector.shape_cast %swap3A_812 : vector<1x16xf32> to vector<16xf32>
      %swap3A_814 = vector.shape_cast %mul3A_809 : vector<16xf32> to vector<1x16xf32>
      tpu.vector_store %arg7[%swap3A_810, %swap3A_811], %swap3A_814 {strides = array<i32>} : memref<800x64xf32, #tpu.memory_space<vmem>>, vector<1x16xf32>,
    }
    %scan3A_594 = arith.constant 800 : i32
    %add3A_595 = arith.constant 19200 : i32
    %add3A_596 = arith.addi %mul3A_2, %add3A_595 : i32
    %dma_start3A_597 = arith.constant 0 : i32
    %dma_start3A_598 = tpu.memref_slice %arg4[%add3A_596, %dma_start3A_597] : memref<819200x64xf32, #tpu.memory_space<hbm>> -> memref<800x64xf32, #tpu.memory_space<hbm>>
    %dma_start3A_599 = arith.constant 0 : i32
    %dma_start3A_600 = tpu.memref_slice %arg4[%add3A_596, %dma_start3A_599] : memref<819200x64xf32, #tpu.memory_space<hbm>> -> memref<800x64xf32, #tpu.memory_space<hbm>>
    tpu.enqueue_dma source(%arg7 : memref<800x64xf32, #tpu.memory_space<vmem>>) target(%dma_start3A_600 : memref<800x64xf32, #tpu.memory_space<hbm>>) target_semaphore(%arg11 : memref<!tpu.dma_semaphore, #tpu.memory_space<semaphore_mem>>)
    %dma_wait3A_601 = arith.constant 0 : i32
    %dma_wait3A_602 = tpu.memref_slice %arg4[%add3A_596, %dma_wait3A_601] : memref<819200x64xf32, #tpu.memory_space<hbm>> -> memref<800x64xf32, #tpu.memory_space<hbm>>
    %dma_wait3A_603 = arith.constant 0 : i32
    %dma_wait3A_604 = tpu.memref_slice %arg4[%add3A_596, %dma_wait3A_603] : memref<819200x64xf32, #tpu.memory_space<hbm>> -> memref<800x64xf32, #tpu.memory_space<hbm>>
    tpu.wait_dma2 semaphore(%arg11 : memref<!tpu.dma_semaphore, #tpu.memory_space<semaphore_mem>>) src(%arg7 : memref<800x64xf32, #tpu.memory_space<vmem>>) dst(%dma_wait3A_604 : memref<800x64xf32, #tpu.memory_space<hbm>>)
    %add3A_605 = arith.constant 20800 : i32
    %add3A_606 = arith.addi %mul3A_2, %add3A_605 : i32
    "tpu.region"() ({
      %run_scoped3A = tpu.sem_alloc : memref<!tpu.dma_semaphore, #tpu.memory_space<semaphore_mem>>
      %dma_start3A_768 = tpu.memref_slice %arg2[%add3A_606] : memref<819200xi32, #tpu.memory_space<hbm>> -> memref<800xi32, #tpu.memory_space<hbm>>
      %dma_start3A_769 = tpu.memref_slice %arg2[%add3A_606] : memref<819200xi32, #tpu.memory_space<hbm>> -> memref<800xi32, #tpu.memory_space<hbm>>
      tpu.enqueue_dma source(%dma_start3A_769 : memref<800xi32, #tpu.memory_space<hbm>>) target(%arg5 : memref<800xi32, #tpu.memory_space<vmem>>) target_semaphore(%run_scoped3A : memref<!tpu.dma_semaphore, #tpu.memory_space<semaphore_mem>>)
      %dma_wait3A_770 = tpu.memref_slice %arg2[%add3A_606] : memref<819200xi32, #tpu.memory_space<hbm>> -> memref<800xi32, #tpu.memory_space<hbm>>
      %dma_wait3A_771 = tpu.memref_slice %arg2[%add3A_606] : memref<819200xi32, #tpu.memory_space<hbm>> -> memref<800xi32, #tpu.memory_space<hbm>>
      tpu.wait_dma2 semaphore(%run_scoped3A : memref<!tpu.dma_semaphore, #tpu.memory_space<semaphore_mem>>) src(%dma_wait3A_771 : memref<800xi32, #tpu.memory_space<hbm>>) dst(%arg5 : memref<800xi32, #tpu.memory_space<vmem>>)
      tpu.yield
    }) : () -> ()
    %dma_start3A_607 = arith.constant 0 : i32
    %dma_start3A_608 = arith.constant 0 : i32
    %dma_start3A_609 = tpu.memref_slice %arg3[%dma_start3A_607, %dma_start3A_608] : memref<1000000x64xf32, #tpu.memory_space<hbm>> -> memref<1000000x64xf32, #tpu.memory_space<hbm>>
    tpu.enqueue_indirect_dma source(%dma_start3A_609 : memref<1000000x64xf32, #tpu.memory_space<hbm>>) target(%arg7 : memref<800x64xf32, #tpu.memory_space<vmem>>) offsets(%arg5 : memref<800xi32, #tpu.memory_space<vmem>>) semaphore(%arg9 : memref<!tpu.dma_semaphore, #tpu.memory_space<semaphore_mem>>)
    %dma_wait3A_610 = arith.constant 0 : i32
    %dma_wait3A_611 = arith.constant 0 : i32
    %dma_wait3A_612 = tpu.memref_slice %arg3[%dma_wait3A_610, %dma_wait3A_611] : memref<1000000x64xf32, #tpu.memory_space<hbm>> -> memref<1000000x64xf32, #tpu.memory_space<hbm>>
    tpu.wait_indirect_dma semaphore(%arg10 : memref<!tpu.dma_semaphore, #tpu.memory_space<semaphore_mem>>) src(%dma_wait3A_612 : memref<1000000x64xf32, #tpu.memory_space<hbm>>) dst(%arg8 : memref<800x64xf32, #tpu.memory_space<vmem>>)
    %scan3A_613 = arith.constant 0 : i32
    %scan3A_614 = arith.constant 0 : i32
    %scan3A_615 = arith.constant 800 : i32
    %scan3A_616 = arith.addi %scan3A_614, %scan3A_615 : i32
    %scan3A_617 = arith.constant 1 : i32
    scf.for %scan3A_768 = %scan3A_614 to %scan3A_616 step %scan3A_617  : i32 {
      %get3A = arith.index_cast %scan3A_768 : i32 to index
      %get3A_769 = arith.constant 0 : index
      %get3A_770 = tpu.vector_load %arg8[%get3A, %get3A_769] {strides = array<i32>} : memref<800x64xf32, #tpu.memory_space<vmem>>, vector<1x16xf32>,
      %get3A_771 = vector.shape_cast %get3A_770 : vector<1x16xf32> to vector<16xf32>
      %mul3A_772 = arith.constant 8.000000e+00 : f32
      %mul3A_773 = vector.broadcast %mul3A_772 : f32 to vector<16xf32>
      %mul3A_774 = arith.mulf %get3A_771, %mul3A_773 : vector<16xf32>
      %swap3A = arith.index_cast %scan3A_768 : i32 to index
      %swap3A_775 = arith.constant 0 : index
      %swap3A_776 = tpu.vector_load %arg8[%swap3A, %swap3A_775] {strides = array<i32>} : memref<800x64xf32, #tpu.memory_space<vmem>>, vector<1x16xf32>,
      %swap3A_777 = vector.shape_cast %swap3A_776 : vector<1x16xf32> to vector<16xf32>
      %swap3A_778 = vector.shape_cast %mul3A_774 : vector<16xf32> to vector<1x16xf32>
      tpu.vector_store %arg8[%swap3A, %swap3A_775], %swap3A_778 {strides = array<i32>} : memref<800x64xf32, #tpu.memory_space<vmem>>, vector<1x16xf32>,
      %get3A_779 = arith.index_cast %scan3A_768 : i32 to index
      %get3A_780 = arith.constant 16 : index
      %get3A_781 = tpu.vector_load %arg8[%get3A_779, %get3A_780] {strides = array<i32>} : memref<800x64xf32, #tpu.memory_space<vmem>>, vector<1x16xf32>,
      %get3A_782 = vector.shape_cast %get3A_781 : vector<1x16xf32> to vector<16xf32>
      %mul3A_783 = arith.constant 8.000000e+00 : f32
      %mul3A_784 = vector.broadcast %mul3A_783 : f32 to vector<16xf32>
      %mul3A_785 = arith.mulf %get3A_782, %mul3A_784 : vector<16xf32>
      %swap3A_786 = arith.index_cast %scan3A_768 : i32 to index
      %swap3A_787 = arith.constant 16 : index
      %swap3A_788 = tpu.vector_load %arg8[%swap3A_786, %swap3A_787] {strides = array<i32>} : memref<800x64xf32, #tpu.memory_space<vmem>>, vector<1x16xf32>,
      %swap3A_789 = vector.shape_cast %swap3A_788 : vector<1x16xf32> to vector<16xf32>
      %swap3A_790 = vector.shape_cast %mul3A_785 : vector<16xf32> to vector<1x16xf32>
      tpu.vector_store %arg8[%swap3A_786, %swap3A_787], %swap3A_790 {strides = array<i32>} : memref<800x64xf32, #tpu.memory_space<vmem>>, vector<1x16xf32>,
      %get3A_791 = arith.index_cast %scan3A_768 : i32 to index
      %get3A_792 = arith.constant 32 : index
      %get3A_793 = tpu.vector_load %arg8[%get3A_791, %get3A_792] {strides = array<i32>} : memref<800x64xf32, #tpu.memory_space<vmem>>, vector<1x16xf32>,
      %get3A_794 = vector.shape_cast %get3A_793 : vector<1x16xf32> to vector<16xf32>
      %mul3A_795 = arith.constant 8.000000e+00 : f32
      %mul3A_796 = vector.broadcast %mul3A_795 : f32 to vector<16xf32>
      %mul3A_797 = arith.mulf %get3A_794, %mul3A_796 : vector<16xf32>
      %swap3A_798 = arith.index_cast %scan3A_768 : i32 to index
      %swap3A_799 = arith.constant 32 : index
      %swap3A_800 = tpu.vector_load %arg8[%swap3A_798, %swap3A_799] {strides = array<i32>} : memref<800x64xf32, #tpu.memory_space<vmem>>, vector<1x16xf32>,
      %swap3A_801 = vector.shape_cast %swap3A_800 : vector<1x16xf32> to vector<16xf32>
      %swap3A_802 = vector.shape_cast %mul3A_797 : vector<16xf32> to vector<1x16xf32>
      tpu.vector_store %arg8[%swap3A_798, %swap3A_799], %swap3A_802 {strides = array<i32>} : memref<800x64xf32, #tpu.memory_space<vmem>>, vector<1x16xf32>,
      %get3A_803 = arith.index_cast %scan3A_768 : i32 to index
      %get3A_804 = arith.constant 48 : index
      %get3A_805 = tpu.vector_load %arg8[%get3A_803, %get3A_804] {strides = array<i32>} : memref<800x64xf32, #tpu.memory_space<vmem>>, vector<1x16xf32>,
      %get3A_806 = vector.shape_cast %get3A_805 : vector<1x16xf32> to vector<16xf32>
      %mul3A_807 = arith.constant 8.000000e+00 : f32
      %mul3A_808 = vector.broadcast %mul3A_807 : f32 to vector<16xf32>
      %mul3A_809 = arith.mulf %get3A_806, %mul3A_808 : vector<16xf32>
      %swap3A_810 = arith.index_cast %scan3A_768 : i32 to index
      %swap3A_811 = arith.constant 48 : index
      %swap3A_812 = tpu.vector_load %arg8[%swap3A_810, %swap3A_811] {strides = array<i32>} : memref<800x64xf32, #tpu.memory_space<vmem>>, vector<1x16xf32>,
      %swap3A_813 = vector.shape_cast %swap3A_812 : vector<1x16xf32> to vector<16xf32>
      %swap3A_814 = vector.shape_cast %mul3A_809 : vector<16xf32> to vector<1x16xf32>
      tpu.vector_store %arg8[%swap3A_810, %swap3A_811], %swap3A_814 {strides = array<i32>} : memref<800x64xf32, #tpu.memory_space<vmem>>, vector<1x16xf32>,
    }
    %scan3A_618 = arith.constant 800 : i32
    %add3A_619 = arith.constant 20000 : i32
    %add3A_620 = arith.addi %mul3A_2, %add3A_619 : i32
    %dma_start3A_621 = arith.constant 0 : i32
    %dma_start3A_622 = tpu.memref_slice %arg4[%add3A_620, %dma_start3A_621] : memref<819200x64xf32, #tpu.memory_space<hbm>> -> memref<800x64xf32, #tpu.memory_space<hbm>>
    %dma_start3A_623 = arith.constant 0 : i32
    %dma_start3A_624 = tpu.memref_slice %arg4[%add3A_620, %dma_start3A_623] : memref<819200x64xf32, #tpu.memory_space<hbm>> -> memref<800x64xf32, #tpu.memory_space<hbm>>
    tpu.enqueue_dma source(%arg8 : memref<800x64xf32, #tpu.memory_space<vmem>>) target(%dma_start3A_624 : memref<800x64xf32, #tpu.memory_space<hbm>>) target_semaphore(%arg12 : memref<!tpu.dma_semaphore, #tpu.memory_space<semaphore_mem>>)
    %dma_wait3A_625 = arith.constant 0 : i32
    %dma_wait3A_626 = tpu.memref_slice %arg4[%add3A_620, %dma_wait3A_625] : memref<819200x64xf32, #tpu.memory_space<hbm>> -> memref<800x64xf32, #tpu.memory_space<hbm>>
    %dma_wait3A_627 = arith.constant 0 : i32
    %dma_wait3A_628 = tpu.memref_slice %arg4[%add3A_620, %dma_wait3A_627] : memref<819200x64xf32, #tpu.memory_space<hbm>> -> memref<800x64xf32, #tpu.memory_space<hbm>>
    tpu.wait_dma2 semaphore(%arg12 : memref<!tpu.dma_semaphore, #tpu.memory_space<semaphore_mem>>) src(%arg8 : memref<800x64xf32, #tpu.memory_space<vmem>>) dst(%dma_wait3A_628 : memref<800x64xf32, #tpu.memory_space<hbm>>)
    %add3A_629 = arith.constant 21600 : i32
    %add3A_630 = arith.addi %mul3A_2, %add3A_629 : i32
    "tpu.region"() ({
      %run_scoped3A = tpu.sem_alloc : memref<!tpu.dma_semaphore, #tpu.memory_space<semaphore_mem>>
      %dma_start3A_768 = tpu.memref_slice %arg2[%add3A_630] : memref<819200xi32, #tpu.memory_space<hbm>> -> memref<800xi32, #tpu.memory_space<hbm>>
      %dma_start3A_769 = tpu.memref_slice %arg2[%add3A_630] : memref<819200xi32, #tpu.memory_space<hbm>> -> memref<800xi32, #tpu.memory_space<hbm>>
      tpu.enqueue_dma source(%dma_start3A_769 : memref<800xi32, #tpu.memory_space<hbm>>) target(%arg6 : memref<800xi32, #tpu.memory_space<vmem>>) target_semaphore(%run_scoped3A : memref<!tpu.dma_semaphore, #tpu.memory_space<semaphore_mem>>)
      %dma_wait3A_770 = tpu.memref_slice %arg2[%add3A_630] : memref<819200xi32, #tpu.memory_space<hbm>> -> memref<800xi32, #tpu.memory_space<hbm>>
      %dma_wait3A_771 = tpu.memref_slice %arg2[%add3A_630] : memref<819200xi32, #tpu.memory_space<hbm>> -> memref<800xi32, #tpu.memory_space<hbm>>
      tpu.wait_dma2 semaphore(%run_scoped3A : memref<!tpu.dma_semaphore, #tpu.memory_space<semaphore_mem>>) src(%dma_wait3A_771 : memref<800xi32, #tpu.memory_space<hbm>>) dst(%arg6 : memref<800xi32, #tpu.memory_space<vmem>>)
      tpu.yield
    }) : () -> ()
    %dma_start3A_631 = arith.constant 0 : i32
    %dma_start3A_632 = arith.constant 0 : i32
    %dma_start3A_633 = tpu.memref_slice %arg3[%dma_start3A_631, %dma_start3A_632] : memref<1000000x64xf32, #tpu.memory_space<hbm>> -> memref<1000000x64xf32, #tpu.memory_space<hbm>>
    tpu.enqueue_indirect_dma source(%dma_start3A_633 : memref<1000000x64xf32, #tpu.memory_space<hbm>>) target(%arg8 : memref<800x64xf32, #tpu.memory_space<vmem>>) offsets(%arg6 : memref<800xi32, #tpu.memory_space<vmem>>) semaphore(%arg10 : memref<!tpu.dma_semaphore, #tpu.memory_space<semaphore_mem>>)
    %dma_wait3A_634 = arith.constant 0 : i32
    %dma_wait3A_635 = arith.constant 0 : i32
    %dma_wait3A_636 = tpu.memref_slice %arg3[%dma_wait3A_634, %dma_wait3A_635] : memref<1000000x64xf32, #tpu.memory_space<hbm>> -> memref<1000000x64xf32, #tpu.memory_space<hbm>>
    tpu.wait_indirect_dma semaphore(%arg9 : memref<!tpu.dma_semaphore, #tpu.memory_space<semaphore_mem>>) src(%dma_wait3A_636 : memref<1000000x64xf32, #tpu.memory_space<hbm>>) dst(%arg7 : memref<800x64xf32, #tpu.memory_space<vmem>>)
    %scan3A_637 = arith.constant 0 : i32
    %scan3A_638 = arith.constant 0 : i32
    %scan3A_639 = arith.constant 800 : i32
    %scan3A_640 = arith.addi %scan3A_638, %scan3A_639 : i32
    %scan3A_641 = arith.constant 1 : i32
    scf.for %scan3A_768 = %scan3A_638 to %scan3A_640 step %scan3A_641  : i32 {
      %get3A = arith.index_cast %scan3A_768 : i32 to index
      %get3A_769 = arith.constant 0 : index
      %get3A_770 = tpu.vector_load %arg7[%get3A, %get3A_769] {strides = array<i32>} : memref<800x64xf32, #tpu.memory_space<vmem>>, vector<1x16xf32>,
      %get3A_771 = vector.shape_cast %get3A_770 : vector<1x16xf32> to vector<16xf32>
      %mul3A_772 = arith.constant 8.000000e+00 : f32
      %mul3A_773 = vector.broadcast %mul3A_772 : f32 to vector<16xf32>
      %mul3A_774 = arith.mulf %get3A_771, %mul3A_773 : vector<16xf32>
      %swap3A = arith.index_cast %scan3A_768 : i32 to index
      %swap3A_775 = arith.constant 0 : index
      %swap3A_776 = tpu.vector_load %arg7[%swap3A, %swap3A_775] {strides = array<i32>} : memref<800x64xf32, #tpu.memory_space<vmem>>, vector<1x16xf32>,
      %swap3A_777 = vector.shape_cast %swap3A_776 : vector<1x16xf32> to vector<16xf32>
      %swap3A_778 = vector.shape_cast %mul3A_774 : vector<16xf32> to vector<1x16xf32>
      tpu.vector_store %arg7[%swap3A, %swap3A_775], %swap3A_778 {strides = array<i32>} : memref<800x64xf32, #tpu.memory_space<vmem>>, vector<1x16xf32>,
      %get3A_779 = arith.index_cast %scan3A_768 : i32 to index
      %get3A_780 = arith.constant 16 : index
      %get3A_781 = tpu.vector_load %arg7[%get3A_779, %get3A_780] {strides = array<i32>} : memref<800x64xf32, #tpu.memory_space<vmem>>, vector<1x16xf32>,
      %get3A_782 = vector.shape_cast %get3A_781 : vector<1x16xf32> to vector<16xf32>
      %mul3A_783 = arith.constant 8.000000e+00 : f32
      %mul3A_784 = vector.broadcast %mul3A_783 : f32 to vector<16xf32>
      %mul3A_785 = arith.mulf %get3A_782, %mul3A_784 : vector<16xf32>
      %swap3A_786 = arith.index_cast %scan3A_768 : i32 to index
      %swap3A_787 = arith.constant 16 : index
      %swap3A_788 = tpu.vector_load %arg7[%swap3A_786, %swap3A_787] {strides = array<i32>} : memref<800x64xf32, #tpu.memory_space<vmem>>, vector<1x16xf32>,
      %swap3A_789 = vector.shape_cast %swap3A_788 : vector<1x16xf32> to vector<16xf32>
      %swap3A_790 = vector.shape_cast %mul3A_785 : vector<16xf32> to vector<1x16xf32>
      tpu.vector_store %arg7[%swap3A_786, %swap3A_787], %swap3A_790 {strides = array<i32>} : memref<800x64xf32, #tpu.memory_space<vmem>>, vector<1x16xf32>,
      %get3A_791 = arith.index_cast %scan3A_768 : i32 to index
      %get3A_792 = arith.constant 32 : index
      %get3A_793 = tpu.vector_load %arg7[%get3A_791, %get3A_792] {strides = array<i32>} : memref<800x64xf32, #tpu.memory_space<vmem>>, vector<1x16xf32>,
      %get3A_794 = vector.shape_cast %get3A_793 : vector<1x16xf32> to vector<16xf32>
      %mul3A_795 = arith.constant 8.000000e+00 : f32
      %mul3A_796 = vector.broadcast %mul3A_795 : f32 to vector<16xf32>
      %mul3A_797 = arith.mulf %get3A_794, %mul3A_796 : vector<16xf32>
      %swap3A_798 = arith.index_cast %scan3A_768 : i32 to index
      %swap3A_799 = arith.constant 32 : index
      %swap3A_800 = tpu.vector_load %arg7[%swap3A_798, %swap3A_799] {strides = array<i32>} : memref<800x64xf32, #tpu.memory_space<vmem>>, vector<1x16xf32>,
      %swap3A_801 = vector.shape_cast %swap3A_800 : vector<1x16xf32> to vector<16xf32>
      %swap3A_802 = vector.shape_cast %mul3A_797 : vector<16xf32> to vector<1x16xf32>
      tpu.vector_store %arg7[%swap3A_798, %swap3A_799], %swap3A_802 {strides = array<i32>} : memref<800x64xf32, #tpu.memory_space<vmem>>, vector<1x16xf32>,
      %get3A_803 = arith.index_cast %scan3A_768 : i32 to index
      %get3A_804 = arith.constant 48 : index
      %get3A_805 = tpu.vector_load %arg7[%get3A_803, %get3A_804] {strides = array<i32>} : memref<800x64xf32, #tpu.memory_space<vmem>>, vector<1x16xf32>,
      %get3A_806 = vector.shape_cast %get3A_805 : vector<1x16xf32> to vector<16xf32>
      %mul3A_807 = arith.constant 8.000000e+00 : f32
      %mul3A_808 = vector.broadcast %mul3A_807 : f32 to vector<16xf32>
      %mul3A_809 = arith.mulf %get3A_806, %mul3A_808 : vector<16xf32>
      %swap3A_810 = arith.index_cast %scan3A_768 : i32 to index
      %swap3A_811 = arith.constant 48 : index
      %swap3A_812 = tpu.vector_load %arg7[%swap3A_810, %swap3A_811] {strides = array<i32>} : memref<800x64xf32, #tpu.memory_space<vmem>>, vector<1x16xf32>,
      %swap3A_813 = vector.shape_cast %swap3A_812 : vector<1x16xf32> to vector<16xf32>
      %swap3A_814 = vector.shape_cast %mul3A_809 : vector<16xf32> to vector<1x16xf32>
      tpu.vector_store %arg7[%swap3A_810, %swap3A_811], %swap3A_814 {strides = array<i32>} : memref<800x64xf32, #tpu.memory_space<vmem>>, vector<1x16xf32>,
    }
    %scan3A_642 = arith.constant 800 : i32
    %add3A_643 = arith.constant 20800 : i32
    %add3A_644 = arith.addi %mul3A_2, %add3A_643 : i32
    %dma_start3A_645 = arith.constant 0 : i32
    %dma_start3A_646 = tpu.memref_slice %arg4[%add3A_644, %dma_start3A_645] : memref<819200x64xf32, #tpu.memory_space<hbm>> -> memref<800x64xf32, #tpu.memory_space<hbm>>
    %dma_start3A_647 = arith.constant 0 : i32
    %dma_start3A_648 = tpu.memref_slice %arg4[%add3A_644, %dma_start3A_647] : memref<819200x64xf32, #tpu.memory_space<hbm>> -> memref<800x64xf32, #tpu.memory_space<hbm>>
    tpu.enqueue_dma source(%arg7 : memref<800x64xf32, #tpu.memory_space<vmem>>) target(%dma_start3A_648 : memref<800x64xf32, #tpu.memory_space<hbm>>) target_semaphore(%arg11 : memref<!tpu.dma_semaphore, #tpu.memory_space<semaphore_mem>>)
    %dma_wait3A_649 = arith.constant 0 : i32
    %dma_wait3A_650 = tpu.memref_slice %arg4[%add3A_644, %dma_wait3A_649] : memref<819200x64xf32, #tpu.memory_space<hbm>> -> memref<800x64xf32, #tpu.memory_space<hbm>>
    %dma_wait3A_651 = arith.constant 0 : i32
    %dma_wait3A_652 = tpu.memref_slice %arg4[%add3A_644, %dma_wait3A_651] : memref<819200x64xf32, #tpu.memory_space<hbm>> -> memref<800x64xf32, #tpu.memory_space<hbm>>
    tpu.wait_dma2 semaphore(%arg11 : memref<!tpu.dma_semaphore, #tpu.memory_space<semaphore_mem>>) src(%arg7 : memref<800x64xf32, #tpu.memory_space<vmem>>) dst(%dma_wait3A_652 : memref<800x64xf32, #tpu.memory_space<hbm>>)
    %add3A_653 = arith.constant 22400 : i32
    %add3A_654 = arith.addi %mul3A_2, %add3A_653 : i32
    "tpu.region"() ({
      %run_scoped3A = tpu.sem_alloc : memref<!tpu.dma_semaphore, #tpu.memory_space<semaphore_mem>>
      %dma_start3A_768 = tpu.memref_slice %arg2[%add3A_654] : memref<819200xi32, #tpu.memory_space<hbm>> -> memref<800xi32, #tpu.memory_space<hbm>>
      %dma_start3A_769 = tpu.memref_slice %arg2[%add3A_654] : memref<819200xi32, #tpu.memory_space<hbm>> -> memref<800xi32, #tpu.memory_space<hbm>>
      tpu.enqueue_dma source(%dma_start3A_769 : memref<800xi32, #tpu.memory_space<hbm>>) target(%arg5 : memref<800xi32, #tpu.memory_space<vmem>>) target_semaphore(%run_scoped3A : memref<!tpu.dma_semaphore, #tpu.memory_space<semaphore_mem>>)
      %dma_wait3A_770 = tpu.memref_slice %arg2[%add3A_654] : memref<819200xi32, #tpu.memory_space<hbm>> -> memref<800xi32, #tpu.memory_space<hbm>>
      %dma_wait3A_771 = tpu.memref_slice %arg2[%add3A_654] : memref<819200xi32, #tpu.memory_space<hbm>> -> memref<800xi32, #tpu.memory_space<hbm>>
      tpu.wait_dma2 semaphore(%run_scoped3A : memref<!tpu.dma_semaphore, #tpu.memory_space<semaphore_mem>>) src(%dma_wait3A_771 : memref<800xi32, #tpu.memory_space<hbm>>) dst(%arg5 : memref<800xi32, #tpu.memory_space<vmem>>)
      tpu.yield
    }) : () -> ()
    %dma_start3A_655 = arith.constant 0 : i32
    %dma_start3A_656 = arith.constant 0 : i32
    %dma_start3A_657 = tpu.memref_slice %arg3[%dma_start3A_655, %dma_start3A_656] : memref<1000000x64xf32, #tpu.memory_space<hbm>> -> memref<1000000x64xf32, #tpu.memory_space<hbm>>
    tpu.enqueue_indirect_dma source(%dma_start3A_657 : memref<1000000x64xf32, #tpu.memory_space<hbm>>) target(%arg7 : memref<800x64xf32, #tpu.memory_space<vmem>>) offsets(%arg5 : memref<800xi32, #tpu.memory_space<vmem>>) semaphore(%arg9 : memref<!tpu.dma_semaphore, #tpu.memory_space<semaphore_mem>>)
    %dma_wait3A_658 = arith.constant 0 : i32
    %dma_wait3A_659 = arith.constant 0 : i32
    %dma_wait3A_660 = tpu.memref_slice %arg3[%dma_wait3A_658, %dma_wait3A_659] : memref<1000000x64xf32, #tpu.memory_space<hbm>> -> memref<1000000x64xf32, #tpu.memory_space<hbm>>
    tpu.wait_indirect_dma semaphore(%arg10 : memref<!tpu.dma_semaphore, #tpu.memory_space<semaphore_mem>>) src(%dma_wait3A_660 : memref<1000000x64xf32, #tpu.memory_space<hbm>>) dst(%arg8 : memref<800x64xf32, #tpu.memory_space<vmem>>)
    %scan3A_661 = arith.constant 0 : i32
    %scan3A_662 = arith.constant 0 : i32
    %scan3A_663 = arith.constant 800 : i32
    %scan3A_664 = arith.addi %scan3A_662, %scan3A_663 : i32
    %scan3A_665 = arith.constant 1 : i32
    scf.for %scan3A_768 = %scan3A_662 to %scan3A_664 step %scan3A_665  : i32 {
      %get3A = arith.index_cast %scan3A_768 : i32 to index
      %get3A_769 = arith.constant 0 : index
      %get3A_770 = tpu.vector_load %arg8[%get3A, %get3A_769] {strides = array<i32>} : memref<800x64xf32, #tpu.memory_space<vmem>>, vector<1x16xf32>,
      %get3A_771 = vector.shape_cast %get3A_770 : vector<1x16xf32> to vector<16xf32>
      %mul3A_772 = arith.constant 8.000000e+00 : f32
      %mul3A_773 = vector.broadcast %mul3A_772 : f32 to vector<16xf32>
      %mul3A_774 = arith.mulf %get3A_771, %mul3A_773 : vector<16xf32>
      %swap3A = arith.index_cast %scan3A_768 : i32 to index
      %swap3A_775 = arith.constant 0 : index
      %swap3A_776 = tpu.vector_load %arg8[%swap3A, %swap3A_775] {strides = array<i32>} : memref<800x64xf32, #tpu.memory_space<vmem>>, vector<1x16xf32>,
      %swap3A_777 = vector.shape_cast %swap3A_776 : vector<1x16xf32> to vector<16xf32>
      %swap3A_778 = vector.shape_cast %mul3A_774 : vector<16xf32> to vector<1x16xf32>
      tpu.vector_store %arg8[%swap3A, %swap3A_775], %swap3A_778 {strides = array<i32>} : memref<800x64xf32, #tpu.memory_space<vmem>>, vector<1x16xf32>,
      %get3A_779 = arith.index_cast %scan3A_768 : i32 to index
      %get3A_780 = arith.constant 16 : index
      %get3A_781 = tpu.vector_load %arg8[%get3A_779, %get3A_780] {strides = array<i32>} : memref<800x64xf32, #tpu.memory_space<vmem>>, vector<1x16xf32>,
      %get3A_782 = vector.shape_cast %get3A_781 : vector<1x16xf32> to vector<16xf32>
      %mul3A_783 = arith.constant 8.000000e+00 : f32
      %mul3A_784 = vector.broadcast %mul3A_783 : f32 to vector<16xf32>
      %mul3A_785 = arith.mulf %get3A_782, %mul3A_784 : vector<16xf32>
      %swap3A_786 = arith.index_cast %scan3A_768 : i32 to index
      %swap3A_787 = arith.constant 16 : index
      %swap3A_788 = tpu.vector_load %arg8[%swap3A_786, %swap3A_787] {strides = array<i32>} : memref<800x64xf32, #tpu.memory_space<vmem>>, vector<1x16xf32>,
      %swap3A_789 = vector.shape_cast %swap3A_788 : vector<1x16xf32> to vector<16xf32>
      %swap3A_790 = vector.shape_cast %mul3A_785 : vector<16xf32> to vector<1x16xf32>
      tpu.vector_store %arg8[%swap3A_786, %swap3A_787], %swap3A_790 {strides = array<i32>} : memref<800x64xf32, #tpu.memory_space<vmem>>, vector<1x16xf32>,
      %get3A_791 = arith.index_cast %scan3A_768 : i32 to index
      %get3A_792 = arith.constant 32 : index
      %get3A_793 = tpu.vector_load %arg8[%get3A_791, %get3A_792] {strides = array<i32>} : memref<800x64xf32, #tpu.memory_space<vmem>>, vector<1x16xf32>,
      %get3A_794 = vector.shape_cast %get3A_793 : vector<1x16xf32> to vector<16xf32>
      %mul3A_795 = arith.constant 8.000000e+00 : f32
      %mul3A_796 = vector.broadcast %mul3A_795 : f32 to vector<16xf32>
      %mul3A_797 = arith.mulf %get3A_794, %mul3A_796 : vector<16xf32>
      %swap3A_798 = arith.index_cast %scan3A_768 : i32 to index
      %swap3A_799 = arith.constant 32 : index
      %swap3A_800 = tpu.vector_load %arg8[%swap3A_798, %swap3A_799] {strides = array<i32>} : memref<800x64xf32, #tpu.memory_space<vmem>>, vector<1x16xf32>,
      %swap3A_801 = vector.shape_cast %swap3A_800 : vector<1x16xf32> to vector<16xf32>
      %swap3A_802 = vector.shape_cast %mul3A_797 : vector<16xf32> to vector<1x16xf32>
      tpu.vector_store %arg8[%swap3A_798, %swap3A_799], %swap3A_802 {strides = array<i32>} : memref<800x64xf32, #tpu.memory_space<vmem>>, vector<1x16xf32>,
      %get3A_803 = arith.index_cast %scan3A_768 : i32 to index
      %get3A_804 = arith.constant 48 : index
      %get3A_805 = tpu.vector_load %arg8[%get3A_803, %get3A_804] {strides = array<i32>} : memref<800x64xf32, #tpu.memory_space<vmem>>, vector<1x16xf32>,
      %get3A_806 = vector.shape_cast %get3A_805 : vector<1x16xf32> to vector<16xf32>
      %mul3A_807 = arith.constant 8.000000e+00 : f32
      %mul3A_808 = vector.broadcast %mul3A_807 : f32 to vector<16xf32>
      %mul3A_809 = arith.mulf %get3A_806, %mul3A_808 : vector<16xf32>
      %swap3A_810 = arith.index_cast %scan3A_768 : i32 to index
      %swap3A_811 = arith.constant 48 : index
      %swap3A_812 = tpu.vector_load %arg8[%swap3A_810, %swap3A_811] {strides = array<i32>} : memref<800x64xf32, #tpu.memory_space<vmem>>, vector<1x16xf32>,
      %swap3A_813 = vector.shape_cast %swap3A_812 : vector<1x16xf32> to vector<16xf32>
      %swap3A_814 = vector.shape_cast %mul3A_809 : vector<16xf32> to vector<1x16xf32>
      tpu.vector_store %arg8[%swap3A_810, %swap3A_811], %swap3A_814 {strides = array<i32>} : memref<800x64xf32, #tpu.memory_space<vmem>>, vector<1x16xf32>,
    }
    %scan3A_666 = arith.constant 800 : i32
    %add3A_667 = arith.constant 21600 : i32
    %add3A_668 = arith.addi %mul3A_2, %add3A_667 : i32
    %dma_start3A_669 = arith.constant 0 : i32
    %dma_start3A_670 = tpu.memref_slice %arg4[%add3A_668, %dma_start3A_669] : memref<819200x64xf32, #tpu.memory_space<hbm>> -> memref<800x64xf32, #tpu.memory_space<hbm>>
    %dma_start3A_671 = arith.constant 0 : i32
    %dma_start3A_672 = tpu.memref_slice %arg4[%add3A_668, %dma_start3A_671] : memref<819200x64xf32, #tpu.memory_space<hbm>> -> memref<800x64xf32, #tpu.memory_space<hbm>>
    tpu.enqueue_dma source(%arg8 : memref<800x64xf32, #tpu.memory_space<vmem>>) target(%dma_start3A_672 : memref<800x64xf32, #tpu.memory_space<hbm>>) target_semaphore(%arg12 : memref<!tpu.dma_semaphore, #tpu.memory_space<semaphore_mem>>)
    %dma_wait3A_673 = arith.constant 0 : i32
    %dma_wait3A_674 = tpu.memref_slice %arg4[%add3A_668, %dma_wait3A_673] : memref<819200x64xf32, #tpu.memory_space<hbm>> -> memref<800x64xf32, #tpu.memory_space<hbm>>
    %dma_wait3A_675 = arith.constant 0 : i32
    %dma_wait3A_676 = tpu.memref_slice %arg4[%add3A_668, %dma_wait3A_675] : memref<819200x64xf32, #tpu.memory_space<hbm>> -> memref<800x64xf32, #tpu.memory_space<hbm>>
    tpu.wait_dma2 semaphore(%arg12 : memref<!tpu.dma_semaphore, #tpu.memory_space<semaphore_mem>>) src(%arg8 : memref<800x64xf32, #tpu.memory_space<vmem>>) dst(%dma_wait3A_676 : memref<800x64xf32, #tpu.memory_space<hbm>>)
    %add3A_677 = arith.constant 23200 : i32
    %add3A_678 = arith.addi %mul3A_2, %add3A_677 : i32
    "tpu.region"() ({
      %run_scoped3A = tpu.sem_alloc : memref<!tpu.dma_semaphore, #tpu.memory_space<semaphore_mem>>
      %dma_start3A_768 = tpu.memref_slice %arg2[%add3A_678] : memref<819200xi32, #tpu.memory_space<hbm>> -> memref<800xi32, #tpu.memory_space<hbm>>
      %dma_start3A_769 = tpu.memref_slice %arg2[%add3A_678] : memref<819200xi32, #tpu.memory_space<hbm>> -> memref<800xi32, #tpu.memory_space<hbm>>
      tpu.enqueue_dma source(%dma_start3A_769 : memref<800xi32, #tpu.memory_space<hbm>>) target(%arg6 : memref<800xi32, #tpu.memory_space<vmem>>) target_semaphore(%run_scoped3A : memref<!tpu.dma_semaphore, #tpu.memory_space<semaphore_mem>>)
      %dma_wait3A_770 = tpu.memref_slice %arg2[%add3A_678] : memref<819200xi32, #tpu.memory_space<hbm>> -> memref<800xi32, #tpu.memory_space<hbm>>
      %dma_wait3A_771 = tpu.memref_slice %arg2[%add3A_678] : memref<819200xi32, #tpu.memory_space<hbm>> -> memref<800xi32, #tpu.memory_space<hbm>>
      tpu.wait_dma2 semaphore(%run_scoped3A : memref<!tpu.dma_semaphore, #tpu.memory_space<semaphore_mem>>) src(%dma_wait3A_771 : memref<800xi32, #tpu.memory_space<hbm>>) dst(%arg6 : memref<800xi32, #tpu.memory_space<vmem>>)
      tpu.yield
    }) : () -> ()
    %dma_start3A_679 = arith.constant 0 : i32
    %dma_start3A_680 = arith.constant 0 : i32
    %dma_start3A_681 = tpu.memref_slice %arg3[%dma_start3A_679, %dma_start3A_680] : memref<1000000x64xf32, #tpu.memory_space<hbm>> -> memref<1000000x64xf32, #tpu.memory_space<hbm>>
    tpu.enqueue_indirect_dma source(%dma_start3A_681 : memref<1000000x64xf32, #tpu.memory_space<hbm>>) target(%arg8 : memref<800x64xf32, #tpu.memory_space<vmem>>) offsets(%arg6 : memref<800xi32, #tpu.memory_space<vmem>>) semaphore(%arg10 : memref<!tpu.dma_semaphore, #tpu.memory_space<semaphore_mem>>)
    %dma_wait3A_682 = arith.constant 0 : i32
    %dma_wait3A_683 = arith.constant 0 : i32
    %dma_wait3A_684 = tpu.memref_slice %arg3[%dma_wait3A_682, %dma_wait3A_683] : memref<1000000x64xf32, #tpu.memory_space<hbm>> -> memref<1000000x64xf32, #tpu.memory_space<hbm>>
    tpu.wait_indirect_dma semaphore(%arg9 : memref<!tpu.dma_semaphore, #tpu.memory_space<semaphore_mem>>) src(%dma_wait3A_684 : memref<1000000x64xf32, #tpu.memory_space<hbm>>) dst(%arg7 : memref<800x64xf32, #tpu.memory_space<vmem>>)
    %scan3A_685 = arith.constant 0 : i32
    %scan3A_686 = arith.constant 0 : i32
    %scan3A_687 = arith.constant 800 : i32
    %scan3A_688 = arith.addi %scan3A_686, %scan3A_687 : i32
    %scan3A_689 = arith.constant 1 : i32
    scf.for %scan3A_768 = %scan3A_686 to %scan3A_688 step %scan3A_689  : i32 {
      %get3A = arith.index_cast %scan3A_768 : i32 to index
      %get3A_769 = arith.constant 0 : index
      %get3A_770 = tpu.vector_load %arg7[%get3A, %get3A_769] {strides = array<i32>} : memref<800x64xf32, #tpu.memory_space<vmem>>, vector<1x16xf32>,
      %get3A_771 = vector.shape_cast %get3A_770 : vector<1x16xf32> to vector<16xf32>
      %mul3A_772 = arith.constant 8.000000e+00 : f32
      %mul3A_773 = vector.broadcast %mul3A_772 : f32 to vector<16xf32>
      %mul3A_774 = arith.mulf %get3A_771, %mul3A_773 : vector<16xf32>
      %swap3A = arith.index_cast %scan3A_768 : i32 to index
      %swap3A_775 = arith.constant 0 : index
      %swap3A_776 = tpu.vector_load %arg7[%swap3A, %swap3A_775] {strides = array<i32>} : memref<800x64xf32, #tpu.memory_space<vmem>>, vector<1x16xf32>,
      %swap3A_777 = vector.shape_cast %swap3A_776 : vector<1x16xf32> to vector<16xf32>
      %swap3A_778 = vector.shape_cast %mul3A_774 : vector<16xf32> to vector<1x16xf32>
      tpu.vector_store %arg7[%swap3A, %swap3A_775], %swap3A_778 {strides = array<i32>} : memref<800x64xf32, #tpu.memory_space<vmem>>, vector<1x16xf32>,
      %get3A_779 = arith.index_cast %scan3A_768 : i32 to index
      %get3A_780 = arith.constant 16 : index
      %get3A_781 = tpu.vector_load %arg7[%get3A_779, %get3A_780] {strides = array<i32>} : memref<800x64xf32, #tpu.memory_space<vmem>>, vector<1x16xf32>,
      %get3A_782 = vector.shape_cast %get3A_781 : vector<1x16xf32> to vector<16xf32>
      %mul3A_783 = arith.constant 8.000000e+00 : f32
      %mul3A_784 = vector.broadcast %mul3A_783 : f32 to vector<16xf32>
      %mul3A_785 = arith.mulf %get3A_782, %mul3A_784 : vector<16xf32>
      %swap3A_786 = arith.index_cast %scan3A_768 : i32 to index
      %swap3A_787 = arith.constant 16 : index
      %swap3A_788 = tpu.vector_load %arg7[%swap3A_786, %swap3A_787] {strides = array<i32>} : memref<800x64xf32, #tpu.memory_space<vmem>>, vector<1x16xf32>,
      %swap3A_789 = vector.shape_cast %swap3A_788 : vector<1x16xf32> to vector<16xf32>
      %swap3A_790 = vector.shape_cast %mul3A_785 : vector<16xf32> to vector<1x16xf32>
      tpu.vector_store %arg7[%swap3A_786, %swap3A_787], %swap3A_790 {strides = array<i32>} : memref<800x64xf32, #tpu.memory_space<vmem>>, vector<1x16xf32>,
      %get3A_791 = arith.index_cast %scan3A_768 : i32 to index
      %get3A_792 = arith.constant 32 : index
      %get3A_793 = tpu.vector_load %arg7[%get3A_791, %get3A_792] {strides = array<i32>} : memref<800x64xf32, #tpu.memory_space<vmem>>, vector<1x16xf32>,
      %get3A_794 = vector.shape_cast %get3A_793 : vector<1x16xf32> to vector<16xf32>
      %mul3A_795 = arith.constant 8.000000e+00 : f32
      %mul3A_796 = vector.broadcast %mul3A_795 : f32 to vector<16xf32>
      %mul3A_797 = arith.mulf %get3A_794, %mul3A_796 : vector<16xf32>
      %swap3A_798 = arith.index_cast %scan3A_768 : i32 to index
      %swap3A_799 = arith.constant 32 : index
      %swap3A_800 = tpu.vector_load %arg7[%swap3A_798, %swap3A_799] {strides = array<i32>} : memref<800x64xf32, #tpu.memory_space<vmem>>, vector<1x16xf32>,
      %swap3A_801 = vector.shape_cast %swap3A_800 : vector<1x16xf32> to vector<16xf32>
      %swap3A_802 = vector.shape_cast %mul3A_797 : vector<16xf32> to vector<1x16xf32>
      tpu.vector_store %arg7[%swap3A_798, %swap3A_799], %swap3A_802 {strides = array<i32>} : memref<800x64xf32, #tpu.memory_space<vmem>>, vector<1x16xf32>,
      %get3A_803 = arith.index_cast %scan3A_768 : i32 to index
      %get3A_804 = arith.constant 48 : index
      %get3A_805 = tpu.vector_load %arg7[%get3A_803, %get3A_804] {strides = array<i32>} : memref<800x64xf32, #tpu.memory_space<vmem>>, vector<1x16xf32>,
      %get3A_806 = vector.shape_cast %get3A_805 : vector<1x16xf32> to vector<16xf32>
      %mul3A_807 = arith.constant 8.000000e+00 : f32
      %mul3A_808 = vector.broadcast %mul3A_807 : f32 to vector<16xf32>
      %mul3A_809 = arith.mulf %get3A_806, %mul3A_808 : vector<16xf32>
      %swap3A_810 = arith.index_cast %scan3A_768 : i32 to index
      %swap3A_811 = arith.constant 48 : index
      %swap3A_812 = tpu.vector_load %arg7[%swap3A_810, %swap3A_811] {strides = array<i32>} : memref<800x64xf32, #tpu.memory_space<vmem>>, vector<1x16xf32>,
      %swap3A_813 = vector.shape_cast %swap3A_812 : vector<1x16xf32> to vector<16xf32>
      %swap3A_814 = vector.shape_cast %mul3A_809 : vector<16xf32> to vector<1x16xf32>
      tpu.vector_store %arg7[%swap3A_810, %swap3A_811], %swap3A_814 {strides = array<i32>} : memref<800x64xf32, #tpu.memory_space<vmem>>, vector<1x16xf32>,
    }
    %scan3A_690 = arith.constant 800 : i32
    %add3A_691 = arith.constant 22400 : i32
    %add3A_692 = arith.addi %mul3A_2, %add3A_691 : i32
    %dma_start3A_693 = arith.constant 0 : i32
    %dma_start3A_694 = tpu.memref_slice %arg4[%add3A_692, %dma_start3A_693] : memref<819200x64xf32, #tpu.memory_space<hbm>> -> memref<800x64xf32, #tpu.memory_space<hbm>>
    %dma_start3A_695 = arith.constant 0 : i32
    %dma_start3A_696 = tpu.memref_slice %arg4[%add3A_692, %dma_start3A_695] : memref<819200x64xf32, #tpu.memory_space<hbm>> -> memref<800x64xf32, #tpu.memory_space<hbm>>
    tpu.enqueue_dma source(%arg7 : memref<800x64xf32, #tpu.memory_space<vmem>>) target(%dma_start3A_696 : memref<800x64xf32, #tpu.memory_space<hbm>>) target_semaphore(%arg11 : memref<!tpu.dma_semaphore, #tpu.memory_space<semaphore_mem>>)
    %dma_wait3A_697 = arith.constant 0 : i32
    %dma_wait3A_698 = tpu.memref_slice %arg4[%add3A_692, %dma_wait3A_697] : memref<819200x64xf32, #tpu.memory_space<hbm>> -> memref<800x64xf32, #tpu.memory_space<hbm>>
    %dma_wait3A_699 = arith.constant 0 : i32
    %dma_wait3A_700 = tpu.memref_slice %arg4[%add3A_692, %dma_wait3A_699] : memref<819200x64xf32, #tpu.memory_space<hbm>> -> memref<800x64xf32, #tpu.memory_space<hbm>>
    tpu.wait_dma2 semaphore(%arg11 : memref<!tpu.dma_semaphore, #tpu.memory_space<semaphore_mem>>) src(%arg7 : memref<800x64xf32, #tpu.memory_space<vmem>>) dst(%dma_wait3A_700 : memref<800x64xf32, #tpu.memory_space<hbm>>)
    %add3A_701 = arith.constant 24000 : i32
    %add3A_702 = arith.addi %mul3A_2, %add3A_701 : i32
    "tpu.region"() ({
      %run_scoped3A = tpu.sem_alloc : memref<!tpu.dma_semaphore, #tpu.memory_space<semaphore_mem>>
      %dma_start3A_768 = tpu.memref_slice %arg2[%add3A_702] : memref<819200xi32, #tpu.memory_space<hbm>> -> memref<800xi32, #tpu.memory_space<hbm>>
      %dma_start3A_769 = tpu.memref_slice %arg2[%add3A_702] : memref<819200xi32, #tpu.memory_space<hbm>> -> memref<800xi32, #tpu.memory_space<hbm>>
      tpu.enqueue_dma source(%dma_start3A_769 : memref<800xi32, #tpu.memory_space<hbm>>) target(%arg5 : memref<800xi32, #tpu.memory_space<vmem>>) target_semaphore(%run_scoped3A : memref<!tpu.dma_semaphore, #tpu.memory_space<semaphore_mem>>)
      %dma_wait3A_770 = tpu.memref_slice %arg2[%add3A_702] : memref<819200xi32, #tpu.memory_space<hbm>> -> memref<800xi32, #tpu.memory_space<hbm>>
      %dma_wait3A_771 = tpu.memref_slice %arg2[%add3A_702] : memref<819200xi32, #tpu.memory_space<hbm>> -> memref<800xi32, #tpu.memory_space<hbm>>
      tpu.wait_dma2 semaphore(%run_scoped3A : memref<!tpu.dma_semaphore, #tpu.memory_space<semaphore_mem>>) src(%dma_wait3A_771 : memref<800xi32, #tpu.memory_space<hbm>>) dst(%arg5 : memref<800xi32, #tpu.memory_space<vmem>>)
      tpu.yield
    }) : () -> ()
    %dma_start3A_703 = arith.constant 0 : i32
    %dma_start3A_704 = arith.constant 0 : i32
    %dma_start3A_705 = tpu.memref_slice %arg3[%dma_start3A_703, %dma_start3A_704] : memref<1000000x64xf32, #tpu.memory_space<hbm>> -> memref<1000000x64xf32, #tpu.memory_space<hbm>>
    tpu.enqueue_indirect_dma source(%dma_start3A_705 : memref<1000000x64xf32, #tpu.memory_space<hbm>>) target(%arg7 : memref<800x64xf32, #tpu.memory_space<vmem>>) offsets(%arg5 : memref<800xi32, #tpu.memory_space<vmem>>) semaphore(%arg9 : memref<!tpu.dma_semaphore, #tpu.memory_space<semaphore_mem>>)
    %dma_wait3A_706 = arith.constant 0 : i32
    %dma_wait3A_707 = arith.constant 0 : i32
    %dma_wait3A_708 = tpu.memref_slice %arg3[%dma_wait3A_706, %dma_wait3A_707] : memref<1000000x64xf32, #tpu.memory_space<hbm>> -> memref<1000000x64xf32, #tpu.memory_space<hbm>>
    tpu.wait_indirect_dma semaphore(%arg10 : memref<!tpu.dma_semaphore, #tpu.memory_space<semaphore_mem>>) src(%dma_wait3A_708 : memref<1000000x64xf32, #tpu.memory_space<hbm>>) dst(%arg8 : memref<800x64xf32, #tpu.memory_space<vmem>>)
    %scan3A_709 = arith.constant 0 : i32
    %scan3A_710 = arith.constant 0 : i32
    %scan3A_711 = arith.constant 800 : i32
    %scan3A_712 = arith.addi %scan3A_710, %scan3A_711 : i32
    %scan3A_713 = arith.constant 1 : i32
    scf.for %scan3A_768 = %scan3A_710 to %scan3A_712 step %scan3A_713  : i32 {
      %get3A = arith.index_cast %scan3A_768 : i32 to index
      %get3A_769 = arith.constant 0 : index
      %get3A_770 = tpu.vector_load %arg8[%get3A, %get3A_769] {strides = array<i32>} : memref<800x64xf32, #tpu.memory_space<vmem>>, vector<1x16xf32>,
      %get3A_771 = vector.shape_cast %get3A_770 : vector<1x16xf32> to vector<16xf32>
      %mul3A_772 = arith.constant 8.000000e+00 : f32
      %mul3A_773 = vector.broadcast %mul3A_772 : f32 to vector<16xf32>
      %mul3A_774 = arith.mulf %get3A_771, %mul3A_773 : vector<16xf32>
      %swap3A = arith.index_cast %scan3A_768 : i32 to index
      %swap3A_775 = arith.constant 0 : index
      %swap3A_776 = tpu.vector_load %arg8[%swap3A, %swap3A_775] {strides = array<i32>} : memref<800x64xf32, #tpu.memory_space<vmem>>, vector<1x16xf32>,
      %swap3A_777 = vector.shape_cast %swap3A_776 : vector<1x16xf32> to vector<16xf32>
      %swap3A_778 = vector.shape_cast %mul3A_774 : vector<16xf32> to vector<1x16xf32>
      tpu.vector_store %arg8[%swap3A, %swap3A_775], %swap3A_778 {strides = array<i32>} : memref<800x64xf32, #tpu.memory_space<vmem>>, vector<1x16xf32>,
      %get3A_779 = arith.index_cast %scan3A_768 : i32 to index
      %get3A_780 = arith.constant 16 : index
      %get3A_781 = tpu.vector_load %arg8[%get3A_779, %get3A_780] {strides = array<i32>} : memref<800x64xf32, #tpu.memory_space<vmem>>, vector<1x16xf32>,
      %get3A_782 = vector.shape_cast %get3A_781 : vector<1x16xf32> to vector<16xf32>
      %mul3A_783 = arith.constant 8.000000e+00 : f32
      %mul3A_784 = vector.broadcast %mul3A_783 : f32 to vector<16xf32>
      %mul3A_785 = arith.mulf %get3A_782, %mul3A_784 : vector<16xf32>
      %swap3A_786 = arith.index_cast %scan3A_768 : i32 to index
      %swap3A_787 = arith.constant 16 : index
      %swap3A_788 = tpu.vector_load %arg8[%swap3A_786, %swap3A_787] {strides = array<i32>} : memref<800x64xf32, #tpu.memory_space<vmem>>, vector<1x16xf32>,
      %swap3A_789 = vector.shape_cast %swap3A_788 : vector<1x16xf32> to vector<16xf32>
      %swap3A_790 = vector.shape_cast %mul3A_785 : vector<16xf32> to vector<1x16xf32>
      tpu.vector_store %arg8[%swap3A_786, %swap3A_787], %swap3A_790 {strides = array<i32>} : memref<800x64xf32, #tpu.memory_space<vmem>>, vector<1x16xf32>,
      %get3A_791 = arith.index_cast %scan3A_768 : i32 to index
      %get3A_792 = arith.constant 32 : index
      %get3A_793 = tpu.vector_load %arg8[%get3A_791, %get3A_792] {strides = array<i32>} : memref<800x64xf32, #tpu.memory_space<vmem>>, vector<1x16xf32>,
      %get3A_794 = vector.shape_cast %get3A_793 : vector<1x16xf32> to vector<16xf32>
      %mul3A_795 = arith.constant 8.000000e+00 : f32
      %mul3A_796 = vector.broadcast %mul3A_795 : f32 to vector<16xf32>
      %mul3A_797 = arith.mulf %get3A_794, %mul3A_796 : vector<16xf32>
      %swap3A_798 = arith.index_cast %scan3A_768 : i32 to index
      %swap3A_799 = arith.constant 32 : index
      %swap3A_800 = tpu.vector_load %arg8[%swap3A_798, %swap3A_799] {strides = array<i32>} : memref<800x64xf32, #tpu.memory_space<vmem>>, vector<1x16xf32>,
      %swap3A_801 = vector.shape_cast %swap3A_800 : vector<1x16xf32> to vector<16xf32>
      %swap3A_802 = vector.shape_cast %mul3A_797 : vector<16xf32> to vector<1x16xf32>
      tpu.vector_store %arg8[%swap3A_798, %swap3A_799], %swap3A_802 {strides = array<i32>} : memref<800x64xf32, #tpu.memory_space<vmem>>, vector<1x16xf32>,
      %get3A_803 = arith.index_cast %scan3A_768 : i32 to index
      %get3A_804 = arith.constant 48 : index
      %get3A_805 = tpu.vector_load %arg8[%get3A_803, %get3A_804] {strides = array<i32>} : memref<800x64xf32, #tpu.memory_space<vmem>>, vector<1x16xf32>,
      %get3A_806 = vector.shape_cast %get3A_805 : vector<1x16xf32> to vector<16xf32>
      %mul3A_807 = arith.constant 8.000000e+00 : f32
      %mul3A_808 = vector.broadcast %mul3A_807 : f32 to vector<16xf32>
      %mul3A_809 = arith.mulf %get3A_806, %mul3A_808 : vector<16xf32>
      %swap3A_810 = arith.index_cast %scan3A_768 : i32 to index
      %swap3A_811 = arith.constant 48 : index
      %swap3A_812 = tpu.vector_load %arg8[%swap3A_810, %swap3A_811] {strides = array<i32>} : memref<800x64xf32, #tpu.memory_space<vmem>>, vector<1x16xf32>,
      %swap3A_813 = vector.shape_cast %swap3A_812 : vector<1x16xf32> to vector<16xf32>
      %swap3A_814 = vector.shape_cast %mul3A_809 : vector<16xf32> to vector<1x16xf32>
      tpu.vector_store %arg8[%swap3A_810, %swap3A_811], %swap3A_814 {strides = array<i32>} : memref<800x64xf32, #tpu.memory_space<vmem>>, vector<1x16xf32>,
    }
    %scan3A_714 = arith.constant 800 : i32
    %add3A_715 = arith.constant 23200 : i32
    %add3A_716 = arith.addi %mul3A_2, %add3A_715 : i32
    %dma_start3A_717 = arith.constant 0 : i32
    %dma_start3A_718 = tpu.memref_slice %arg4[%add3A_716, %dma_start3A_717] : memref<819200x64xf32, #tpu.memory_space<hbm>> -> memref<800x64xf32, #tpu.memory_space<hbm>>
    %dma_start3A_719 = arith.constant 0 : i32
    %dma_start3A_720 = tpu.memref_slice %arg4[%add3A_716, %dma_start3A_719] : memref<819200x64xf32, #tpu.memory_space<hbm>> -> memref<800x64xf32, #tpu.memory_space<hbm>>
    tpu.enqueue_dma source(%arg8 : memref<800x64xf32, #tpu.memory_space<vmem>>) target(%dma_start3A_720 : memref<800x64xf32, #tpu.memory_space<hbm>>) target_semaphore(%arg12 : memref<!tpu.dma_semaphore, #tpu.memory_space<semaphore_mem>>)
    %dma_wait3A_721 = arith.constant 0 : i32
    %dma_wait3A_722 = tpu.memref_slice %arg4[%add3A_716, %dma_wait3A_721] : memref<819200x64xf32, #tpu.memory_space<hbm>> -> memref<800x64xf32, #tpu.memory_space<hbm>>
    %dma_wait3A_723 = arith.constant 0 : i32
    %dma_wait3A_724 = tpu.memref_slice %arg4[%add3A_716, %dma_wait3A_723] : memref<819200x64xf32, #tpu.memory_space<hbm>> -> memref<800x64xf32, #tpu.memory_space<hbm>>
    tpu.wait_dma2 semaphore(%arg12 : memref<!tpu.dma_semaphore, #tpu.memory_space<semaphore_mem>>) src(%arg8 : memref<800x64xf32, #tpu.memory_space<vmem>>) dst(%dma_wait3A_724 : memref<800x64xf32, #tpu.memory_space<hbm>>)
    %add3A_725 = arith.constant 24800 : i32
    %add3A_726 = arith.addi %mul3A_2, %add3A_725 : i32
    "tpu.region"() ({
      %run_scoped3A = tpu.sem_alloc : memref<!tpu.dma_semaphore, #tpu.memory_space<semaphore_mem>>
      %dma_start3A_768 = tpu.memref_slice %arg2[%add3A_726] : memref<819200xi32, #tpu.memory_space<hbm>> -> memref<800xi32, #tpu.memory_space<hbm>>
      %dma_start3A_769 = tpu.memref_slice %arg2[%add3A_726] : memref<819200xi32, #tpu.memory_space<hbm>> -> memref<800xi32, #tpu.memory_space<hbm>>
      tpu.enqueue_dma source(%dma_start3A_769 : memref<800xi32, #tpu.memory_space<hbm>>) target(%arg6 : memref<800xi32, #tpu.memory_space<vmem>>) target_semaphore(%run_scoped3A : memref<!tpu.dma_semaphore, #tpu.memory_space<semaphore_mem>>)
      %dma_wait3A_770 = tpu.memref_slice %arg2[%add3A_726] : memref<819200xi32, #tpu.memory_space<hbm>> -> memref<800xi32, #tpu.memory_space<hbm>>
      %dma_wait3A_771 = tpu.memref_slice %arg2[%add3A_726] : memref<819200xi32, #tpu.memory_space<hbm>> -> memref<800xi32, #tpu.memory_space<hbm>>
      tpu.wait_dma2 semaphore(%run_scoped3A : memref<!tpu.dma_semaphore, #tpu.memory_space<semaphore_mem>>) src(%dma_wait3A_771 : memref<800xi32, #tpu.memory_space<hbm>>) dst(%arg6 : memref<800xi32, #tpu.memory_space<vmem>>)
      tpu.yield
    }) : () -> ()
    %dma_start3A_727 = arith.constant 0 : i32
    %dma_start3A_728 = arith.constant 0 : i32
    %dma_start3A_729 = tpu.memref_slice %arg3[%dma_start3A_727, %dma_start3A_728] : memref<1000000x64xf32, #tpu.memory_space<hbm>> -> memref<1000000x64xf32, #tpu.memory_space<hbm>>
    tpu.enqueue_indirect_dma source(%dma_start3A_729 : memref<1000000x64xf32, #tpu.memory_space<hbm>>) target(%arg8 : memref<800x64xf32, #tpu.memory_space<vmem>>) offsets(%arg6 : memref<800xi32, #tpu.memory_space<vmem>>) semaphore(%arg10 : memref<!tpu.dma_semaphore, #tpu.memory_space<semaphore_mem>>)
    %dma_wait3A_730 = arith.constant 0 : i32
    %dma_wait3A_731 = arith.constant 0 : i32
    %dma_wait3A_732 = tpu.memref_slice %arg3[%dma_wait3A_730, %dma_wait3A_731] : memref<1000000x64xf32, #tpu.memory_space<hbm>> -> memref<1000000x64xf32, #tpu.memory_space<hbm>>
    tpu.wait_indirect_dma semaphore(%arg9 : memref<!tpu.dma_semaphore, #tpu.memory_space<semaphore_mem>>) src(%dma_wait3A_732 : memref<1000000x64xf32, #tpu.memory_space<hbm>>) dst(%arg7 : memref<800x64xf32, #tpu.memory_space<vmem>>)
    %scan3A_733 = arith.constant 0 : i32
    %scan3A_734 = arith.constant 0 : i32
    %scan3A_735 = arith.constant 800 : i32
    %scan3A_736 = arith.addi %scan3A_734, %scan3A_735 : i32
    %scan3A_737 = arith.constant 1 : i32
    scf.for %scan3A_768 = %scan3A_734 to %scan3A_736 step %scan3A_737  : i32 {
      %get3A = arith.index_cast %scan3A_768 : i32 to index
      %get3A_769 = arith.constant 0 : index
      %get3A_770 = tpu.vector_load %arg7[%get3A, %get3A_769] {strides = array<i32>} : memref<800x64xf32, #tpu.memory_space<vmem>>, vector<1x16xf32>,
      %get3A_771 = vector.shape_cast %get3A_770 : vector<1x16xf32> to vector<16xf32>
      %mul3A_772 = arith.constant 8.000000e+00 : f32
      %mul3A_773 = vector.broadcast %mul3A_772 : f32 to vector<16xf32>
      %mul3A_774 = arith.mulf %get3A_771, %mul3A_773 : vector<16xf32>
      %swap3A = arith.index_cast %scan3A_768 : i32 to index
      %swap3A_775 = arith.constant 0 : index
      %swap3A_776 = tpu.vector_load %arg7[%swap3A, %swap3A_775] {strides = array<i32>} : memref<800x64xf32, #tpu.memory_space<vmem>>, vector<1x16xf32>,
      %swap3A_777 = vector.shape_cast %swap3A_776 : vector<1x16xf32> to vector<16xf32>
      %swap3A_778 = vector.shape_cast %mul3A_774 : vector<16xf32> to vector<1x16xf32>
      tpu.vector_store %arg7[%swap3A, %swap3A_775], %swap3A_778 {strides = array<i32>} : memref<800x64xf32, #tpu.memory_space<vmem>>, vector<1x16xf32>,
      %get3A_779 = arith.index_cast %scan3A_768 : i32 to index
      %get3A_780 = arith.constant 16 : index
      %get3A_781 = tpu.vector_load %arg7[%get3A_779, %get3A_780] {strides = array<i32>} : memref<800x64xf32, #tpu.memory_space<vmem>>, vector<1x16xf32>,
      %get3A_782 = vector.shape_cast %get3A_781 : vector<1x16xf32> to vector<16xf32>
      %mul3A_783 = arith.constant 8.000000e+00 : f32
      %mul3A_784 = vector.broadcast %mul3A_783 : f32 to vector<16xf32>
      %mul3A_785 = arith.mulf %get3A_782, %mul3A_784 : vector<16xf32>
      %swap3A_786 = arith.index_cast %scan3A_768 : i32 to index
      %swap3A_787 = arith.constant 16 : index
      %swap3A_788 = tpu.vector_load %arg7[%swap3A_786, %swap3A_787] {strides = array<i32>} : memref<800x64xf32, #tpu.memory_space<vmem>>, vector<1x16xf32>,
      %swap3A_789 = vector.shape_cast %swap3A_788 : vector<1x16xf32> to vector<16xf32>
      %swap3A_790 = vector.shape_cast %mul3A_785 : vector<16xf32> to vector<1x16xf32>
      tpu.vector_store %arg7[%swap3A_786, %swap3A_787], %swap3A_790 {strides = array<i32>} : memref<800x64xf32, #tpu.memory_space<vmem>>, vector<1x16xf32>,
      %get3A_791 = arith.index_cast %scan3A_768 : i32 to index
      %get3A_792 = arith.constant 32 : index
      %get3A_793 = tpu.vector_load %arg7[%get3A_791, %get3A_792] {strides = array<i32>} : memref<800x64xf32, #tpu.memory_space<vmem>>, vector<1x16xf32>,
      %get3A_794 = vector.shape_cast %get3A_793 : vector<1x16xf32> to vector<16xf32>
      %mul3A_795 = arith.constant 8.000000e+00 : f32
      %mul3A_796 = vector.broadcast %mul3A_795 : f32 to vector<16xf32>
      %mul3A_797 = arith.mulf %get3A_794, %mul3A_796 : vector<16xf32>
      %swap3A_798 = arith.index_cast %scan3A_768 : i32 to index
      %swap3A_799 = arith.constant 32 : index
      %swap3A_800 = tpu.vector_load %arg7[%swap3A_798, %swap3A_799] {strides = array<i32>} : memref<800x64xf32, #tpu.memory_space<vmem>>, vector<1x16xf32>,
      %swap3A_801 = vector.shape_cast %swap3A_800 : vector<1x16xf32> to vector<16xf32>
      %swap3A_802 = vector.shape_cast %mul3A_797 : vector<16xf32> to vector<1x16xf32>
      tpu.vector_store %arg7[%swap3A_798, %swap3A_799], %swap3A_802 {strides = array<i32>} : memref<800x64xf32, #tpu.memory_space<vmem>>, vector<1x16xf32>,
      %get3A_803 = arith.index_cast %scan3A_768 : i32 to index
      %get3A_804 = arith.constant 48 : index
      %get3A_805 = tpu.vector_load %arg7[%get3A_803, %get3A_804] {strides = array<i32>} : memref<800x64xf32, #tpu.memory_space<vmem>>, vector<1x16xf32>,
      %get3A_806 = vector.shape_cast %get3A_805 : vector<1x16xf32> to vector<16xf32>
      %mul3A_807 = arith.constant 8.000000e+00 : f32
      %mul3A_808 = vector.broadcast %mul3A_807 : f32 to vector<16xf32>
      %mul3A_809 = arith.mulf %get3A_806, %mul3A_808 : vector<16xf32>
      %swap3A_810 = arith.index_cast %scan3A_768 : i32 to index
      %swap3A_811 = arith.constant 48 : index
      %swap3A_812 = tpu.vector_load %arg7[%swap3A_810, %swap3A_811] {strides = array<i32>} : memref<800x64xf32, #tpu.memory_space<vmem>>, vector<1x16xf32>,
      %swap3A_813 = vector.shape_cast %swap3A_812 : vector<1x16xf32> to vector<16xf32>
      %swap3A_814 = vector.shape_cast %mul3A_809 : vector<16xf32> to vector<1x16xf32>
      tpu.vector_store %arg7[%swap3A_810, %swap3A_811], %swap3A_814 {strides = array<i32>} : memref<800x64xf32, #tpu.memory_space<vmem>>, vector<1x16xf32>,
    }
    %scan3A_738 = arith.constant 800 : i32
    %add3A_739 = arith.constant 24000 : i32
    %add3A_740 = arith.addi %mul3A_2, %add3A_739 : i32
    %dma_start3A_741 = arith.constant 0 : i32
    %dma_start3A_742 = tpu.memref_slice %arg4[%add3A_740, %dma_start3A_741] : memref<819200x64xf32, #tpu.memory_space<hbm>> -> memref<800x64xf32, #tpu.memory_space<hbm>>
    %dma_start3A_743 = arith.constant 0 : i32
    %dma_start3A_744 = tpu.memref_slice %arg4[%add3A_740, %dma_start3A_743] : memref<819200x64xf32, #tpu.memory_space<hbm>> -> memref<800x64xf32, #tpu.memory_space<hbm>>
    tpu.enqueue_dma source(%arg7 : memref<800x64xf32, #tpu.memory_space<vmem>>) target(%dma_start3A_744 : memref<800x64xf32, #tpu.memory_space<hbm>>) target_semaphore(%arg11 : memref<!tpu.dma_semaphore, #tpu.memory_space<semaphore_mem>>)
    %dma_wait3A_745 = arith.constant 0 : i32
    %dma_wait3A_746 = arith.constant 0 : i32
    %dma_wait3A_747 = tpu.memref_slice %arg3[%dma_wait3A_745, %dma_wait3A_746] : memref<1000000x64xf32, #tpu.memory_space<hbm>> -> memref<1000000x64xf32, #tpu.memory_space<hbm>>
    tpu.wait_indirect_dma semaphore(%arg10 : memref<!tpu.dma_semaphore, #tpu.memory_space<semaphore_mem>>) src(%dma_wait3A_747 : memref<1000000x64xf32, #tpu.memory_space<hbm>>) dst(%arg8 : memref<800x64xf32, #tpu.memory_space<vmem>>)
    %scan3A_748 = arith.constant 0 : i32
    %scan3A_749 = arith.constant 0 : i32
    %scan3A_750 = arith.constant 800 : i32
    %scan3A_751 = arith.addi %scan3A_749, %scan3A_750 : i32
    %scan3A_752 = arith.constant 1 : i32
    scf.for %scan3A_768 = %scan3A_749 to %scan3A_751 step %scan3A_752  : i32 {
      %get3A = arith.index_cast %scan3A_768 : i32 to index
      %get3A_769 = arith.constant 0 : index
      %get3A_770 = tpu.vector_load %arg8[%get3A, %get3A_769] {strides = array<i32>} : memref<800x64xf32, #tpu.memory_space<vmem>>, vector<1x16xf32>,
      %get3A_771 = vector.shape_cast %get3A_770 : vector<1x16xf32> to vector<16xf32>
      %mul3A_772 = arith.constant 8.000000e+00 : f32
      %mul3A_773 = vector.broadcast %mul3A_772 : f32 to vector<16xf32>
      %mul3A_774 = arith.mulf %get3A_771, %mul3A_773 : vector<16xf32>
      %swap3A = arith.index_cast %scan3A_768 : i32 to index
      %swap3A_775 = arith.constant 0 : index
      %swap3A_776 = tpu.vector_load %arg8[%swap3A, %swap3A_775] {strides = array<i32>} : memref<800x64xf32, #tpu.memory_space<vmem>>, vector<1x16xf32>,
      %swap3A_777 = vector.shape_cast %swap3A_776 : vector<1x16xf32> to vector<16xf32>
      %swap3A_778 = vector.shape_cast %mul3A_774 : vector<16xf32> to vector<1x16xf32>
      tpu.vector_store %arg8[%swap3A, %swap3A_775], %swap3A_778 {strides = array<i32>} : memref<800x64xf32, #tpu.memory_space<vmem>>, vector<1x16xf32>,
      %get3A_779 = arith.index_cast %scan3A_768 : i32 to index
      %get3A_780 = arith.constant 16 : index
      %get3A_781 = tpu.vector_load %arg8[%get3A_779, %get3A_780] {strides = array<i32>} : memref<800x64xf32, #tpu.memory_space<vmem>>, vector<1x16xf32>,
      %get3A_782 = vector.shape_cast %get3A_781 : vector<1x16xf32> to vector<16xf32>
      %mul3A_783 = arith.constant 8.000000e+00 : f32
      %mul3A_784 = vector.broadcast %mul3A_783 : f32 to vector<16xf32>
      %mul3A_785 = arith.mulf %get3A_782, %mul3A_784 : vector<16xf32>
      %swap3A_786 = arith.index_cast %scan3A_768 : i32 to index
      %swap3A_787 = arith.constant 16 : index
      %swap3A_788 = tpu.vector_load %arg8[%swap3A_786, %swap3A_787] {strides = array<i32>} : memref<800x64xf32, #tpu.memory_space<vmem>>, vector<1x16xf32>,
      %swap3A_789 = vector.shape_cast %swap3A_788 : vector<1x16xf32> to vector<16xf32>
      %swap3A_790 = vector.shape_cast %mul3A_785 : vector<16xf32> to vector<1x16xf32>
      tpu.vector_store %arg8[%swap3A_786, %swap3A_787], %swap3A_790 {strides = array<i32>} : memref<800x64xf32, #tpu.memory_space<vmem>>, vector<1x16xf32>,
      %get3A_791 = arith.index_cast %scan3A_768 : i32 to index
      %get3A_792 = arith.constant 32 : index
      %get3A_793 = tpu.vector_load %arg8[%get3A_791, %get3A_792] {strides = array<i32>} : memref<800x64xf32, #tpu.memory_space<vmem>>, vector<1x16xf32>,
      %get3A_794 = vector.shape_cast %get3A_793 : vector<1x16xf32> to vector<16xf32>
      %mul3A_795 = arith.constant 8.000000e+00 : f32
      %mul3A_796 = vector.broadcast %mul3A_795 : f32 to vector<16xf32>
      %mul3A_797 = arith.mulf %get3A_794, %mul3A_796 : vector<16xf32>
      %swap3A_798 = arith.index_cast %scan3A_768 : i32 to index
      %swap3A_799 = arith.constant 32 : index
      %swap3A_800 = tpu.vector_load %arg8[%swap3A_798, %swap3A_799] {strides = array<i32>} : memref<800x64xf32, #tpu.memory_space<vmem>>, vector<1x16xf32>,
      %swap3A_801 = vector.shape_cast %swap3A_800 : vector<1x16xf32> to vector<16xf32>
      %swap3A_802 = vector.shape_cast %mul3A_797 : vector<16xf32> to vector<1x16xf32>
      tpu.vector_store %arg8[%swap3A_798, %swap3A_799], %swap3A_802 {strides = array<i32>} : memref<800x64xf32, #tpu.memory_space<vmem>>, vector<1x16xf32>,
      %get3A_803 = arith.index_cast %scan3A_768 : i32 to index
      %get3A_804 = arith.constant 48 : index
      %get3A_805 = tpu.vector_load %arg8[%get3A_803, %get3A_804] {strides = array<i32>} : memref<800x64xf32, #tpu.memory_space<vmem>>, vector<1x16xf32>,
      %get3A_806 = vector.shape_cast %get3A_805 : vector<1x16xf32> to vector<16xf32>
      %mul3A_807 = arith.constant 8.000000e+00 : f32
      %mul3A_808 = vector.broadcast %mul3A_807 : f32 to vector<16xf32>
      %mul3A_809 = arith.mulf %get3A_806, %mul3A_808 : vector<16xf32>
      %swap3A_810 = arith.index_cast %scan3A_768 : i32 to index
      %swap3A_811 = arith.constant 48 : index
      %swap3A_812 = tpu.vector_load %arg8[%swap3A_810, %swap3A_811] {strides = array<i32>} : memref<800x64xf32, #tpu.memory_space<vmem>>, vector<1x16xf32>,
      %swap3A_813 = vector.shape_cast %swap3A_812 : vector<1x16xf32> to vector<16xf32>
      %swap3A_814 = vector.shape_cast %mul3A_809 : vector<16xf32> to vector<1x16xf32>
      tpu.vector_store %arg8[%swap3A_810, %swap3A_811], %swap3A_814 {strides = array<i32>} : memref<800x64xf32, #tpu.memory_space<vmem>>, vector<1x16xf32>,
    }
    %scan3A_753 = arith.constant 800 : i32
    %add3A_754 = arith.constant 24800 : i32
    %add3A_755 = arith.addi %mul3A_2, %add3A_754 : i32
    %dma_start3A_756 = arith.constant 0 : i32
    %dma_start3A_757 = tpu.memref_slice %arg4[%add3A_755, %dma_start3A_756] : memref<819200x64xf32, #tpu.memory_space<hbm>> -> memref<800x64xf32, #tpu.memory_space<hbm>>
    %dma_start3A_758 = arith.constant 0 : i32
    %dma_start3A_759 = tpu.memref_slice %arg4[%add3A_755, %dma_start3A_758] : memref<819200x64xf32, #tpu.memory_space<hbm>> -> memref<800x64xf32, #tpu.memory_space<hbm>>
    tpu.enqueue_dma source(%arg8 : memref<800x64xf32, #tpu.memory_space<vmem>>) target(%dma_start3A_759 : memref<800x64xf32, #tpu.memory_space<hbm>>) target_semaphore(%arg12 : memref<!tpu.dma_semaphore, #tpu.memory_space<semaphore_mem>>)
    %dma_wait3A_760 = arith.constant 0 : i32
    %dma_wait3A_761 = tpu.memref_slice %arg4[%add3A_740, %dma_wait3A_760] : memref<819200x64xf32, #tpu.memory_space<hbm>> -> memref<800x64xf32, #tpu.memory_space<hbm>>
    %dma_wait3A_762 = arith.constant 0 : i32
    %dma_wait3A_763 = tpu.memref_slice %arg4[%add3A_740, %dma_wait3A_762] : memref<819200x64xf32, #tpu.memory_space<hbm>> -> memref<800x64xf32, #tpu.memory_space<hbm>>
    tpu.wait_dma2 semaphore(%arg11 : memref<!tpu.dma_semaphore, #tpu.memory_space<semaphore_mem>>) src(%arg7 : memref<800x64xf32, #tpu.memory_space<vmem>>) dst(%dma_wait3A_763 : memref<800x64xf32, #tpu.memory_space<hbm>>)
    %dma_wait3A_764 = arith.constant 0 : i32
    %dma_wait3A_765 = tpu.memref_slice %arg4[%add3A_755, %dma_wait3A_764] : memref<819200x64xf32, #tpu.memory_space<hbm>> -> memref<800x64xf32, #tpu.memory_space<hbm>>
    %dma_wait3A_766 = arith.constant 0 : i32
    %dma_wait3A_767 = tpu.memref_slice %arg4[%add3A_755, %dma_wait3A_766] : memref<819200x64xf32, #tpu.memory_space<hbm>> -> memref<800x64xf32, #tpu.memory_space<hbm>>
    tpu.wait_dma2 semaphore(%arg12 : memref<!tpu.dma_semaphore, #tpu.memory_space<semaphore_mem>>) src(%arg8 : memref<800x64xf32, #tpu.memory_space<vmem>>) dst(%dma_wait3A_767 : memref<800x64xf32, #tpu.memory_space<hbm>>)
    return
  }
}

</mosaic_0001>

<sc_bundles>
// kernel: kernel.3.cloned.1.call-start
scs
__scs_entry_jumppad:
0x0: {  	(pc) =	sbr.rel $0x88, $3  }
0x1: {  	(tag) =	ssettag $0x0;
	lr =	simm.s32 $0x1  }
0x2: {  	[smem:$0x3F9F] =	sst lr;
	_ =	strace $0xD0000000  }
0x3: {  	_ = 	snop  }
0x4: {  	_ = 	snop  }
0x5: {  	_ = 	snop  }
0x6: {  	_ = 	snop  }
0x7: {  	_ = 	snop  }
__scs_overlays_trampoline_lowered:
0x8: {  	[smem:$0x3FAE] =	sst s0  }
0x9: {  	[smem:$0x3FAF] =	sst s1  }
0xa: {  	[smem:$0x3FB0] =	sst s2  }
0xb: {  	[smem:$0x3FB1] =	sst s3  }
0xc: {  	[smem:$0x3FB2] =	sst s4  }
0xd: {  	[smem:$0x3FB3] =	sst s5  }
0xe: {  	[smem:$0x3FB4] =	sst s6  }
0xf: {  	[smem:$0x3FB5] =	sst s7  }
0x10: {  	[smem:$0x3FB6] =	sst s8  }
0x11: {  	[smem:$0x3FB7] =	sst s9;
	s0 =	simm.s32 @!p0 $0x0  }
0x12: {  	s1 =	sld [smem:$0x3F9D];
	s0 =	simm.s32 @p0 $0x1  }
0x13: {  	[smem:$0x3FB8] =	sst s0;
	s0 =	simm.s32 @!p1 $0x0  }
0x14: {  	s2 =	sld [smem:$0x3F9C];
	s0 =	simm.s32 @p1 $0x1  }
0x15: {  	[smem:$0x3FB9] =	sst s0;
	s0 =	simm.s32 @!p2 $0x0  }
0x16: {  	s3 =	sld [smem:$0x3FDB];
	s0 =	simm.s32 @p2 $0x1  }
0x17: {  	s4 =	simm.s32 $0x1BF5;
	[smem:$0x3FBB] =	sst s0  }
0x18: {  	s0 =	sld [smem:$0x3F9E];
	_ =	swait.ge [sflag:s4], $0x0  }
0x19: {  	s7 =	sld [smem:$0x3F9F]  }
0x1a: {  	s8 =	sadd.s32 $0xFFFFE003, lr  }
0x1b: {  	s9 =	sadd.s32 $0xFFFFFEF7, lr;
	s5 =	simm.s32 $0xFFFFFFFF;
	p2 =	slt.u32 s8, $0xFFFFF086  }
0x1c: {  	p1 =	slt.u32 s9, $0xF7A;
	s5 =	simm.s32 @!p2 $0x0  }
0x1d: {  	s5 =	simm.s32 @p1 $0x1;
	p0 =	seq.s32 s7, s2  }
0x1e: {  	s7 =	smul.u32 @!p0 $0xF7A, s2;
	p2 =	seq.s32 @!p0 s5, $0x0  }
0x1f: {  	s9 =	smul.u32 $0xF7A, s1;
	s8 =	simm.s32 @!p0 $0x1BF5;
	p2 =	por !p2, p0  }
0x20: {  	[sflag:s8] =	ssyncset.s32 @!p0 $0xFFFFF086;
	s6 =	sadd.s32 @!p0 s3, s7;
	s7 =	simm.s32 @!p0 $0x108  }
0x21: {  	s3 =	sadd.s32 s3, s9;
	s6 =	sadd.s32 @!p0 $0x88, s6;
	s7 =	simm.s32 @p2 $0x1082  }
0x22: {  	[simem:s7], [sflag:s8] =	dma.local @!p0 [hbm:s6], $0xF7A  }
0x23: {  	s9 =	sor.u32 $0xD0000000, s2;
	s6 =	simm.s32 $0x108;
	_ =	swait.ge @!p0 [sflag:s8], $0x0  }
0x24: {  	s3 =	sadd.s32 $0x88, s3;
	s6 =	simm.s32 @!p1 $0x1082;
	[sflag:s4] =	ssyncset.s32 $0xFFFFF086  }
0x25: {  	[simem:s6], [sflag:s4] =	dma.local [hbm:s3], $0xF7A  }
0x26: {  	[smem:$0x3F9F] =	sst s1;
	(tag) =	ssettag s2;
	_ =	strace s9  }
0x27: {  	s1 =	sld [smem:$0x3FAF]  }
0x28: {  	s2 =	sld [smem:$0x3FB0]  }
0x29: {  	s4 =	sld [smem:$0x3FB2]  }
0x2a: {  	p0 =	seq.s32 s5, $0x0;
	s5 =	sld [smem:$0x3FB3]  }
0x2b: {  	s6 =	sld [smem:$0x3FB4]  }
0x2c: {  	s7 =	sld [smem:$0x3FB5]  }
0x2d: {  	s3 =	simm.s32 $0x108;
	s8 =	sld [smem:$0x3FB6]  }
0x2e: {  	s3 =	simm.s32 @!p0 $0x1082;
	s9 =	sld [smem:$0x3FB7]  }
0x2f: {  	lr =	sadd.s32 s0, s3;
	s0 =	sld [smem:$0x3FAE]  }
0x30: {  	s3 =	sld [smem:$0x3FB1]  }
0x31: {  	[smem:$0x3FBA] =	sst s10  }
0x32: {  	s10 =	sld [smem:$0x3FB8];
	_ =	sdelay $0x3  }
0x33: {  	p0 =	seq.s32 s10, $0x1;
	s10 =	sld [smem:$0x3FBA];
	_ =	sdelay $0x3  }
0x34: {  	[smem:$0x3FBA] =	sst s10  }
0x35: {  	s10 =	sld [smem:$0x3FB9];
	_ =	sdelay $0x3  }
0x36: {  	p1 =	seq.s32 s10, $0x1;
	s10 =	sld [smem:$0x3FBA];
	_ =	sdelay $0x3  }
0x37: {  	[smem:$0x3FBA] =	sst s10  }
0x38: {  	s10 =	sld [smem:$0x3FBB]  }
0x39: {  	_ = 	snop;
	(pc) =	sbr.ind lr, $3  }
0x3a: {  	_ = 	snop  }
0x3b: {  	_ = 	snop  }
0x3c: {  	p2 =	seq.s32 s10, $0x1;
	s10 =	sld [smem:$0x3FBA]  }
0x3d: {  	_ =	shalt  }
0x3e: {  	_ =	shalt  }
0x3f: {  	_ =	shalt  }
0x40: {  	_ =	shalt  }
0x41: {  	_ =	shalt  }
0x42: {  	_ =	shalt  }
0x43: {  	_ =	shalt  }
0x44: {  	_ =	shalt  }
0x45: {  	_ =	shalt  }
0x46: {  	_ =	shalt  }
0x47: {  	_ =	shalt  }
0x48: {  	_ =	shalt  }
0x49: {  	_ =	shalt  }
0x4a: {  	_ =	shalt  }
0x4b: {  	_ =	shalt  }
0x4c: {  	_ =	shalt  }
0x4d: {  	_ =	shalt  }
0x4e: {  	_ =	shalt  }
0x4f: {  	_ =	shalt  }
0x50: {  	_ =	shalt  }
0x51: {  	_ =	shalt  }
0x52: {  	_ =	shalt  }
0x53: {  	_ =	shalt  }
0x54: {  	_ =	shalt  }
0x55: {  	_ =	shalt  }
0x56: {  	_ =	shalt  }
0x57: {  	_ =	shalt  }
0x58: {  	_ =	shalt  }
0x59: {  	_ =	shalt  }
0x5a: {  	_ =	shalt  }
0x5b: {  	_ =	shalt  }
0x5c: {  	_ =	shalt  }
0x5d: {  	_ =	shalt  }
0x5e: {  	_ =	shalt  }
0x5f: {  	_ =	shalt  }
0x60: {  	_ =	shalt  }
0x61: {  	_ =	shalt  }
0x62: {  	_ =	shalt  }
0x63: {  	_ =	shalt  }
0x64: {  	_ =	shalt  }
0x65: {  	_ =	shalt  }
0x66: {  	_ =	shalt  }
0x67: {  	_ =	shalt  }
0x68: {  	_ =	shalt  }
0x69: {  	_ =	shalt  }
0x6a: {  	_ =	shalt  }
0x6b: {  	_ =	shalt  }
0x6c: {  	_ =	shalt  }
0x6d: {  	_ =	shalt  }
0x6e: {  	_ =	shalt  }
0x6f: {  	_ =	shalt  }
0x70: {  	_ =	shalt  }
0x71: {  	_ =	shalt  }
0x72: {  	_ =	shalt  }
0x73: {  	_ =	shalt  }
0x74: {  	_ =	shalt  }
0x75: {  	_ =	shalt  }
0x76: {  	_ =	shalt  }
0x77: {  	_ =	shalt  }
0x78: {  	_ =	shalt  }
0x79: {  	_ =	shalt  }
0x7a: {  	_ =	shalt  }
0x7b: {  	_ =	shalt  }
0x7c: {  	_ =	shalt  }
0x7d: {  	_ =	shalt  }
0x7e: {  	_ =	shalt  }
0x7f: {  	_ =	shalt  }
0x80: {  	_ =	shalt  }
0x81: {  	_ =	shalt  }
0x82: {  	_ =	shalt  }
0x83: {  	_ =	shalt  }
0x84: {  	_ =	shalt  }
0x85: {  	_ =	shalt  }
0x86: {  	_ =	shalt  }
0x87: {  	_ =	shalt  }
.Lfunc_end0:
.L_simem_size_0:
called_computation.1_lowered:
.L_overlay_start_0:
0x88: {  	s2 =	sld [smem:$0x3FD9]  }
0x89: {  	s3 =	sld [smem:$0x3FFE];
	_ =	sdelay $0x1  }
0x8a: {  	s1 =	srdreg.scid  }
0x8b: {  	s0 =	sand.u32 $0x1, s1  }
0x8c: {  	s17 =	sshll.u32 s0, $0xA;
	s2 =	sadd.s32 s3, s2  }
0x8d: {  	s2 =	sadd.s32 s2, s17  }
0x8e: {  	[smem:$0x3FC6] =	sst s2  }
0x8f: {  	_ = 	snop  }
0x90: {  	s2 =	sld [smem:$0x3FD0];
	(tm) =	ssettm $0x1  }
0x91: {  	s18 =	sld [smem:$0x3FFB];
	_ =	sdelay $0x3  }
0x92: {  	_ =	strace s18  }
0x93: {  	s3 =	sld [smem:$0x3FFC];
	_ =	sdelay $0x3  }
0x94: {  	_ =	strace s3  }
0x95: {  	s3 =	sld [smem:$0x3FFD];
	_ =	sdelay $0x3  }
0x96: {  	_ =	strace s3  }
0x97: {  	_ =	strace $0x8FFFFFFF  }
0x98: {  	s19 =	sld [smem:$0x3FDB];
	_ =	sdelay $0x1  }
0x99: {  	s4 =	simm.s32 $_scs_section_size  }
0x9a: {  	s5 =	simm.s32 $_size__tile_overlayer_lowered;
	s6 =	simm.s32 $_tile_overlayer_lowered  }
0x9b: {  	s22 =	simm.s32 $0x1BFF;
	s21 =	sshll.u32 s6, $0x1;
	s3 =	sadd.s32 s4, s19  }
0x9c: {  	s7 =	simm.s32 $0x0;
	s20 =	sshll.u32 s5, $0x1;
	s5 =	sadd.s32 s21, s3  }
0x9d: {  	[timem:s7], [sflag:s22] =	dma.local [hbm:s5], s20  }
0x9e: {  	_ =	swait.ge [sflag:s22], s20  }
0x9f: {  	s4 =	ssub.s32 $0x0, s20;
	[sflag:s22] =	ssyncset.done $0x0  }
0xa0: {  	[sflag:s22] =	ssyncadd.s32 s4;
	_ =	sdelay $0x1  }
0xa1: {  	s23 =	simm.s32 $0x1B8B  }
0xa2: {  	_ =	swait.ge [sflag:s23], $0x1  }
0xa3: {  	[sflag:s23] =	ssyncset.done $0x0  }
0xa4: {  	s25 =	simm.s32 $0x1B8E;
	s24 =	sld [smem:$0x3FFE];
	[sflag:s23] =	ssyncadd.s32 $0xFFFFFFFF  }
0xa5: {  	s26 =	simm.s32 $execute0_lowered;
	[smem:$0x3FD2] =	sst s25  }
0xa6: {  	s5 =	sshll.u32 s26, $0x1;
	_ =	strace $0x80000046;
	[dreg:$0x1] =	wrdreg $0xFFFFFFFF  }
0xa7: {  	s28 =	simm.s32 $_size_execute0_lowered;
	s3 =	sadd.s32 s3, s5;
	[dreg:$0x0] =	wrdreg $0x0  }
0xa8: {  	s5 =	sshll.u32 s28, $0x1;
	[dreg:$0x2] =	wrdreg s3  }
0xa9: {  	[dreg:$0x3] =	wrdreg s5  }
0xaa: {  	[dreg:$0x4] =	wrdreg $0xC0  }
0xab: {  	_ =	task [dreg:s7], $0x5FFFF  }
0xac: {  	[dreg:$0x1] =	wrdreg $0xFFFFFFFF  }
0xad: {  	[dreg:$0x0] =	wrdreg $0x60  }
0xae: {  	[dreg:$0x2] =	wrdreg s24  }
0xaf: {  	[dreg:$0x3] =	wrdreg s2  }
0xb0: {  	[dreg:$0x4] =	wrdreg $0x9  }
0xb1: {  	_ =	task.clear_ibuf [dreg:s7], $0x5FFFF;
	_ =	strace $0x90000046  }
0xb2: {  	s29 =	simm.s32 $0x9;
	_ =	strace $0x80000048  }
0xb3: {  	_ =	swait.ge [sflag:s29], $0x1  }
0xb4: {  	[sflag:s29] =	ssyncadd.s32 $0xFFFFFFFF  }
0xb5: {  	_ =	strace $0x90000048  }
0xb6: {  	_ =	sfence  }
0xb7: {  	s30 =	sld [smem:$0x0];
	_ =	sdelay $0x2  }
0xb8: {  	s31 =	sshll.u32 s1, $0xD;
	s1 =	sshrl.u32 s1, $0x2  }
0xb9: {  	s3 =	sand.u32 $0x4000, s31;
	s1 =	sadd.s32 s1, s30  }
0xba: {  	s0 =	sor.u32 s3, s0;
	s1 =	sshll.u32 s1, $0x11  }
0xbb: {  	s0 =	sor.u32 s1, s0  }
0xbc: {  	s0 =	sadd.s32 $0x8F2B, s0  }
0xbd: {  	[sflag:s0] =	ssyncadd.remote.s32 $0x1  }
0xbe: {  	_ =	sfence.sel $0xFFFF  }
0xbf: {  	[dreg:$0x0] =	wrdreg $0xFFFFFFFF;
	(pc) =	sbr.abs _section_cstart, $3  }
0xc0: {  	[dreg:$0x1] =	wrdreg $0xFFFFFFFF  }
0xc1: {  	_ =	task.clear_ibuf [dreg:s7], $0x2FFFF;
	_ =	strace $0x9FFFFFFF  }
0xc2: {  	(tm) =	ssettm $0x7FFFFFFF  }
0xc3: {  	_ =	shalt  }
tec
execute0_lowered:
.L_overlay_start_1:
0x0: {  	(tag) =	ssettag $0x1  }
0x1: {  	s0 =	srdreg.scid;
	s1 =	stileid.u32  }
0x2: {  	s2 =	sand.u32 $0x1, s0;
	s15 =	sshll.u32 s1, $0x1  }
0x3: {  	s4 =	sor.u32 s2, s15;
	s2 =	ssub.s32 $0x2, s2  }
0x4: {  	s3 =	smul.u32 $0x6400, s4;
	s5 =	sshrl.u32 s2, $0x1  }
0x5: {  	s16 =	rddreg [dreg:$0x0];
	s22 =	smul.u32 $0x32000, s4;
	s19 =	ssub.s32 s2, s5  }
0x6: {  	s0 =	sadd.s32 $0xA00, s16;
	[smem:$0x7FD] =	sst s19  }
0x7: {  	s18 =	sor.u32 $0x320, s3;
	s6 =	sshrl.u32 s3, $0x3;
	[smem:$0x7E9] =	sst s22  }
0x8: {  	s23 =	sadd.s32 $0x640, s3;
	s24 =	sadd.s32 $0x960, s3;
	s26 =	sadd.s32 $0xC80, s3  }
0x9: {  	s11 =	sadd.s32 $0xFA0, s3;
	s10 =	sadd.s32 $0x12C0, s3;
	[smem:$0x7E8] =	sst s18  }
0xa: {  	s12 =	sadd.s32 $0x15E0, s3;
	s28 =	sadd.s32 $0x44C0, s3;
	[smem:$0x7EC] =	sst s23  }
0xb: {  	s30 =	sadd.s32 $0x47E0, s3;
	s29 =	sadd.s32 $0x4B00, s3;
	[smem:$0x7EE] =	sst s24  }
0xc: {  	s7 =	sshrl.u32 s18, $0x3;
	s20 =	sadd.s32 s0, s6;
	[smem:$0x7EF] =	sst s26  }
0xd: {  	s2 =	sshrl.u32 s23, $0x3;
	[dreg:$0x3] =	wrdreg s20;
	s21 =	sadd.s32 s0, s7  }
0xe: {  	s25 =	sshrl.u32 s24, $0x3;
	s2 =	sadd.s32 s0, s2;
	[dreg:$0x4] =	wrdreg s21  }
0xf: {  	s6 =	sshrl.u32 s26, $0x3;
	s4 =	sadd.s32 s0, s25;
	[dreg:$0x5] =	wrdreg s2  }
0x10: {  	s8 =	sshrl.u32 s11, $0x3;
	s7 =	sadd.s32 s0, s6;
	[dreg:$0x6] =	wrdreg s4  }
0x11: {  	s9 =	sshrl.u32 s10, $0x3;
	s13 =	sadd.s32 s0, s8;
	[dreg:$0x7] =	wrdreg s7  }
0x12: {  	s15 =	sshrl.u32 s12, $0x3;
	s14 =	sadd.s32 s0, s9;
	[dreg:$0x8] =	wrdreg s13  }
0x13: {  	s16 =	sadd.s32 s0, s15;
	s15 =	sadd.s32 $0x1F40, s3;
	[dreg:$0x9] =	wrdreg s14  }
0x14: {  	s9 =	sadd.s32 $0x2260, s3;
	[dreg:$0xa] =	wrdreg s16;
	s14 =	sadd.s32 $0x1900, s3  }
0x15: {  	s13 =	sadd.s32 $0x1C20, s3;
	s22 =	sshrl.u32 s15, $0x3;
	s16 =	sadd.s32 $0x2580, s3  }
0x16: {  	s24 =	sshrl.u32 s9, $0x3;
	s18 =	sshrl.u32 s14, $0x3;
	s23 =	sadd.s32 s0, s22  }
0x17: {  	s19 =	sshrl.u32 s13, $0x3;
	s26 =	sadd.s32 s0, s24;
	[dreg:$0xd] =	wrdreg s23  }
0x18: {  	s25 =	sshrl.u32 s16, $0x3;
	s20 =	sadd.s32 s0, s18;
	[dreg:$0xe] =	wrdreg s26  }
0x19: {  	s21 =	sadd.s32 s0, s19;
	s18 =	sadd.s32 $0x28A0, s3;
	[dreg:$0xb] =	wrdreg s20  }
0x1a: {  	s2 =	sadd.s32 s0, s25;
	s19 =	sadd.s32 $0x2EE0, s3;
	[dreg:$0xc] =	wrdreg s21  }
0x1b: {  	[dreg:$0xf] =	wrdreg s2;
	s4 =	sshrl.u32 s18, $0x3;
	s20 =	sadd.s32 $0x2BC0, s3  }
0x1c: {  	s7 =	sshrl.u32 s19, $0x3;
	s21 =	sadd.s32 $0x3200, s3;
	s5 =	sadd.s32 s0, s4  }
0x1d: {  	s6 =	sshrl.u32 s20, $0x3;
	s22 =	sadd.s32 s0, s7;
	[dreg:$0x10] =	wrdreg s5  }
0x1e: {  	s23 =	sshrl.u32 s21, $0x3;
	s8 =	sadd.s32 s0, s6;
	[dreg:$0x12] =	wrdreg s22  }
0x1f: {  	s31 =	sadd.s32 $0x4E20, s3;
	s24 =	sadd.s32 s0, s23;
	[dreg:$0x11] =	wrdreg s8  }
0x20: {  	s23 =	sadd.s32 $0x3520, s3;
	s22 =	sadd.s32 $0x3840, s3;
	[dreg:$0x13] =	wrdreg s24  }
0x21: {  	s25 =	sshrl.u32 s23, $0x3;
	s26 =	sshrl.u32 s22, $0x3;
	s24 =	sadd.s32 $0x3B60, s3  }
0x22: {  	s2 =	sadd.s32 s0, s25;
	s4 =	sadd.s32 s0, s26;
	s5 =	sshrl.u32 s24, $0x3  }
0x23: {  	s26 =	sadd.s32 $0x3E80, s3;
	s25 =	sadd.s32 $0x41A0, s3;
	[dreg:$0x14] =	wrdreg s2  }
0x24: {  	[dreg:$0x15] =	wrdreg s4;
	s6 =	sadd.s32 s0, s5;
	s7 =	sshrl.u32 s26, $0x3  }
0x25: {  	s8 =	sshrl.u32 s25, $0x3;
	[dreg:$0x16] =	wrdreg s6;
	s2 =	sadd.s32 s0, s7  }
0x26: {  	s5 =	sshrl.u32 s28, $0x3;
	s4 =	sadd.s32 s0, s8;
	[dreg:$0x17] =	wrdreg s2  }
0x27: {  	s6 =	sadd.s32 s0, s5;
	s7 =	sshrl.u32 s30, $0x3;
	[dreg:$0x18] =	wrdreg s4  }
0x28: {  	s8 =	sshrl.u32 s29, $0x3;
	[dreg:$0x19] =	wrdreg s6;
	s5 =	sadd.s32 s0, s7  }
0x29: {  	s6 =	sadd.s32 s0, s8;
	s7 =	sshrl.u32 s31, $0x3;
	[dreg:$0x1a] =	wrdreg s5  }
0x2a: {  	[dreg:$0x1b] =	wrdreg s6;
	s8 =	sadd.s32 s0, s7  }
0x2b: {  	s7 =	sadd.s32 $0x5140, s3;
	[dreg:$0x1c] =	wrdreg s8;
	s8 =	sadd.s32 $0x5460, s3  }
0x2c: {  	s6 =	sadd.s32 $0x5780, s3;
	s1 =	sshrl.u32 s7, $0x3;
	s4 =	sshrl.u32 s8, $0x3  }
0x2d: {  	s5 =	sadd.s32 s0, s1;
	s2 =	sadd.s32 s0, s4;
	s4 =	sshrl.u32 s6, $0x3  }
0x2e: {  	[dreg:$0x1d] =	wrdreg s5;
	s5 =	sadd.s32 s0, s4;
	s4 =	sadd.s32 $0x5AA0, s3  }
0x2f: {  	[dreg:$0x1f] =	wrdreg s5;
	s5 =	sadd.s32 $0x5DC0, s3;
	s1 =	sshrl.u32 s4, $0x3  }
0x30: {  	[dreg:$0x1e] =	wrdreg s2;
	s2 =	sshrl.u32 s5, $0x3;
	s1 =	sadd.s32 s0, s1  }
0x31: {  	s3 =	sadd.s32 $0x60E0, s3;
	[smem:$0x7E5] =	sst s1;
	s2 =	sadd.s32 s0, s2  }
0x32: {  	[smem:$0x7E6] =	sst s2;
	s2 =	sshrl.u32 s3, $0x3  }
0x33: {  	s0 =	sadd.s32 s0, s2;
	s2 =	sld [smem:$0x7E8]  }
0x34: {  	s1 =	sld [smem:$0x7E9]  }
0x35: {  	[smem:$0x7E7] =	sst s0  }
0x36: {  	s0 =	sshll.u32 s2, $0x3;
	s2 =	rddreg [dreg:$0x1]  }
0x37: {  	s1 =	sadd.s32 s2, s1  }
0x38: {  	[smem:$0x7EA] =	sst s1  }
0x39: {  	s1 =	sld [smem:$0x7EC]  }
0x3a: {  	s0 =	sadd.s32 s2, s0  }
0x3b: {  	[smem:$0x7EB] =	sst s0  }
0x3c: {  	s17 =	simm.s32 $0x0;
	s0 =	sshll.u32 s1, $0x3;
	s1 =	sld [smem:$0x7EE]  }
0x3d: {  	[smem:$0x7FF] =	sst s17;
	s0 =	sadd.s32 s2, s0  }
0x3e: {  	[smem:$0x7ED] =	sst s0  }
0x3f: {  	s0 =	sshll.u32 s1, $0x3;
	s1 =	sld [smem:$0x7EF]  }
0x40: {  	s10 =	sshll.u32 s10, $0x3;
	s19 =	sshll.u32 s19, $0x3;
	s22 =	sshll.u32 s22, $0x3  }
0x41: {  	s25 =	sshll.u32 s25, $0x3;
	s4 =	sshll.u32 s4, $0x3;
	s3 =	sshll.u32 s3, $0x3  }
0x42: {  	s22 =	sadd.s32 s2, s22;
	s0 =	sadd.s32 s2, s0;
	s1 =	sshll.u32 s1, $0x3  }
0x43: {  	s25 =	sadd.s32 s2, s25;
	[smem:$0x7F0] =	sst s0;
	s1 =	sadd.s32 s2, s1  }
0x44: {  	[smem:$0x7F1] =	sst s1;
	s1 =	sshll.u32 s11, $0x3;
	s11 =	sshll.u32 s12, $0x3  }
0x45: {  	s0 =	sadd.s32 s2, s1;
	s12 =	sadd.s32 s2, s11;
	s1 =	sshll.u32 s14, $0x3  }
0x46: {  	s11 =	sshll.u32 s15, $0x3;
	s14 =	sshll.u32 s16, $0x3;
	s15 =	sshll.u32 s18, $0x3  }
0x47: {  	s18 =	sshll.u32 s20, $0x3;
	s20 =	sshll.u32 s21, $0x3;
	s21 =	sshll.u32 s23, $0x3  }
0x48: {  	s23 =	sshll.u32 s24, $0x3;
	s24 =	sshll.u32 s26, $0x3;
	[smem:$0x7F2] =	sst s0  }
0x49: {  	s26 =	sshll.u32 s28, $0x3;
	s0 =	sadd.s32 s2, s10;
	[smem:$0x7F4] =	sst s12  }
0x4a: {  	s10 =	sshll.u32 s13, $0x3;
	s12 =	sadd.s32 s2, s11;
	s13 =	sshll.u32 s9, $0x3  }
0x4b: {  	s16 =	sadd.s32 s2, s15;
	s20 =	sadd.s32 s2, s20;
	s21 =	sadd.s32 s2, s21  }
0x4c: {  	s23 =	sadd.s32 s2, s23;
	s24 =	sadd.s32 s2, s24;
	s26 =	sadd.s32 s2, s26  }
0x4d: {  	s9 =	sshll.u32 s30, $0x3;
	s11 =	sshll.u32 s31, $0x3;
	[smem:$0x7F3] =	sst s0  }
0x4e: {  	s15 =	sshll.u32 s5, $0x3;
	s5 =	sadd.s32 s2, s3;
	[smem:$0x7F7] =	sst s12  }
0x4f: {  	s0 =	sadd.s32 s2, s1;
	[smem:$0x7FA] =	sst s16;
	s28 =	sadd.s32 s2, s9  }
0x50: {  	s30 =	sadd.s32 s2, s11;
	s12 =	sshll.u32 s7, $0x3;
	s9 =	simm.s32 $0x320  }
0x51: {  	s11 =	simm.s32 $0xCE40;
	[smem:$0x7F5] =	sst s0;
	s0 =	sadd.s32 s2, s10  }
0x52: {  	s10 =	sshll.u32 s29, $0x3;
	[smem:$0x7F6] =	sst s0;
	s0 =	sadd.s32 s2, s13  }
0x53: {  	s31 =	sadd.s32 s2, s12;
	[smem:$0x7F8] =	sst s0;
	s0 =	sadd.s32 s2, s14  }
0x54: {  	s12 =	simm.s32 $0x1;
	[smem:$0x7F9] =	sst s0;
	s0 =	sadd.s32 s2, s18  }
0x55: {  	s29 =	sadd.s32 s2, s10;
	[smem:$0x7FB] =	sst s0;
	s0 =	sadd.s32 s2, s19  }
0x56: {  	s13 =	sshll.u32 s8, $0x3;
	s8 =	simm.s32 $0x5;
	[smem:$0x7FC] =	sst s0  }
0x57: {  	s10 =	simm.s32 $0x640;
	s14 =	sshll.u32 s6, $0x3;
	_ =	strace $0x80000047  }
0x58: {  	s1 =	sadd.s32 s2, s14;
	s18 =	sadd.s32 s2, s4;
	s19 =	sld [smem:$0x7FD]  }
0x59: {  	s4 =	sadd.s32 s2, s15;
	s14 =	simm.s32 $0x2;
	s15 =	simm.s32 $0x4  }
0x5a: {  	s0 =	sadd.s32 s2, s13;
	s13 =	simm.s32 $0x3;
	s16 =	rddreg [dreg:$0x0]  }
0x5b: {  	s6 =	sadd.s32 $0xF42E00, s16;
	s16 =	simm.s32 $0x0;
	s7 =	smax.u32 s19, $0x1  }
.LBB2_1:
0x5c: {  	s2 =	rddreg [dreg:$0x3]  }
0x5d: {  	[tilespmem:s17], [sflag:$0x5] =	stream.linear.gather [hbm4b:s2+s17], $0x320, $0x38;
	[tilespmem:$0x19640] =	vst v63  }
0x5e: {  	_ =	swait.ge [sflag:s8], $0x320  }
0x5f: {  	[sflag:s8] =	ssyncset.done $0x0  }
0x60: {  	[sflag:s8] =	ssyncadd.s32 $0xFFFFFCE0  }
0x61: {  	[tilespmem:s10], [sflag:$0x1] =	stream.indirect.gather [hbm4b:s6+s9], $0x40, s17, s9, $0xb8;
	[tilespmem:$0x19640] =	vst v63  }
0x62: {  	s19 =	rddreg [dreg:$0x4]  }
0x63: {  	[tilespmem:s9], [sflag:$0x5] =	stream.linear.gather [hbm4b:s19+s17], $0x320, $0x38;
	[tilespmem:$0x19640] =	vst v63  }
0x64: {  	_ =	swait.ge [sflag:s8], $0x320  }
0x65: {  	[sflag:s8] =	ssyncset.done $0x0  }
0x66: {  	[sflag:s8] =	ssyncadd.s32 $0xFFFFFCE0  }
0x67: {  	[tilespmem:s11], [sflag:$0x2] =	stream.indirect.gather [hbm4b:s6+s9], $0x40, s9, s9, $0xb8;
	[tilespmem:$0x19640] =	vst v63  }
0x68: {  	_ =	swait.ge [sflag:s12], $0xC800  }
0x69: {  	[sflag:s12] =	ssyncset.done $0x0  }
0x6a: {  	s2 =	simm.s32 $0x0;
	[sflag:s12] =	ssyncadd.s32 $0xFFFF3800  }
0x6b: {  	v0 =	vld [tilespmem:s2+$0x640]  }
0x6c: {  	v2 =	vld [tilespmem:s2+$0x650]  }
0x6d: {  	s3 =	simm.s32 $0x100;
	v1 =	vld [tilespmem:s2+$0x660]  }
.LBB2_2:
0x6e: {  	p0 =	sne.s32 s3, $0x31F00;
	v3 =	vld [tilespmem:s2+$0x670];
	_ =	sdelay $0x1  }
0x6f: {  	v0 =	vmul.f32 $8.000000000e+00, v0  }
.Ltmp0:
0x70: {  	v2 =	vmul.f32 $8.000000000e+00, v2;
	(pc) =	sbr.rel @p0 .LBB2_2-.Ltmp0, $4  }
0x71: {  	s19 =	sshra.s32 s3, $0x2;
	[tilespmem:s2+$0x640] =	vst v0;
	v1 =	vmul.f32 $8.000000000e+00, v1  }
0x72: {  	v0 =	vld [tilespmem:s19+$0x640];
	[tilespmem:s2+$0x650] =	vst v2;
	v3 =	vmul.f32 $8.000000000e+00, v3  }
0x73: {  	v2 =	vld [tilespmem:s19+$0x650];
	[tilespmem:s2+$0x660] =	vst v1  }
0x74: {  	s3 =	sadd.s32 $0x100, s3;
	v1 =	vld [tilespmem:s19+$0x660];
	[tilespmem:s2+$0x670] =	vst v3;
	s2 =	smov.u32 s19  }
0x75: {  	v3 =	vld [tilespmem:s2+$0x670];
	_ =	sdelay $0x1  }
0x76: {  	v0 =	vmul.f32 $8.000000000e+00, v0  }
0x77: {  	v2 =	vmul.f32 $8.000000000e+00, v2  }
0x78: {  	[tilespmem:s2+$0x640] =	vst v0;
	v0 =	vmul.f32 $8.000000000e+00, v1  }
0x79: {  	s3 =	sld [smem:$0x7EA];
	[tilespmem:s2+$0x650] =	vst v2;
	v1 =	vmul.f32 $8.000000000e+00, v3  }
0x7a: {  	[tilespmem:s2+$0x660] =	vst v0  }
0x7b: {  	[tilespmem:s2+$0x670] =	vst v1;
	s2 =	simm.s32 $0x0  }
0x7c: {  	[hbm4b:s3+s2] =	stream.linear.scatter [tilespmem:s10], [sflag:$0x3], $0xC800, $0x38;
	[tilespmem:$0x19640] =	vst v63  }
0x7d: {  	_ =	swait.ge [sflag:s13], $0xC800  }
0x7e: {  	[sflag:s13] =	ssyncset.done $0x0  }
0x7f: {  	s19 =	rddreg [dreg:$0x5];
	[sflag:s13] =	ssyncadd.s32 $0xFFFF3800  }
0x80: {  	[tilespmem:s2], [sflag:$0x5] =	stream.linear.gather [hbm4b:s19+s2], $0x320, $0x38;
	[tilespmem:$0x19640] =	vst v63  }
0x81: {  	_ =	swait.ge [sflag:s8], $0x320  }
0x82: {  	[sflag:s8] =	ssyncset.done $0x0  }
0x83: {  	[sflag:s8] =	ssyncadd.s32 $0xFFFFFCE0  }
0x84: {  	[tilespmem:s10], [sflag:$0x1] =	stream.indirect.gather [hbm4b:s6+s9], $0x40, s2, s9, $0xb8;
	[tilespmem:$0x19640] =	vst v63  }
0x85: {  	_ =	swait.ge [sflag:s14], $0xC800  }
0x86: {  	[sflag:s14] =	ssyncset.done $0x0  }
0x87: {  	s2 =	simm.s32 $0x0;
	[sflag:s14] =	ssyncadd.s32 $0xFFFF3800  }
0x88: {  	v0 =	vld [tilespmem:s2+$0xCE40]  }
0x89: {  	v2 =	vld [tilespmem:s2+$0xCE50]  }
0x8a: {  	s3 =	simm.s32 $0x100;
	v1 =	vld [tilespmem:s2+$0xCE60]  }
.LBB2_4:
0x8b: {  	p0 =	sne.s32 s3, $0x31F00;
	v3 =	vld [tilespmem:s2+$0xCE70];
	_ =	sdelay $0x1  }
0x8c: {  	v0 =	vmul.f32 $8.000000000e+00, v0  }
.Ltmp1:
0x8d: {  	v2 =	vmul.f32 $8.000000000e+00, v2;
	(pc) =	sbr.rel @p0 .LBB2_4-.Ltmp1, $4  }
0x8e: {  	s19 =	sshra.s32 s3, $0x2;
	[tilespmem:s2+$0xCE40] =	vst v0;
	v1 =	vmul.f32 $8.000000000e+00, v1  }
0x8f: {  	v0 =	vld [tilespmem:s19+$0xCE40];
	[tilespmem:s2+$0xCE50] =	vst v2;
	v3 =	vmul.f32 $8.000000000e+00, v3  }
0x90: {  	v2 =	vld [tilespmem:s19+$0xCE50];
	[tilespmem:s2+$0xCE60] =	vst v1  }
0x91: {  	s3 =	sadd.s32 $0x100, s3;
	v1 =	vld [tilespmem:s19+$0xCE60];
	[tilespmem:s2+$0xCE70] =	vst v3;
	s2 =	smov.u32 s19  }
0x92: {  	v3 =	vld [tilespmem:s2+$0xCE70];
	_ =	sdelay $0x1  }
0x93: {  	v0 =	vmul.f32 $8.000000000e+00, v0  }
0x94: {  	v2 =	vmul.f32 $8.000000000e+00, v2  }
0x95: {  	[tilespmem:s2+$0xCE40] =	vst v0;
	v0 =	vmul.f32 $8.000000000e+00, v1  }
0x96: {  	s3 =	sld [smem:$0x7EB];
	[tilespmem:s2+$0xCE50] =	vst v2;
	v1 =	vmul.f32 $8.000000000e+00, v3  }
0x97: {  	[tilespmem:s2+$0xCE60] =	vst v0  }
0x98: {  	[tilespmem:s2+$0xCE70] =	vst v1;
	s2 =	simm.s32 $0x0  }
0x99: {  	[hbm4b:s3+s2] =	stream.linear.scatter [tilespmem:s11], [sflag:$0x4], $0xC800, $0x38;
	[tilespmem:$0x19640] =	vst v63  }
0x9a: {  	_ =	swait.ge [sflag:s15], $0xC800  }
0x9b: {  	[sflag:s15] =	ssyncset.done $0x0  }
0x9c: {  	s19 =	rddreg [dreg:$0x6];
	[sflag:s15] =	ssyncadd.s32 $0xFFFF3800  }
0x9d: {  	[tilespmem:s9], [sflag:$0x5] =	stream.linear.gather [hbm4b:s19+s2], $0x320, $0x38;
	[tilespmem:$0x19640] =	vst v63  }
0x9e: {  	_ =	swait.ge [sflag:s8], $0x320  }
0x9f: {  	[sflag:s8] =	ssyncset.done $0x0  }
0xa0: {  	[sflag:s8] =	ssyncadd.s32 $0xFFFFFCE0  }
0xa1: {  	[tilespmem:s11], [sflag:$0x2] =	stream.indirect.gather [hbm4b:s6+s9], $0x40, s9, s9, $0xb8;
	[tilespmem:$0x19640] =	vst v63  }
0xa2: {  	_ =	swait.ge [sflag:s12], $0xC800  }
0xa3: {  	[sflag:s12] =	ssyncset.done $0x0  }
0xa4: {  	s2 =	simm.s32 $0x0;
	[sflag:s12] =	ssyncadd.s32 $0xFFFF3800  }
0xa5: {  	v0 =	vld [tilespmem:s2+$0x640]  }
0xa6: {  	v2 =	vld [tilespmem:s2+$0x650]  }
0xa7: {  	s3 =	simm.s32 $0x100;
	v1 =	vld [tilespmem:s2+$0x660]  }
.LBB2_6:
0xa8: {  	p0 =	sne.s32 s3, $0x31F00;
	v3 =	vld [tilespmem:s2+$0x670];
	_ =	sdelay $0x1  }
0xa9: {  	v0 =	vmul.f32 $8.000000000e+00, v0  }
.Ltmp2:
0xaa: {  	v2 =	vmul.f32 $8.000000000e+00, v2;
	(pc) =	sbr.rel @p0 .LBB2_6-.Ltmp2, $4  }
0xab: {  	s19 =	sshra.s32 s3, $0x2;
	[tilespmem:s2+$0x640] =	vst v0;
	v1 =	vmul.f32 $8.000000000e+00, v1  }
0xac: {  	v0 =	vld [tilespmem:s19+$0x640];
	[tilespmem:s2+$0x650] =	vst v2;
	v3 =	vmul.f32 $8.000000000e+00, v3  }
0xad: {  	v2 =	vld [tilespmem:s19+$0x650];
	[tilespmem:s2+$0x660] =	vst v1  }
0xae: {  	s3 =	sadd.s32 $0x100, s3;
	v1 =	vld [tilespmem:s19+$0x660];
	[tilespmem:s2+$0x670] =	vst v3;
	s2 =	smov.u32 s19  }
0xaf: {  	v3 =	vld [tilespmem:s2+$0x670];
	_ =	sdelay $0x1  }
0xb0: {  	v0 =	vmul.f32 $8.000000000e+00, v0  }
0xb1: {  	v2 =	vmul.f32 $8.000000000e+00, v2  }
0xb2: {  	[tilespmem:s2+$0x640] =	vst v0;
	v0 =	vmul.f32 $8.000000000e+00, v1  }
0xb3: {  	s3 =	sld [smem:$0x7ED];
	[tilespmem:s2+$0x650] =	vst v2;
	v1 =	vmul.f32 $8.000000000e+00, v3  }
0xb4: {  	[tilespmem:s2+$0x660] =	vst v0  }
0xb5: {  	[tilespmem:s2+$0x670] =	vst v1;
	s2 =	simm.s32 $0x0  }
0xb6: {  	[hbm4b:s3+s2] =	stream.linear.scatter [tilespmem:s10], [sflag:$0x3], $0xC800, $0x38;
	[tilespmem:$0x19640] =	vst v63  }
0xb7: {  	_ =	swait.ge [sflag:s13], $0xC800  }
0xb8: {  	[sflag:s13] =	ssyncset.done $0x0  }
0xb9: {  	s19 =	rddreg [dreg:$0x7];
	[sflag:s13] =	ssyncadd.s32 $0xFFFF3800  }
0xba: {  	[tilespmem:s2], [sflag:$0x5] =	stream.linear.gather [hbm4b:s19+s2], $0x320, $0x38;
	[tilespmem:$0x19640] =	vst v63  }
0xbb: {  	_ =	swait.ge [sflag:s8], $0x320  }
0xbc: {  	[sflag:s8] =	ssyncset.done $0x0  }
0xbd: {  	[sflag:s8] =	ssyncadd.s32 $0xFFFFFCE0  }
0xbe: {  	[tilespmem:s10], [sflag:$0x1] =	stream.indirect.gather [hbm4b:s6+s9], $0x40, s2, s9, $0xb8;
	[tilespmem:$0x19640] =	vst v63  }
0xbf: {  	_ =	swait.ge [sflag:s14], $0xC800  }
0xc0: {  	[sflag:s14] =	ssyncset.done $0x0  }
0xc1: {  	s2 =	simm.s32 $0x0;
	[sflag:s14] =	ssyncadd.s32 $0xFFFF3800  }
0xc2: {  	v0 =	vld [tilespmem:s2+$0xCE40]  }
0xc3: {  	v2 =	vld [tilespmem:s2+$0xCE50]  }
0xc4: {  	s3 =	simm.s32 $0x100;
	v1 =	vld [tilespmem:s2+$0xCE60]  }
.LBB2_8:
0xc5: {  	p0 =	sne.s32 s3, $0x31F00;
	v3 =	vld [tilespmem:s2+$0xCE70];
	_ =	sdelay $0x1  }
0xc6: {  	v0 =	vmul.f32 $8.000000000e+00, v0  }
.Ltmp3:
0xc7: {  	v2 =	vmul.f32 $8.000000000e+00, v2;
	(pc) =	sbr.rel @p0 .LBB2_8-.Ltmp3, $4  }
0xc8: {  	s19 =	sshra.s32 s3, $0x2;
	[tilespmem:s2+$0xCE40] =	vst v0;
	v1 =	vmul.f32 $8.000000000e+00, v1  }
0xc9: {  	v0 =	vld [tilespmem:s19+$0xCE40];
	[tilespmem:s2+$0xCE50] =	vst v2;
	v3 =	vmul.f32 $8.000000000e+00, v3  }
0xca: {  	v2 =	vld [tilespmem:s19+$0xCE50];
	[tilespmem:s2+$0xCE60] =	vst v1  }
0xcb: {  	s3 =	sadd.s32 $0x100, s3;
	v1 =	vld [tilespmem:s19+$0xCE60];
	[tilespmem:s2+$0xCE70] =	vst v3;
	s2 =	smov.u32 s19  }
0xcc: {  	v3 =	vld [tilespmem:s2+$0xCE70];
	_ =	sdelay $0x1  }
0xcd: {  	v0 =	vmul.f32 $8.000000000e+00, v0  }
0xce: {  	v2 =	vmul.f32 $8.000000000e+00, v2  }
0xcf: {  	[tilespmem:s2+$0xCE40] =	vst v0;
	v0 =	vmul.f32 $8.000000000e+00, v1  }
0xd0: {  	s3 =	sld [smem:$0x7F0];
	[tilespmem:s2+$0xCE50] =	vst v2;
	v1 =	vmul.f32 $8.000000000e+00, v3  }
0xd1: {  	[tilespmem:s2+$0xCE60] =	vst v0  }
0xd2: {  	[tilespmem:s2+$0xCE70] =	vst v1;
	s2 =	simm.s32 $0x0  }
0xd3: {  	[hbm4b:s3+s2] =	stream.linear.scatter [tilespmem:s11], [sflag:$0x4], $0xC800, $0x38;
	[tilespmem:$0x19640] =	vst v63  }
0xd4: {  	_ =	swait.ge [sflag:s15], $0xC800  }
0xd5: {  	[sflag:s15] =	ssyncset.done $0x0  }
0xd6: {  	s19 =	rddreg [dreg:$0x8];
	[sflag:s15] =	ssyncadd.s32 $0xFFFF3800  }
0xd7: {  	[tilespmem:s9], [sflag:$0x5] =	stream.linear.gather [hbm4b:s19+s2], $0x320, $0x38;
	[tilespmem:$0x19640] =	vst v63  }
0xd8: {  	_ =	swait.ge [sflag:s8], $0x320  }
0xd9: {  	[sflag:s8] =	ssyncset.done $0x0  }
0xda: {  	[sflag:s8] =	ssyncadd.s32 $0xFFFFFCE0  }
0xdb: {  	[tilespmem:s11], [sflag:$0x2] =	stream.indirect.gather [hbm4b:s6+s9], $0x40, s9, s9, $0xb8;
	[tilespmem:$0x19640] =	vst v63  }
0xdc: {  	_ =	swait.ge [sflag:s12], $0xC800  }
0xdd: {  	[sflag:s12] =	ssyncset.done $0x0  }
0xde: {  	s2 =	simm.s32 $0x0;
	[sflag:s12] =	ssyncadd.s32 $0xFFFF3800  }
0xdf: {  	v0 =	vld [tilespmem:s2+$0x640]  }
0xe0: {  	v2 =	vld [tilespmem:s2+$0x650]  }
0xe1: {  	s3 =	simm.s32 $0x100;
	v1 =	vld [tilespmem:s2+$0x660]  }
.LBB2_10:
0xe2: {  	p0 =	sne.s32 s3, $0x31F00;
	v3 =	vld [tilespmem:s2+$0x670];
	_ =	sdelay $0x1  }
0xe3: {  	v0 =	vmul.f32 $8.000000000e+00, v0  }
.Ltmp4:
0xe4: {  	v2 =	vmul.f32 $8.000000000e+00, v2;
	(pc) =	sbr.rel @p0 .LBB2_10-.Ltmp4, $4  }
0xe5: {  	s19 =	sshra.s32 s3, $0x2;
	[tilespmem:s2+$0x640] =	vst v0;
	v1 =	vmul.f32 $8.000000000e+00, v1  }
0xe6: {  	v0 =	vld [tilespmem:s19+$0x640];
	[tilespmem:s2+$0x650] =	vst v2;
	v3 =	vmul.f32 $8.000000000e+00, v3  }
0xe7: {  	v2 =	vld [tilespmem:s19+$0x650];
	[tilespmem:s2+$0x660] =	vst v1  }
0xe8: {  	s3 =	sadd.s32 $0x100, s3;
	v1 =	vld [tilespmem:s19+$0x660];
	[tilespmem:s2+$0x670] =	vst v3;
	s2 =	smov.u32 s19  }
0xe9: {  	v3 =	vld [tilespmem:s2+$0x670];
	_ =	sdelay $0x1  }
0xea: {  	v0 =	vmul.f32 $8.000000000e+00, v0  }
0xeb: {  	v2 =	vmul.f32 $8.000000000e+00, v2  }
0xec: {  	[tilespmem:s2+$0x640] =	vst v0;
	v0 =	vmul.f32 $8.000000000e+00, v1  }
0xed: {  	s3 =	sld [smem:$0x7F1];
	[tilespmem:s2+$0x650] =	vst v2;
	v1 =	vmul.f32 $8.000000000e+00, v3  }
0xee: {  	[tilespmem:s2+$0x660] =	vst v0  }
0xef: {  	[tilespmem:s2+$0x670] =	vst v1;
	s2 =	simm.s32 $0x0  }
0xf0: {  	[hbm4b:s3+s2] =	stream.linear.scatter [tilespmem:s10], [sflag:$0x3], $0xC800, $0x38;
	[tilespmem:$0x19640] =	vst v63  }
0xf1: {  	_ =	swait.ge [sflag:s13], $0xC800  }
0xf2: {  	[sflag:s13] =	ssyncset.done $0x0  }
0xf3: {  	s19 =	rddreg [dreg:$0x9];
	[sflag:s13] =	ssyncadd.s32 $0xFFFF3800  }
0xf4: {  	[tilespmem:s2], [sflag:$0x5] =	stream.linear.gather [hbm4b:s19+s2], $0x320, $0x38;
	[tilespmem:$0x19640] =	vst v63  }
0xf5: {  	_ =	swait.ge [sflag:s8], $0x320  }
0xf6: {  	[sflag:s8] =	ssyncset.done $0x0  }
0xf7: {  	[sflag:s8] =	ssyncadd.s32 $0xFFFFFCE0  }
0xf8: {  	[tilespmem:s10], [sflag:$0x1] =	stream.indirect.gather [hbm4b:s6+s9], $0x40, s2, s9, $0xb8;
	[tilespmem:$0x19640] =	vst v63  }
0xf9: {  	_ =	swait.ge [sflag:s14], $0xC800  }
0xfa: {  	[sflag:s14] =	ssyncset.done $0x0  }
0xfb: {  	s2 =	simm.s32 $0x0;
	[sflag:s14] =	ssyncadd.s32 $0xFFFF3800  }
0xfc: {  	v0 =	vld [tilespmem:s2+$0xCE40]  }
0xfd: {  	v2 =	vld [tilespmem:s2+$0xCE50]  }
0xfe: {  	s3 =	simm.s32 $0x100;
	v1 =	vld [tilespmem:s2+$0xCE60]  }
.LBB2_12:
0xff: {  	p0 =	sne.s32 s3, $0x31F00;
	v3 =	vld [tilespmem:s2+$0xCE70];
	_ =	sdelay $0x1  }
0x100: {  	v0 =	vmul.f32 $8.000000000e+00, v0  }
.Ltmp5:
0x101: {  	v2 =	vmul.f32 $8.000000000e+00, v2;
	(pc) =	sbr.rel @p0 .LBB2_12-.Ltmp5, $4  }
0x102: {  	s19 =	sshra.s32 s3, $0x2;
	[tilespmem:s2+$0xCE40] =	vst v0;
	v1 =	vmul.f32 $8.000000000e+00, v1  }
0x103: {  	v0 =	vld [tilespmem:s19+$0xCE40];
	[tilespmem:s2+$0xCE50] =	vst v2;
	v3 =	vmul.f32 $8.000000000e+00, v3  }
0x104: {  	v2 =	vld [tilespmem:s19+$0xCE50];
	[tilespmem:s2+$0xCE60] =	vst v1  }
0x105: {  	s3 =	sadd.s32 $0x100, s3;
	v1 =	vld [tilespmem:s19+$0xCE60];
	[tilespmem:s2+$0xCE70] =	vst v3;
	s2 =	smov.u32 s19  }
0x106: {  	v3 =	vld [tilespmem:s2+$0xCE70];
	_ =	sdelay $0x1  }
0x107: {  	v0 =	vmul.f32 $8.000000000e+00, v0  }
0x108: {  	v2 =	vmul.f32 $8.000000000e+00, v2  }
0x109: {  	[tilespmem:s2+$0xCE40] =	vst v0;
	v0 =	vmul.f32 $8.000000000e+00, v1  }
0x10a: {  	s3 =	sld [smem:$0x7F2];
	[tilespmem:s2+$0xCE50] =	vst v2;
	v1 =	vmul.f32 $8.000000000e+00, v3  }
0x10b: {  	[tilespmem:s2+$0xCE60] =	vst v0  }
0x10c: {  	[tilespmem:s2+$0xCE70] =	vst v1;
	s2 =	simm.s32 $0x0  }
0x10d: {  	[hbm4b:s3+s2] =	stream.linear.scatter [tilespmem:s11], [sflag:$0x4], $0xC800, $0x38;
	[tilespmem:$0x19640] =	vst v63  }
0x10e: {  	_ =	swait.ge [sflag:s15], $0xC800  }
0x10f: {  	[sflag:s15] =	ssyncset.done $0x0  }
0x110: {  	s19 =	rddreg [dreg:$0xa];
	[sflag:s15] =	ssyncadd.s32 $0xFFFF3800  }
0x111: {  	[tilespmem:s9], [sflag:$0x5] =	stream.linear.gather [hbm4b:s19+s2], $0x320, $0x38;
	[tilespmem:$0x19640] =	vst v63  }
0x112: {  	_ =	swait.ge [sflag:s8], $0x320  }
0x113: {  	[sflag:s8] =	ssyncset.done $0x0  }
0x114: {  	[sflag:s8] =	ssyncadd.s32 $0xFFFFFCE0  }
0x115: {  	[tilespmem:s11], [sflag:$0x2] =	stream.indirect.gather [hbm4b:s6+s9], $0x40, s9, s9, $0xb8;
	[tilespmem:$0x19640] =	vst v63  }
0x116: {  	_ =	swait.ge [sflag:s12], $0xC800  }
0x117: {  	[sflag:s12] =	ssyncset.done $0x0  }
0x118: {  	s2 =	simm.s32 $0x0;
	[sflag:s12] =	ssyncadd.s32 $0xFFFF3800  }
0x119: {  	v0 =	vld [tilespmem:s2+$0x640]  }
0x11a: {  	v2 =	vld [tilespmem:s2+$0x650]  }
0x11b: {  	s3 =	simm.s32 $0x100;
	v1 =	vld [tilespmem:s2+$0x660]  }
.LBB2_14:
0x11c: {  	p0 =	sne.s32 s3, $0x31F00;
	v3 =	vld [tilespmem:s2+$0x670];
	_ =	sdelay $0x1  }
0x11d: {  	v0 =	vmul.f32 $8.000000000e+00, v0  }
.Ltmp6:
0x11e: {  	v2 =	vmul.f32 $8.000000000e+00, v2;
	(pc) =	sbr.rel @p0 .LBB2_14-.Ltmp6, $4  }
0x11f: {  	s19 =	sshra.s32 s3, $0x2;
	[tilespmem:s2+$0x640] =	vst v0;
	v1 =	vmul.f32 $8.000000000e+00, v1  }
0x120: {  	v0 =	vld [tilespmem:s19+$0x640];
	[tilespmem:s2+$0x650] =	vst v2;
	v3 =	vmul.f32 $8.000000000e+00, v3  }
0x121: {  	v2 =	vld [tilespmem:s19+$0x650];
	[tilespmem:s2+$0x660] =	vst v1  }
0x122: {  	s3 =	sadd.s32 $0x100, s3;
	v1 =	vld [tilespmem:s19+$0x660];
	[tilespmem:s2+$0x670] =	vst v3;
	s2 =	smov.u32 s19  }
0x123: {  	v3 =	vld [tilespmem:s2+$0x670];
	_ =	sdelay $0x1  }
0x124: {  	v0 =	vmul.f32 $8.000000000e+00, v0  }
0x125: {  	v2 =	vmul.f32 $8.000000000e+00, v2  }
0x126: {  	[tilespmem:s2+$0x640] =	vst v0;
	v0 =	vmul.f32 $8.000000000e+00, v1  }
0x127: {  	s3 =	sld [smem:$0x7F3];
	[tilespmem:s2+$0x650] =	vst v2;
	v1 =	vmul.f32 $8.000000000e+00, v3  }
0x128: {  	[tilespmem:s2+$0x660] =	vst v0  }
0x129: {  	[tilespmem:s2+$0x670] =	vst v1;
	s2 =	simm.s32 $0x0  }
0x12a: {  	[hbm4b:s3+s2] =	stream.linear.scatter [tilespmem:s10], [sflag:$0x3], $0xC800, $0x38;
	[tilespmem:$0x19640] =	vst v63  }
0x12b: {  	_ =	swait.ge [sflag:s13], $0xC800  }
0x12c: {  	[sflag:s13] =	ssyncset.done $0x0  }
0x12d: {  	s19 =	rddreg [dreg:$0xb];
	[sflag:s13] =	ssyncadd.s32 $0xFFFF3800  }
0x12e: {  	[tilespmem:s2], [sflag:$0x5] =	stream.linear.gather [hbm4b:s19+s2], $0x320, $0x38;
	[tilespmem:$0x19640] =	vst v63  }
0x12f: {  	_ =	swait.ge [sflag:s8], $0x320  }
0x130: {  	[sflag:s8] =	ssyncset.done $0x0  }
0x131: {  	[sflag:s8] =	ssyncadd.s32 $0xFFFFFCE0  }
0x132: {  	[tilespmem:s10], [sflag:$0x1] =	stream.indirect.gather [hbm4b:s6+s9], $0x40, s2, s9, $0xb8;
	[tilespmem:$0x19640] =	vst v63  }
0x133: {  	_ =	swait.ge [sflag:s14], $0xC800  }
0x134: {  	[sflag:s14] =	ssyncset.done $0x0  }
0x135: {  	s2 =	simm.s32 $0x0;
	[sflag:s14] =	ssyncadd.s32 $0xFFFF3800  }
0x136: {  	v0 =	vld [tilespmem:s2+$0xCE40]  }
0x137: {  	v2 =	vld [tilespmem:s2+$0xCE50]  }
0x138: {  	s3 =	simm.s32 $0x100;
	v1 =	vld [tilespmem:s2+$0xCE60]  }
.LBB2_16:
0x139: {  	p0 =	sne.s32 s3, $0x31F00;
	v3 =	vld [tilespmem:s2+$0xCE70];
	_ =	sdelay $0x1  }
0x13a: {  	v0 =	vmul.f32 $8.000000000e+00, v0  }
.Ltmp7:
0x13b: {  	v2 =	vmul.f32 $8.000000000e+00, v2;
	(pc) =	sbr.rel @p0 .LBB2_16-.Ltmp7, $4  }
0x13c: {  	s19 =	sshra.s32 s3, $0x2;
	[tilespmem:s2+$0xCE40] =	vst v0;
	v1 =	vmul.f32 $8.000000000e+00, v1  }
0x13d: {  	v0 =	vld [tilespmem:s19+$0xCE40];
	[tilespmem:s2+$0xCE50] =	vst v2;
	v3 =	vmul.f32 $8.000000000e+00, v3  }
0x13e: {  	v2 =	vld [tilespmem:s19+$0xCE50];
	[tilespmem:s2+$0xCE60] =	vst v1  }
0x13f: {  	s3 =	sadd.s32 $0x100, s3;
	v1 =	vld [tilespmem:s19+$0xCE60];
	[tilespmem:s2+$0xCE70] =	vst v3;
	s2 =	smov.u32 s19  }
0x140: {  	v3 =	vld [tilespmem:s2+$0xCE70];
	_ =	sdelay $0x1  }
0x141: {  	v0 =	vmul.f32 $8.000000000e+00, v0  }
0x142: {  	v2 =	vmul.f32 $8.000000000e+00, v2  }
0x143: {  	[tilespmem:s2+$0xCE40] =	vst v0;
	v0 =	vmul.f32 $8.000000000e+00, v1  }
0x144: {  	s3 =	sld [smem:$0x7F4];
	[tilespmem:s2+$0xCE50] =	vst v2;
	v1 =	vmul.f32 $8.000000000e+00, v3  }
0x145: {  	[tilespmem:s2+$0xCE60] =	vst v0  }
0x146: {  	[tilespmem:s2+$0xCE70] =	vst v1;
	s2 =	simm.s32 $0x0  }
0x147: {  	[hbm4b:s3+s2] =	stream.linear.scatter [tilespmem:s11], [sflag:$0x4], $0xC800, $0x38;
	[tilespmem:$0x19640] =	vst v63  }
0x148: {  	_ =	swait.ge [sflag:s15], $0xC800  }
0x149: {  	[sflag:s15] =	ssyncset.done $0x0  }
0x14a: {  	s19 =	rddreg [dreg:$0xc];
	[sflag:s15] =	ssyncadd.s32 $0xFFFF3800  }
0x14b: {  	[tilespmem:s9], [sflag:$0x5] =	stream.linear.gather [hbm4b:s19+s2], $0x320, $0x38;
	[tilespmem:$0x19640] =	vst v63  }
0x14c: {  	_ =	swait.ge [sflag:s8], $0x320  }
0x14d: {  	[sflag:s8] =	ssyncset.done $0x0  }
0x14e: {  	[sflag:s8] =	ssyncadd.s32 $0xFFFFFCE0  }
0x14f: {  	[tilespmem:s11], [sflag:$0x2] =	stream.indirect.gather [hbm4b:s6+s9], $0x40, s9, s9, $0xb8;
	[tilespmem:$0x19640] =	vst v63  }
0x150: {  	_ =	swait.ge [sflag:s12], $0xC800  }
0x151: {  	[sflag:s12] =	ssyncset.done $0x0  }
0x152: {  	s2 =	simm.s32 $0x0;
	[sflag:s12] =	ssyncadd.s32 $0xFFFF3800  }
0x153: {  	v0 =	vld [tilespmem:s2+$0x640]  }
0x154: {  	v2 =	vld [tilespmem:s2+$0x650]  }
0x155: {  	s3 =	simm.s32 $0x100;
	v1 =	vld [tilespmem:s2+$0x660]  }
.LBB2_18:
0x156: {  	p0 =	sne.s32 s3, $0x31F00;
	v3 =	vld [tilespmem:s2+$0x670];
	_ =	sdelay $0x1  }
0x157: {  	v0 =	vmul.f32 $8.000000000e+00, v0  }
.Ltmp8:
0x158: {  	v2 =	vmul.f32 $8.000000000e+00, v2;
	(pc) =	sbr.rel @p0 .LBB2_18-.Ltmp8, $4  }
0x159: {  	s19 =	sshra.s32 s3, $0x2;
	[tilespmem:s2+$0x640] =	vst v0;
	v1 =	vmul.f32 $8.000000000e+00, v1  }
0x15a: {  	v0 =	vld [tilespmem:s19+$0x640];
	[tilespmem:s2+$0x650] =	vst v2;
	v3 =	vmul.f32 $8.000000000e+00, v3  }
0x15b: {  	v2 =	vld [tilespmem:s19+$0x650];
	[tilespmem:s2+$0x660] =	vst v1  }
0x15c: {  	s3 =	sadd.s32 $0x100, s3;
	v1 =	vld [tilespmem:s19+$0x660];
	[tilespmem:s2+$0x670] =	vst v3;
	s2 =	smov.u32 s19  }
0x15d: {  	v3 =	vld [tilespmem:s2+$0x670];
	_ =	sdelay $0x1  }
0x15e: {  	v0 =	vmul.f32 $8.000000000e+00, v0  }
0x15f: {  	v2 =	vmul.f32 $8.000000000e+00, v2  }
0x160: {  	[tilespmem:s2+$0x640] =	vst v0;
	v0 =	vmul.f32 $8.000000000e+00, v1  }
0x161: {  	s3 =	sld [smem:$0x7F5];
	[tilespmem:s2+$0x650] =	vst v2;
	v1 =	vmul.f32 $8.000000000e+00, v3  }
0x162: {  	[tilespmem:s2+$0x660] =	vst v0  }
0x163: {  	[tilespmem:s2+$0x670] =	vst v1;
	s2 =	simm.s32 $0x0  }
0x164: {  	[hbm4b:s3+s2] =	stream.linear.scatter [tilespmem:s10], [sflag:$0x3], $0xC800, $0x38;
	[tilespmem:$0x19640] =	vst v63  }
0x165: {  	_ =	swait.ge [sflag:s13], $0xC800  }
0x166: {  	[sflag:s13] =	ssyncset.done $0x0  }
0x167: {  	s19 =	rddreg [dreg:$0xd];
	[sflag:s13] =	ssyncadd.s32 $0xFFFF3800  }
0x168: {  	[tilespmem:s2], [sflag:$0x5] =	stream.linear.gather [hbm4b:s19+s2], $0x320, $0x38;
	[tilespmem:$0x19640] =	vst v63  }
0x169: {  	_ =	swait.ge [sflag:s8], $0x320  }
0x16a: {  	[sflag:s8] =	ssyncset.done $0x0  }
0x16b: {  	[sflag:s8] =	ssyncadd.s32 $0xFFFFFCE0  }
0x16c: {  	[tilespmem:s10], [sflag:$0x1] =	stream.indirect.gather [hbm4b:s6+s9], $0x40, s2, s9, $0xb8;
	[tilespmem:$0x19640] =	vst v63  }
0x16d: {  	_ =	swait.ge [sflag:s14], $0xC800  }
0x16e: {  	[sflag:s14] =	ssyncset.done $0x0  }
0x16f: {  	s2 =	simm.s32 $0x0;
	[sflag:s14] =	ssyncadd.s32 $0xFFFF3800  }
0x170: {  	v0 =	vld [tilespmem:s2+$0xCE40]  }
0x171: {  	v2 =	vld [tilespmem:s2+$0xCE50]  }
0x172: {  	s3 =	simm.s32 $0x100;
	v1 =	vld [tilespmem:s2+$0xCE60]  }
.LBB2_20:
0x173: {  	p0 =	sne.s32 s3, $0x31F00;
	v3 =	vld [tilespmem:s2+$0xCE70];
	_ =	sdelay $0x1  }
0x174: {  	v0 =	vmul.f32 $8.000000000e+00, v0  }
.Ltmp9:
0x175: {  	v2 =	vmul.f32 $8.000000000e+00, v2;
	(pc) =	sbr.rel @p0 .LBB2_20-.Ltmp9, $4  }
0x176: {  	s19 =	sshra.s32 s3, $0x2;
	[tilespmem:s2+$0xCE40] =	vst v0;
	v1 =	vmul.f32 $8.000000000e+00, v1  }
0x177: {  	v0 =	vld [tilespmem:s19+$0xCE40];
	[tilespmem:s2+$0xCE50] =	vst v2;
	v3 =	vmul.f32 $8.000000000e+00, v3  }
0x178: {  	v2 =	vld [tilespmem:s19+$0xCE50];
	[tilespmem:s2+$0xCE60] =	vst v1  }
0x179: {  	s3 =	sadd.s32 $0x100, s3;
	v1 =	vld [tilespmem:s19+$0xCE60];
	[tilespmem:s2+$0xCE70] =	vst v3;
	s2 =	smov.u32 s19  }
0x17a: {  	v3 =	vld [tilespmem:s2+$0xCE70];
	_ =	sdelay $0x1  }
0x17b: {  	v0 =	vmul.f32 $8.000000000e+00, v0  }
0x17c: {  	v2 =	vmul.f32 $8.000000000e+00, v2  }
0x17d: {  	[tilespmem:s2+$0xCE40] =	vst v0;
	v0 =	vmul.f32 $8.000000000e+00, v1  }
0x17e: {  	s3 =	sld [smem:$0x7F6];
	[tilespmem:s2+$0xCE50] =	vst v2;
	v1 =	vmul.f32 $8.000000000e+00, v3  }
0x17f: {  	[tilespmem:s2+$0xCE60] =	vst v0  }
0x180: {  	[tilespmem:s2+$0xCE70] =	vst v1;
	s2 =	simm.s32 $0x0  }
0x181: {  	[hbm4b:s3+s2] =	stream.linear.scatter [tilespmem:s11], [sflag:$0x4], $0xC800, $0x38;
	[tilespmem:$0x19640] =	vst v63  }
0x182: {  	_ =	swait.ge [sflag:s15], $0xC800  }
0x183: {  	[sflag:s15] =	ssyncset.done $0x0  }
0x184: {  	s19 =	rddreg [dreg:$0xe];
	[sflag:s15] =	ssyncadd.s32 $0xFFFF3800  }
0x185: {  	[tilespmem:s9], [sflag:$0x5] =	stream.linear.gather [hbm4b:s19+s2], $0x320, $0x38;
	[tilespmem:$0x19640] =	vst v63  }
0x186: {  	_ =	swait.ge [sflag:s8], $0x320  }
0x187: {  	[sflag:s8] =	ssyncset.done $0x0  }
0x188: {  	[sflag:s8] =	ssyncadd.s32 $0xFFFFFCE0  }
0x189: {  	[tilespmem:s11], [sflag:$0x2] =	stream.indirect.gather [hbm4b:s6+s9], $0x40, s9, s9, $0xb8;
	[tilespmem:$0x19640] =	vst v63  }
0x18a: {  	_ =	swait.ge [sflag:s12], $0xC800  }
0x18b: {  	[sflag:s12] =	ssyncset.done $0x0  }
0x18c: {  	s2 =	simm.s32 $0x0;
	[sflag:s12] =	ssyncadd.s32 $0xFFFF3800  }
0x18d: {  	v0 =	vld [tilespmem:s2+$0x640]  }
0x18e: {  	v2 =	vld [tilespmem:s2+$0x650]  }
0x18f: {  	s3 =	simm.s32 $0x100;
	v1 =	vld [tilespmem:s2+$0x660]  }
.LBB2_22:
0x190: {  	p0 =	sne.s32 s3, $0x31F00;
	v3 =	vld [tilespmem:s2+$0x670];
	_ =	sdelay $0x1  }
0x191: {  	v0 =	vmul.f32 $8.000000000e+00, v0  }
.Ltmp10:
0x192: {  	v2 =	vmul.f32 $8.000000000e+00, v2;
	(pc) =	sbr.rel @p0 .LBB2_22-.Ltmp10, $4  }
0x193: {  	s19 =	sshra.s32 s3, $0x2;
	[tilespmem:s2+$0x640] =	vst v0;
	v1 =	vmul.f32 $8.000000000e+00, v1  }
0x194: {  	v0 =	vld [tilespmem:s19+$0x640];
	[tilespmem:s2+$0x650] =	vst v2;
	v3 =	vmul.f32 $8.000000000e+00, v3  }
0x195: {  	v2 =	vld [tilespmem:s19+$0x650];
	[tilespmem:s2+$0x660] =	vst v1  }
0x196: {  	s3 =	sadd.s32 $0x100, s3;
	v1 =	vld [tilespmem:s19+$0x660];
	[tilespmem:s2+$0x670] =	vst v3;
	s2 =	smov.u32 s19  }
0x197: {  	v3 =	vld [tilespmem:s2+$0x670];
	_ =	sdelay $0x1  }
0x198: {  	v0 =	vmul.f32 $8.000000000e+00, v0  }
0x199: {  	v2 =	vmul.f32 $8.000000000e+00, v2  }
0x19a: {  	[tilespmem:s2+$0x640] =	vst v0;
	v0 =	vmul.f32 $8.000000000e+00, v1  }
0x19b: {  	s3 =	sld [smem:$0x7F7];
	[tilespmem:s2+$0x650] =	vst v2;
	v1 =	vmul.f32 $8.000000000e+00, v3  }
0x19c: {  	[tilespmem:s2+$0x660] =	vst v0  }
0x19d: {  	[tilespmem:s2+$0x670] =	vst v1;
	s2 =	simm.s32 $0x0  }
0x19e: {  	[hbm4b:s3+s2] =	stream.linear.scatter [tilespmem:s10], [sflag:$0x3], $0xC800, $0x38;
	[tilespmem:$0x19640] =	vst v63  }
0x19f: {  	_ =	swait.ge [sflag:s13], $0xC800  }
0x1a0: {  	[sflag:s13] =	ssyncset.done $0x0  }
0x1a1: {  	s19 =	rddreg [dreg:$0xf];
	[sflag:s13] =	ssyncadd.s32 $0xFFFF3800  }
0x1a2: {  	[tilespmem:s2], [sflag:$0x5] =	stream.linear.gather [hbm4b:s19+s2], $0x320, $0x38;
	[tilespmem:$0x19640] =	vst v63  }
0x1a3: {  	_ =	swait.ge [sflag:s8], $0x320  }
0x1a4: {  	[sflag:s8] =	ssyncset.done $0x0  }
0x1a5: {  	[sflag:s8] =	ssyncadd.s32 $0xFFFFFCE0  }
0x1a6: {  	[tilespmem:s10], [sflag:$0x1] =	stream.indirect.gather [hbm4b:s6+s9], $0x40, s2, s9, $0xb8;
	[tilespmem:$0x19640] =	vst v63  }
0x1a7: {  	_ =	swait.ge [sflag:s14], $0xC800  }
0x1a8: {  	[sflag:s14] =	ssyncset.done $0x0  }
0x1a9: {  	s2 =	simm.s32 $0x0;
	[sflag:s14] =	ssyncadd.s32 $0xFFFF3800  }
0x1aa: {  	v0 =	vld [tilespmem:s2+$0xCE40]  }
0x1ab: {  	v2 =	vld [tilespmem:s2+$0xCE50]  }
0x1ac: {  	s3 =	simm.s32 $0x100;
	v1 =	vld [tilespmem:s2+$0xCE60]  }
.LBB2_24:
0x1ad: {  	p0 =	sne.s32 s3, $0x31F00;
	v3 =	vld [tilespmem:s2+$0xCE70];
	_ =	sdelay $0x1  }
0x1ae: {  	v0 =	vmul.f32 $8.000000000e+00, v0  }
.Ltmp11:
0x1af: {  	v2 =	vmul.f32 $8.000000000e+00, v2;
	(pc) =	sbr.rel @p0 .LBB2_24-.Ltmp11, $4  }
0x1b0: {  	s19 =	sshra.s32 s3, $0x2;
	[tilespmem:s2+$0xCE40] =	vst v0;
	v1 =	vmul.f32 $8.000000000e+00, v1  }
0x1b1: {  	v0 =	vld [tilespmem:s19+$0xCE40];
	[tilespmem:s2+$0xCE50] =	vst v2;
	v3 =	vmul.f32 $8.000000000e+00, v3  }
0x1b2: {  	v2 =	vld [tilespmem:s19+$0xCE50];
	[tilespmem:s2+$0xCE60] =	vst v1  }
0x1b3: {  	s3 =	sadd.s32 $0x100, s3;
	v1 =	vld [tilespmem:s19+$0xCE60];
	[tilespmem:s2+$0xCE70] =	vst v3;
	s2 =	smov.u32 s19  }
0x1b4: {  	v3 =	vld [tilespmem:s2+$0xCE70];
	_ =	sdelay $0x1  }
0x1b5: {  	v0 =	vmul.f32 $8.000000000e+00, v0  }
0x1b6: {  	v2 =	vmul.f32 $8.000000000e+00, v2  }
0x1b7: {  	[tilespmem:s2+$0xCE40] =	vst v0;
	v0 =	vmul.f32 $8.000000000e+00, v1  }
0x1b8: {  	s3 =	sld [smem:$0x7F8];
	[tilespmem:s2+$0xCE50] =	vst v2;
	v1 =	vmul.f32 $8.000000000e+00, v3  }
0x1b9: {  	[tilespmem:s2+$0xCE60] =	vst v0  }
0x1ba: {  	[tilespmem:s2+$0xCE70] =	vst v1;
	s2 =	simm.s32 $0x0  }
0x1bb: {  	[hbm4b:s3+s2] =	stream.linear.scatter [tilespmem:s11], [sflag:$0x4], $0xC800, $0x38;
	[tilespmem:$0x19640] =	vst v63  }
0x1bc: {  	_ =	swait.ge [sflag:s15], $0xC800  }
0x1bd: {  	[sflag:s15] =	ssyncset.done $0x0  }
0x1be: {  	s19 =	rddreg [dreg:$0x10];
	[sflag:s15] =	ssyncadd.s32 $0xFFFF3800  }
0x1bf: {  	[tilespmem:s9], [sflag:$0x5] =	stream.linear.gather [hbm4b:s19+s2], $0x320, $0x38;
	[tilespmem:$0x19640] =	vst v63  }
0x1c0: {  	_ =	swait.ge [sflag:s8], $0x320  }
0x1c1: {  	[sflag:s8] =	ssyncset.done $0x0  }
0x1c2: {  	[sflag:s8] =	ssyncadd.s32 $0xFFFFFCE0  }
0x1c3: {  	[tilespmem:s11], [sflag:$0x2] =	stream.indirect.gather [hbm4b:s6+s9], $0x40, s9, s9, $0xb8;
	[tilespmem:$0x19640] =	vst v63  }
0x1c4: {  	_ =	swait.ge [sflag:s12], $0xC800  }
0x1c5: {  	[sflag:s12] =	ssyncset.done $0x0  }
0x1c6: {  	s2 =	simm.s32 $0x0;
	[sflag:s12] =	ssyncadd.s32 $0xFFFF3800  }
0x1c7: {  	v0 =	vld [tilespmem:s2+$0x640]  }
0x1c8: {  	v2 =	vld [tilespmem:s2+$0x650]  }
0x1c9: {  	s3 =	simm.s32 $0x100;
	v1 =	vld [tilespmem:s2+$0x660]  }
.LBB2_26:
0x1ca: {  	p0 =	sne.s32 s3, $0x31F00;
	v3 =	vld [tilespmem:s2+$0x670];
	_ =	sdelay $0x1  }
0x1cb: {  	v0 =	vmul.f32 $8.000000000e+00, v0  }
.Ltmp12:
0x1cc: {  	v2 =	vmul.f32 $8.000000000e+00, v2;
	(pc) =	sbr.rel @p0 .LBB2_26-.Ltmp12, $4  }
0x1cd: {  	s19 =	sshra.s32 s3, $0x2;
	[tilespmem:s2+$0x640] =	vst v0;
	v1 =	vmul.f32 $8.000000000e+00, v1  }
0x1ce: {  	v0 =	vld [tilespmem:s19+$0x640];
	[tilespmem:s2+$0x650] =	vst v2;
	v3 =	vmul.f32 $8.000000000e+00, v3  }
0x1cf: {  	v2 =	vld [tilespmem:s19+$0x650];
	[tilespmem:s2+$0x660] =	vst v1  }
0x1d0: {  	s3 =	sadd.s32 $0x100, s3;
	v1 =	vld [tilespmem:s19+$0x660];
	[tilespmem:s2+$0x670] =	vst v3;
	s2 =	smov.u32 s19  }
0x1d1: {  	v3 =	vld [tilespmem:s2+$0x670];
	_ =	sdelay $0x1  }
0x1d2: {  	v0 =	vmul.f32 $8.000000000e+00, v0  }
0x1d3: {  	v2 =	vmul.f32 $8.000000000e+00, v2  }
0x1d4: {  	[tilespmem:s2+$0x640] =	vst v0;
	v0 =	vmul.f32 $8.000000000e+00, v1  }
0x1d5: {  	s3 =	sld [smem:$0x7F9];
	[tilespmem:s2+$0x650] =	vst v2;
	v1 =	vmul.f32 $8.000000000e+00, v3  }
0x1d6: {  	[tilespmem:s2+$0x660] =	vst v0  }
0x1d7: {  	[tilespmem:s2+$0x670] =	vst v1;
	s2 =	simm.s32 $0x0  }
0x1d8: {  	[hbm4b:s3+s2] =	stream.linear.scatter [tilespmem:s10], [sflag:$0x3], $0xC800, $0x38;
	[tilespmem:$0x19640] =	vst v63  }
0x1d9: {  	_ =	swait.ge [sflag:s13], $0xC800  }
0x1da: {  	[sflag:s13] =	ssyncset.done $0x0  }
0x1db: {  	s19 =	rddreg [dreg:$0x11];
	[sflag:s13] =	ssyncadd.s32 $0xFFFF3800  }
0x1dc: {  	[tilespmem:s2], [sflag:$0x5] =	stream.linear.gather [hbm4b:s19+s2], $0x320, $0x38;
	[tilespmem:$0x19640] =	vst v63  }
0x1dd: {  	_ =	swait.ge [sflag:s8], $0x320  }
0x1de: {  	[sflag:s8] =	ssyncset.done $0x0  }
0x1df: {  	[sflag:s8] =	ssyncadd.s32 $0xFFFFFCE0  }
0x1e0: {  	[tilespmem:s10], [sflag:$0x1] =	stream.indirect.gather [hbm4b:s6+s9], $0x40, s2, s9, $0xb8;
	[tilespmem:$0x19640] =	vst v63  }
0x1e1: {  	_ =	swait.ge [sflag:s14], $0xC800  }
0x1e2: {  	[sflag:s14] =	ssyncset.done $0x0  }
0x1e3: {  	s2 =	simm.s32 $0x0;
	[sflag:s14] =	ssyncadd.s32 $0xFFFF3800  }
0x1e4: {  	v0 =	vld [tilespmem:s2+$0xCE40]  }
0x1e5: {  	v2 =	vld [tilespmem:s2+$0xCE50]  }
0x1e6: {  	s3 =	simm.s32 $0x100;
	v1 =	vld [tilespmem:s2+$0xCE60]  }
.LBB2_28:
0x1e7: {  	p0 =	sne.s32 s3, $0x31F00;
	v3 =	vld [tilespmem:s2+$0xCE70];
	_ =	sdelay $0x1  }
0x1e8: {  	v0 =	vmul.f32 $8.000000000e+00, v0  }
.Ltmp13:
0x1e9: {  	v2 =	vmul.f32 $8.000000000e+00, v2;
	(pc) =	sbr.rel @p0 .LBB2_28-.Ltmp13, $4  }
0x1ea: {  	s19 =	sshra.s32 s3, $0x2;
	[tilespmem:s2+$0xCE40] =	vst v0;
	v1 =	vmul.f32 $8.000000000e+00, v1  }
0x1eb: {  	v0 =	vld [tilespmem:s19+$0xCE40];
	[tilespmem:s2+$0xCE50] =	vst v2;
	v3 =	vmul.f32 $8.000000000e+00, v3  }
0x1ec: {  	v2 =	vld [tilespmem:s19+$0xCE50];
	[tilespmem:s2+$0xCE60] =	vst v1  }
0x1ed: {  	s3 =	sadd.s32 $0x100, s3;
	v1 =	vld [tilespmem:s19+$0xCE60];
	[tilespmem:s2+$0xCE70] =	vst v3;
	s2 =	smov.u32 s19  }
0x1ee: {  	v3 =	vld [tilespmem:s2+$0xCE70];
	_ =	sdelay $0x1  }
0x1ef: {  	v0 =	vmul.f32 $8.000000000e+00, v0  }
0x1f0: {  	v2 =	vmul.f32 $8.000000000e+00, v2  }
0x1f1: {  	[tilespmem:s2+$0xCE40] =	vst v0;
	v0 =	vmul.f32 $8.000000000e+00, v1  }
0x1f2: {  	s3 =	sld [smem:$0x7FA];
	[tilespmem:s2+$0xCE50] =	vst v2;
	v1 =	vmul.f32 $8.000000000e+00, v3  }
0x1f3: {  	[tilespmem:s2+$0xCE60] =	vst v0  }
0x1f4: {  	[tilespmem:s2+$0xCE70] =	vst v1;
	s2 =	simm.s32 $0x0  }
0x1f5: {  	[hbm4b:s3+s2] =	stream.linear.scatter [tilespmem:s11], [sflag:$0x4], $0xC800, $0x38;
	[tilespmem:$0x19640] =	vst v63  }
0x1f6: {  	_ =	swait.ge [sflag:s15], $0xC800  }
0x1f7: {  	[sflag:s15] =	ssyncset.done $0x0  }
0x1f8: {  	s19 =	rddreg [dreg:$0x12];
	[sflag:s15] =	ssyncadd.s32 $0xFFFF3800  }
0x1f9: {  	[tilespmem:s9], [sflag:$0x5] =	stream.linear.gather [hbm4b:s19+s2], $0x320, $0x38;
	[tilespmem:$0x19640] =	vst v63  }
0x1fa: {  	_ =	swait.ge [sflag:s8], $0x320  }
0x1fb: {  	[sflag:s8] =	ssyncset.done $0x0  }
0x1fc: {  	[sflag:s8] =	ssyncadd.s32 $0xFFFFFCE0  }
0x1fd: {  	[tilespmem:s11], [sflag:$0x2] =	stream.indirect.gather [hbm4b:s6+s9], $0x40, s9, s9, $0xb8;
	[tilespmem:$0x19640] =	vst v63  }
0x1fe: {  	_ =	swait.ge [sflag:s12], $0xC800  }
0x1ff: {  	[sflag:s12] =	ssyncset.done $0x0  }
0x200: {  	s2 =	simm.s32 $0x0;
	[sflag:s12] =	ssyncadd.s32 $0xFFFF3800  }
0x201: {  	v0 =	vld [tilespmem:s2+$0x640]  }
0x202: {  	v2 =	vld [tilespmem:s2+$0x650]  }
0x203: {  	s3 =	simm.s32 $0x100;
	v1 =	vld [tilespmem:s2+$0x660]  }
.LBB2_30:
0x204: {  	p0 =	sne.s32 s3, $0x31F00;
	v3 =	vld [tilespmem:s2+$0x670];
	_ =	sdelay $0x1  }
0x205: {  	v0 =	vmul.f32 $8.000000000e+00, v0  }
.Ltmp14:
0x206: {  	v2 =	vmul.f32 $8.000000000e+00, v2;
	(pc) =	sbr.rel @p0 .LBB2_30-.Ltmp14, $4  }
0x207: {  	s19 =	sshra.s32 s3, $0x2;
	[tilespmem:s2+$0x640] =	vst v0;
	v1 =	vmul.f32 $8.000000000e+00, v1  }
0x208: {  	v0 =	vld [tilespmem:s19+$0x640];
	[tilespmem:s2+$0x650] =	vst v2;
	v3 =	vmul.f32 $8.000000000e+00, v3  }
0x209: {  	v2 =	vld [tilespmem:s19+$0x650];
	[tilespmem:s2+$0x660] =	vst v1  }
0x20a: {  	s3 =	sadd.s32 $0x100, s3;
	v1 =	vld [tilespmem:s19+$0x660];
	[tilespmem:s2+$0x670] =	vst v3;
	s2 =	smov.u32 s19  }
0x20b: {  	v3 =	vld [tilespmem:s2+$0x670];
	_ =	sdelay $0x1  }
0x20c: {  	v0 =	vmul.f32 $8.000000000e+00, v0  }
0x20d: {  	v2 =	vmul.f32 $8.000000000e+00, v2  }
0x20e: {  	[tilespmem:s2+$0x640] =	vst v0;
	v0 =	vmul.f32 $8.000000000e+00, v1  }
0x20f: {  	s3 =	sld [smem:$0x7FB];
	[tilespmem:s2+$0x650] =	vst v2;
	v1 =	vmul.f32 $8.000000000e+00, v3  }
0x210: {  	[tilespmem:s2+$0x660] =	vst v0  }
0x211: {  	[tilespmem:s2+$0x670] =	vst v1;
	s2 =	simm.s32 $0x0  }
0x212: {  	[hbm4b:s3+s2] =	stream.linear.scatter [tilespmem:s10], [sflag:$0x3], $0xC800, $0x38;
	[tilespmem:$0x19640] =	vst v63  }
0x213: {  	_ =	swait.ge [sflag:s13], $0xC800  }
0x214: {  	[sflag:s13] =	ssyncset.done $0x0  }
0x215: {  	s19 =	rddreg [dreg:$0x13];
	[sflag:s13] =	ssyncadd.s32 $0xFFFF3800  }
0x216: {  	[tilespmem:s2], [sflag:$0x5] =	stream.linear.gather [hbm4b:s19+s2], $0x320, $0x38;
	[tilespmem:$0x19640] =	vst v63  }
0x217: {  	_ =	swait.ge [sflag:s8], $0x320  }
0x218: {  	[sflag:s8] =	ssyncset.done $0x0  }
0x219: {  	[sflag:s8] =	ssyncadd.s32 $0xFFFFFCE0  }
0x21a: {  	[tilespmem:s10], [sflag:$0x1] =	stream.indirect.gather [hbm4b:s6+s9], $0x40, s2, s9, $0xb8;
	[tilespmem:$0x19640] =	vst v63  }
0x21b: {  	_ =	swait.ge [sflag:s14], $0xC800  }
0x21c: {  	[sflag:s14] =	ssyncset.done $0x0  }
0x21d: {  	s2 =	simm.s32 $0x0;
	[sflag:s14] =	ssyncadd.s32 $0xFFFF3800  }
0x21e: {  	v0 =	vld [tilespmem:s2+$0xCE40]  }
0x21f: {  	v2 =	vld [tilespmem:s2+$0xCE50]  }
0x220: {  	s3 =	simm.s32 $0x100;
	v1 =	vld [tilespmem:s2+$0xCE60]  }
.LBB2_32:
0x221: {  	p0 =	sne.s32 s3, $0x31F00;
	v3 =	vld [tilespmem:s2+$0xCE70];
	_ =	sdelay $0x1  }
0x222: {  	v0 =	vmul.f32 $8.000000000e+00, v0  }
.Ltmp15:
0x223: {  	v2 =	vmul.f32 $8.000000000e+00, v2;
	(pc) =	sbr.rel @p0 .LBB2_32-.Ltmp15, $4  }
0x224: {  	s19 =	sshra.s32 s3, $0x2;
	[tilespmem:s2+$0xCE40] =	vst v0;
	v1 =	vmul.f32 $8.000000000e+00, v1  }
0x225: {  	v0 =	vld [tilespmem:s19+$0xCE40];
	[tilespmem:s2+$0xCE50] =	vst v2;
	v3 =	vmul.f32 $8.000000000e+00, v3  }
0x226: {  	v2 =	vld [tilespmem:s19+$0xCE50];
	[tilespmem:s2+$0xCE60] =	vst v1  }
0x227: {  	s3 =	sadd.s32 $0x100, s3;
	v1 =	vld [tilespmem:s19+$0xCE60];
	[tilespmem:s2+$0xCE70] =	vst v3;
	s2 =	smov.u32 s19  }
0x228: {  	v3 =	vld [tilespmem:s2+$0xCE70];
	_ =	sdelay $0x1  }
0x229: {  	v0 =	vmul.f32 $8.000000000e+00, v0  }
0x22a: {  	v2 =	vmul.f32 $8.000000000e+00, v2  }
0x22b: {  	[tilespmem:s2+$0xCE40] =	vst v0;
	v0 =	vmul.f32 $8.000000000e+00, v1  }
0x22c: {  	s3 =	sld [smem:$0x7FC];
	[tilespmem:s2+$0xCE50] =	vst v2;
	v1 =	vmul.f32 $8.000000000e+00, v3  }
0x22d: {  	[tilespmem:s2+$0xCE60] =	vst v0  }
0x22e: {  	[tilespmem:s2+$0xCE70] =	vst v1;
	s2 =	simm.s32 $0x0  }
0x22f: {  	[hbm4b:s3+s2] =	stream.linear.scatter [tilespmem:s11], [sflag:$0x4], $0xC800, $0x38;
	[tilespmem:$0x19640] =	vst v63  }
0x230: {  	_ =	swait.ge [sflag:s15], $0xC800  }
0x231: {  	[sflag:s15] =	ssyncset.done $0x0  }
0x232: {  	s19 =	rddreg [dreg:$0x14];
	[sflag:s15] =	ssyncadd.s32 $0xFFFF3800  }
0x233: {  	[tilespmem:s9], [sflag:$0x5] =	stream.linear.gather [hbm4b:s19+s2], $0x320, $0x38;
	[tilespmem:$0x19640] =	vst v63  }
0x234: {  	_ =	swait.ge [sflag:s8], $0x320  }
0x235: {  	[sflag:s8] =	ssyncset.done $0x0  }
0x236: {  	[sflag:s8] =	ssyncadd.s32 $0xFFFFFCE0  }
0x237: {  	[tilespmem:s11], [sflag:$0x2] =	stream.indirect.gather [hbm4b:s6+s9], $0x40, s9, s9, $0xb8;
	[tilespmem:$0x19640] =	vst v63  }
0x238: {  	_ =	swait.ge [sflag:s12], $0xC800  }
0x239: {  	[sflag:s12] =	ssyncset.done $0x0  }
0x23a: {  	s2 =	simm.s32 $0x0;
	[sflag:s12] =	ssyncadd.s32 $0xFFFF3800  }
0x23b: {  	v0 =	vld [tilespmem:s2+$0x640]  }
0x23c: {  	v2 =	vld [tilespmem:s2+$0x650]  }
0x23d: {  	s3 =	simm.s32 $0x100;
	v1 =	vld [tilespmem:s2+$0x660]  }
.LBB2_34:
0x23e: {  	p0 =	sne.s32 s3, $0x31F00;
	v3 =	vld [tilespmem:s2+$0x670];
	_ =	sdelay $0x1  }
0x23f: {  	v0 =	vmul.f32 $8.000000000e+00, v0  }
.Ltmp16:
0x240: {  	v2 =	vmul.f32 $8.000000000e+00, v2;
	(pc) =	sbr.rel @p0 .LBB2_34-.Ltmp16, $4  }
0x241: {  	s19 =	sshra.s32 s3, $0x2;
	[tilespmem:s2+$0x640] =	vst v0;
	v1 =	vmul.f32 $8.000000000e+00, v1  }
0x242: {  	v0 =	vld [tilespmem:s19+$0x640];
	[tilespmem:s2+$0x650] =	vst v2;
	v3 =	vmul.f32 $8.000000000e+00, v3  }
0x243: {  	v2 =	vld [tilespmem:s19+$0x650];
	[tilespmem:s2+$0x660] =	vst v1  }
0x244: {  	s3 =	sadd.s32 $0x100, s3;
	v1 =	vld [tilespmem:s19+$0x660];
	[tilespmem:s2+$0x670] =	vst v3;
	s2 =	smov.u32 s19  }
0x245: {  	v3 =	vld [tilespmem:s2+$0x670];
	_ =	sdelay $0x1  }
0x246: {  	v0 =	vmul.f32 $8.000000000e+00, v0  }
0x247: {  	v2 =	vmul.f32 $8.000000000e+00, v2  }
0x248: {  	[tilespmem:s2+$0x640] =	vst v0;
	v0 =	vmul.f32 $8.000000000e+00, v1  }
0x249: {  	[tilespmem:s2+$0x650] =	vst v2;
	v1 =	vmul.f32 $8.000000000e+00, v3  }
0x24a: {  	[tilespmem:s2+$0x660] =	vst v0  }
0x24b: {  	s19 =	simm.s32 $0x0;
	[tilespmem:s2+$0x670] =	vst v1  }
0x24c: {  	[hbm4b:s20+s19] =	stream.linear.scatter [tilespmem:s10], [sflag:$0x3], $0xC800, $0x38;
	[tilespmem:$0x19640] =	vst v63  }
0x24d: {  	_ =	swait.ge [sflag:s13], $0xC800  }
0x24e: {  	[sflag:s13] =	ssyncset.done $0x0  }
0x24f: {  	s3 =	rddreg [dreg:$0x15];
	[sflag:s13] =	ssyncadd.s32 $0xFFFF3800  }
0x250: {  	[tilespmem:s19], [sflag:$0x5] =	stream.linear.gather [hbm4b:s3+s19], $0x320, $0x38;
	[tilespmem:$0x19640] =	vst v63  }
0x251: {  	_ =	swait.ge [sflag:s8], $0x320  }
0x252: {  	[sflag:s8] =	ssyncset.done $0x0  }
0x253: {  	[sflag:s8] =	ssyncadd.s32 $0xFFFFFCE0  }
0x254: {  	[tilespmem:s10], [sflag:$0x1] =	stream.indirect.gather [hbm4b:s6+s9], $0x40, s19, s9, $0xb8;
	[tilespmem:$0x19640] =	vst v63  }
0x255: {  	_ =	swait.ge [sflag:s14], $0xC800  }
0x256: {  	[sflag:s14] =	ssyncset.done $0x0  }
0x257: {  	s2 =	simm.s32 $0x0;
	[sflag:s14] =	ssyncadd.s32 $0xFFFF3800  }
0x258: {  	v0 =	vld [tilespmem:s2+$0xCE40]  }
0x259: {  	v2 =	vld [tilespmem:s2+$0xCE50]  }
0x25a: {  	s3 =	simm.s32 $0x100;
	v1 =	vld [tilespmem:s2+$0xCE60]  }
.LBB2_36:
0x25b: {  	p0 =	sne.s32 s3, $0x31F00;
	v3 =	vld [tilespmem:s2+$0xCE70];
	_ =	sdelay $0x1  }
0x25c: {  	v0 =	vmul.f32 $8.000000000e+00, v0  }
.Ltmp17:
0x25d: {  	v2 =	vmul.f32 $8.000000000e+00, v2;
	(pc) =	sbr.rel @p0 .LBB2_36-.Ltmp17, $4  }
0x25e: {  	s19 =	sshra.s32 s3, $0x2;
	[tilespmem:s2+$0xCE40] =	vst v0;
	v1 =	vmul.f32 $8.000000000e+00, v1  }
0x25f: {  	v0 =	vld [tilespmem:s19+$0xCE40];
	[tilespmem:s2+$0xCE50] =	vst v2;
	v3 =	vmul.f32 $8.000000000e+00, v3  }
0x260: {  	v2 =	vld [tilespmem:s19+$0xCE50];
	[tilespmem:s2+$0xCE60] =	vst v1  }
0x261: {  	s3 =	sadd.s32 $0x100, s3;
	v1 =	vld [tilespmem:s19+$0xCE60];
	[tilespmem:s2+$0xCE70] =	vst v3;
	s2 =	smov.u32 s19  }
0x262: {  	v3 =	vld [tilespmem:s2+$0xCE70];
	_ =	sdelay $0x1  }
0x263: {  	v0 =	vmul.f32 $8.000000000e+00, v0  }
0x264: {  	v2 =	vmul.f32 $8.000000000e+00, v2  }
0x265: {  	[tilespmem:s2+$0xCE40] =	vst v0;
	v0 =	vmul.f32 $8.000000000e+00, v1  }
0x266: {  	[tilespmem:s2+$0xCE50] =	vst v2;
	v1 =	vmul.f32 $8.000000000e+00, v3  }
0x267: {  	[tilespmem:s2+$0xCE60] =	vst v0  }
0x268: {  	s19 =	simm.s32 $0x0;
	[tilespmem:s2+$0xCE70] =	vst v1  }
0x269: {  	[hbm4b:s21+s19] =	stream.linear.scatter [tilespmem:s11], [sflag:$0x4], $0xC800, $0x38;
	[tilespmem:$0x19640] =	vst v63  }
0x26a: {  	_ =	swait.ge [sflag:s15], $0xC800  }
0x26b: {  	[sflag:s15] =	ssyncset.done $0x0  }
0x26c: {  	s3 =	rddreg [dreg:$0x16];
	[sflag:s15] =	ssyncadd.s32 $0xFFFF3800  }
0x26d: {  	[tilespmem:s9], [sflag:$0x5] =	stream.linear.gather [hbm4b:s3+s19], $0x320, $0x38;
	[tilespmem:$0x19640] =	vst v63  }
0x26e: {  	_ =	swait.ge [sflag:s8], $0x320  }
0x26f: {  	[sflag:s8] =	ssyncset.done $0x0  }
0x270: {  	[sflag:s8] =	ssyncadd.s32 $0xFFFFFCE0  }
0x271: {  	[tilespmem:s11], [sflag:$0x2] =	stream.indirect.gather [hbm4b:s6+s9], $0x40, s9, s9, $0xb8;
	[tilespmem:$0x19640] =	vst v63  }
0x272: {  	_ =	swait.ge [sflag:s12], $0xC800  }
0x273: {  	[sflag:s12] =	ssyncset.done $0x0  }
0x274: {  	s2 =	simm.s32 $0x0;
	[sflag:s12] =	ssyncadd.s32 $0xFFFF3800  }
0x275: {  	v0 =	vld [tilespmem:s2+$0x640]  }
0x276: {  	v2 =	vld [tilespmem:s2+$0x650]  }
0x277: {  	s3 =	simm.s32 $0x100;
	v1 =	vld [tilespmem:s2+$0x660]  }
.LBB2_38:
0x278: {  	p0 =	sne.s32 s3, $0x31F00;
	v3 =	vld [tilespmem:s2+$0x670];
	_ =	sdelay $0x1  }
0x279: {  	v0 =	vmul.f32 $8.000000000e+00, v0  }
.Ltmp18:
0x27a: {  	v2 =	vmul.f32 $8.000000000e+00, v2;
	(pc) =	sbr.rel @p0 .LBB2_38-.Ltmp18, $4  }
0x27b: {  	s19 =	sshra.s32 s3, $0x2;
	[tilespmem:s2+$0x640] =	vst v0;
	v1 =	vmul.f32 $8.000000000e+00, v1  }
0x27c: {  	v0 =	vld [tilespmem:s19+$0x640];
	[tilespmem:s2+$0x650] =	vst v2;
	v3 =	vmul.f32 $8.000000000e+00, v3  }
0x27d: {  	v2 =	vld [tilespmem:s19+$0x650];
	[tilespmem:s2+$0x660] =	vst v1  }
0x27e: {  	s3 =	sadd.s32 $0x100, s3;
	v1 =	vld [tilespmem:s19+$0x660];
	[tilespmem:s2+$0x670] =	vst v3;
	s2 =	smov.u32 s19  }
0x27f: {  	v3 =	vld [tilespmem:s2+$0x670];
	_ =	sdelay $0x1  }
0x280: {  	v0 =	vmul.f32 $8.000000000e+00, v0  }
0x281: {  	v2 =	vmul.f32 $8.000000000e+00, v2  }
0x282: {  	[tilespmem:s2+$0x640] =	vst v0;
	v0 =	vmul.f32 $8.000000000e+00, v1  }
0x283: {  	[tilespmem:s2+$0x650] =	vst v2;
	v1 =	vmul.f32 $8.000000000e+00, v3  }
0x284: {  	[tilespmem:s2+$0x660] =	vst v0  }
0x285: {  	s19 =	simm.s32 $0x0;
	[tilespmem:s2+$0x670] =	vst v1  }
0x286: {  	[hbm4b:s22+s19] =	stream.linear.scatter [tilespmem:s10], [sflag:$0x3], $0xC800, $0x38;
	[tilespmem:$0x19640] =	vst v63  }
0x287: {  	_ =	swait.ge [sflag:s13], $0xC800  }
0x288: {  	[sflag:s13] =	ssyncset.done $0x0  }
0x289: {  	s3 =	rddreg [dreg:$0x17];
	[sflag:s13] =	ssyncadd.s32 $0xFFFF3800  }
0x28a: {  	[tilespmem:s19], [sflag:$0x5] =	stream.linear.gather [hbm4b:s3+s19], $0x320, $0x38;
	[tilespmem:$0x19640] =	vst v63  }
0x28b: {  	_ =	swait.ge [sflag:s8], $0x320  }
0x28c: {  	[sflag:s8] =	ssyncset.done $0x0  }
0x28d: {  	[sflag:s8] =	ssyncadd.s32 $0xFFFFFCE0  }
0x28e: {  	[tilespmem:s10], [sflag:$0x1] =	stream.indirect.gather [hbm4b:s6+s9], $0x40, s19, s9, $0xb8;
	[tilespmem:$0x19640] =	vst v63  }
0x28f: {  	_ =	swait.ge [sflag:s14], $0xC800  }
0x290: {  	[sflag:s14] =	ssyncset.done $0x0  }
0x291: {  	s2 =	simm.s32 $0x0;
	[sflag:s14] =	ssyncadd.s32 $0xFFFF3800  }
0x292: {  	v0 =	vld [tilespmem:s2+$0xCE40]  }
0x293: {  	v2 =	vld [tilespmem:s2+$0xCE50]  }
0x294: {  	s3 =	simm.s32 $0x100;
	v1 =	vld [tilespmem:s2+$0xCE60]  }
.LBB2_40:
0x295: {  	p0 =	sne.s32 s3, $0x31F00;
	v3 =	vld [tilespmem:s2+$0xCE70];
	_ =	sdelay $0x1  }
0x296: {  	v0 =	vmul.f32 $8.000000000e+00, v0  }
.Ltmp19:
0x297: {  	v2 =	vmul.f32 $8.000000000e+00, v2;
	(pc) =	sbr.rel @p0 .LBB2_40-.Ltmp19, $4  }
0x298: {  	s19 =	sshra.s32 s3, $0x2;
	[tilespmem:s2+$0xCE40] =	vst v0;
	v1 =	vmul.f32 $8.000000000e+00, v1  }
0x299: {  	v0 =	vld [tilespmem:s19+$0xCE40];
	[tilespmem:s2+$0xCE50] =	vst v2;
	v3 =	vmul.f32 $8.000000000e+00, v3  }
0x29a: {  	v2 =	vld [tilespmem:s19+$0xCE50];
	[tilespmem:s2+$0xCE60] =	vst v1  }
0x29b: {  	s3 =	sadd.s32 $0x100, s3;
	v1 =	vld [tilespmem:s19+$0xCE60];
	[tilespmem:s2+$0xCE70] =	vst v3;
	s2 =	smov.u32 s19  }
0x29c: {  	v3 =	vld [tilespmem:s2+$0xCE70];
	_ =	sdelay $0x1  }
0x29d: {  	v0 =	vmul.f32 $8.000000000e+00, v0  }
0x29e: {  	v2 =	vmul.f32 $8.000000000e+00, v2  }
0x29f: {  	[tilespmem:s2+$0xCE40] =	vst v0;
	v0 =	vmul.f32 $8.000000000e+00, v1  }
0x2a0: {  	[tilespmem:s2+$0xCE50] =	vst v2;
	v1 =	vmul.f32 $8.000000000e+00, v3  }
0x2a1: {  	[tilespmem:s2+$0xCE60] =	vst v0  }
0x2a2: {  	s19 =	simm.s32 $0x0;
	[tilespmem:s2+$0xCE70] =	vst v1  }
0x2a3: {  	[hbm4b:s23+s19] =	stream.linear.scatter [tilespmem:s11], [sflag:$0x4], $0xC800, $0x38;
	[tilespmem:$0x19640] =	vst v63  }
0x2a4: {  	_ =	swait.ge [sflag:s15], $0xC800  }
0x2a5: {  	[sflag:s15] =	ssyncset.done $0x0  }
0x2a6: {  	s3 =	rddreg [dreg:$0x18];
	[sflag:s15] =	ssyncadd.s32 $0xFFFF3800  }
0x2a7: {  	[tilespmem:s9], [sflag:$0x5] =	stream.linear.gather [hbm4b:s3+s19], $0x320, $0x38;
	[tilespmem:$0x19640] =	vst v63  }
0x2a8: {  	_ =	swait.ge [sflag:s8], $0x320  }
0x2a9: {  	[sflag:s8] =	ssyncset.done $0x0  }
0x2aa: {  	[sflag:s8] =	ssyncadd.s32 $0xFFFFFCE0  }
0x2ab: {  	[tilespmem:s11], [sflag:$0x2] =	stream.indirect.gather [hbm4b:s6+s9], $0x40, s9, s9, $0xb8;
	[tilespmem:$0x19640] =	vst v63  }
0x2ac: {  	_ =	swait.ge [sflag:s12], $0xC800  }
0x2ad: {  	[sflag:s12] =	ssyncset.done $0x0  }
0x2ae: {  	s2 =	simm.s32 $0x0;
	[sflag:s12] =	ssyncadd.s32 $0xFFFF3800  }
0x2af: {  	v0 =	vld [tilespmem:s2+$0x640]  }
0x2b0: {  	v2 =	vld [tilespmem:s2+$0x650]  }
0x2b1: {  	s3 =	simm.s32 $0x100;
	v1 =	vld [tilespmem:s2+$0x660]  }
.LBB2_42:
0x2b2: {  	p0 =	sne.s32 s3, $0x31F00;
	v3 =	vld [tilespmem:s2+$0x670];
	_ =	sdelay $0x1  }
0x2b3: {  	v0 =	vmul.f32 $8.000000000e+00, v0  }
.Ltmp20:
0x2b4: {  	v2 =	vmul.f32 $8.000000000e+00, v2;
	(pc) =	sbr.rel @p0 .LBB2_42-.Ltmp20, $4  }
0x2b5: {  	s19 =	sshra.s32 s3, $0x2;
	[tilespmem:s2+$0x640] =	vst v0;
	v1 =	vmul.f32 $8.000000000e+00, v1  }
0x2b6: {  	v0 =	vld [tilespmem:s19+$0x640];
	[tilespmem:s2+$0x650] =	vst v2;
	v3 =	vmul.f32 $8.000000000e+00, v3  }
0x2b7: {  	v2 =	vld [tilespmem:s19+$0x650];
	[tilespmem:s2+$0x660] =	vst v1  }
0x2b8: {  	s3 =	sadd.s32 $0x100, s3;
	v1 =	vld [tilespmem:s19+$0x660];
	[tilespmem:s2+$0x670] =	vst v3;
	s2 =	smov.u32 s19  }
0x2b9: {  	v3 =	vld [tilespmem:s2+$0x670];
	_ =	sdelay $0x1  }
0x2ba: {  	v0 =	vmul.f32 $8.000000000e+00, v0  }
0x2bb: {  	v2 =	vmul.f32 $8.000000000e+00, v2  }
0x2bc: {  	[tilespmem:s2+$0x640] =	vst v0;
	v0 =	vmul.f32 $8.000000000e+00, v1  }
0x2bd: {  	[tilespmem:s2+$0x650] =	vst v2;
	v1 =	vmul.f32 $8.000000000e+00, v3  }
0x2be: {  	[tilespmem:s2+$0x660] =	vst v0  }
0x2bf: {  	s19 =	simm.s32 $0x0;
	[tilespmem:s2+$0x670] =	vst v1  }
0x2c0: {  	[hbm4b:s24+s19] =	stream.linear.scatter [tilespmem:s10], [sflag:$0x3], $0xC800, $0x38;
	[tilespmem:$0x19640] =	vst v63  }
0x2c1: {  	_ =	swait.ge [sflag:s13], $0xC800  }
0x2c2: {  	[sflag:s13] =	ssyncset.done $0x0  }
0x2c3: {  	s3 =	rddreg [dreg:$0x19];
	[sflag:s13] =	ssyncadd.s32 $0xFFFF3800  }
0x2c4: {  	[tilespmem:s19], [sflag:$0x5] =	stream.linear.gather [hbm4b:s3+s19], $0x320, $0x38;
	[tilespmem:$0x19640] =	vst v63  }
0x2c5: {  	_ =	swait.ge [sflag:s8], $0x320  }
0x2c6: {  	[sflag:s8] =	ssyncset.done $0x0  }
0x2c7: {  	[sflag:s8] =	ssyncadd.s32 $0xFFFFFCE0  }
0x2c8: {  	[tilespmem:s10], [sflag:$0x1] =	stream.indirect.gather [hbm4b:s6+s9], $0x40, s19, s9, $0xb8;
	[tilespmem:$0x19640] =	vst v63  }
0x2c9: {  	_ =	swait.ge [sflag:s14], $0xC800  }
0x2ca: {  	[sflag:s14] =	ssyncset.done $0x0  }
0x2cb: {  	s2 =	simm.s32 $0x0;
	[sflag:s14] =	ssyncadd.s32 $0xFFFF3800  }
0x2cc: {  	v0 =	vld [tilespmem:s2+$0xCE40]  }
0x2cd: {  	v2 =	vld [tilespmem:s2+$0xCE50]  }
0x2ce: {  	s3 =	simm.s32 $0x100;
	v1 =	vld [tilespmem:s2+$0xCE60]  }
.LBB2_44:
0x2cf: {  	p0 =	sne.s32 s3, $0x31F00;
	v3 =	vld [tilespmem:s2+$0xCE70];
	_ =	sdelay $0x1  }
0x2d0: {  	v0 =	vmul.f32 $8.000000000e+00, v0  }
.Ltmp21:
0x2d1: {  	v2 =	vmul.f32 $8.000000000e+00, v2;
	(pc) =	sbr.rel @p0 .LBB2_44-.Ltmp21, $4  }
0x2d2: {  	s19 =	sshra.s32 s3, $0x2;
	[tilespmem:s2+$0xCE40] =	vst v0;
	v1 =	vmul.f32 $8.000000000e+00, v1  }
0x2d3: {  	v0 =	vld [tilespmem:s19+$0xCE40];
	[tilespmem:s2+$0xCE50] =	vst v2;
	v3 =	vmul.f32 $8.000000000e+00, v3  }
0x2d4: {  	v2 =	vld [tilespmem:s19+$0xCE50];
	[tilespmem:s2+$0xCE60] =	vst v1  }
0x2d5: {  	s3 =	sadd.s32 $0x100, s3;
	v1 =	vld [tilespmem:s19+$0xCE60];
	[tilespmem:s2+$0xCE70] =	vst v3;
	s2 =	smov.u32 s19  }
0x2d6: {  	v3 =	vld [tilespmem:s2+$0xCE70];
	_ =	sdelay $0x1  }
0x2d7: {  	v0 =	vmul.f32 $8.000000000e+00, v0  }
0x2d8: {  	v2 =	vmul.f32 $8.000000000e+00, v2  }
0x2d9: {  	[tilespmem:s2+$0xCE40] =	vst v0;
	v0 =	vmul.f32 $8.000000000e+00, v1  }
0x2da: {  	[tilespmem:s2+$0xCE50] =	vst v2;
	v1 =	vmul.f32 $8.000000000e+00, v3  }
0x2db: {  	[tilespmem:s2+$0xCE60] =	vst v0  }
0x2dc: {  	s19 =	simm.s32 $0x0;
	[tilespmem:s2+$0xCE70] =	vst v1  }
0x2dd: {  	[hbm4b:s25+s19] =	stream.linear.scatter [tilespmem:s11], [sflag:$0x4], $0xC800, $0x38;
	[tilespmem:$0x19640] =	vst v63  }
0x2de: {  	_ =	swait.ge [sflag:s15], $0xC800  }
0x2df: {  	[sflag:s15] =	ssyncset.done $0x0  }
0x2e0: {  	s3 =	rddreg [dreg:$0x1a];
	[sflag:s15] =	ssyncadd.s32 $0xFFFF3800  }
0x2e1: {  	[tilespmem:s9], [sflag:$0x5] =	stream.linear.gather [hbm4b:s3+s19], $0x320, $0x38;
	[tilespmem:$0x19640] =	vst v63  }
0x2e2: {  	_ =	swait.ge [sflag:s8], $0x320  }
0x2e3: {  	[sflag:s8] =	ssyncset.done $0x0  }
0x2e4: {  	[sflag:s8] =	ssyncadd.s32 $0xFFFFFCE0  }
0x2e5: {  	[tilespmem:s11], [sflag:$0x2] =	stream.indirect.gather [hbm4b:s6+s9], $0x40, s9, s9, $0xb8;
	[tilespmem:$0x19640] =	vst v63  }
0x2e6: {  	_ =	swait.ge [sflag:s12], $0xC800  }
0x2e7: {  	[sflag:s12] =	ssyncset.done $0x0  }
0x2e8: {  	s2 =	simm.s32 $0x0;
	[sflag:s12] =	ssyncadd.s32 $0xFFFF3800  }
0x2e9: {  	v0 =	vld [tilespmem:s2+$0x640]  }
0x2ea: {  	v2 =	vld [tilespmem:s2+$0x650]  }
0x2eb: {  	s3 =	simm.s32 $0x100;
	v1 =	vld [tilespmem:s2+$0x660]  }
.LBB2_46:
0x2ec: {  	p0 =	sne.s32 s3, $0x31F00;
	v3 =	vld [tilespmem:s2+$0x670];
	_ =	sdelay $0x1  }
0x2ed: {  	v0 =	vmul.f32 $8.000000000e+00, v0  }
.Ltmp22:
0x2ee: {  	v2 =	vmul.f32 $8.000000000e+00, v2;
	(pc) =	sbr.rel @p0 .LBB2_46-.Ltmp22, $4  }
0x2ef: {  	s19 =	sshra.s32 s3, $0x2;
	[tilespmem:s2+$0x640] =	vst v0;
	v1 =	vmul.f32 $8.000000000e+00, v1  }
0x2f0: {  	v0 =	vld [tilespmem:s19+$0x640];
	[tilespmem:s2+$0x650] =	vst v2;
	v3 =	vmul.f32 $8.000000000e+00, v3  }
0x2f1: {  	v2 =	vld [tilespmem:s19+$0x650];
	[tilespmem:s2+$0x660] =	vst v1  }
0x2f2: {  	s3 =	sadd.s32 $0x100, s3;
	v1 =	vld [tilespmem:s19+$0x660];
	[tilespmem:s2+$0x670] =	vst v3;
	s2 =	smov.u32 s19  }
0x2f3: {  	v3 =	vld [tilespmem:s2+$0x670];
	_ =	sdelay $0x1  }
0x2f4: {  	v0 =	vmul.f32 $8.000000000e+00, v0  }
0x2f5: {  	v2 =	vmul.f32 $8.000000000e+00, v2  }
0x2f6: {  	[tilespmem:s2+$0x640] =	vst v0;
	v0 =	vmul.f32 $8.000000000e+00, v1  }
0x2f7: {  	[tilespmem:s2+$0x650] =	vst v2;
	v1 =	vmul.f32 $8.000000000e+00, v3  }
0x2f8: {  	[tilespmem:s2+$0x660] =	vst v0  }
0x2f9: {  	s19 =	simm.s32 $0x0;
	[tilespmem:s2+$0x670] =	vst v1  }
0x2fa: {  	[hbm4b:s26+s19] =	stream.linear.scatter [tilespmem:s10], [sflag:$0x3], $0xC800, $0x38;
	[tilespmem:$0x19640] =	vst v63  }
0x2fb: {  	_ =	swait.ge [sflag:s13], $0xC800  }
0x2fc: {  	[sflag:s13] =	ssyncset.done $0x0  }
0x2fd: {  	s3 =	rddreg [dreg:$0x1b];
	[sflag:s13] =	ssyncadd.s32 $0xFFFF3800  }
0x2fe: {  	[tilespmem:s19], [sflag:$0x5] =	stream.linear.gather [hbm4b:s3+s19], $0x320, $0x38;
	[tilespmem:$0x19640] =	vst v63  }
0x2ff: {  	_ =	swait.ge [sflag:s8], $0x320  }
0x300: {  	[sflag:s8] =	ssyncset.done $0x0  }
0x301: {  	[sflag:s8] =	ssyncadd.s32 $0xFFFFFCE0  }
0x302: {  	[tilespmem:s10], [sflag:$0x1] =	stream.indirect.gather [hbm4b:s6+s9], $0x40, s19, s9, $0xb8;
	[tilespmem:$0x19640] =	vst v63  }
0x303: {  	_ =	swait.ge [sflag:s14], $0xC800  }
0x304: {  	[sflag:s14] =	ssyncset.done $0x0  }
0x305: {  	s2 =	simm.s32 $0x0;
	[sflag:s14] =	ssyncadd.s32 $0xFFFF3800  }
0x306: {  	v0 =	vld [tilespmem:s2+$0xCE40]  }
0x307: {  	v2 =	vld [tilespmem:s2+$0xCE50]  }
0x308: {  	s3 =	simm.s32 $0x100;
	v1 =	vld [tilespmem:s2+$0xCE60]  }
.LBB2_48:
0x309: {  	p0 =	sne.s32 s3, $0x31F00;
	v3 =	vld [tilespmem:s2+$0xCE70];
	_ =	sdelay $0x1  }
0x30a: {  	v0 =	vmul.f32 $8.000000000e+00, v0  }
.Ltmp23:
0x30b: {  	v2 =	vmul.f32 $8.000000000e+00, v2;
	(pc) =	sbr.rel @p0 .LBB2_48-.Ltmp23, $4  }
0x30c: {  	s19 =	sshra.s32 s3, $0x2;
	[tilespmem:s2+$0xCE40] =	vst v0;
	v1 =	vmul.f32 $8.000000000e+00, v1  }
0x30d: {  	v0 =	vld [tilespmem:s19+$0xCE40];
	[tilespmem:s2+$0xCE50] =	vst v2;
	v3 =	vmul.f32 $8.000000000e+00, v3  }
0x30e: {  	v2 =	vld [tilespmem:s19+$0xCE50];
	[tilespmem:s2+$0xCE60] =	vst v1  }
0x30f: {  	s3 =	sadd.s32 $0x100, s3;
	v1 =	vld [tilespmem:s19+$0xCE60];
	[tilespmem:s2+$0xCE70] =	vst v3;
	s2 =	smov.u32 s19  }
0x310: {  	v3 =	vld [tilespmem:s2+$0xCE70];
	_ =	sdelay $0x1  }
0x311: {  	v0 =	vmul.f32 $8.000000000e+00, v0  }
0x312: {  	v2 =	vmul.f32 $8.000000000e+00, v2  }
0x313: {  	[tilespmem:s2+$0xCE40] =	vst v0;
	v0 =	vmul.f32 $8.000000000e+00, v1  }
0x314: {  	[tilespmem:s2+$0xCE50] =	vst v2;
	v1 =	vmul.f32 $8.000000000e+00, v3  }
0x315: {  	[tilespmem:s2+$0xCE60] =	vst v0  }
0x316: {  	s19 =	simm.s32 $0x0;
	[tilespmem:s2+$0xCE70] =	vst v1  }
0x317: {  	[hbm4b:s28+s19] =	stream.linear.scatter [tilespmem:s11], [sflag:$0x4], $0xC800, $0x38;
	[tilespmem:$0x19640] =	vst v63  }
0x318: {  	_ =	swait.ge [sflag:s15], $0xC800  }
0x319: {  	[sflag:s15] =	ssyncset.done $0x0  }
0x31a: {  	s3 =	rddreg [dreg:$0x1c];
	[sflag:s15] =	ssyncadd.s32 $0xFFFF3800  }
0x31b: {  	[tilespmem:s9], [sflag:$0x5] =	stream.linear.gather [hbm4b:s3+s19], $0x320, $0x38;
	[tilespmem:$0x19640] =	vst v63  }
0x31c: {  	_ =	swait.ge [sflag:s8], $0x320  }
0x31d: {  	[sflag:s8] =	ssyncset.done $0x0  }
0x31e: {  	[sflag:s8] =	ssyncadd.s32 $0xFFFFFCE0  }
0x31f: {  	[tilespmem:s11], [sflag:$0x2] =	stream.indirect.gather [hbm4b:s6+s9], $0x40, s9, s9, $0xb8;
	[tilespmem:$0x19640] =	vst v63  }
0x320: {  	_ =	swait.ge [sflag:s12], $0xC800  }
0x321: {  	[sflag:s12] =	ssyncset.done $0x0  }
0x322: {  	s2 =	simm.s32 $0x0;
	[sflag:s12] =	ssyncadd.s32 $0xFFFF3800  }
0x323: {  	v0 =	vld [tilespmem:s2+$0x640]  }
0x324: {  	v2 =	vld [tilespmem:s2+$0x650]  }
0x325: {  	s3 =	simm.s32 $0x100;
	v1 =	vld [tilespmem:s2+$0x660]  }
.LBB2_50:
0x326: {  	p0 =	sne.s32 s3, $0x31F00;
	v3 =	vld [tilespmem:s2+$0x670];
	_ =	sdelay $0x1  }
0x327: {  	v0 =	vmul.f32 $8.000000000e+00, v0  }
.Ltmp24:
0x328: {  	v2 =	vmul.f32 $8.000000000e+00, v2;
	(pc) =	sbr.rel @p0 .LBB2_50-.Ltmp24, $4  }
0x329: {  	s19 =	sshra.s32 s3, $0x2;
	[tilespmem:s2+$0x640] =	vst v0;
	v1 =	vmul.f32 $8.000000000e+00, v1  }
0x32a: {  	v0 =	vld [tilespmem:s19+$0x640];
	[tilespmem:s2+$0x650] =	vst v2;
	v3 =	vmul.f32 $8.000000000e+00, v3  }
0x32b: {  	v2 =	vld [tilespmem:s19+$0x650];
	[tilespmem:s2+$0x660] =	vst v1  }
0x32c: {  	s3 =	sadd.s32 $0x100, s3;
	v1 =	vld [tilespmem:s19+$0x660];
	[tilespmem:s2+$0x670] =	vst v3;
	s2 =	smov.u32 s19  }
0x32d: {  	v3 =	vld [tilespmem:s2+$0x670];
	_ =	sdelay $0x1  }
0x32e: {  	v0 =	vmul.f32 $8.000000000e+00, v0  }
0x32f: {  	v2 =	vmul.f32 $8.000000000e+00, v2  }
0x330: {  	[tilespmem:s2+$0x640] =	vst v0;
	v0 =	vmul.f32 $8.000000000e+00, v1  }
0x331: {  	[tilespmem:s2+$0x650] =	vst v2;
	v1 =	vmul.f32 $8.000000000e+00, v3  }
0x332: {  	[tilespmem:s2+$0x660] =	vst v0  }
0x333: {  	s19 =	simm.s32 $0x0;
	[tilespmem:s2+$0x670] =	vst v1  }
0x334: {  	[hbm4b:s29+s19] =	stream.linear.scatter [tilespmem:s10], [sflag:$0x3], $0xC800, $0x38;
	[tilespmem:$0x19640] =	vst v63  }
0x335: {  	_ =	swait.ge [sflag:s13], $0xC800  }
0x336: {  	[sflag:s13] =	ssyncset.done $0x0  }
0x337: {  	s3 =	rddreg [dreg:$0x1d];
	[sflag:s13] =	ssyncadd.s32 $0xFFFF3800  }
0x338: {  	[tilespmem:s19], [sflag:$0x5] =	stream.linear.gather [hbm4b:s3+s19], $0x320, $0x38;
	[tilespmem:$0x19640] =	vst v63  }
0x339: {  	_ =	swait.ge [sflag:s8], $0x320  }
0x33a: {  	[sflag:s8] =	ssyncset.done $0x0  }
0x33b: {  	[sflag:s8] =	ssyncadd.s32 $0xFFFFFCE0  }
0x33c: {  	[tilespmem:s10], [sflag:$0x1] =	stream.indirect.gather [hbm4b:s6+s9], $0x40, s19, s9, $0xb8;
	[tilespmem:$0x19640] =	vst v63  }
0x33d: {  	_ =	swait.ge [sflag:s14], $0xC800  }
0x33e: {  	[sflag:s14] =	ssyncset.done $0x0  }
0x33f: {  	s2 =	simm.s32 $0x0;
	[sflag:s14] =	ssyncadd.s32 $0xFFFF3800  }
0x340: {  	v0 =	vld [tilespmem:s2+$0xCE40]  }
0x341: {  	v2 =	vld [tilespmem:s2+$0xCE50]  }
0x342: {  	s3 =	simm.s32 $0x100;
	v1 =	vld [tilespmem:s2+$0xCE60]  }
.LBB2_52:
0x343: {  	p0 =	sne.s32 s3, $0x31F00;
	v3 =	vld [tilespmem:s2+$0xCE70];
	_ =	sdelay $0x1  }
0x344: {  	v0 =	vmul.f32 $8.000000000e+00, v0  }
.Ltmp25:
0x345: {  	v2 =	vmul.f32 $8.000000000e+00, v2;
	(pc) =	sbr.rel @p0 .LBB2_52-.Ltmp25, $4  }
0x346: {  	s19 =	sshra.s32 s3, $0x2;
	[tilespmem:s2+$0xCE40] =	vst v0;
	v1 =	vmul.f32 $8.000000000e+00, v1  }
0x347: {  	v0 =	vld [tilespmem:s19+$0xCE40];
	[tilespmem:s2+$0xCE50] =	vst v2;
	v3 =	vmul.f32 $8.000000000e+00, v3  }
0x348: {  	v2 =	vld [tilespmem:s19+$0xCE50];
	[tilespmem:s2+$0xCE60] =	vst v1  }
0x349: {  	s3 =	sadd.s32 $0x100, s3;
	v1 =	vld [tilespmem:s19+$0xCE60];
	[tilespmem:s2+$0xCE70] =	vst v3;
	s2 =	smov.u32 s19  }
0x34a: {  	v3 =	vld [tilespmem:s2+$0xCE70];
	_ =	sdelay $0x1  }
0x34b: {  	v0 =	vmul.f32 $8.000000000e+00, v0  }
0x34c: {  	v2 =	vmul.f32 $8.000000000e+00, v2  }
0x34d: {  	[tilespmem:s2+$0xCE40] =	vst v0;
	v0 =	vmul.f32 $8.000000000e+00, v1  }
0x34e: {  	[tilespmem:s2+$0xCE50] =	vst v2;
	v1 =	vmul.f32 $8.000000000e+00, v3  }
0x34f: {  	[tilespmem:s2+$0xCE60] =	vst v0  }
0x350: {  	s19 =	simm.s32 $0x0;
	[tilespmem:s2+$0xCE70] =	vst v1  }
0x351: {  	[hbm4b:s30+s19] =	stream.linear.scatter [tilespmem:s11], [sflag:$0x4], $0xC800, $0x38;
	[tilespmem:$0x19640] =	vst v63  }
0x352: {  	_ =	swait.ge [sflag:s15], $0xC800  }
0x353: {  	[sflag:s15] =	ssyncset.done $0x0  }
0x354: {  	s3 =	rddreg [dreg:$0x1e];
	[sflag:s15] =	ssyncadd.s32 $0xFFFF3800  }
0x355: {  	[tilespmem:s9], [sflag:$0x5] =	stream.linear.gather [hbm4b:s3+s19], $0x320, $0x38;
	[tilespmem:$0x19640] =	vst v63  }
0x356: {  	_ =	swait.ge [sflag:s8], $0x320  }
0x357: {  	[sflag:s8] =	ssyncset.done $0x0  }
0x358: {  	[sflag:s8] =	ssyncadd.s32 $0xFFFFFCE0  }
0x359: {  	[tilespmem:s11], [sflag:$0x2] =	stream.indirect.gather [hbm4b:s6+s9], $0x40, s9, s9, $0xb8;
	[tilespmem:$0x19640] =	vst v63  }
0x35a: {  	_ =	swait.ge [sflag:s12], $0xC800  }
0x35b: {  	[sflag:s12] =	ssyncset.done $0x0  }
0x35c: {  	s2 =	simm.s32 $0x0;
	[sflag:s12] =	ssyncadd.s32 $0xFFFF3800  }
0x35d: {  	v0 =	vld [tilespmem:s2+$0x640]  }
0x35e: {  	v2 =	vld [tilespmem:s2+$0x650]  }
0x35f: {  	s3 =	simm.s32 $0x100;
	v1 =	vld [tilespmem:s2+$0x660]  }
.LBB2_54:
0x360: {  	p0 =	sne.s32 s3, $0x31F00;
	v3 =	vld [tilespmem:s2+$0x670];
	_ =	sdelay $0x1  }
0x361: {  	v0 =	vmul.f32 $8.000000000e+00, v0  }
.Ltmp26:
0x362: {  	v2 =	vmul.f32 $8.000000000e+00, v2;
	(pc) =	sbr.rel @p0 .LBB2_54-.Ltmp26, $4  }
0x363: {  	s19 =	sshra.s32 s3, $0x2;
	[tilespmem:s2+$0x640] =	vst v0;
	v1 =	vmul.f32 $8.000000000e+00, v1  }
0x364: {  	v0 =	vld [tilespmem:s19+$0x640];
	[tilespmem:s2+$0x650] =	vst v2;
	v3 =	vmul.f32 $8.000000000e+00, v3  }
0x365: {  	v2 =	vld [tilespmem:s19+$0x650];
	[tilespmem:s2+$0x660] =	vst v1  }
0x366: {  	s3 =	sadd.s32 $0x100, s3;
	v1 =	vld [tilespmem:s19+$0x660];
	[tilespmem:s2+$0x670] =	vst v3;
	s2 =	smov.u32 s19  }
0x367: {  	v3 =	vld [tilespmem:s2+$0x670];
	_ =	sdelay $0x1  }
0x368: {  	v0 =	vmul.f32 $8.000000000e+00, v0  }
0x369: {  	v2 =	vmul.f32 $8.000000000e+00, v2  }
0x36a: {  	[tilespmem:s2+$0x640] =	vst v0;
	v0 =	vmul.f32 $8.000000000e+00, v1  }
0x36b: {  	[tilespmem:s2+$0x650] =	vst v2;
	v1 =	vmul.f32 $8.000000000e+00, v3  }
0x36c: {  	[tilespmem:s2+$0x660] =	vst v0  }
0x36d: {  	s19 =	simm.s32 $0x0;
	[tilespmem:s2+$0x670] =	vst v1  }
0x36e: {  	[hbm4b:s31+s19] =	stream.linear.scatter [tilespmem:s10], [sflag:$0x3], $0xC800, $0x38;
	[tilespmem:$0x19640] =	vst v63  }
0x36f: {  	_ =	swait.ge [sflag:s13], $0xC800  }
0x370: {  	[sflag:s13] =	ssyncset.done $0x0  }
0x371: {  	s3 =	rddreg [dreg:$0x1f];
	[sflag:s13] =	ssyncadd.s32 $0xFFFF3800  }
0x372: {  	[tilespmem:s19], [sflag:$0x5] =	stream.linear.gather [hbm4b:s3+s19], $0x320, $0x38;
	[tilespmem:$0x19640] =	vst v63  }
0x373: {  	_ =	swait.ge [sflag:s8], $0x320  }
0x374: {  	[sflag:s8] =	ssyncset.done $0x0  }
0x375: {  	[sflag:s8] =	ssyncadd.s32 $0xFFFFFCE0  }
0x376: {  	[tilespmem:s10], [sflag:$0x1] =	stream.indirect.gather [hbm4b:s6+s9], $0x40, s19, s9, $0xb8;
	[tilespmem:$0x19640] =	vst v63  }
0x377: {  	_ =	swait.ge [sflag:s14], $0xC800  }
0x378: {  	[sflag:s14] =	ssyncset.done $0x0  }
0x379: {  	s2 =	simm.s32 $0x0;
	[sflag:s14] =	ssyncadd.s32 $0xFFFF3800  }
0x37a: {  	v0 =	vld [tilespmem:s2+$0xCE40]  }
0x37b: {  	v2 =	vld [tilespmem:s2+$0xCE50]  }
0x37c: {  	s3 =	simm.s32 $0x100;
	v1 =	vld [tilespmem:s2+$0xCE60]  }
.LBB2_56:
0x37d: {  	p0 =	sne.s32 s3, $0x31F00;
	v3 =	vld [tilespmem:s2+$0xCE70];
	_ =	sdelay $0x1  }
0x37e: {  	v0 =	vmul.f32 $8.000000000e+00, v0  }
.Ltmp27:
0x37f: {  	v2 =	vmul.f32 $8.000000000e+00, v2;
	(pc) =	sbr.rel @p0 .LBB2_56-.Ltmp27, $4  }
0x380: {  	s19 =	sshra.s32 s3, $0x2;
	[tilespmem:s2+$0xCE40] =	vst v0;
	v1 =	vmul.f32 $8.000000000e+00, v1  }
0x381: {  	v0 =	vld [tilespmem:s19+$0xCE40];
	[tilespmem:s2+$0xCE50] =	vst v2;
	v3 =	vmul.f32 $8.000000000e+00, v3  }
0x382: {  	v2 =	vld [tilespmem:s19+$0xCE50];
	[tilespmem:s2+$0xCE60] =	vst v1  }
0x383: {  	s3 =	sadd.s32 $0x100, s3;
	v1 =	vld [tilespmem:s19+$0xCE60];
	[tilespmem:s2+$0xCE70] =	vst v3;
	s2 =	smov.u32 s19  }
0x384: {  	v3 =	vld [tilespmem:s2+$0xCE70];
	_ =	sdelay $0x1  }
0x385: {  	v0 =	vmul.f32 $8.000000000e+00, v0  }
0x386: {  	v2 =	vmul.f32 $8.000000000e+00, v2  }
0x387: {  	[tilespmem:s2+$0xCE40] =	vst v0;
	v0 =	vmul.f32 $8.000000000e+00, v1  }
0x388: {  	[tilespmem:s2+$0xCE50] =	vst v2;
	v1 =	vmul.f32 $8.000000000e+00, v3  }
0x389: {  	[tilespmem:s2+$0xCE60] =	vst v0  }
0x38a: {  	s19 =	simm.s32 $0x0;
	[tilespmem:s2+$0xCE70] =	vst v1  }
0x38b: {  	[hbm4b:s0+s19] =	stream.linear.scatter [tilespmem:s11], [sflag:$0x4], $0xC800, $0x38;
	[tilespmem:$0x19640] =	vst v63  }
0x38c: {  	_ =	swait.ge [sflag:s15], $0xC800  }
0x38d: {  	s3 =	sld [smem:$0x7E5]  }
0x38e: {  	[sflag:s15] =	ssyncset.done $0x0  }
0x38f: {  	[sflag:s15] =	ssyncadd.s32 $0xFFFF3800  }
0x390: {  	[tilespmem:s9], [sflag:$0x5] =	stream.linear.gather [hbm4b:s3+s19], $0x320, $0x38;
	[tilespmem:$0x19640] =	vst v63  }
0x391: {  	_ =	swait.ge [sflag:s8], $0x320  }
0x392: {  	[sflag:s8] =	ssyncset.done $0x0  }
0x393: {  	[sflag:s8] =	ssyncadd.s32 $0xFFFFFCE0  }
0x394: {  	[tilespmem:s11], [sflag:$0x2] =	stream.indirect.gather [hbm4b:s6+s9], $0x40, s9, s9, $0xb8;
	[tilespmem:$0x19640] =	vst v63  }
0x395: {  	_ =	swait.ge [sflag:s12], $0xC800  }
0x396: {  	[sflag:s12] =	ssyncset.done $0x0  }
0x397: {  	s2 =	simm.s32 $0x0;
	[sflag:s12] =	ssyncadd.s32 $0xFFFF3800  }
0x398: {  	v0 =	vld [tilespmem:s2+$0x640]  }
0x399: {  	v2 =	vld [tilespmem:s2+$0x650]  }
0x39a: {  	s3 =	simm.s32 $0x100;
	v1 =	vld [tilespmem:s2+$0x660]  }
.LBB2_58:
0x39b: {  	p0 =	sne.s32 s3, $0x31F00;
	v3 =	vld [tilespmem:s2+$0x670];
	_ =	sdelay $0x1  }
0x39c: {  	v0 =	vmul.f32 $8.000000000e+00, v0  }
.Ltmp28:
0x39d: {  	v2 =	vmul.f32 $8.000000000e+00, v2;
	(pc) =	sbr.rel @p0 .LBB2_58-.Ltmp28, $4  }
0x39e: {  	s19 =	sshra.s32 s3, $0x2;
	[tilespmem:s2+$0x640] =	vst v0;
	v1 =	vmul.f32 $8.000000000e+00, v1  }
0x39f: {  	v0 =	vld [tilespmem:s19+$0x640];
	[tilespmem:s2+$0x650] =	vst v2;
	v3 =	vmul.f32 $8.000000000e+00, v3  }
0x3a0: {  	v2 =	vld [tilespmem:s19+$0x650];
	[tilespmem:s2+$0x660] =	vst v1  }
0x3a1: {  	s3 =	sadd.s32 $0x100, s3;
	v1 =	vld [tilespmem:s19+$0x660];
	[tilespmem:s2+$0x670] =	vst v3;
	s2 =	smov.u32 s19  }
0x3a2: {  	v3 =	vld [tilespmem:s2+$0x670];
	_ =	sdelay $0x1  }
0x3a3: {  	v0 =	vmul.f32 $8.000000000e+00, v0  }
0x3a4: {  	v2 =	vmul.f32 $8.000000000e+00, v2  }
0x3a5: {  	[tilespmem:s2+$0x640] =	vst v0;
	v0 =	vmul.f32 $8.000000000e+00, v1  }
0x3a6: {  	[tilespmem:s2+$0x650] =	vst v2;
	v1 =	vmul.f32 $8.000000000e+00, v3  }
0x3a7: {  	[tilespmem:s2+$0x660] =	vst v0  }
0x3a8: {  	s19 =	simm.s32 $0x0;
	[tilespmem:s2+$0x670] =	vst v1  }
0x3a9: {  	[hbm4b:s1+s19] =	stream.linear.scatter [tilespmem:s10], [sflag:$0x3], $0xC800, $0x38;
	[tilespmem:$0x19640] =	vst v63  }
0x3aa: {  	_ =	swait.ge [sflag:s13], $0xC800  }
0x3ab: {  	s3 =	sld [smem:$0x7E6]  }
0x3ac: {  	[sflag:s13] =	ssyncset.done $0x0  }
0x3ad: {  	[sflag:s13] =	ssyncadd.s32 $0xFFFF3800  }
0x3ae: {  	[tilespmem:s19], [sflag:$0x5] =	stream.linear.gather [hbm4b:s3+s19], $0x320, $0x38;
	[tilespmem:$0x19640] =	vst v63  }
0x3af: {  	_ =	swait.ge [sflag:s8], $0x320  }
0x3b0: {  	[sflag:s8] =	ssyncset.done $0x0  }
0x3b1: {  	[sflag:s8] =	ssyncadd.s32 $0xFFFFFCE0  }
0x3b2: {  	[tilespmem:s10], [sflag:$0x1] =	stream.indirect.gather [hbm4b:s6+s9], $0x40, s19, s9, $0xb8;
	[tilespmem:$0x19640] =	vst v63  }
0x3b3: {  	_ =	swait.ge [sflag:s14], $0xC800  }
0x3b4: {  	[sflag:s14] =	ssyncset.done $0x0  }
0x3b5: {  	s2 =	simm.s32 $0x0;
	[sflag:s14] =	ssyncadd.s32 $0xFFFF3800  }
0x3b6: {  	v0 =	vld [tilespmem:s2+$0xCE40]  }
0x3b7: {  	v2 =	vld [tilespmem:s2+$0xCE50]  }
0x3b8: {  	s3 =	simm.s32 $0x100;
	v1 =	vld [tilespmem:s2+$0xCE60]  }
.LBB2_60:
0x3b9: {  	p0 =	sne.s32 s3, $0x31F00;
	v3 =	vld [tilespmem:s2+$0xCE70];
	_ =	sdelay $0x1  }
0x3ba: {  	v0 =	vmul.f32 $8.000000000e+00, v0  }
.Ltmp29:
0x3bb: {  	v2 =	vmul.f32 $8.000000000e+00, v2;
	(pc) =	sbr.rel @p0 .LBB2_60-.Ltmp29, $4  }
0x3bc: {  	s19 =	sshra.s32 s3, $0x2;
	[tilespmem:s2+$0xCE40] =	vst v0;
	v1 =	vmul.f32 $8.000000000e+00, v1  }
0x3bd: {  	v0 =	vld [tilespmem:s19+$0xCE40];
	[tilespmem:s2+$0xCE50] =	vst v2;
	v3 =	vmul.f32 $8.000000000e+00, v3  }
0x3be: {  	v2 =	vld [tilespmem:s19+$0xCE50];
	[tilespmem:s2+$0xCE60] =	vst v1  }
0x3bf: {  	s3 =	sadd.s32 $0x100, s3;
	v1 =	vld [tilespmem:s19+$0xCE60];
	[tilespmem:s2+$0xCE70] =	vst v3;
	s2 =	smov.u32 s19  }
0x3c0: {  	v3 =	vld [tilespmem:s2+$0xCE70];
	_ =	sdelay $0x1  }
0x3c1: {  	v0 =	vmul.f32 $8.000000000e+00, v0  }
0x3c2: {  	v2 =	vmul.f32 $8.000000000e+00, v2  }
0x3c3: {  	[tilespmem:s2+$0xCE40] =	vst v0;
	v0 =	vmul.f32 $8.000000000e+00, v1  }
0x3c4: {  	[tilespmem:s2+$0xCE50] =	vst v2;
	v1 =	vmul.f32 $8.000000000e+00, v3  }
0x3c5: {  	[tilespmem:s2+$0xCE60] =	vst v0  }
0x3c6: {  	s19 =	simm.s32 $0x0;
	[tilespmem:s2+$0xCE70] =	vst v1  }
0x3c7: {  	[hbm4b:s18+s19] =	stream.linear.scatter [tilespmem:s11], [sflag:$0x4], $0xC800, $0x38;
	[tilespmem:$0x19640] =	vst v63  }
0x3c8: {  	_ =	swait.ge [sflag:s15], $0xC800  }
0x3c9: {  	s3 =	sld [smem:$0x7E7]  }
0x3ca: {  	[sflag:s15] =	ssyncset.done $0x0  }
0x3cb: {  	[sflag:s15] =	ssyncadd.s32 $0xFFFF3800  }
0x3cc: {  	[tilespmem:s9], [sflag:$0x5] =	stream.linear.gather [hbm4b:s3+s19], $0x320, $0x38;
	[tilespmem:$0x19640] =	vst v63  }
0x3cd: {  	_ =	swait.ge [sflag:s8], $0x320  }
0x3ce: {  	[sflag:s8] =	ssyncset.done $0x0  }
0x3cf: {  	[sflag:s8] =	ssyncadd.s32 $0xFFFFFCE0  }
0x3d0: {  	[tilespmem:s11], [sflag:$0x2] =	stream.indirect.gather [hbm4b:s6+s9], $0x40, s9, s9, $0xb8;
	[tilespmem:$0x19640] =	vst v63  }
0x3d1: {  	_ =	swait.ge [sflag:s12], $0xC800  }
0x3d2: {  	[sflag:s12] =	ssyncset.done $0x0  }
0x3d3: {  	s2 =	simm.s32 $0x0;
	[sflag:s12] =	ssyncadd.s32 $0xFFFF3800  }
0x3d4: {  	v0 =	vld [tilespmem:s2+$0x640]  }
0x3d5: {  	v2 =	vld [tilespmem:s2+$0x650]  }
0x3d6: {  	s3 =	simm.s32 $0x100;
	v1 =	vld [tilespmem:s2+$0x660]  }
.LBB2_62:
0x3d7: {  	p0 =	sne.s32 s3, $0x31F00;
	v3 =	vld [tilespmem:s2+$0x670];
	_ =	sdelay $0x1  }
0x3d8: {  	v0 =	vmul.f32 $8.000000000e+00, v0  }
.Ltmp30:
0x3d9: {  	v2 =	vmul.f32 $8.000000000e+00, v2;
	(pc) =	sbr.rel @p0 .LBB2_62-.Ltmp30, $4  }
0x3da: {  	s19 =	sshra.s32 s3, $0x2;
	[tilespmem:s2+$0x640] =	vst v0;
	v1 =	vmul.f32 $8.000000000e+00, v1  }
0x3db: {  	v0 =	vld [tilespmem:s19+$0x640];
	[tilespmem:s2+$0x650] =	vst v2;
	v3 =	vmul.f32 $8.000000000e+00, v3  }
0x3dc: {  	v2 =	vld [tilespmem:s19+$0x650];
	[tilespmem:s2+$0x660] =	vst v1  }
0x3dd: {  	s3 =	sadd.s32 $0x100, s3;
	v1 =	vld [tilespmem:s19+$0x660];
	[tilespmem:s2+$0x670] =	vst v3;
	s2 =	smov.u32 s19  }
0x3de: {  	v3 =	vld [tilespmem:s2+$0x670];
	_ =	sdelay $0x1  }
0x3df: {  	v0 =	vmul.f32 $8.000000000e+00, v0  }
0x3e0: {  	v2 =	vmul.f32 $8.000000000e+00, v2  }
0x3e1: {  	[tilespmem:s2+$0x640] =	vst v0;
	v0 =	vmul.f32 $8.000000000e+00, v1  }
0x3e2: {  	[tilespmem:s2+$0x650] =	vst v2;
	v1 =	vmul.f32 $8.000000000e+00, v3  }
0x3e3: {  	[tilespmem:s2+$0x660] =	vst v0  }
0x3e4: {  	s19 =	simm.s32 $0x0;
	[tilespmem:s2+$0x670] =	vst v1  }
0x3e5: {  	[hbm4b:s4+s19] =	stream.linear.scatter [tilespmem:s10], [sflag:$0x3], $0xC800, $0x38;
	[tilespmem:$0x19640] =	vst v63  }
0x3e6: {  	_ =	swait.ge [sflag:s14], $0xC800  }
0x3e7: {  	[sflag:s14] =	ssyncset.done $0x0  }
0x3e8: {  	s2 =	simm.s32 $0x0;
	[sflag:s14] =	ssyncadd.s32 $0xFFFF3800  }
0x3e9: {  	v0 =	vld [tilespmem:s2+$0xCE40]  }
0x3ea: {  	v2 =	vld [tilespmem:s2+$0xCE50]  }
0x3eb: {  	s3 =	simm.s32 $0x100;
	v1 =	vld [tilespmem:s2+$0xCE60]  }
.LBB2_64:
0x3ec: {  	p0 =	sne.s32 s3, $0x31F00;
	v3 =	vld [tilespmem:s2+$0xCE70];
	_ =	sdelay $0x1  }
0x3ed: {  	v0 =	vmul.f32 $8.000000000e+00, v0  }
.Ltmp31:
0x3ee: {  	v2 =	vmul.f32 $8.000000000e+00, v2;
	(pc) =	sbr.rel @p0 .LBB2_64-.Ltmp31, $4  }
0x3ef: {  	s19 =	sshra.s32 s3, $0x2;
	[tilespmem:s2+$0xCE40] =	vst v0;
	v1 =	vmul.f32 $8.000000000e+00, v1  }
0x3f0: {  	v0 =	vld [tilespmem:s19+$0xCE40];
	[tilespmem:s2+$0xCE50] =	vst v2;
	v3 =	vmul.f32 $8.000000000e+00, v3  }
0x3f1: {  	v2 =	vld [tilespmem:s19+$0xCE50];
	[tilespmem:s2+$0xCE60] =	vst v1  }
0x3f2: {  	s3 =	sadd.s32 $0x100, s3;
	v1 =	vld [tilespmem:s19+$0xCE60];
	[tilespmem:s2+$0xCE70] =	vst v3;
	s2 =	smov.u32 s19  }
0x3f3: {  	v3 =	vld [tilespmem:s2+$0xCE70];
	_ =	sdelay $0x1  }
0x3f4: {  	v0 =	vmul.f32 $8.000000000e+00, v0  }
0x3f5: {  	v2 =	vmul.f32 $8.000000000e+00, v2  }
0x3f6: {  	[tilespmem:s2+$0xCE40] =	vst v0;
	v62 =	vmul.f32 $8.000000000e+00, v1  }
0x3f7: {  	[tilespmem:s2+$0xCE50] =	vst v2;
	v63 =	vmul.f32 $8.000000000e+00, v3  }
0x3f8: {  	[tilespmem:s2+$0xCE60] =	vst v62  }
0x3f9: {  	s16 =	sadd.s32 $0x1, s16;
	[tilespmem:s2+$0xCE70] =	vst v63  }
0x3fa: {  	[hbm4b:s5+s17] =	stream.linear.scatter [tilespmem:s11], [sflag:$0x4], $0xC800, $0x38;
	[tilespmem:$0x19640] =	vst v63  }
0x3fb: {  	p0 =	sne.s32 s16, s7;
	_ =	swait.ge [sflag:s13], $0xC800  }
.Ltmp32:
0x3fc: {  	[sflag:s13] =	ssyncset.done $0x0;
	(pc) =	sbr.rel @p0 .LBB2_1-.Ltmp32, $4  }
0x3fd: {  	[sflag:s13] =	ssyncadd.s32 $0xFFFF3800  }
0x3fe: {  	_ =	swait.ge [sflag:s15], $0xC800  }
0x3ff: {  	[sflag:s15] =	ssyncset.done $0x0  }
0x400: {  	[sflag:s15] =	ssyncadd.s32 $0xFFFF3800  }
0x401: {  	_ =	sfence.sel $0x180000  }
0x402: {  	[bflag:$0x0] =	sbarrier.arrive $0xFFFF  }
0x403: {  	_ =	strace $0x90000047  }
0x404: {  	s0 =	stileid.u32;
	[bflag:$0x2] =	sbarrier.arrive $0xFFFF  }
0x405: {  	p0 =	sne.s32 s0, $0x0;
	s0 =	rddreg [dreg:$0x2]  }
0x406: {  	s0 =	sadd.s32 @!p0 $0x100000, s0  }
0x407: {  	[sflag:s0] =	ssyncadd.tile.s32 @!p0 $0x1;
	_ =	shalt  }
.Lfunc_end2:
_tile_overlayer_lowered:
.L_overlay_start_2:
0x408: {  	(tag) =	ssettag $0x2  }
0x409: {  	s0 =	rddreg [dreg:$0x0];
	s2 =	stileid.u32  }
0x40a: {  	s1 =	rddreg [dreg:$0x1];
	p0 =	sne.s32 s2, $0x0  }
0x40b: {  	s3 =	rddreg [dreg:$0x2];
	[bflag:$0x3] =	sbarrier.arrive $0xFFFF;
	s2 =	simm.s32 @!p0 $0x1C05  }
0x40c: {  	[timem:s3], [sflag:s2] =	dma.local @!p0 [hbm:s0], s1  }
0x40d: {  	s0 =	simm.s32 @!p0 $0x5  }
0x40e: {  	_ =	swait.ge @!p0 [sflag:s0], s1  }
0x40f: {  	s1 =	ssub.s32 @!p0 $0x0, s1;
	[sflag:s0] =	ssyncset.done @!p0 $0x0  }
0x410: {  	[sflag:s0] =	ssyncadd.s32 @!p0 s1  }
0x411: {  	[bflag:$0x3] =	sbarrier.arrive $0xFFFF  }
0x412: {  	_ =	shalt  }

// kernel: sparse-core-data-format-call.cloned.1.call-start
scs
called_computation_lowered:
.L_overlay_start_0:
0x0: {  	s2 =	sld [smem:$0x3FD9]  }
0x1: {  	s3 =	sld [smem:$0x3FFE];
	_ =	sdelay $0x1  }
0x2: {  	s1 =	srdreg.scid  }
0x3: {  	s0 =	sand.u32 $0x1, s1  }
0x4: {  	s18 =	sshll.u32 s0, $0xA;
	s2 =	sadd.s32 s3, s2  }
0x5: {  	s2 =	sadd.s32 s2, s18  }
0x6: {  	[smem:$0x3FC6] =	sst s2  }
0x7: {  	_ = 	snop  }
0x8: {  	s2 =	sld [smem:$0x3FD0];
	(tm) =	ssettm $0x1  }
0x9: {  	s19 =	sld [smem:$0x3FFB];
	_ =	sdelay $0x3  }
0xa: {  	_ =	strace s19  }
0xb: {  	s3 =	sld [smem:$0x3FFC];
	_ =	sdelay $0x3  }
0xc: {  	_ =	strace s3  }
0xd: {  	s3 =	sld [smem:$0x3FFD];
	_ =	sdelay $0x3  }
0xe: {  	_ =	strace s3  }
0xf: {  	_ =	strace $0x8FFFFFFF  }
0x10: {  	s20 =	sld [smem:$0x3FDB];
	_ =	sdelay $0x1  }
0x11: {  	s4 =	simm.s32 $_scs_section_size  }
0x12: {  	s5 =	simm.s32 $_size__tile_overlayer_lowered;
	s6 =	simm.s32 $_tile_overlayer_lowered  }
0x13: {  	s23 =	simm.s32 $0x1BFF;
	s22 =	sshll.u32 s6, $0x1;
	s3 =	sadd.s32 s4, s20  }
0x14: {  	s7 =	simm.s32 $0x0;
	s21 =	sshll.u32 s5, $0x1;
	s5 =	sadd.s32 s22, s3  }
0x15: {  	[timem:s7], [sflag:s23] =	dma.local [hbm:s5], s21  }
0x16: {  	_ =	swait.ge [sflag:s23], s21  }
0x17: {  	s4 =	ssub.s32 $0x0, s21;
	[sflag:s23] =	ssyncset.done $0x0  }
0x18: {  	[sflag:s23] =	ssyncadd.s32 s4;
	_ =	sdelay $0x1  }
0x19: {  	s24 =	simm.s32 $0x1B8B  }
0x1a: {  	_ =	swait.ge [sflag:s24], $0x1  }
0x1b: {  	[sflag:s24] =	ssyncset.done $0x0  }
0x1c: {  	s26 =	simm.s32 $0x1B8E;
	s25 =	sld [smem:$0x3FFE];
	[sflag:s24] =	ssyncadd.s32 $0xFFFFFFFF  }
0x1d: {  	s27 =	simm.s32 $execute0_lowered;
	[smem:$0x3FD2] =	sst s26  }
0x1e: {  	s5 =	sshll.u32 s27, $0x1;
	_ =	strace $0x80000049;
	[dreg:$0x1] =	wrdreg $0xFFFFFFFF  }
0x1f: {  	s28 =	simm.s32 $_size_execute0_lowered;
	s3 =	sadd.s32 s3, s5;
	[dreg:$0x0] =	wrdreg $0x0  }
0x20: {  	s5 =	sshll.u32 s28, $0x1;
	[dreg:$0x2] =	wrdreg s3  }
0x21: {  	[dreg:$0x3] =	wrdreg s5  }
0x22: {  	[dreg:$0x4] =	wrdreg $0xC0  }
0x23: {  	_ =	task [dreg:s7], $0x5FFFF  }
0x24: {  	[dreg:$0x1] =	wrdreg $0xFFFFFFFF  }
0x25: {  	[dreg:$0x0] =	wrdreg $0x60  }
0x26: {  	[dreg:$0x2] =	wrdreg s25  }
0x27: {  	[dreg:$0x3] =	wrdreg s2  }
0x28: {  	[dreg:$0x4] =	wrdreg $0x9  }
0x29: {  	_ =	task.clear_ibuf [dreg:s7], $0x5FFFF;
	_ =	strace $0x90000049  }
0x2a: {  	s29 =	simm.s32 $0x9;
	_ =	strace $0x8000004B  }
0x2b: {  	_ =	swait.ge [sflag:s29], $0x1  }
0x2c: {  	[sflag:s29] =	ssyncadd.s32 $0xFFFFFFFF  }
0x2d: {  	_ =	strace $0x9000004B  }
0x2e: {  	_ =	sfence  }
0x2f: {  	s30 =	sld [smem:$0x0];
	_ =	sdelay $0x2  }
0x30: {  	s31 =	sshll.u32 s1, $0xD;
	s1 =	sshrl.u32 s1, $0x2  }
0x31: {  	s3 =	sand.u32 $0x4000, s31;
	s1 =	sadd.s32 s1, s30  }
0x32: {  	s0 =	sor.u32 s3, s0;
	s1 =	sshll.u32 s1, $0x11  }
0x33: {  	s0 =	sor.u32 s1, s0  }
0x34: {  	s0 =	sadd.s32 $0x8F2B, s0  }
0x35: {  	[sflag:s0] =	ssyncadd.remote.s32 $0x1  }
0x36: {  	_ =	sfence.sel $0xFFFF  }
0x37: {  	[dreg:$0x0] =	wrdreg $0xFFFFFFFF;
	(pc) =	sbr.abs _section_cstart, $3  }
0x38: {  	[dreg:$0x1] =	wrdreg $0xFFFFFFFF  }
0x39: {  	_ =	task.clear_ibuf [dreg:s7], $0x2FFFF;
	_ =	strace $0x9FFFFFFF  }
0x3a: {  	(tm) =	ssettm $0x7FFFFFFF  }
0x3b: {  	_ =	shalt  }
tec
execute0_lowered:
.L_overlay_start_1:
0x0: {  	(tag) =	ssettag $0x1  }
0x1: {  	s0 =	srdreg.scid  }
0x2: {  	s1 =	sshll.u32 s0, $0x4  }
0x3: {  	s0 =	stileid.u32;
	s1 =	sand.u32 $0x10, s1  }
0x4: {  	s1 =	sor.u32 s0, s1  }
0x5: {  	s6 =	rddreg [dreg:$0x0];
	s4 =	simm.s32 $0x1;
	s2 =	sshll.u32 s1, $0x7  }
0x6: {  	s7 =	simm.s32 $0x2;
	s12 =	simm.s32 $0x0;
	s1 =	ssub.s32 $0x1000, s2  }
0x7: {  	s8 =	simm.s32 $0x8000;
	s13 =	simm.s32 $0x0;
	s3 =	sand.u32 $0xF80, s1  }
0x8: {  	s9 =	simm.s32 $0x0;
	s5 =	sshrl.u32 s1, $0xC;
	p0 =	sne.s32 s3, $0x0  }
.Ltmp0:
0x9: {  	s1 =	rddreg [dreg:$0x2];
	s4 =	simm.s32 @!p0 $0x0;
	(pc) =	sbr.rel .LBB1_1-.Ltmp0, $4  }
0xa: {  	s11 =	simm.s32 $0x0;
	s3 =	rddreg [dreg:$0x1];
	s5 =	sadd.s32 s4, s5  }
0xb: {  	_ =	strace $0x8000004A;
	s4 =	simm.s32 $0x1;
	s5 =	smul.u32 $0xC8, s5  }
0xc: {  	s6 =	sadd.s32 $0xA00, s6;
	s10 =	smov.u32 s2;
	[sflag:s4] =	ssyncpa.u1 $0x0  }
0xd: {  	p0 =	por $0x0, $0x0;
	[sflag:s7] =	ssyncpa.u1 $0x0;
	s7 =	sor.u32 $0x1, s5  }
.LBB1_4:
0xe: {  	s16 =	sshll.u32 s13, $0x3;
	s17 =	sand.u32 $0x78, s13  }
0xf: {  	s30 =	sand.u32 $0x7E00, s13;
	s12 =	sshll.u32 s12, $0xF;
	s16 =	sand.u32 $0xC00, s16  }
0x10: {  	[tilespmem:s15+$0x810 ss:$0x81] =	vst.msk $0xffff, v2;
	s31 =	sand.u32 $0x7, s13;
	s16 =	sor.u32 s17, s16;
	s17 =	sadd.s32 s3, s30  }
0x11: {  	[tilespmem:s15+$0x1020 ss:$0x81] =	vst.msk $0xffff, v0;
	s13 =	sshll.u32 s31, $0x12;
	s12 =	sadd.s32 s12, s17;
	s16 =	sshrl.u32 s16, $0x3  }
0x12: {  	[tilespmem:s15+$0x0 ss:$0x81] =	vst.msk $0xffff, v1;
	s13 =	sor.u32 $0x400, s13;
	s12 =	sadd.s32 s16, s12  }
0x13: {  	[hbm4b:s12+s13] =	stream.strided.scatter [tilespmem:s14], [sflag:$0x2], $0x2000, s8, s13, $0x20;
	[tilespmem:$0x8080] =	vst v63  }
.LBB1_5:
0x14: {  	s14 =	sadd.s32 $0x1, s9  }
0x15: {  	s12 =	sadd.s32 $0x1000, s10;
	s16 =	smov.u32 s10;
	p2 =	sgt.s32 s14, $0xC7  }
0x16: {  	s16 =	smov.u32 @p2 s12  }
0x17: {  	s14 =	simm.s32 @p2 $0x0;
	p2 =	sgt.s32 s16, $0xFFF  }
0x18: {  	s16 =	smov.u32 @p2 s2;
	p2 =	sne.s32 s11, s7  }
.Ltmp1:
0x19: {  	p1 =	slt.u32 s11, $0x2;
	(pc) =	sbr.rel @!p2 .LBB1_6-.Ltmp1, $4  }
0x1a: {  	s15 =	simm.s32 @!p1 $0x2  }
0x1b: {  	s13 =	smov.u32 s10;
	p0 =	por !p0, !p0;
	_ =	swait.ge @!p1 [sflag:s15], $0x2000  }
0x1c: {  	s12 =	smov.u32 s9;
	[sflag:s15] =	ssyncset.done @!p1 $0x0;
	s9 =	smov.u32 s14  }
0x1d: {  	s11 =	sadd.s32 $0x1, s11;
	[sflag:s15] =	ssyncadd.s32 @!p1 $0xFFFFE000;
	s10 =	smov.u32 s16  }
.LBB1_1:
0x1e: {  	p1 =	sge.u32 s11, s5  }
0x1f: {  	s14 =	sand.u32 @!p1 $0x1FFFFFF, s9  }
0x20: {  	s15 =	smulhi.u32 @!p1 $0x147AE15, s14;
	_ =	sdelay $0x1  }
0x21: {  	s15 =	smul.u32 @!p1 $0xC8, s15  }
0x22: {  	s16 =	sxor.u32 @!p1 $0xFFFFFFFF, s11;
	s17 =	smul.u32 @!p1 $0xC80, s10  }
0x23: {  	s31 =	sadd.s32 $0xFFFFFFFF, s11;
	s16 =	sshll.u32 @!p1 s16, $0xD;
	s14 =	ssub.s32 @!p1 s14, s15  }
0x24: {  	s15 =	sand.u32 @!p1 $0x2000, s16;
	s16 =	sadd.s32 @!p1 s6, s17;
	s14 =	sshll.u32 @!p1 s14, $0x4  }
0x25: {  	s17 =	simm.s32 @!p1 $0x6400;
	s14 =	sadd.s32 @!p1 s14, s16;
	s16 =	simm.s32 @!p1 $0x40  }
0x26: {  	[tilespmem:s15], [sflag:$0x1] =	stream.strided.gather @!p1 [hbm4b:s14+s16], $0x2000, s17, s16, $0x38;
	[tilespmem:$0x8080] =	vst v63  }
0x27: {  	p1 =	sge.u32 s31, s5  }
.Ltmp2:
0x28: {  	_ = 	snop;
	(pc) =	sbr.rel @p1 .LBB1_5-.Ltmp2, $1  }
0x29: {  	_ =	sdelay $0x3  }
0x2a: {  	s14 =	simm.s32 $0x1  }
0x2b: {  	_ =	swait.ge [sflag:s4], $0x2000;
	s14 =	simm.s32 @!p0 $0x0  }
0x2c: {  	[sflag:s4] =	ssyncset.done $0x0;
	s15 =	sshll.u32 s14, $0xD  }
0x2d: {  	[sflag:s4] =	ssyncadd.s32 $0xFFFFE000;
	s18 =	sor.u32 $0x20, s15  }
0x2e: {  	s14 =	smul.u32 $0x8100, s14;
	v3 =	vld [tilespmem:s18+$0x10]  }
0x2f: {  	s30 =	sand.u32 $0x1, s11;
	v2 =	vld [tilespmem:s18+$0xFFFFFFF0]  }
0x30: {  	s15 =	smul.u32 $0x8100, s30;
	s14 =	sshrl.u32 s14, $0x2;
	v0 =	vld [tilespmem:s18+$0x0]  }
0x31: {  	v1 =	vld [tilespmem:s18+$0xFFFFFFE0];
	s16 =	sor.u32 $0x4000, s14  }
0x32: {  	s31 =	sshrl.u32 s15, $0x2;
	s15 =	sadd.s32 $0x0, s16  }
0x33: {  	s17 =	simm.s32 $0x4;
	s18 =	sadd.s32 $0x40, s18;
	s14 =	sor.u32 $0x4000, s31;
	[tilespmem:s15+$0x1830 ss:$0x81] =	vst.msk $0xffff, v3  }
.LBB1_3:
0x34: {  	v3 =	vld [tilespmem:s18+$0x10];
	p1 =	sne.s32 s17, $0x1FC;
	[tilespmem:s15+$0x810 ss:$0x81] =	vst.msk $0xffff, v2;
	s19 =	smov.u32 s17;
	s17 =	sadd.s32 $0x4, s17  }
.Ltmp3:
0x35: {  	v2 =	vld [tilespmem:s18+$0xFFFFFFF0];
	[tilespmem:s15+$0x1020 ss:$0x81] =	vst.msk $0xffff, v0;
	(pc) =	sbr.rel @p1 .LBB1_3-.Ltmp3, $4  }
0x36: {  	v0 =	vld [tilespmem:s18+$0x0];
	[tilespmem:s15+$0x0 ss:$0x81] =	vst.msk $0xffff, v1  }
0x37: {  	s15 =	sshra.s32 s19, $0x2;
	v1 =	vld [tilespmem:s18+$0xFFFFFFE0]  }
0x38: {  	s15 =	sadd.s32 s15, s16  }
0x39: {  	s18 =	sadd.s32 $0x40, s18;
	[tilespmem:s15+$0x1830 ss:$0x81] =	vst.msk $0xffff, v3  }
.Ltmp4:
0x3a: {  	_ = 	snop;
	(pc) =	sbr.rel .LBB1_4-.Ltmp4, $1  }
0x3b: {  	_ =	sdelay $0x3  }
.LBB1_6:
0x3c: {  	_ =	sfence.sel $0x180000  }
0x3d: {  	s2 =	simm.s32 $0x1;
	[bflag:$0x0] =	sbarrier.arrive $0xFFFF  }
0x3e: {  	s31 =	simm.s32 $0x2;
	[sflag:s2] =	ssyncpa.u1 $0x1  }
0x3f: {  	[sflag:s31] =	ssyncpa.u1 $0x1  }
0x40: {  	p0 =	sne.s32 s0, $0x0;
	_ =	strace $0x9000004A  }
0x41: {  	s0 =	sadd.s32 @!p0 $0x100000, s1;
	[bflag:$0x2] =	sbarrier.arrive $0xFFFF  }
0x42: {  	[sflag:s0] =	ssyncadd.tile.s32 @!p0 $0x1;
	_ =	shalt  }
.Lfunc_end1:
_tile_overlayer_lowered:
.L_overlay_start_2:
0x43: {  	(tag) =	ssettag $0x2  }
0x44: {  	s0 =	rddreg [dreg:$0x0];
	s2 =	stileid.u32  }
0x45: {  	s1 =	rddreg [dreg:$0x1];
	p0 =	sne.s32 s2, $0x0  }
0x46: {  	s3 =	rddreg [dreg:$0x2];
	[bflag:$0x3] =	sbarrier.arrive $0xFFFF;
	s2 =	simm.s32 @!p0 $0x1C01  }
0x47: {  	[timem:s3], [sflag:s2] =	dma.local @!p0 [hbm:s0], s1  }
0x48: {  	s0 =	simm.s32 @!p0 $0x1  }
0x49: {  	_ =	swait.ge @!p0 [sflag:s0], s1  }
0x4a: {  	s1 =	ssub.s32 @!p0 $0x0, s1;
	[sflag:s0] =	ssyncset.done @!p0 $0x0  }
0x4b: {  	[sflag:s0] =	ssyncadd.s32 @!p0 s1  }
0x4c: {  	[bflag:$0x3] =	sbarrier.arrive $0xFFFF  }
0x4d: {  	_ =	shalt  }

</sc_bundles>
